<compile_context>
chip_gen: v7x
topology: tpu7x:2x2x1
jax: 0.10.2.dev20260603
libtpu: 0.0.44.dev20260713+nightly
codegen_flags: <defaults>
</compile_context>

<pallas_src>
import functools

import jax
import jax.numpy as jnp
from jax import lax
from jax.experimental import pallas as pl
from jax.experimental.pallas import tpu as pltpu
from jax.experimental.pallas import tpu_sc as plsc

N = 512
D = 128
WIN = 32
SF = float(D - 1)

NC, NS = 2, 16
NW = NC * NS
PPW = D // NW
SLAB = PPW * D * D
SLABPAD = SLAB + 1280



def _win_bounds(c, s):
    c_idx = c * SF
    cut = 3.0 * s * SF
    lof = jnp.floor(jnp.maximum(c_idx - cut, 0.0))
    hif = jnp.minimum(jnp.floor(jnp.minimum(c_idx + cut, SF) + 1.0), float(D))
    return lof, hif


def _win_table(lof, hif, c, s, ii):
    coords = (lof + ii) * jnp.float32(1.0 / SF)
    g = jnp.exp(-0.5 * (coords - c) ** 2 / (s * s))
    return jnp.where(ii < (hif - lof), g, 0.0)


def _tc_body(params_ref, gxw_ref, gyw_ref, gzw_ref, meta_ref):
    ii = lax.broadcasted_iota(jnp.int32, (N, WIN), 1).astype(jnp.float32)
    cx = params_ref[0, :].reshape(N, 1)
    cy = params_ref[1, :].reshape(N, 1)
    cz = params_ref[2, :].reshape(N, 1)
    sg = params_ref[3, :].reshape(N, 1)
    inten = params_ref[4, :].reshape(N, 1)

    lofx, hifx = _win_bounds(cx, sg)
    lofy, hify = _win_bounds(cy, sg)
    lofz, hifz = _win_bounds(cz, sg)

    gxw_ref[...] = _win_table(lofx, hifx, cx, sg, ii) * inten
    gyw_ref[...] = _win_table(lofy, hify, cy, sg, ii)
    gzw_ref[...] = _win_table(lofz, hifz, cz, sg, ii)

    meta_ref[...] = jnp.concatenate(
        [
            lofx.astype(jnp.int32),
            hifx.astype(jnp.int32),
            lofy.astype(jnp.int32),
            (hify - lofy).astype(jnp.int32),
            lofz.astype(jnp.int32),
            (hifz - lofz).astype(jnp.int32),
            jnp.zeros((N, 2), jnp.int32),
        ],
        axis=1,
    )


def _tc_factors(params):
    return pl.pallas_call(
        _tc_body,
        out_shape=[
            jax.ShapeDtypeStruct((N, WIN), jnp.float32),
            jax.ShapeDtypeStruct((N, WIN), jnp.float32),
            jax.ShapeDtypeStruct((N, WIN), jnp.float32),
            jax.ShapeDtypeStruct((N, 8), jnp.int32),
        ],
    )(params)



def _sc_body(gxw_h, gyw_h, gzw_h, meta_h, out_h,
             gxw, gyw, gzw, meta, slab, sem):
    wid = lax.axis_index("s") * NC + lax.axis_index("c")

    cps = []
    for k in range(8):
        ck = lax.rem(wid + k, 8)
        o = ck * (N // 8) * WIN
        om = ck * (N // 8) * 8
        cps.append(pltpu.async_copy(
            gxw_h.at[pl.ds(o, (N // 8) * WIN)],
            gxw.at[pl.ds(o, (N // 8) * WIN)], sem))
        cps.append(pltpu.async_copy(
            gyw_h.at[pl.ds(o, (N // 8) * WIN)],
            gyw.at[pl.ds(o, (N // 8) * WIN)], sem))
        cps.append(pltpu.async_copy(
            gzw_h.at[pl.ds(o, (N // 8) * WIN)],
            gzw.at[pl.ds(o, (N // 8) * WIN)], sem))
        cps.append(pltpu.async_copy(
            meta_h.at[pl.ds(om, (N // 8) * 8)],
            meta.at[pl.ds(om, (N // 8) * 8)], sem))

    zero = jnp.zeros((16,), jnp.float32)

    def _zero_body(i, c):
        base = i * 256
        for u in range(16):
            slab[pl.ds(base + u * 16, 16)] = zero
        return c

    lax.fori_loop(0, SLABPAD // 256, _zero_body, 0, unroll=False)

    for cp in cps:
        cp.wait()

    p_base = wid * PPW
    lane = lax.iota(jnp.int32, 16)

    DD = D * D

    def _gauss(n2, c):
        mv = meta[pl.ds(n2 * 16, 16)]
        for h in range(2):
            _gauss_one(n2 * 2 + h, mv, h * 8)
        return c

    def _gauss_one(n, mv, f):
        lox = mv[f + 0]
        hix = mv[f + 1]

        @pl.when((lox < p_base + PPW) & (hix > p_base))
        def _():
            loy = mv[f + 2]
            wy = mv[f + 3]
            loz = mv[f + 4]
            wz = mv[f + 5]
            off = n * WIN
            fz0 = gzw[pl.ds(off, 16)]
            fz1 = gzw[pl.ds(off + 16, 16)]
            fy0 = gyw[pl.ds(off, 16)]
            fy1 = gyw[pl.ds(off + 16, 16)]
            p_lo = jnp.maximum(lox, p_base)
            p_hi = jnp.minimum(hix, p_base + PPW)
            abase = loy * D + loz

            def _mk_plane(with_z1):
                def _plane(p, c2):
                    fx = plsc.load_gather(
                        gxw, [jnp.full((16,), off, jnp.int32) + (p - lox)])
                    fxz0 = fx * fz0
                    fxz1 = fx * fz1
                    pidx = (p - p_base) * DD + abase + lane
                    pidx1 = pidx + 16

                    def _rows(fyv, r0):
                        for r in range(r0, r0 + 8):
                            fyb = jnp.full((16,), fyv[r % 16], jnp.float32)
                            plsc.addupdate_scatter(slab, [pidx + r * D],
                                                   fyb * fxz0)
                            if with_z1:
                                plsc.addupdate_scatter(slab, [pidx1 + r * D],
                                                       fyb * fxz1)

                    _rows(fy0, 0)

                    @pl.when(wy > 8)
                    def _():
                        _rows(fy0, 8)

                    @pl.when(wy > 16)
                    def _():
                        _rows(fy1, 16)

                    @pl.when(wy > 24)
                    def _():
                        _rows(fy1, 24)

                    return c2

                return _plane

            @pl.when(wz <= 16)
            def _():
                lax.fori_loop(p_lo, p_hi, _mk_plane(False), 0)

            @pl.when(wz > 16)
            def _():
                lax.fori_loop(p_lo, p_hi, _mk_plane(True), 0)

    lax.fori_loop(0, N // 2, _gauss, 0, unroll=False)

    pltpu.sync_copy(slab.at[pl.ds(0, SLAB)], out_h.at[pl.ds(wid * SLAB, SLAB)])


@functools.cache
def _sc_accum():
    mesh = plsc.VectorSubcoreMesh(core_axis_name="c", subcore_axis_name="s")
    return pl.kernel(
        _sc_body,
        mesh=mesh,
        compiler_params=pltpu.CompilerParams(needs_layout_passes=False),
        out_type=jax.ShapeDtypeStruct((D * D * D,), jnp.float32),
        scratch_types=[
            pltpu.VMEM((N * WIN,), jnp.float32),
            pltpu.VMEM((N * WIN,), jnp.float32),
            pltpu.VMEM((N * WIN,), jnp.float32),
            pltpu.VMEM((8 * N + 16,), jnp.int32),
            pltpu.VMEM((SLABPAD,), jnp.float32),
            pltpu.SemaphoreType.DMA,
        ],
    )


def kernel(centers, sigmas, intensities):
    params = jnp.zeros((8, N), jnp.float32)
    params = params.at[0].set(centers[:, 0])
    params = params.at[1].set(centers[:, 1])
    params = params.at[2].set(centers[:, 2])
    params = params.at[3].set(sigmas)
    params = params.at[4].set(intensities)

    gxw, gyw, gzw, meta = _tc_factors(params)
    vol = _sc_accum()(gxw.reshape(-1), gyw.reshape(-1), gzw.reshape(-1),
                      meta.reshape(-1))
    return vol.reshape(D, D, D)

# --- scband reference (transcript-rebuilt; emitter-appended) ---
"""Pipeline reference for scband-gaussian-model-18159121728141 (READ-ONLY COPY).

The authoritative reference and input builder live on the scoring server;
editing this copy changes nothing except your own understanding.
"""

import jax, jax.numpy as jnp
import numpy as np

VOL = (128, 128, 128)
N = 512


def setup_inputs(seed: int = 0) -> dict:
    key = jax.random.key(seed)
    k1, k2, k3 = jax.random.split(key, 3)
    centers = jax.random.uniform(k1, (N, 3), dtype=jnp.float32)
    sigmas = 0.01 + 0.02 * jax.random.uniform(k2, (N,), dtype=jnp.float32)
    intensities = jax.random.uniform(k3, (N,), dtype=jnp.float32)
    return {"centers": centers, "sigmas": sigmas, "intensities": intensities}


def _axis_factor(D, c_a, sigma):
    # c_a: [N] normalized center coordinate along this axis; sigma: [N]
    coords = jnp.linspace(0.0, 1.0, D)  # matches torch.linspace grid
    sf = float(D - 1)  # scale factor for this axis
    c_idx = c_a * sf                      # center in index space
    cut = 3.0 * sigma * sf                # cutoff in index space
    # min_idx = max(center - cutoff, 0).int()  -> floor since >= 0
    lo = jnp.floor(jnp.maximum(c_idx - cut, 0.0)).astype(jnp.int32)  # [N]
    # max bound: min((min(center+cutoff, sf) + 1).int(), D)
    hi = jnp.minimum(jnp.floor(jnp.minimum(c_idx + cut, sf) + 1.0).astype(jnp.int32), D)  # [N]
    idx = jnp.arange(D)
    mask = (idx[None, :] >= lo[:, None]) & (idx[None, :] < hi[:, None])  # [N, D] box window
    # separable 1-D Gaussian factor: exp(-0.5*(x-c)^2/sigma^2)
    g = jnp.exp(-0.5 * (coords[None, :] - c_a[:, None]) ** 2 / (sigma[:, None] ** 2))
    return jnp.where(mask, g, 0.0)  # [N, D]


def reference(centers, sigmas, intensities):
    # The torch forward adds, per gaussian, intensity*exp(-0.5*||grid-c||^2/sigma^2)
    # over a per-gaussian box window [center-3*sigma, center+3*sigma] (in index space),
    # scatter-accumulated into the volume. Since the 3-D isotropic gaussian and the
    # box mask are both separable per axis, the accumulation is exactly
    # sum_n intensity_n * gx_n (outer) gy_n (outer) gz_n.
    gx = _axis_factor(VOL[0], centers[:, 0], sigmas)  # [N, Dx]
    gy = _axis_factor(VOL[1], centers[:, 1], sigmas)  # [N, Dy]
    gz = _axis_factor(VOL[2], centers[:, 2], sigmas)  # [N, Dz]
    gx = gx * intensities[:, None]
    volume = jnp.einsum('ni,nj,nk->ijk', gx, gy, gz)  # [Dx, Dy, Dz]
    return volume

if __name__ == "__main__":
    import jax
    _d = setup_inputs()
    print(jax.jit(kernel)(*tuple(_d.values())))

</pallas_src>

<mosaic_0001>
#map = affine_map<(d0, d1) -> (0)>
module attributes {stable_mosaic.version = 14 : i64} {
  func.func @_sc_body(%arg0: i32, %arg1: i32, %arg2: memref<16384xf32, #tpu.memory_space<hbm>>, %arg3: memref<16384xf32, #tpu.memory_space<hbm>>, %arg4: memref<16384xf32, #tpu.memory_space<hbm>>, %arg5: memref<4096xi32, #tpu.memory_space<hbm>>, %arg6: memref<2097152xf32, #tpu.memory_space<hbm>>, %arg7: memref<16384xf32, #tpu.memory_space<vmem>>, %arg8: memref<16384xf32, #tpu.memory_space<vmem>>, %arg9: memref<16384xf32, #tpu.memory_space<vmem>>, %arg10: memref<4112xi32, #tpu.memory_space<vmem>>, %arg11: memref<66816xf32, #tpu.memory_space<vmem>>, %arg12: memref<!tpu.dma_semaphore, #tpu.memory_space<semaphore_mem>>) attributes {dimension_semantics = [#tpu.dimension_semantics<core_parallel>, #tpu.dimension_semantics<subcore_parallel>], iteration_bounds = array<i64: 2, 16>, scalar_prefetch = 0 : i64, scratch_operands = 6 : i64, tpu.core_type = #tpu.core_type<sc_vector_subcore>, window_params = [{transform_indices = #map}, {transform_indices = #map}, {transform_indices = #map}, {transform_indices = #map}, {transform_indices = #map}]} {
    %mul3A = arith.constant 2 : i32
    %mul3A_0 = arith.muli %arg1, %mul3A : i32
    %add3A = arith.addi %mul3A_0, %arg0 : i32
    %add3A_1 = arith.constant 0 : i32
    %add3A_2 = arith.addi %add3A, %add3A_1 : i32
    %rem3A = arith.constant 8 : i32
    %rem3A_3 = arith.remsi %add3A_2, %rem3A : i32
    %mul3A_4 = arith.constant 64 : i32
    %mul3A_5 = arith.muli %rem3A_3, %mul3A_4 : i32
    %mul3A_6 = arith.constant 32 : i32
    %mul3A_7 = arith.muli %mul3A_5, %mul3A_6 : i32
    %mul3A_8 = arith.constant 64 : i32
    %mul3A_9 = arith.muli %rem3A_3, %mul3A_8 : i32
    %mul3A_10 = arith.constant 8 : i32
    %mul3A_11 = arith.muli %mul3A_9, %mul3A_10 : i32
    %dma_start3A = tpu.memref_slice %arg7[%mul3A_7] : memref<16384xf32, #tpu.memory_space<vmem>> -> memref<2048xf32, #tpu.memory_space<vmem>>
    %dma_start3A_12 = tpu.memref_slice %arg2[%mul3A_7] : memref<16384xf32, #tpu.memory_space<hbm>> -> memref<2048xf32, #tpu.memory_space<hbm>>
    %dma_start3A_13 = tpu.memref_slice %arg7[%mul3A_7] : memref<16384xf32, #tpu.memory_space<vmem>> -> memref<2048xf32, #tpu.memory_space<vmem>>
    %dma_start3A_14 = tpu.memref_slice %arg2[%mul3A_7] : memref<16384xf32, #tpu.memory_space<hbm>> -> memref<2048xf32, #tpu.memory_space<hbm>>
    tpu.enqueue_dma source(%dma_start3A_14 : memref<2048xf32, #tpu.memory_space<hbm>>) target(%dma_start3A_13 : memref<2048xf32, #tpu.memory_space<vmem>>) target_semaphore(%arg12 : memref<!tpu.dma_semaphore, #tpu.memory_space<semaphore_mem>>)
    %dma_start3A_15 = tpu.memref_slice %arg8[%mul3A_7] : memref<16384xf32, #tpu.memory_space<vmem>> -> memref<2048xf32, #tpu.memory_space<vmem>>
    %dma_start3A_16 = tpu.memref_slice %arg3[%mul3A_7] : memref<16384xf32, #tpu.memory_space<hbm>> -> memref<2048xf32, #tpu.memory_space<hbm>>
    %dma_start3A_17 = tpu.memref_slice %arg8[%mul3A_7] : memref<16384xf32, #tpu.memory_space<vmem>> -> memref<2048xf32, #tpu.memory_space<vmem>>
    %dma_start3A_18 = tpu.memref_slice %arg3[%mul3A_7] : memref<16384xf32, #tpu.memory_space<hbm>> -> memref<2048xf32, #tpu.memory_space<hbm>>
    tpu.enqueue_dma source(%dma_start3A_18 : memref<2048xf32, #tpu.memory_space<hbm>>) target(%dma_start3A_17 : memref<2048xf32, #tpu.memory_space<vmem>>) target_semaphore(%arg12 : memref<!tpu.dma_semaphore, #tpu.memory_space<semaphore_mem>>)
    %dma_start3A_19 = tpu.memref_slice %arg9[%mul3A_7] : memref<16384xf32, #tpu.memory_space<vmem>> -> memref<2048xf32, #tpu.memory_space<vmem>>
    %dma_start3A_20 = tpu.memref_slice %arg4[%mul3A_7] : memref<16384xf32, #tpu.memory_space<hbm>> -> memref<2048xf32, #tpu.memory_space<hbm>>
    %dma_start3A_21 = tpu.memref_slice %arg9[%mul3A_7] : memref<16384xf32, #tpu.memory_space<vmem>> -> memref<2048xf32, #tpu.memory_space<vmem>>
    %dma_start3A_22 = tpu.memref_slice %arg4[%mul3A_7] : memref<16384xf32, #tpu.memory_space<hbm>> -> memref<2048xf32, #tpu.memory_space<hbm>>
    tpu.enqueue_dma source(%dma_start3A_22 : memref<2048xf32, #tpu.memory_space<hbm>>) target(%dma_start3A_21 : memref<2048xf32, #tpu.memory_space<vmem>>) target_semaphore(%arg12 : memref<!tpu.dma_semaphore, #tpu.memory_space<semaphore_mem>>)
    %dma_start3A_23 = tpu.memref_slice %arg10[%mul3A_11] : memref<4112xi32, #tpu.memory_space<vmem>> -> memref<512xi32, #tpu.memory_space<vmem>>
    %dma_start3A_24 = tpu.memref_slice %arg5[%mul3A_11] : memref<4096xi32, #tpu.memory_space<hbm>> -> memref<512xi32, #tpu.memory_space<hbm>>
    %dma_start3A_25 = tpu.memref_slice %arg10[%mul3A_11] : memref<4112xi32, #tpu.memory_space<vmem>> -> memref<512xi32, #tpu.memory_space<vmem>>
    %dma_start3A_26 = tpu.memref_slice %arg5[%mul3A_11] : memref<4096xi32, #tpu.memory_space<hbm>> -> memref<512xi32, #tpu.memory_space<hbm>>
    tpu.enqueue_dma source(%dma_start3A_26 : memref<512xi32, #tpu.memory_space<hbm>>) target(%dma_start3A_25 : memref<512xi32, #tpu.memory_space<vmem>>) target_semaphore(%arg12 : memref<!tpu.dma_semaphore, #tpu.memory_space<semaphore_mem>>)
    %add3A_27 = arith.constant 1 : i32
    %add3A_28 = arith.addi %add3A, %add3A_27 : i32
    %rem3A_29 = arith.constant 8 : i32
    %rem3A_30 = arith.remsi %add3A_28, %rem3A_29 : i32
    %mul3A_31 = arith.constant 64 : i32
    %mul3A_32 = arith.muli %rem3A_30, %mul3A_31 : i32
    %mul3A_33 = arith.constant 32 : i32
    %mul3A_34 = arith.muli %mul3A_32, %mul3A_33 : i32
    %mul3A_35 = arith.constant 64 : i32
    %mul3A_36 = arith.muli %rem3A_30, %mul3A_35 : i32
    %mul3A_37 = arith.constant 8 : i32
    %mul3A_38 = arith.muli %mul3A_36, %mul3A_37 : i32
    %dma_start3A_39 = tpu.memref_slice %arg7[%mul3A_34] : memref<16384xf32, #tpu.memory_space<vmem>> -> memref<2048xf32, #tpu.memory_space<vmem>>
    %dma_start3A_40 = tpu.memref_slice %arg2[%mul3A_34] : memref<16384xf32, #tpu.memory_space<hbm>> -> memref<2048xf32, #tpu.memory_space<hbm>>
    %dma_start3A_41 = tpu.memref_slice %arg7[%mul3A_34] : memref<16384xf32, #tpu.memory_space<vmem>> -> memref<2048xf32, #tpu.memory_space<vmem>>
    %dma_start3A_42 = tpu.memref_slice %arg2[%mul3A_34] : memref<16384xf32, #tpu.memory_space<hbm>> -> memref<2048xf32, #tpu.memory_space<hbm>>
    tpu.enqueue_dma source(%dma_start3A_42 : memref<2048xf32, #tpu.memory_space<hbm>>) target(%dma_start3A_41 : memref<2048xf32, #tpu.memory_space<vmem>>) target_semaphore(%arg12 : memref<!tpu.dma_semaphore, #tpu.memory_space<semaphore_mem>>)
    %dma_start3A_43 = tpu.memref_slice %arg8[%mul3A_34] : memref<16384xf32, #tpu.memory_space<vmem>> -> memref<2048xf32, #tpu.memory_space<vmem>>
    %dma_start3A_44 = tpu.memref_slice %arg3[%mul3A_34] : memref<16384xf32, #tpu.memory_space<hbm>> -> memref<2048xf32, #tpu.memory_space<hbm>>
    %dma_start3A_45 = tpu.memref_slice %arg8[%mul3A_34] : memref<16384xf32, #tpu.memory_space<vmem>> -> memref<2048xf32, #tpu.memory_space<vmem>>
    %dma_start3A_46 = tpu.memref_slice %arg3[%mul3A_34] : memref<16384xf32, #tpu.memory_space<hbm>> -> memref<2048xf32, #tpu.memory_space<hbm>>
    tpu.enqueue_dma source(%dma_start3A_46 : memref<2048xf32, #tpu.memory_space<hbm>>) target(%dma_start3A_45 : memref<2048xf32, #tpu.memory_space<vmem>>) target_semaphore(%arg12 : memref<!tpu.dma_semaphore, #tpu.memory_space<semaphore_mem>>)
    %dma_start3A_47 = tpu.memref_slice %arg9[%mul3A_34] : memref<16384xf32, #tpu.memory_space<vmem>> -> memref<2048xf32, #tpu.memory_space<vmem>>
    %dma_start3A_48 = tpu.memref_slice %arg4[%mul3A_34] : memref<16384xf32, #tpu.memory_space<hbm>> -> memref<2048xf32, #tpu.memory_space<hbm>>
    %dma_start3A_49 = tpu.memref_slice %arg9[%mul3A_34] : memref<16384xf32, #tpu.memory_space<vmem>> -> memref<2048xf32, #tpu.memory_space<vmem>>
    %dma_start3A_50 = tpu.memref_slice %arg4[%mul3A_34] : memref<16384xf32, #tpu.memory_space<hbm>> -> memref<2048xf32, #tpu.memory_space<hbm>>
    tpu.enqueue_dma source(%dma_start3A_50 : memref<2048xf32, #tpu.memory_space<hbm>>) target(%dma_start3A_49 : memref<2048xf32, #tpu.memory_space<vmem>>) target_semaphore(%arg12 : memref<!tpu.dma_semaphore, #tpu.memory_space<semaphore_mem>>)
    %dma_start3A_51 = tpu.memref_slice %arg10[%mul3A_38] : memref<4112xi32, #tpu.memory_space<vmem>> -> memref<512xi32, #tpu.memory_space<vmem>>
    %dma_start3A_52 = tpu.memref_slice %arg5[%mul3A_38] : memref<4096xi32, #tpu.memory_space<hbm>> -> memref<512xi32, #tpu.memory_space<hbm>>
    %dma_start3A_53 = tpu.memref_slice %arg10[%mul3A_38] : memref<4112xi32, #tpu.memory_space<vmem>> -> memref<512xi32, #tpu.memory_space<vmem>>
    %dma_start3A_54 = tpu.memref_slice %arg5[%mul3A_38] : memref<4096xi32, #tpu.memory_space<hbm>> -> memref<512xi32, #tpu.memory_space<hbm>>
    tpu.enqueue_dma source(%dma_start3A_54 : memref<512xi32, #tpu.memory_space<hbm>>) target(%dma_start3A_53 : memref<512xi32, #tpu.memory_space<vmem>>) target_semaphore(%arg12 : memref<!tpu.dma_semaphore, #tpu.memory_space<semaphore_mem>>)
    %add3A_55 = arith.constant 2 : i32
    %add3A_56 = arith.addi %add3A, %add3A_55 : i32
    %rem3A_57 = arith.constant 8 : i32
    %rem3A_58 = arith.remsi %add3A_56, %rem3A_57 : i32
    %mul3A_59 = arith.constant 64 : i32
    %mul3A_60 = arith.muli %rem3A_58, %mul3A_59 : i32
    %mul3A_61 = arith.constant 32 : i32
    %mul3A_62 = arith.muli %mul3A_60, %mul3A_61 : i32
    %mul3A_63 = arith.constant 64 : i32
    %mul3A_64 = arith.muli %rem3A_58, %mul3A_63 : i32
    %mul3A_65 = arith.constant 8 : i32
    %mul3A_66 = arith.muli %mul3A_64, %mul3A_65 : i32
    %dma_start3A_67 = tpu.memref_slice %arg7[%mul3A_62] : memref<16384xf32, #tpu.memory_space<vmem>> -> memref<2048xf32, #tpu.memory_space<vmem>>
    %dma_start3A_68 = tpu.memref_slice %arg2[%mul3A_62] : memref<16384xf32, #tpu.memory_space<hbm>> -> memref<2048xf32, #tpu.memory_space<hbm>>
    %dma_start3A_69 = tpu.memref_slice %arg7[%mul3A_62] : memref<16384xf32, #tpu.memory_space<vmem>> -> memref<2048xf32, #tpu.memory_space<vmem>>
    %dma_start3A_70 = tpu.memref_slice %arg2[%mul3A_62] : memref<16384xf32, #tpu.memory_space<hbm>> -> memref<2048xf32, #tpu.memory_space<hbm>>
    tpu.enqueue_dma source(%dma_start3A_70 : memref<2048xf32, #tpu.memory_space<hbm>>) target(%dma_start3A_69 : memref<2048xf32, #tpu.memory_space<vmem>>) target_semaphore(%arg12 : memref<!tpu.dma_semaphore, #tpu.memory_space<semaphore_mem>>)
    %dma_start3A_71 = tpu.memref_slice %arg8[%mul3A_62] : memref<16384xf32, #tpu.memory_space<vmem>> -> memref<2048xf32, #tpu.memory_space<vmem>>
    %dma_start3A_72 = tpu.memref_slice %arg3[%mul3A_62] : memref<16384xf32, #tpu.memory_space<hbm>> -> memref<2048xf32, #tpu.memory_space<hbm>>
    %dma_start3A_73 = tpu.memref_slice %arg8[%mul3A_62] : memref<16384xf32, #tpu.memory_space<vmem>> -> memref<2048xf32, #tpu.memory_space<vmem>>
    %dma_start3A_74 = tpu.memref_slice %arg3[%mul3A_62] : memref<16384xf32, #tpu.memory_space<hbm>> -> memref<2048xf32, #tpu.memory_space<hbm>>
    tpu.enqueue_dma source(%dma_start3A_74 : memref<2048xf32, #tpu.memory_space<hbm>>) target(%dma_start3A_73 : memref<2048xf32, #tpu.memory_space<vmem>>) target_semaphore(%arg12 : memref<!tpu.dma_semaphore, #tpu.memory_space<semaphore_mem>>)
    %dma_start3A_75 = tpu.memref_slice %arg9[%mul3A_62] : memref<16384xf32, #tpu.memory_space<vmem>> -> memref<2048xf32, #tpu.memory_space<vmem>>
    %dma_start3A_76 = tpu.memref_slice %arg4[%mul3A_62] : memref<16384xf32, #tpu.memory_space<hbm>> -> memref<2048xf32, #tpu.memory_space<hbm>>
    %dma_start3A_77 = tpu.memref_slice %arg9[%mul3A_62] : memref<16384xf32, #tpu.memory_space<vmem>> -> memref<2048xf32, #tpu.memory_space<vmem>>
    %dma_start3A_78 = tpu.memref_slice %arg4[%mul3A_62] : memref<16384xf32, #tpu.memory_space<hbm>> -> memref<2048xf32, #tpu.memory_space<hbm>>
    tpu.enqueue_dma source(%dma_start3A_78 : memref<2048xf32, #tpu.memory_space<hbm>>) target(%dma_start3A_77 : memref<2048xf32, #tpu.memory_space<vmem>>) target_semaphore(%arg12 : memref<!tpu.dma_semaphore, #tpu.memory_space<semaphore_mem>>)
    %dma_start3A_79 = tpu.memref_slice %arg10[%mul3A_66] : memref<4112xi32, #tpu.memory_space<vmem>> -> memref<512xi32, #tpu.memory_space<vmem>>
    %dma_start3A_80 = tpu.memref_slice %arg5[%mul3A_66] : memref<4096xi32, #tpu.memory_space<hbm>> -> memref<512xi32, #tpu.memory_space<hbm>>
    %dma_start3A_81 = tpu.memref_slice %arg10[%mul3A_66] : memref<4112xi32, #tpu.memory_space<vmem>> -> memref<512xi32, #tpu.memory_space<vmem>>
    %dma_start3A_82 = tpu.memref_slice %arg5[%mul3A_66] : memref<4096xi32, #tpu.memory_space<hbm>> -> memref<512xi32, #tpu.memory_space<hbm>>
    tpu.enqueue_dma source(%dma_start3A_82 : memref<512xi32, #tpu.memory_space<hbm>>) target(%dma_start3A_81 : memref<512xi32, #tpu.memory_space<vmem>>) target_semaphore(%arg12 : memref<!tpu.dma_semaphore, #tpu.memory_space<semaphore_mem>>)
    %add3A_83 = arith.constant 3 : i32
    %add3A_84 = arith.addi %add3A, %add3A_83 : i32
    %rem3A_85 = arith.constant 8 : i32
    %rem3A_86 = arith.remsi %add3A_84, %rem3A_85 : i32
    %mul3A_87 = arith.constant 64 : i32
    %mul3A_88 = arith.muli %rem3A_86, %mul3A_87 : i32
    %mul3A_89 = arith.constant 32 : i32
    %mul3A_90 = arith.muli %mul3A_88, %mul3A_89 : i32
    %mul3A_91 = arith.constant 64 : i32
    %mul3A_92 = arith.muli %rem3A_86, %mul3A_91 : i32
    %mul3A_93 = arith.constant 8 : i32
    %mul3A_94 = arith.muli %mul3A_92, %mul3A_93 : i32
    %dma_start3A_95 = tpu.memref_slice %arg7[%mul3A_90] : memref<16384xf32, #tpu.memory_space<vmem>> -> memref<2048xf32, #tpu.memory_space<vmem>>
    %dma_start3A_96 = tpu.memref_slice %arg2[%mul3A_90] : memref<16384xf32, #tpu.memory_space<hbm>> -> memref<2048xf32, #tpu.memory_space<hbm>>
    %dma_start3A_97 = tpu.memref_slice %arg7[%mul3A_90] : memref<16384xf32, #tpu.memory_space<vmem>> -> memref<2048xf32, #tpu.memory_space<vmem>>
    %dma_start3A_98 = tpu.memref_slice %arg2[%mul3A_90] : memref<16384xf32, #tpu.memory_space<hbm>> -> memref<2048xf32, #tpu.memory_space<hbm>>
    tpu.enqueue_dma source(%dma_start3A_98 : memref<2048xf32, #tpu.memory_space<hbm>>) target(%dma_start3A_97 : memref<2048xf32, #tpu.memory_space<vmem>>) target_semaphore(%arg12 : memref<!tpu.dma_semaphore, #tpu.memory_space<semaphore_mem>>)
    %dma_start3A_99 = tpu.memref_slice %arg8[%mul3A_90] : memref<16384xf32, #tpu.memory_space<vmem>> -> memref<2048xf32, #tpu.memory_space<vmem>>
    %dma_start3A_100 = tpu.memref_slice %arg3[%mul3A_90] : memref<16384xf32, #tpu.memory_space<hbm>> -> memref<2048xf32, #tpu.memory_space<hbm>>
    %dma_start3A_101 = tpu.memref_slice %arg8[%mul3A_90] : memref<16384xf32, #tpu.memory_space<vmem>> -> memref<2048xf32, #tpu.memory_space<vmem>>
    %dma_start3A_102 = tpu.memref_slice %arg3[%mul3A_90] : memref<16384xf32, #tpu.memory_space<hbm>> -> memref<2048xf32, #tpu.memory_space<hbm>>
    tpu.enqueue_dma source(%dma_start3A_102 : memref<2048xf32, #tpu.memory_space<hbm>>) target(%dma_start3A_101 : memref<2048xf32, #tpu.memory_space<vmem>>) target_semaphore(%arg12 : memref<!tpu.dma_semaphore, #tpu.memory_space<semaphore_mem>>)
    %dma_start3A_103 = tpu.memref_slice %arg9[%mul3A_90] : memref<16384xf32, #tpu.memory_space<vmem>> -> memref<2048xf32, #tpu.memory_space<vmem>>
    %dma_start3A_104 = tpu.memref_slice %arg4[%mul3A_90] : memref<16384xf32, #tpu.memory_space<hbm>> -> memref<2048xf32, #tpu.memory_space<hbm>>
    %dma_start3A_105 = tpu.memref_slice %arg9[%mul3A_90] : memref<16384xf32, #tpu.memory_space<vmem>> -> memref<2048xf32, #tpu.memory_space<vmem>>
    %dma_start3A_106 = tpu.memref_slice %arg4[%mul3A_90] : memref<16384xf32, #tpu.memory_space<hbm>> -> memref<2048xf32, #tpu.memory_space<hbm>>
    tpu.enqueue_dma source(%dma_start3A_106 : memref<2048xf32, #tpu.memory_space<hbm>>) target(%dma_start3A_105 : memref<2048xf32, #tpu.memory_space<vmem>>) target_semaphore(%arg12 : memref<!tpu.dma_semaphore, #tpu.memory_space<semaphore_mem>>)
    %dma_start3A_107 = tpu.memref_slice %arg10[%mul3A_94] : memref<4112xi32, #tpu.memory_space<vmem>> -> memref<512xi32, #tpu.memory_space<vmem>>
    %dma_start3A_108 = tpu.memref_slice %arg5[%mul3A_94] : memref<4096xi32, #tpu.memory_space<hbm>> -> memref<512xi32, #tpu.memory_space<hbm>>
    %dma_start3A_109 = tpu.memref_slice %arg10[%mul3A_94] : memref<4112xi32, #tpu.memory_space<vmem>> -> memref<512xi32, #tpu.memory_space<vmem>>
    %dma_start3A_110 = tpu.memref_slice %arg5[%mul3A_94] : memref<4096xi32, #tpu.memory_space<hbm>> -> memref<512xi32, #tpu.memory_space<hbm>>
    tpu.enqueue_dma source(%dma_start3A_110 : memref<512xi32, #tpu.memory_space<hbm>>) target(%dma_start3A_109 : memref<512xi32, #tpu.memory_space<vmem>>) target_semaphore(%arg12 : memref<!tpu.dma_semaphore, #tpu.memory_space<semaphore_mem>>)
    %add3A_111 = arith.constant 4 : i32
    %add3A_112 = arith.addi %add3A, %add3A_111 : i32
    %rem3A_113 = arith.constant 8 : i32
    %rem3A_114 = arith.remsi %add3A_112, %rem3A_113 : i32
    %mul3A_115 = arith.constant 64 : i32
    %mul3A_116 = arith.muli %rem3A_114, %mul3A_115 : i32
    %mul3A_117 = arith.constant 32 : i32
    %mul3A_118 = arith.muli %mul3A_116, %mul3A_117 : i32
    %mul3A_119 = arith.constant 64 : i32
    %mul3A_120 = arith.muli %rem3A_114, %mul3A_119 : i32
    %mul3A_121 = arith.constant 8 : i32
    %mul3A_122 = arith.muli %mul3A_120, %mul3A_121 : i32
    %dma_start3A_123 = tpu.memref_slice %arg7[%mul3A_118] : memref<16384xf32, #tpu.memory_space<vmem>> -> memref<2048xf32, #tpu.memory_space<vmem>>
    %dma_start3A_124 = tpu.memref_slice %arg2[%mul3A_118] : memref<16384xf32, #tpu.memory_space<hbm>> -> memref<2048xf32, #tpu.memory_space<hbm>>
    %dma_start3A_125 = tpu.memref_slice %arg7[%mul3A_118] : memref<16384xf32, #tpu.memory_space<vmem>> -> memref<2048xf32, #tpu.memory_space<vmem>>
    %dma_start3A_126 = tpu.memref_slice %arg2[%mul3A_118] : memref<16384xf32, #tpu.memory_space<hbm>> -> memref<2048xf32, #tpu.memory_space<hbm>>
    tpu.enqueue_dma source(%dma_start3A_126 : memref<2048xf32, #tpu.memory_space<hbm>>) target(%dma_start3A_125 : memref<2048xf32, #tpu.memory_space<vmem>>) target_semaphore(%arg12 : memref<!tpu.dma_semaphore, #tpu.memory_space<semaphore_mem>>)
    %dma_start3A_127 = tpu.memref_slice %arg8[%mul3A_118] : memref<16384xf32, #tpu.memory_space<vmem>> -> memref<2048xf32, #tpu.memory_space<vmem>>
    %dma_start3A_128 = tpu.memref_slice %arg3[%mul3A_118] : memref<16384xf32, #tpu.memory_space<hbm>> -> memref<2048xf32, #tpu.memory_space<hbm>>
    %dma_start3A_129 = tpu.memref_slice %arg8[%mul3A_118] : memref<16384xf32, #tpu.memory_space<vmem>> -> memref<2048xf32, #tpu.memory_space<vmem>>
    %dma_start3A_130 = tpu.memref_slice %arg3[%mul3A_118] : memref<16384xf32, #tpu.memory_space<hbm>> -> memref<2048xf32, #tpu.memory_space<hbm>>
    tpu.enqueue_dma source(%dma_start3A_130 : memref<2048xf32, #tpu.memory_space<hbm>>) target(%dma_start3A_129 : memref<2048xf32, #tpu.memory_space<vmem>>) target_semaphore(%arg12 : memref<!tpu.dma_semaphore, #tpu.memory_space<semaphore_mem>>)
    %dma_start3A_131 = tpu.memref_slice %arg9[%mul3A_118] : memref<16384xf32, #tpu.memory_space<vmem>> -> memref<2048xf32, #tpu.memory_space<vmem>>
    %dma_start3A_132 = tpu.memref_slice %arg4[%mul3A_118] : memref<16384xf32, #tpu.memory_space<hbm>> -> memref<2048xf32, #tpu.memory_space<hbm>>
    %dma_start3A_133 = tpu.memref_slice %arg9[%mul3A_118] : memref<16384xf32, #tpu.memory_space<vmem>> -> memref<2048xf32, #tpu.memory_space<vmem>>
    %dma_start3A_134 = tpu.memref_slice %arg4[%mul3A_118] : memref<16384xf32, #tpu.memory_space<hbm>> -> memref<2048xf32, #tpu.memory_space<hbm>>
    tpu.enqueue_dma source(%dma_start3A_134 : memref<2048xf32, #tpu.memory_space<hbm>>) target(%dma_start3A_133 : memref<2048xf32, #tpu.memory_space<vmem>>) target_semaphore(%arg12 : memref<!tpu.dma_semaphore, #tpu.memory_space<semaphore_mem>>)
    %dma_start3A_135 = tpu.memref_slice %arg10[%mul3A_122] : memref<4112xi32, #tpu.memory_space<vmem>> -> memref<512xi32, #tpu.memory_space<vmem>>
    %dma_start3A_136 = tpu.memref_slice %arg5[%mul3A_122] : memref<4096xi32, #tpu.memory_space<hbm>> -> memref<512xi32, #tpu.memory_space<hbm>>
    %dma_start3A_137 = tpu.memref_slice %arg10[%mul3A_122] : memref<4112xi32, #tpu.memory_space<vmem>> -> memref<512xi32, #tpu.memory_space<vmem>>
    %dma_start3A_138 = tpu.memref_slice %arg5[%mul3A_122] : memref<4096xi32, #tpu.memory_space<hbm>> -> memref<512xi32, #tpu.memory_space<hbm>>
    tpu.enqueue_dma source(%dma_start3A_138 : memref<512xi32, #tpu.memory_space<hbm>>) target(%dma_start3A_137 : memref<512xi32, #tpu.memory_space<vmem>>) target_semaphore(%arg12 : memref<!tpu.dma_semaphore, #tpu.memory_space<semaphore_mem>>)
    %add3A_139 = arith.constant 5 : i32
    %add3A_140 = arith.addi %add3A, %add3A_139 : i32
    %rem3A_141 = arith.constant 8 : i32
    %rem3A_142 = arith.remsi %add3A_140, %rem3A_141 : i32
    %mul3A_143 = arith.constant 64 : i32
    %mul3A_144 = arith.muli %rem3A_142, %mul3A_143 : i32
    %mul3A_145 = arith.constant 32 : i32
    %mul3A_146 = arith.muli %mul3A_144, %mul3A_145 : i32
    %mul3A_147 = arith.constant 64 : i32
    %mul3A_148 = arith.muli %rem3A_142, %mul3A_147 : i32
    %mul3A_149 = arith.constant 8 : i32
    %mul3A_150 = arith.muli %mul3A_148, %mul3A_149 : i32
    %dma_start3A_151 = tpu.memref_slice %arg7[%mul3A_146] : memref<16384xf32, #tpu.memory_space<vmem>> -> memref<2048xf32, #tpu.memory_space<vmem>>
    %dma_start3A_152 = tpu.memref_slice %arg2[%mul3A_146] : memref<16384xf32, #tpu.memory_space<hbm>> -> memref<2048xf32, #tpu.memory_space<hbm>>
    %dma_start3A_153 = tpu.memref_slice %arg7[%mul3A_146] : memref<16384xf32, #tpu.memory_space<vmem>> -> memref<2048xf32, #tpu.memory_space<vmem>>
    %dma_start3A_154 = tpu.memref_slice %arg2[%mul3A_146] : memref<16384xf32, #tpu.memory_space<hbm>> -> memref<2048xf32, #tpu.memory_space<hbm>>
    tpu.enqueue_dma source(%dma_start3A_154 : memref<2048xf32, #tpu.memory_space<hbm>>) target(%dma_start3A_153 : memref<2048xf32, #tpu.memory_space<vmem>>) target_semaphore(%arg12 : memref<!tpu.dma_semaphore, #tpu.memory_space<semaphore_mem>>)
    %dma_start3A_155 = tpu.memref_slice %arg8[%mul3A_146] : memref<16384xf32, #tpu.memory_space<vmem>> -> memref<2048xf32, #tpu.memory_space<vmem>>
    %dma_start3A_156 = tpu.memref_slice %arg3[%mul3A_146] : memref<16384xf32, #tpu.memory_space<hbm>> -> memref<2048xf32, #tpu.memory_space<hbm>>
    %dma_start3A_157 = tpu.memref_slice %arg8[%mul3A_146] : memref<16384xf32, #tpu.memory_space<vmem>> -> memref<2048xf32, #tpu.memory_space<vmem>>
    %dma_start3A_158 = tpu.memref_slice %arg3[%mul3A_146] : memref<16384xf32, #tpu.memory_space<hbm>> -> memref<2048xf32, #tpu.memory_space<hbm>>
    tpu.enqueue_dma source(%dma_start3A_158 : memref<2048xf32, #tpu.memory_space<hbm>>) target(%dma_start3A_157 : memref<2048xf32, #tpu.memory_space<vmem>>) target_semaphore(%arg12 : memref<!tpu.dma_semaphore, #tpu.memory_space<semaphore_mem>>)
    %dma_start3A_159 = tpu.memref_slice %arg9[%mul3A_146] : memref<16384xf32, #tpu.memory_space<vmem>> -> memref<2048xf32, #tpu.memory_space<vmem>>
    %dma_start3A_160 = tpu.memref_slice %arg4[%mul3A_146] : memref<16384xf32, #tpu.memory_space<hbm>> -> memref<2048xf32, #tpu.memory_space<hbm>>
    %dma_start3A_161 = tpu.memref_slice %arg9[%mul3A_146] : memref<16384xf32, #tpu.memory_space<vmem>> -> memref<2048xf32, #tpu.memory_space<vmem>>
    %dma_start3A_162 = tpu.memref_slice %arg4[%mul3A_146] : memref<16384xf32, #tpu.memory_space<hbm>> -> memref<2048xf32, #tpu.memory_space<hbm>>
    tpu.enqueue_dma source(%dma_start3A_162 : memref<2048xf32, #tpu.memory_space<hbm>>) target(%dma_start3A_161 : memref<2048xf32, #tpu.memory_space<vmem>>) target_semaphore(%arg12 : memref<!tpu.dma_semaphore, #tpu.memory_space<semaphore_mem>>)
    %dma_start3A_163 = tpu.memref_slice %arg10[%mul3A_150] : memref<4112xi32, #tpu.memory_space<vmem>> -> memref<512xi32, #tpu.memory_space<vmem>>
    %dma_start3A_164 = tpu.memref_slice %arg5[%mul3A_150] : memref<4096xi32, #tpu.memory_space<hbm>> -> memref<512xi32, #tpu.memory_space<hbm>>
    %dma_start3A_165 = tpu.memref_slice %arg10[%mul3A_150] : memref<4112xi32, #tpu.memory_space<vmem>> -> memref<512xi32, #tpu.memory_space<vmem>>
    %dma_start3A_166 = tpu.memref_slice %arg5[%mul3A_150] : memref<4096xi32, #tpu.memory_space<hbm>> -> memref<512xi32, #tpu.memory_space<hbm>>
    tpu.enqueue_dma source(%dma_start3A_166 : memref<512xi32, #tpu.memory_space<hbm>>) target(%dma_start3A_165 : memref<512xi32, #tpu.memory_space<vmem>>) target_semaphore(%arg12 : memref<!tpu.dma_semaphore, #tpu.memory_space<semaphore_mem>>)
    %add3A_167 = arith.constant 6 : i32
    %add3A_168 = arith.addi %add3A, %add3A_167 : i32
    %rem3A_169 = arith.constant 8 : i32
    %rem3A_170 = arith.remsi %add3A_168, %rem3A_169 : i32
    %mul3A_171 = arith.constant 64 : i32
    %mul3A_172 = arith.muli %rem3A_170, %mul3A_171 : i32
    %mul3A_173 = arith.constant 32 : i32
    %mul3A_174 = arith.muli %mul3A_172, %mul3A_173 : i32
    %mul3A_175 = arith.constant 64 : i32
    %mul3A_176 = arith.muli %rem3A_170, %mul3A_175 : i32
    %mul3A_177 = arith.constant 8 : i32
    %mul3A_178 = arith.muli %mul3A_176, %mul3A_177 : i32
    %dma_start3A_179 = tpu.memref_slice %arg7[%mul3A_174] : memref<16384xf32, #tpu.memory_space<vmem>> -> memref<2048xf32, #tpu.memory_space<vmem>>
    %dma_start3A_180 = tpu.memref_slice %arg2[%mul3A_174] : memref<16384xf32, #tpu.memory_space<hbm>> -> memref<2048xf32, #tpu.memory_space<hbm>>
    %dma_start3A_181 = tpu.memref_slice %arg7[%mul3A_174] : memref<16384xf32, #tpu.memory_space<vmem>> -> memref<2048xf32, #tpu.memory_space<vmem>>
    %dma_start3A_182 = tpu.memref_slice %arg2[%mul3A_174] : memref<16384xf32, #tpu.memory_space<hbm>> -> memref<2048xf32, #tpu.memory_space<hbm>>
    tpu.enqueue_dma source(%dma_start3A_182 : memref<2048xf32, #tpu.memory_space<hbm>>) target(%dma_start3A_181 : memref<2048xf32, #tpu.memory_space<vmem>>) target_semaphore(%arg12 : memref<!tpu.dma_semaphore, #tpu.memory_space<semaphore_mem>>)
    %dma_start3A_183 = tpu.memref_slice %arg8[%mul3A_174] : memref<16384xf32, #tpu.memory_space<vmem>> -> memref<2048xf32, #tpu.memory_space<vmem>>
    %dma_start3A_184 = tpu.memref_slice %arg3[%mul3A_174] : memref<16384xf32, #tpu.memory_space<hbm>> -> memref<2048xf32, #tpu.memory_space<hbm>>
    %dma_start3A_185 = tpu.memref_slice %arg8[%mul3A_174] : memref<16384xf32, #tpu.memory_space<vmem>> -> memref<2048xf32, #tpu.memory_space<vmem>>
    %dma_start3A_186 = tpu.memref_slice %arg3[%mul3A_174] : memref<16384xf32, #tpu.memory_space<hbm>> -> memref<2048xf32, #tpu.memory_space<hbm>>
    tpu.enqueue_dma source(%dma_start3A_186 : memref<2048xf32, #tpu.memory_space<hbm>>) target(%dma_start3A_185 : memref<2048xf32, #tpu.memory_space<vmem>>) target_semaphore(%arg12 : memref<!tpu.dma_semaphore, #tpu.memory_space<semaphore_mem>>)
    %dma_start3A_187 = tpu.memref_slice %arg9[%mul3A_174] : memref<16384xf32, #tpu.memory_space<vmem>> -> memref<2048xf32, #tpu.memory_space<vmem>>
    %dma_start3A_188 = tpu.memref_slice %arg4[%mul3A_174] : memref<16384xf32, #tpu.memory_space<hbm>> -> memref<2048xf32, #tpu.memory_space<hbm>>
    %dma_start3A_189 = tpu.memref_slice %arg9[%mul3A_174] : memref<16384xf32, #tpu.memory_space<vmem>> -> memref<2048xf32, #tpu.memory_space<vmem>>
    %dma_start3A_190 = tpu.memref_slice %arg4[%mul3A_174] : memref<16384xf32, #tpu.memory_space<hbm>> -> memref<2048xf32, #tpu.memory_space<hbm>>
    tpu.enqueue_dma source(%dma_start3A_190 : memref<2048xf32, #tpu.memory_space<hbm>>) target(%dma_start3A_189 : memref<2048xf32, #tpu.memory_space<vmem>>) target_semaphore(%arg12 : memref<!tpu.dma_semaphore, #tpu.memory_space<semaphore_mem>>)
    %dma_start3A_191 = tpu.memref_slice %arg10[%mul3A_178] : memref<4112xi32, #tpu.memory_space<vmem>> -> memref<512xi32, #tpu.memory_space<vmem>>
    %dma_start3A_192 = tpu.memref_slice %arg5[%mul3A_178] : memref<4096xi32, #tpu.memory_space<hbm>> -> memref<512xi32, #tpu.memory_space<hbm>>
    %dma_start3A_193 = tpu.memref_slice %arg10[%mul3A_178] : memref<4112xi32, #tpu.memory_space<vmem>> -> memref<512xi32, #tpu.memory_space<vmem>>
    %dma_start3A_194 = tpu.memref_slice %arg5[%mul3A_178] : memref<4096xi32, #tpu.memory_space<hbm>> -> memref<512xi32, #tpu.memory_space<hbm>>
    tpu.enqueue_dma source(%dma_start3A_194 : memref<512xi32, #tpu.memory_space<hbm>>) target(%dma_start3A_193 : memref<512xi32, #tpu.memory_space<vmem>>) target_semaphore(%arg12 : memref<!tpu.dma_semaphore, #tpu.memory_space<semaphore_mem>>)
    %add3A_195 = arith.constant 7 : i32
    %add3A_196 = arith.addi %add3A, %add3A_195 : i32
    %rem3A_197 = arith.constant 8 : i32
    %rem3A_198 = arith.remsi %add3A_196, %rem3A_197 : i32
    %mul3A_199 = arith.constant 64 : i32
    %mul3A_200 = arith.muli %rem3A_198, %mul3A_199 : i32
    %mul3A_201 = arith.constant 32 : i32
    %mul3A_202 = arith.muli %mul3A_200, %mul3A_201 : i32
    %mul3A_203 = arith.constant 64 : i32
    %mul3A_204 = arith.muli %rem3A_198, %mul3A_203 : i32
    %mul3A_205 = arith.constant 8 : i32
    %mul3A_206 = arith.muli %mul3A_204, %mul3A_205 : i32
    %dma_start3A_207 = tpu.memref_slice %arg7[%mul3A_202] : memref<16384xf32, #tpu.memory_space<vmem>> -> memref<2048xf32, #tpu.memory_space<vmem>>
    %dma_start3A_208 = tpu.memref_slice %arg2[%mul3A_202] : memref<16384xf32, #tpu.memory_space<hbm>> -> memref<2048xf32, #tpu.memory_space<hbm>>
    %dma_start3A_209 = tpu.memref_slice %arg7[%mul3A_202] : memref<16384xf32, #tpu.memory_space<vmem>> -> memref<2048xf32, #tpu.memory_space<vmem>>
    %dma_start3A_210 = tpu.memref_slice %arg2[%mul3A_202] : memref<16384xf32, #tpu.memory_space<hbm>> -> memref<2048xf32, #tpu.memory_space<hbm>>
    tpu.enqueue_dma source(%dma_start3A_210 : memref<2048xf32, #tpu.memory_space<hbm>>) target(%dma_start3A_209 : memref<2048xf32, #tpu.memory_space<vmem>>) target_semaphore(%arg12 : memref<!tpu.dma_semaphore, #tpu.memory_space<semaphore_mem>>)
    %dma_start3A_211 = tpu.memref_slice %arg8[%mul3A_202] : memref<16384xf32, #tpu.memory_space<vmem>> -> memref<2048xf32, #tpu.memory_space<vmem>>
    %dma_start3A_212 = tpu.memref_slice %arg3[%mul3A_202] : memref<16384xf32, #tpu.memory_space<hbm>> -> memref<2048xf32, #tpu.memory_space<hbm>>
    %dma_start3A_213 = tpu.memref_slice %arg8[%mul3A_202] : memref<16384xf32, #tpu.memory_space<vmem>> -> memref<2048xf32, #tpu.memory_space<vmem>>
    %dma_start3A_214 = tpu.memref_slice %arg3[%mul3A_202] : memref<16384xf32, #tpu.memory_space<hbm>> -> memref<2048xf32, #tpu.memory_space<hbm>>
    tpu.enqueue_dma source(%dma_start3A_214 : memref<2048xf32, #tpu.memory_space<hbm>>) target(%dma_start3A_213 : memref<2048xf32, #tpu.memory_space<vmem>>) target_semaphore(%arg12 : memref<!tpu.dma_semaphore, #tpu.memory_space<semaphore_mem>>)
    %dma_start3A_215 = tpu.memref_slice %arg9[%mul3A_202] : memref<16384xf32, #tpu.memory_space<vmem>> -> memref<2048xf32, #tpu.memory_space<vmem>>
    %dma_start3A_216 = tpu.memref_slice %arg4[%mul3A_202] : memref<16384xf32, #tpu.memory_space<hbm>> -> memref<2048xf32, #tpu.memory_space<hbm>>
    %dma_start3A_217 = tpu.memref_slice %arg9[%mul3A_202] : memref<16384xf32, #tpu.memory_space<vmem>> -> memref<2048xf32, #tpu.memory_space<vmem>>
    %dma_start3A_218 = tpu.memref_slice %arg4[%mul3A_202] : memref<16384xf32, #tpu.memory_space<hbm>> -> memref<2048xf32, #tpu.memory_space<hbm>>
    tpu.enqueue_dma source(%dma_start3A_218 : memref<2048xf32, #tpu.memory_space<hbm>>) target(%dma_start3A_217 : memref<2048xf32, #tpu.memory_space<vmem>>) target_semaphore(%arg12 : memref<!tpu.dma_semaphore, #tpu.memory_space<semaphore_mem>>)
    %dma_start3A_219 = tpu.memref_slice %arg10[%mul3A_206] : memref<4112xi32, #tpu.memory_space<vmem>> -> memref<512xi32, #tpu.memory_space<vmem>>
    %dma_start3A_220 = tpu.memref_slice %arg5[%mul3A_206] : memref<4096xi32, #tpu.memory_space<hbm>> -> memref<512xi32, #tpu.memory_space<hbm>>
    %dma_start3A_221 = tpu.memref_slice %arg10[%mul3A_206] : memref<4112xi32, #tpu.memory_space<vmem>> -> memref<512xi32, #tpu.memory_space<vmem>>
    %dma_start3A_222 = tpu.memref_slice %arg5[%mul3A_206] : memref<4096xi32, #tpu.memory_space<hbm>> -> memref<512xi32, #tpu.memory_space<hbm>>
    tpu.enqueue_dma source(%dma_start3A_222 : memref<512xi32, #tpu.memory_space<hbm>>) target(%dma_start3A_221 : memref<512xi32, #tpu.memory_space<vmem>>) target_semaphore(%arg12 : memref<!tpu.dma_semaphore, #tpu.memory_space<semaphore_mem>>)
    %broadcast_in_dim3A = arith.constant 0.000000e+00 : f32
    %broadcast_in_dim3A_223 = vector.broadcast %broadcast_in_dim3A : f32 to vector<16xf32>
    %scan3A = arith.constant 0 : i32
    %scan3A_224 = arith.constant 0 : i32
    %scan3A_225 = arith.constant 261 : i32
    %scan3A_226 = arith.addi %scan3A_224, %scan3A_225 : i32
    %scan3A_227 = arith.constant 1 : i32
    scf.for %scan3A_366 = %scan3A_224 to %scan3A_226 step %scan3A_227  : i32 {
      %mul3A_367 = arith.constant 256 : i32
      %mul3A_368 = arith.muli %scan3A_366, %mul3A_367 : i32
      %add3A_369 = arith.constant 0 : i32
      %add3A_370 = arith.addi %mul3A_368, %add3A_369 : i32
      %swap3A = arith.index_cast %add3A_370 : i32 to index
      %swap3A_371 = tpu.vector_load %arg11[%swap3A] {strides = array<i32>} : memref<66816xf32, #tpu.memory_space<vmem>>, vector<16xf32>,
      tpu.vector_store %arg11[%swap3A], %broadcast_in_dim3A_223 {strides = array<i32>} : memref<66816xf32, #tpu.memory_space<vmem>>, vector<16xf32>,
      %add3A_372 = arith.constant 16 : i32
      %add3A_373 = arith.addi %mul3A_368, %add3A_372 : i32
      %swap3A_374 = arith.index_cast %add3A_373 : i32 to index
      %swap3A_375 = tpu.vector_load %arg11[%swap3A_374] {strides = array<i32>} : memref<66816xf32, #tpu.memory_space<vmem>>, vector<16xf32>,
      tpu.vector_store %arg11[%swap3A_374], %broadcast_in_dim3A_223 {strides = array<i32>} : memref<66816xf32, #tpu.memory_space<vmem>>, vector<16xf32>,
      %add3A_376 = arith.constant 32 : i32
      %add3A_377 = arith.addi %mul3A_368, %add3A_376 : i32
      %swap3A_378 = arith.index_cast %add3A_377 : i32 to index
      %swap3A_379 = tpu.vector_load %arg11[%swap3A_378] {strides = array<i32>} : memref<66816xf32, #tpu.memory_space<vmem>>, vector<16xf32>,
      tpu.vector_store %arg11[%swap3A_378], %broadcast_in_dim3A_223 {strides = array<i32>} : memref<66816xf32, #tpu.memory_space<vmem>>, vector<16xf32>,
      %add3A_380 = arith.constant 48 : i32
      %add3A_381 = arith.addi %mul3A_368, %add3A_380 : i32
      %swap3A_382 = arith.index_cast %add3A_381 : i32 to index
      %swap3A_383 = tpu.vector_load %arg11[%swap3A_382] {strides = array<i32>} : memref<66816xf32, #tpu.memory_space<vmem>>, vector<16xf32>,
      tpu.vector_store %arg11[%swap3A_382], %broadcast_in_dim3A_223 {strides = array<i32>} : memref<66816xf32, #tpu.memory_space<vmem>>, vector<16xf32>,
      %add3A_384 = arith.constant 64 : i32
      %add3A_385 = arith.addi %mul3A_368, %add3A_384 : i32
      %swap3A_386 = arith.index_cast %add3A_385 : i32 to index
      %swap3A_387 = tpu.vector_load %arg11[%swap3A_386] {strides = array<i32>} : memref<66816xf32, #tpu.memory_space<vmem>>, vector<16xf32>,
      tpu.vector_store %arg11[%swap3A_386], %broadcast_in_dim3A_223 {strides = array<i32>} : memref<66816xf32, #tpu.memory_space<vmem>>, vector<16xf32>,
      %add3A_388 = arith.constant 80 : i32
      %add3A_389 = arith.addi %mul3A_368, %add3A_388 : i32
      %swap3A_390 = arith.index_cast %add3A_389 : i32 to index
      %swap3A_391 = tpu.vector_load %arg11[%swap3A_390] {strides = array<i32>} : memref<66816xf32, #tpu.memory_space<vmem>>, vector<16xf32>,
      tpu.vector_store %arg11[%swap3A_390], %broadcast_in_dim3A_223 {strides = array<i32>} : memref<66816xf32, #tpu.memory_space<vmem>>, vector<16xf32>,
      %add3A_392 = arith.constant 96 : i32
      %add3A_393 = arith.addi %mul3A_368, %add3A_392 : i32
      %swap3A_394 = arith.index_cast %add3A_393 : i32 to index
      %swap3A_395 = tpu.vector_load %arg11[%swap3A_394] {strides = array<i32>} : memref<66816xf32, #tpu.memory_space<vmem>>, vector<16xf32>,
      tpu.vector_store %arg11[%swap3A_394], %broadcast_in_dim3A_223 {strides = array<i32>} : memref<66816xf32, #tpu.memory_space<vmem>>, vector<16xf32>,
      %add3A_396 = arith.constant 112 : i32
      %add3A_397 = arith.addi %mul3A_368, %add3A_396 : i32
      %swap3A_398 = arith.index_cast %add3A_397 : i32 to index
      %swap3A_399 = tpu.vector_load %arg11[%swap3A_398] {strides = array<i32>} : memref<66816xf32, #tpu.memory_space<vmem>>, vector<16xf32>,
      tpu.vector_store %arg11[%swap3A_398], %broadcast_in_dim3A_223 {strides = array<i32>} : memref<66816xf32, #tpu.memory_space<vmem>>, vector<16xf32>,
      %add3A_400 = arith.constant 128 : i32
      %add3A_401 = arith.addi %mul3A_368, %add3A_400 : i32
      %swap3A_402 = arith.index_cast %add3A_401 : i32 to index
      %swap3A_403 = tpu.vector_load %arg11[%swap3A_402] {strides = array<i32>} : memref<66816xf32, #tpu.memory_space<vmem>>, vector<16xf32>,
      tpu.vector_store %arg11[%swap3A_402], %broadcast_in_dim3A_223 {strides = array<i32>} : memref<66816xf32, #tpu.memory_space<vmem>>, vector<16xf32>,
      %add3A_404 = arith.constant 144 : i32
      %add3A_405 = arith.addi %mul3A_368, %add3A_404 : i32
      %swap3A_406 = arith.index_cast %add3A_405 : i32 to index
      %swap3A_407 = tpu.vector_load %arg11[%swap3A_406] {strides = array<i32>} : memref<66816xf32, #tpu.memory_space<vmem>>, vector<16xf32>,
      tpu.vector_store %arg11[%swap3A_406], %broadcast_in_dim3A_223 {strides = array<i32>} : memref<66816xf32, #tpu.memory_space<vmem>>, vector<16xf32>,
      %add3A_408 = arith.constant 160 : i32
      %add3A_409 = arith.addi %mul3A_368, %add3A_408 : i32
      %swap3A_410 = arith.index_cast %add3A_409 : i32 to index
      %swap3A_411 = tpu.vector_load %arg11[%swap3A_410] {strides = array<i32>} : memref<66816xf32, #tpu.memory_space<vmem>>, vector<16xf32>,
      tpu.vector_store %arg11[%swap3A_410], %broadcast_in_dim3A_223 {strides = array<i32>} : memref<66816xf32, #tpu.memory_space<vmem>>, vector<16xf32>,
      %add3A_412 = arith.constant 176 : i32
      %add3A_413 = arith.addi %mul3A_368, %add3A_412 : i32
      %swap3A_414 = arith.index_cast %add3A_413 : i32 to index
      %swap3A_415 = tpu.vector_load %arg11[%swap3A_414] {strides = array<i32>} : memref<66816xf32, #tpu.memory_space<vmem>>, vector<16xf32>,
      tpu.vector_store %arg11[%swap3A_414], %broadcast_in_dim3A_223 {strides = array<i32>} : memref<66816xf32, #tpu.memory_space<vmem>>, vector<16xf32>,
      %add3A_416 = arith.constant 192 : i32
      %add3A_417 = arith.addi %mul3A_368, %add3A_416 : i32
      %swap3A_418 = arith.index_cast %add3A_417 : i32 to index
      %swap3A_419 = tpu.vector_load %arg11[%swap3A_418] {strides = array<i32>} : memref<66816xf32, #tpu.memory_space<vmem>>, vector<16xf32>,
      tpu.vector_store %arg11[%swap3A_418], %broadcast_in_dim3A_223 {strides = array<i32>} : memref<66816xf32, #tpu.memory_space<vmem>>, vector<16xf32>,
      %add3A_420 = arith.constant 208 : i32
      %add3A_421 = arith.addi %mul3A_368, %add3A_420 : i32
      %swap3A_422 = arith.index_cast %add3A_421 : i32 to index
      %swap3A_423 = tpu.vector_load %arg11[%swap3A_422] {strides = array<i32>} : memref<66816xf32, #tpu.memory_space<vmem>>, vector<16xf32>,
      tpu.vector_store %arg11[%swap3A_422], %broadcast_in_dim3A_223 {strides = array<i32>} : memref<66816xf32, #tpu.memory_space<vmem>>, vector<16xf32>,
      %add3A_424 = arith.constant 224 : i32
      %add3A_425 = arith.addi %mul3A_368, %add3A_424 : i32
      %swap3A_426 = arith.index_cast %add3A_425 : i32 to index
      %swap3A_427 = tpu.vector_load %arg11[%swap3A_426] {strides = array<i32>} : memref<66816xf32, #tpu.memory_space<vmem>>, vector<16xf32>,
      tpu.vector_store %arg11[%swap3A_426], %broadcast_in_dim3A_223 {strides = array<i32>} : memref<66816xf32, #tpu.memory_space<vmem>>, vector<16xf32>,
      %add3A_428 = arith.constant 240 : i32
      %add3A_429 = arith.addi %mul3A_368, %add3A_428 : i32
      %swap3A_430 = arith.index_cast %add3A_429 : i32 to index
      %swap3A_431 = tpu.vector_load %arg11[%swap3A_430] {strides = array<i32>} : memref<66816xf32, #tpu.memory_space<vmem>>, vector<16xf32>,
      tpu.vector_store %arg11[%swap3A_430], %broadcast_in_dim3A_223 {strides = array<i32>} : memref<66816xf32, #tpu.memory_space<vmem>>, vector<16xf32>,
    }
    %scan3A_228 = arith.constant 261 : i32
    %dma_wait3A = tpu.memref_slice %arg7[%mul3A_7] : memref<16384xf32, #tpu.memory_space<vmem>> -> memref<2048xf32, #tpu.memory_space<vmem>>
    %dma_wait3A_229 = tpu.memref_slice %arg2[%mul3A_7] : memref<16384xf32, #tpu.memory_space<hbm>> -> memref<2048xf32, #tpu.memory_space<hbm>>
    %dma_wait3A_230 = tpu.memref_slice %arg7[%mul3A_7] : memref<16384xf32, #tpu.memory_space<vmem>> -> memref<2048xf32, #tpu.memory_space<vmem>>
    %dma_wait3A_231 = tpu.memref_slice %arg2[%mul3A_7] : memref<16384xf32, #tpu.memory_space<hbm>> -> memref<2048xf32, #tpu.memory_space<hbm>>
    tpu.wait_dma2 semaphore(%arg12 : memref<!tpu.dma_semaphore, #tpu.memory_space<semaphore_mem>>) src(%dma_wait3A_231 : memref<2048xf32, #tpu.memory_space<hbm>>) dst(%dma_wait3A_230 : memref<2048xf32, #tpu.memory_space<vmem>>)
    %dma_wait3A_232 = tpu.memref_slice %arg8[%mul3A_7] : memref<16384xf32, #tpu.memory_space<vmem>> -> memref<2048xf32, #tpu.memory_space<vmem>>
    %dma_wait3A_233 = tpu.memref_slice %arg3[%mul3A_7] : memref<16384xf32, #tpu.memory_space<hbm>> -> memref<2048xf32, #tpu.memory_space<hbm>>
    %dma_wait3A_234 = tpu.memref_slice %arg8[%mul3A_7] : memref<16384xf32, #tpu.memory_space<vmem>> -> memref<2048xf32, #tpu.memory_space<vmem>>
    %dma_wait3A_235 = tpu.memref_slice %arg3[%mul3A_7] : memref<16384xf32, #tpu.memory_space<hbm>> -> memref<2048xf32, #tpu.memory_space<hbm>>
    tpu.wait_dma2 semaphore(%arg12 : memref<!tpu.dma_semaphore, #tpu.memory_space<semaphore_mem>>) src(%dma_wait3A_235 : memref<2048xf32, #tpu.memory_space<hbm>>) dst(%dma_wait3A_234 : memref<2048xf32, #tpu.memory_space<vmem>>)
    %dma_wait3A_236 = tpu.memref_slice %arg9[%mul3A_7] : memref<16384xf32, #tpu.memory_space<vmem>> -> memref<2048xf32, #tpu.memory_space<vmem>>
    %dma_wait3A_237 = tpu.memref_slice %arg4[%mul3A_7] : memref<16384xf32, #tpu.memory_space<hbm>> -> memref<2048xf32, #tpu.memory_space<hbm>>
    %dma_wait3A_238 = tpu.memref_slice %arg9[%mul3A_7] : memref<16384xf32, #tpu.memory_space<vmem>> -> memref<2048xf32, #tpu.memory_space<vmem>>
    %dma_wait3A_239 = tpu.memref_slice %arg4[%mul3A_7] : memref<16384xf32, #tpu.memory_space<hbm>> -> memref<2048xf32, #tpu.memory_space<hbm>>
    tpu.wait_dma2 semaphore(%arg12 : memref<!tpu.dma_semaphore, #tpu.memory_space<semaphore_mem>>) src(%dma_wait3A_239 : memref<2048xf32, #tpu.memory_space<hbm>>) dst(%dma_wait3A_238 : memref<2048xf32, #tpu.memory_space<vmem>>)
    %dma_wait3A_240 = tpu.memref_slice %arg10[%mul3A_11] : memref<4112xi32, #tpu.memory_space<vmem>> -> memref<512xi32, #tpu.memory_space<vmem>>
    %dma_wait3A_241 = tpu.memref_slice %arg5[%mul3A_11] : memref<4096xi32, #tpu.memory_space<hbm>> -> memref<512xi32, #tpu.memory_space<hbm>>
    %dma_wait3A_242 = tpu.memref_slice %arg10[%mul3A_11] : memref<4112xi32, #tpu.memory_space<vmem>> -> memref<512xi32, #tpu.memory_space<vmem>>
    %dma_wait3A_243 = tpu.memref_slice %arg5[%mul3A_11] : memref<4096xi32, #tpu.memory_space<hbm>> -> memref<512xi32, #tpu.memory_space<hbm>>
    tpu.wait_dma2 semaphore(%arg12 : memref<!tpu.dma_semaphore, #tpu.memory_space<semaphore_mem>>) src(%dma_wait3A_243 : memref<512xi32, #tpu.memory_space<hbm>>) dst(%dma_wait3A_242 : memref<512xi32, #tpu.memory_space<vmem>>)
    %dma_wait3A_244 = tpu.memref_slice %arg7[%mul3A_34] : memref<16384xf32, #tpu.memory_space<vmem>> -> memref<2048xf32, #tpu.memory_space<vmem>>
    %dma_wait3A_245 = tpu.memref_slice %arg2[%mul3A_34] : memref<16384xf32, #tpu.memory_space<hbm>> -> memref<2048xf32, #tpu.memory_space<hbm>>
    %dma_wait3A_246 = tpu.memref_slice %arg7[%mul3A_34] : memref<16384xf32, #tpu.memory_space<vmem>> -> memref<2048xf32, #tpu.memory_space<vmem>>
    %dma_wait3A_247 = tpu.memref_slice %arg2[%mul3A_34] : memref<16384xf32, #tpu.memory_space<hbm>> -> memref<2048xf32, #tpu.memory_space<hbm>>
    tpu.wait_dma2 semaphore(%arg12 : memref<!tpu.dma_semaphore, #tpu.memory_space<semaphore_mem>>) src(%dma_wait3A_247 : memref<2048xf32, #tpu.memory_space<hbm>>) dst(%dma_wait3A_246 : memref<2048xf32, #tpu.memory_space<vmem>>)
    %dma_wait3A_248 = tpu.memref_slice %arg8[%mul3A_34] : memref<16384xf32, #tpu.memory_space<vmem>> -> memref<2048xf32, #tpu.memory_space<vmem>>
    %dma_wait3A_249 = tpu.memref_slice %arg3[%mul3A_34] : memref<16384xf32, #tpu.memory_space<hbm>> -> memref<2048xf32, #tpu.memory_space<hbm>>
    %dma_wait3A_250 = tpu.memref_slice %arg8[%mul3A_34] : memref<16384xf32, #tpu.memory_space<vmem>> -> memref<2048xf32, #tpu.memory_space<vmem>>
    %dma_wait3A_251 = tpu.memref_slice %arg3[%mul3A_34] : memref<16384xf32, #tpu.memory_space<hbm>> -> memref<2048xf32, #tpu.memory_space<hbm>>
    tpu.wait_dma2 semaphore(%arg12 : memref<!tpu.dma_semaphore, #tpu.memory_space<semaphore_mem>>) src(%dma_wait3A_251 : memref<2048xf32, #tpu.memory_space<hbm>>) dst(%dma_wait3A_250 : memref<2048xf32, #tpu.memory_space<vmem>>)
    %dma_wait3A_252 = tpu.memref_slice %arg9[%mul3A_34] : memref<16384xf32, #tpu.memory_space<vmem>> -> memref<2048xf32, #tpu.memory_space<vmem>>
    %dma_wait3A_253 = tpu.memref_slice %arg4[%mul3A_34] : memref<16384xf32, #tpu.memory_space<hbm>> -> memref<2048xf32, #tpu.memory_space<hbm>>
    %dma_wait3A_254 = tpu.memref_slice %arg9[%mul3A_34] : memref<16384xf32, #tpu.memory_space<vmem>> -> memref<2048xf32, #tpu.memory_space<vmem>>
    %dma_wait3A_255 = tpu.memref_slice %arg4[%mul3A_34] : memref<16384xf32, #tpu.memory_space<hbm>> -> memref<2048xf32, #tpu.memory_space<hbm>>
    tpu.wait_dma2 semaphore(%arg12 : memref<!tpu.dma_semaphore, #tpu.memory_space<semaphore_mem>>) src(%dma_wait3A_255 : memref<2048xf32, #tpu.memory_space<hbm>>) dst(%dma_wait3A_254 : memref<2048xf32, #tpu.memory_space<vmem>>)
    %dma_wait3A_256 = tpu.memref_slice %arg10[%mul3A_38] : memref<4112xi32, #tpu.memory_space<vmem>> -> memref<512xi32, #tpu.memory_space<vmem>>
    %dma_wait3A_257 = tpu.memref_slice %arg5[%mul3A_38] : memref<4096xi32, #tpu.memory_space<hbm>> -> memref<512xi32, #tpu.memory_space<hbm>>
    %dma_wait3A_258 = tpu.memref_slice %arg10[%mul3A_38] : memref<4112xi32, #tpu.memory_space<vmem>> -> memref<512xi32, #tpu.memory_space<vmem>>
    %dma_wait3A_259 = tpu.memref_slice %arg5[%mul3A_38] : memref<4096xi32, #tpu.memory_space<hbm>> -> memref<512xi32, #tpu.memory_space<hbm>>
    tpu.wait_dma2 semaphore(%arg12 : memref<!tpu.dma_semaphore, #tpu.memory_space<semaphore_mem>>) src(%dma_wait3A_259 : memref<512xi32, #tpu.memory_space<hbm>>) dst(%dma_wait3A_258 : memref<512xi32, #tpu.memory_space<vmem>>)
    %dma_wait3A_260 = tpu.memref_slice %arg7[%mul3A_62] : memref<16384xf32, #tpu.memory_space<vmem>> -> memref<2048xf32, #tpu.memory_space<vmem>>
    %dma_wait3A_261 = tpu.memref_slice %arg2[%mul3A_62] : memref<16384xf32, #tpu.memory_space<hbm>> -> memref<2048xf32, #tpu.memory_space<hbm>>
    %dma_wait3A_262 = tpu.memref_slice %arg7[%mul3A_62] : memref<16384xf32, #tpu.memory_space<vmem>> -> memref<2048xf32, #tpu.memory_space<vmem>>
    %dma_wait3A_263 = tpu.memref_slice %arg2[%mul3A_62] : memref<16384xf32, #tpu.memory_space<hbm>> -> memref<2048xf32, #tpu.memory_space<hbm>>
    tpu.wait_dma2 semaphore(%arg12 : memref<!tpu.dma_semaphore, #tpu.memory_space<semaphore_mem>>) src(%dma_wait3A_263 : memref<2048xf32, #tpu.memory_space<hbm>>) dst(%dma_wait3A_262 : memref<2048xf32, #tpu.memory_space<vmem>>)
    %dma_wait3A_264 = tpu.memref_slice %arg8[%mul3A_62] : memref<16384xf32, #tpu.memory_space<vmem>> -> memref<2048xf32, #tpu.memory_space<vmem>>
    %dma_wait3A_265 = tpu.memref_slice %arg3[%mul3A_62] : memref<16384xf32, #tpu.memory_space<hbm>> -> memref<2048xf32, #tpu.memory_space<hbm>>
    %dma_wait3A_266 = tpu.memref_slice %arg8[%mul3A_62] : memref<16384xf32, #tpu.memory_space<vmem>> -> memref<2048xf32, #tpu.memory_space<vmem>>
    %dma_wait3A_267 = tpu.memref_slice %arg3[%mul3A_62] : memref<16384xf32, #tpu.memory_space<hbm>> -> memref<2048xf32, #tpu.memory_space<hbm>>
    tpu.wait_dma2 semaphore(%arg12 : memref<!tpu.dma_semaphore, #tpu.memory_space<semaphore_mem>>) src(%dma_wait3A_267 : memref<2048xf32, #tpu.memory_space<hbm>>) dst(%dma_wait3A_266 : memref<2048xf32, #tpu.memory_space<vmem>>)
    %dma_wait3A_268 = tpu.memref_slice %arg9[%mul3A_62] : memref<16384xf32, #tpu.memory_space<vmem>> -> memref<2048xf32, #tpu.memory_space<vmem>>
    %dma_wait3A_269 = tpu.memref_slice %arg4[%mul3A_62] : memref<16384xf32, #tpu.memory_space<hbm>> -> memref<2048xf32, #tpu.memory_space<hbm>>
    %dma_wait3A_270 = tpu.memref_slice %arg9[%mul3A_62] : memref<16384xf32, #tpu.memory_space<vmem>> -> memref<2048xf32, #tpu.memory_space<vmem>>
    %dma_wait3A_271 = tpu.memref_slice %arg4[%mul3A_62] : memref<16384xf32, #tpu.memory_space<hbm>> -> memref<2048xf32, #tpu.memory_space<hbm>>
    tpu.wait_dma2 semaphore(%arg12 : memref<!tpu.dma_semaphore, #tpu.memory_space<semaphore_mem>>) src(%dma_wait3A_271 : memref<2048xf32, #tpu.memory_space<hbm>>) dst(%dma_wait3A_270 : memref<2048xf32, #tpu.memory_space<vmem>>)
    %dma_wait3A_272 = tpu.memref_slice %arg10[%mul3A_66] : memref<4112xi32, #tpu.memory_space<vmem>> -> memref<512xi32, #tpu.memory_space<vmem>>
    %dma_wait3A_273 = tpu.memref_slice %arg5[%mul3A_66] : memref<4096xi32, #tpu.memory_space<hbm>> -> memref<512xi32, #tpu.memory_space<hbm>>
    %dma_wait3A_274 = tpu.memref_slice %arg10[%mul3A_66] : memref<4112xi32, #tpu.memory_space<vmem>> -> memref<512xi32, #tpu.memory_space<vmem>>
    %dma_wait3A_275 = tpu.memref_slice %arg5[%mul3A_66] : memref<4096xi32, #tpu.memory_space<hbm>> -> memref<512xi32, #tpu.memory_space<hbm>>
    tpu.wait_dma2 semaphore(%arg12 : memref<!tpu.dma_semaphore, #tpu.memory_space<semaphore_mem>>) src(%dma_wait3A_275 : memref<512xi32, #tpu.memory_space<hbm>>) dst(%dma_wait3A_274 : memref<512xi32, #tpu.memory_space<vmem>>)
    %dma_wait3A_276 = tpu.memref_slice %arg7[%mul3A_90] : memref<16384xf32, #tpu.memory_space<vmem>> -> memref<2048xf32, #tpu.memory_space<vmem>>
    %dma_wait3A_277 = tpu.memref_slice %arg2[%mul3A_90] : memref<16384xf32, #tpu.memory_space<hbm>> -> memref<2048xf32, #tpu.memory_space<hbm>>
    %dma_wait3A_278 = tpu.memref_slice %arg7[%mul3A_90] : memref<16384xf32, #tpu.memory_space<vmem>> -> memref<2048xf32, #tpu.memory_space<vmem>>
    %dma_wait3A_279 = tpu.memref_slice %arg2[%mul3A_90] : memref<16384xf32, #tpu.memory_space<hbm>> -> memref<2048xf32, #tpu.memory_space<hbm>>
    tpu.wait_dma2 semaphore(%arg12 : memref<!tpu.dma_semaphore, #tpu.memory_space<semaphore_mem>>) src(%dma_wait3A_279 : memref<2048xf32, #tpu.memory_space<hbm>>) dst(%dma_wait3A_278 : memref<2048xf32, #tpu.memory_space<vmem>>)
    %dma_wait3A_280 = tpu.memref_slice %arg8[%mul3A_90] : memref<16384xf32, #tpu.memory_space<vmem>> -> memref<2048xf32, #tpu.memory_space<vmem>>
    %dma_wait3A_281 = tpu.memref_slice %arg3[%mul3A_90] : memref<16384xf32, #tpu.memory_space<hbm>> -> memref<2048xf32, #tpu.memory_space<hbm>>
    %dma_wait3A_282 = tpu.memref_slice %arg8[%mul3A_90] : memref<16384xf32, #tpu.memory_space<vmem>> -> memref<2048xf32, #tpu.memory_space<vmem>>
    %dma_wait3A_283 = tpu.memref_slice %arg3[%mul3A_90] : memref<16384xf32, #tpu.memory_space<hbm>> -> memref<2048xf32, #tpu.memory_space<hbm>>
    tpu.wait_dma2 semaphore(%arg12 : memref<!tpu.dma_semaphore, #tpu.memory_space<semaphore_mem>>) src(%dma_wait3A_283 : memref<2048xf32, #tpu.memory_space<hbm>>) dst(%dma_wait3A_282 : memref<2048xf32, #tpu.memory_space<vmem>>)
    %dma_wait3A_284 = tpu.memref_slice %arg9[%mul3A_90] : memref<16384xf32, #tpu.memory_space<vmem>> -> memref<2048xf32, #tpu.memory_space<vmem>>
    %dma_wait3A_285 = tpu.memref_slice %arg4[%mul3A_90] : memref<16384xf32, #tpu.memory_space<hbm>> -> memref<2048xf32, #tpu.memory_space<hbm>>
    %dma_wait3A_286 = tpu.memref_slice %arg9[%mul3A_90] : memref<16384xf32, #tpu.memory_space<vmem>> -> memref<2048xf32, #tpu.memory_space<vmem>>
    %dma_wait3A_287 = tpu.memref_slice %arg4[%mul3A_90] : memref<16384xf32, #tpu.memory_space<hbm>> -> memref<2048xf32, #tpu.memory_space<hbm>>
    tpu.wait_dma2 semaphore(%arg12 : memref<!tpu.dma_semaphore, #tpu.memory_space<semaphore_mem>>) src(%dma_wait3A_287 : memref<2048xf32, #tpu.memory_space<hbm>>) dst(%dma_wait3A_286 : memref<2048xf32, #tpu.memory_space<vmem>>)
    %dma_wait3A_288 = tpu.memref_slice %arg10[%mul3A_94] : memref<4112xi32, #tpu.memory_space<vmem>> -> memref<512xi32, #tpu.memory_space<vmem>>
    %dma_wait3A_289 = tpu.memref_slice %arg5[%mul3A_94] : memref<4096xi32, #tpu.memory_space<hbm>> -> memref<512xi32, #tpu.memory_space<hbm>>
    %dma_wait3A_290 = tpu.memref_slice %arg10[%mul3A_94] : memref<4112xi32, #tpu.memory_space<vmem>> -> memref<512xi32, #tpu.memory_space<vmem>>
    %dma_wait3A_291 = tpu.memref_slice %arg5[%mul3A_94] : memref<4096xi32, #tpu.memory_space<hbm>> -> memref<512xi32, #tpu.memory_space<hbm>>
    tpu.wait_dma2 semaphore(%arg12 : memref<!tpu.dma_semaphore, #tpu.memory_space<semaphore_mem>>) src(%dma_wait3A_291 : memref<512xi32, #tpu.memory_space<hbm>>) dst(%dma_wait3A_290 : memref<512xi32, #tpu.memory_space<vmem>>)
    %dma_wait3A_292 = tpu.memref_slice %arg7[%mul3A_118] : memref<16384xf32, #tpu.memory_space<vmem>> -> memref<2048xf32, #tpu.memory_space<vmem>>
    %dma_wait3A_293 = tpu.memref_slice %arg2[%mul3A_118] : memref<16384xf32, #tpu.memory_space<hbm>> -> memref<2048xf32, #tpu.memory_space<hbm>>
    %dma_wait3A_294 = tpu.memref_slice %arg7[%mul3A_118] : memref<16384xf32, #tpu.memory_space<vmem>> -> memref<2048xf32, #tpu.memory_space<vmem>>
    %dma_wait3A_295 = tpu.memref_slice %arg2[%mul3A_118] : memref<16384xf32, #tpu.memory_space<hbm>> -> memref<2048xf32, #tpu.memory_space<hbm>>
    tpu.wait_dma2 semaphore(%arg12 : memref<!tpu.dma_semaphore, #tpu.memory_space<semaphore_mem>>) src(%dma_wait3A_295 : memref<2048xf32, #tpu.memory_space<hbm>>) dst(%dma_wait3A_294 : memref<2048xf32, #tpu.memory_space<vmem>>)
    %dma_wait3A_296 = tpu.memref_slice %arg8[%mul3A_118] : memref<16384xf32, #tpu.memory_space<vmem>> -> memref<2048xf32, #tpu.memory_space<vmem>>
    %dma_wait3A_297 = tpu.memref_slice %arg3[%mul3A_118] : memref<16384xf32, #tpu.memory_space<hbm>> -> memref<2048xf32, #tpu.memory_space<hbm>>
    %dma_wait3A_298 = tpu.memref_slice %arg8[%mul3A_118] : memref<16384xf32, #tpu.memory_space<vmem>> -> memref<2048xf32, #tpu.memory_space<vmem>>
    %dma_wait3A_299 = tpu.memref_slice %arg3[%mul3A_118] : memref<16384xf32, #tpu.memory_space<hbm>> -> memref<2048xf32, #tpu.memory_space<hbm>>
    tpu.wait_dma2 semaphore(%arg12 : memref<!tpu.dma_semaphore, #tpu.memory_space<semaphore_mem>>) src(%dma_wait3A_299 : memref<2048xf32, #tpu.memory_space<hbm>>) dst(%dma_wait3A_298 : memref<2048xf32, #tpu.memory_space<vmem>>)
    %dma_wait3A_300 = tpu.memref_slice %arg9[%mul3A_118] : memref<16384xf32, #tpu.memory_space<vmem>> -> memref<2048xf32, #tpu.memory_space<vmem>>
    %dma_wait3A_301 = tpu.memref_slice %arg4[%mul3A_118] : memref<16384xf32, #tpu.memory_space<hbm>> -> memref<2048xf32, #tpu.memory_space<hbm>>
    %dma_wait3A_302 = tpu.memref_slice %arg9[%mul3A_118] : memref<16384xf32, #tpu.memory_space<vmem>> -> memref<2048xf32, #tpu.memory_space<vmem>>
    %dma_wait3A_303 = tpu.memref_slice %arg4[%mul3A_118] : memref<16384xf32, #tpu.memory_space<hbm>> -> memref<2048xf32, #tpu.memory_space<hbm>>
    tpu.wait_dma2 semaphore(%arg12 : memref<!tpu.dma_semaphore, #tpu.memory_space<semaphore_mem>>) src(%dma_wait3A_303 : memref<2048xf32, #tpu.memory_space<hbm>>) dst(%dma_wait3A_302 : memref<2048xf32, #tpu.memory_space<vmem>>)
    %dma_wait3A_304 = tpu.memref_slice %arg10[%mul3A_122] : memref<4112xi32, #tpu.memory_space<vmem>> -> memref<512xi32, #tpu.memory_space<vmem>>
    %dma_wait3A_305 = tpu.memref_slice %arg5[%mul3A_122] : memref<4096xi32, #tpu.memory_space<hbm>> -> memref<512xi32, #tpu.memory_space<hbm>>
    %dma_wait3A_306 = tpu.memref_slice %arg10[%mul3A_122] : memref<4112xi32, #tpu.memory_space<vmem>> -> memref<512xi32, #tpu.memory_space<vmem>>
    %dma_wait3A_307 = tpu.memref_slice %arg5[%mul3A_122] : memref<4096xi32, #tpu.memory_space<hbm>> -> memref<512xi32, #tpu.memory_space<hbm>>
    tpu.wait_dma2 semaphore(%arg12 : memref<!tpu.dma_semaphore, #tpu.memory_space<semaphore_mem>>) src(%dma_wait3A_307 : memref<512xi32, #tpu.memory_space<hbm>>) dst(%dma_wait3A_306 : memref<512xi32, #tpu.memory_space<vmem>>)
    %dma_wait3A_308 = tpu.memref_slice %arg7[%mul3A_146] : memref<16384xf32, #tpu.memory_space<vmem>> -> memref<2048xf32, #tpu.memory_space<vmem>>
    %dma_wait3A_309 = tpu.memref_slice %arg2[%mul3A_146] : memref<16384xf32, #tpu.memory_space<hbm>> -> memref<2048xf32, #tpu.memory_space<hbm>>
    %dma_wait3A_310 = tpu.memref_slice %arg7[%mul3A_146] : memref<16384xf32, #tpu.memory_space<vmem>> -> memref<2048xf32, #tpu.memory_space<vmem>>
    %dma_wait3A_311 = tpu.memref_slice %arg2[%mul3A_146] : memref<16384xf32, #tpu.memory_space<hbm>> -> memref<2048xf32, #tpu.memory_space<hbm>>
    tpu.wait_dma2 semaphore(%arg12 : memref<!tpu.dma_semaphore, #tpu.memory_space<semaphore_mem>>) src(%dma_wait3A_311 : memref<2048xf32, #tpu.memory_space<hbm>>) dst(%dma_wait3A_310 : memref<2048xf32, #tpu.memory_space<vmem>>)
    %dma_wait3A_312 = tpu.memref_slice %arg8[%mul3A_146] : memref<16384xf32, #tpu.memory_space<vmem>> -> memref<2048xf32, #tpu.memory_space<vmem>>
    %dma_wait3A_313 = tpu.memref_slice %arg3[%mul3A_146] : memref<16384xf32, #tpu.memory_space<hbm>> -> memref<2048xf32, #tpu.memory_space<hbm>>
    %dma_wait3A_314 = tpu.memref_slice %arg8[%mul3A_146] : memref<16384xf32, #tpu.memory_space<vmem>> -> memref<2048xf32, #tpu.memory_space<vmem>>
    %dma_wait3A_315 = tpu.memref_slice %arg3[%mul3A_146] : memref<16384xf32, #tpu.memory_space<hbm>> -> memref<2048xf32, #tpu.memory_space<hbm>>
    tpu.wait_dma2 semaphore(%arg12 : memref<!tpu.dma_semaphore, #tpu.memory_space<semaphore_mem>>) src(%dma_wait3A_315 : memref<2048xf32, #tpu.memory_space<hbm>>) dst(%dma_wait3A_314 : memref<2048xf32, #tpu.memory_space<vmem>>)
    %dma_wait3A_316 = tpu.memref_slice %arg9[%mul3A_146] : memref<16384xf32, #tpu.memory_space<vmem>> -> memref<2048xf32, #tpu.memory_space<vmem>>
    %dma_wait3A_317 = tpu.memref_slice %arg4[%mul3A_146] : memref<16384xf32, #tpu.memory_space<hbm>> -> memref<2048xf32, #tpu.memory_space<hbm>>
    %dma_wait3A_318 = tpu.memref_slice %arg9[%mul3A_146] : memref<16384xf32, #tpu.memory_space<vmem>> -> memref<2048xf32, #tpu.memory_space<vmem>>
    %dma_wait3A_319 = tpu.memref_slice %arg4[%mul3A_146] : memref<16384xf32, #tpu.memory_space<hbm>> -> memref<2048xf32, #tpu.memory_space<hbm>>
    tpu.wait_dma2 semaphore(%arg12 : memref<!tpu.dma_semaphore, #tpu.memory_space<semaphore_mem>>) src(%dma_wait3A_319 : memref<2048xf32, #tpu.memory_space<hbm>>) dst(%dma_wait3A_318 : memref<2048xf32, #tpu.memory_space<vmem>>)
    %dma_wait3A_320 = tpu.memref_slice %arg10[%mul3A_150] : memref<4112xi32, #tpu.memory_space<vmem>> -> memref<512xi32, #tpu.memory_space<vmem>>
    %dma_wait3A_321 = tpu.memref_slice %arg5[%mul3A_150] : memref<4096xi32, #tpu.memory_space<hbm>> -> memref<512xi32, #tpu.memory_space<hbm>>
    %dma_wait3A_322 = tpu.memref_slice %arg10[%mul3A_150] : memref<4112xi32, #tpu.memory_space<vmem>> -> memref<512xi32, #tpu.memory_space<vmem>>
    %dma_wait3A_323 = tpu.memref_slice %arg5[%mul3A_150] : memref<4096xi32, #tpu.memory_space<hbm>> -> memref<512xi32, #tpu.memory_space<hbm>>
    tpu.wait_dma2 semaphore(%arg12 : memref<!tpu.dma_semaphore, #tpu.memory_space<semaphore_mem>>) src(%dma_wait3A_323 : memref<512xi32, #tpu.memory_space<hbm>>) dst(%dma_wait3A_322 : memref<512xi32, #tpu.memory_space<vmem>>)
    %dma_wait3A_324 = tpu.memref_slice %arg7[%mul3A_174] : memref<16384xf32, #tpu.memory_space<vmem>> -> memref<2048xf32, #tpu.memory_space<vmem>>
    %dma_wait3A_325 = tpu.memref_slice %arg2[%mul3A_174] : memref<16384xf32, #tpu.memory_space<hbm>> -> memref<2048xf32, #tpu.memory_space<hbm>>
    %dma_wait3A_326 = tpu.memref_slice %arg7[%mul3A_174] : memref<16384xf32, #tpu.memory_space<vmem>> -> memref<2048xf32, #tpu.memory_space<vmem>>
    %dma_wait3A_327 = tpu.memref_slice %arg2[%mul3A_174] : memref<16384xf32, #tpu.memory_space<hbm>> -> memref<2048xf32, #tpu.memory_space<hbm>>
    tpu.wait_dma2 semaphore(%arg12 : memref<!tpu.dma_semaphore, #tpu.memory_space<semaphore_mem>>) src(%dma_wait3A_327 : memref<2048xf32, #tpu.memory_space<hbm>>) dst(%dma_wait3A_326 : memref<2048xf32, #tpu.memory_space<vmem>>)
    %dma_wait3A_328 = tpu.memref_slice %arg8[%mul3A_174] : memref<16384xf32, #tpu.memory_space<vmem>> -> memref<2048xf32, #tpu.memory_space<vmem>>
    %dma_wait3A_329 = tpu.memref_slice %arg3[%mul3A_174] : memref<16384xf32, #tpu.memory_space<hbm>> -> memref<2048xf32, #tpu.memory_space<hbm>>
    %dma_wait3A_330 = tpu.memref_slice %arg8[%mul3A_174] : memref<16384xf32, #tpu.memory_space<vmem>> -> memref<2048xf32, #tpu.memory_space<vmem>>
    %dma_wait3A_331 = tpu.memref_slice %arg3[%mul3A_174] : memref<16384xf32, #tpu.memory_space<hbm>> -> memref<2048xf32, #tpu.memory_space<hbm>>
    tpu.wait_dma2 semaphore(%arg12 : memref<!tpu.dma_semaphore, #tpu.memory_space<semaphore_mem>>) src(%dma_wait3A_331 : memref<2048xf32, #tpu.memory_space<hbm>>) dst(%dma_wait3A_330 : memref<2048xf32, #tpu.memory_space<vmem>>)
    %dma_wait3A_332 = tpu.memref_slice %arg9[%mul3A_174] : memref<16384xf32, #tpu.memory_space<vmem>> -> memref<2048xf32, #tpu.memory_space<vmem>>
    %dma_wait3A_333 = tpu.memref_slice %arg4[%mul3A_174] : memref<16384xf32, #tpu.memory_space<hbm>> -> memref<2048xf32, #tpu.memory_space<hbm>>
    %dma_wait3A_334 = tpu.memref_slice %arg9[%mul3A_174] : memref<16384xf32, #tpu.memory_space<vmem>> -> memref<2048xf32, #tpu.memory_space<vmem>>
    %dma_wait3A_335 = tpu.memref_slice %arg4[%mul3A_174] : memref<16384xf32, #tpu.memory_space<hbm>> -> memref<2048xf32, #tpu.memory_space<hbm>>
    tpu.wait_dma2 semaphore(%arg12 : memref<!tpu.dma_semaphore, #tpu.memory_space<semaphore_mem>>) src(%dma_wait3A_335 : memref<2048xf32, #tpu.memory_space<hbm>>) dst(%dma_wait3A_334 : memref<2048xf32, #tpu.memory_space<vmem>>)
    %dma_wait3A_336 = tpu.memref_slice %arg10[%mul3A_178] : memref<4112xi32, #tpu.memory_space<vmem>> -> memref<512xi32, #tpu.memory_space<vmem>>
    %dma_wait3A_337 = tpu.memref_slice %arg5[%mul3A_178] : memref<4096xi32, #tpu.memory_space<hbm>> -> memref<512xi32, #tpu.memory_space<hbm>>
    %dma_wait3A_338 = tpu.memref_slice %arg10[%mul3A_178] : memref<4112xi32, #tpu.memory_space<vmem>> -> memref<512xi32, #tpu.memory_space<vmem>>
    %dma_wait3A_339 = tpu.memref_slice %arg5[%mul3A_178] : memref<4096xi32, #tpu.memory_space<hbm>> -> memref<512xi32, #tpu.memory_space<hbm>>
    tpu.wait_dma2 semaphore(%arg12 : memref<!tpu.dma_semaphore, #tpu.memory_space<semaphore_mem>>) src(%dma_wait3A_339 : memref<512xi32, #tpu.memory_space<hbm>>) dst(%dma_wait3A_338 : memref<512xi32, #tpu.memory_space<vmem>>)
    %dma_wait3A_340 = tpu.memref_slice %arg7[%mul3A_202] : memref<16384xf32, #tpu.memory_space<vmem>> -> memref<2048xf32, #tpu.memory_space<vmem>>
    %dma_wait3A_341 = tpu.memref_slice %arg2[%mul3A_202] : memref<16384xf32, #tpu.memory_space<hbm>> -> memref<2048xf32, #tpu.memory_space<hbm>>
    %dma_wait3A_342 = tpu.memref_slice %arg7[%mul3A_202] : memref<16384xf32, #tpu.memory_space<vmem>> -> memref<2048xf32, #tpu.memory_space<vmem>>
    %dma_wait3A_343 = tpu.memref_slice %arg2[%mul3A_202] : memref<16384xf32, #tpu.memory_space<hbm>> -> memref<2048xf32, #tpu.memory_space<hbm>>
    tpu.wait_dma2 semaphore(%arg12 : memref<!tpu.dma_semaphore, #tpu.memory_space<semaphore_mem>>) src(%dma_wait3A_343 : memref<2048xf32, #tpu.memory_space<hbm>>) dst(%dma_wait3A_342 : memref<2048xf32, #tpu.memory_space<vmem>>)
    %dma_wait3A_344 = tpu.memref_slice %arg8[%mul3A_202] : memref<16384xf32, #tpu.memory_space<vmem>> -> memref<2048xf32, #tpu.memory_space<vmem>>
    %dma_wait3A_345 = tpu.memref_slice %arg3[%mul3A_202] : memref<16384xf32, #tpu.memory_space<hbm>> -> memref<2048xf32, #tpu.memory_space<hbm>>
    %dma_wait3A_346 = tpu.memref_slice %arg8[%mul3A_202] : memref<16384xf32, #tpu.memory_space<vmem>> -> memref<2048xf32, #tpu.memory_space<vmem>>
    %dma_wait3A_347 = tpu.memref_slice %arg3[%mul3A_202] : memref<16384xf32, #tpu.memory_space<hbm>> -> memref<2048xf32, #tpu.memory_space<hbm>>
    tpu.wait_dma2 semaphore(%arg12 : memref<!tpu.dma_semaphore, #tpu.memory_space<semaphore_mem>>) src(%dma_wait3A_347 : memref<2048xf32, #tpu.memory_space<hbm>>) dst(%dma_wait3A_346 : memref<2048xf32, #tpu.memory_space<vmem>>)
    %dma_wait3A_348 = tpu.memref_slice %arg9[%mul3A_202] : memref<16384xf32, #tpu.memory_space<vmem>> -> memref<2048xf32, #tpu.memory_space<vmem>>
    %dma_wait3A_349 = tpu.memref_slice %arg4[%mul3A_202] : memref<16384xf32, #tpu.memory_space<hbm>> -> memref<2048xf32, #tpu.memory_space<hbm>>
    %dma_wait3A_350 = tpu.memref_slice %arg9[%mul3A_202] : memref<16384xf32, #tpu.memory_space<vmem>> -> memref<2048xf32, #tpu.memory_space<vmem>>
    %dma_wait3A_351 = tpu.memref_slice %arg4[%mul3A_202] : memref<16384xf32, #tpu.memory_space<hbm>> -> memref<2048xf32, #tpu.memory_space<hbm>>
    tpu.wait_dma2 semaphore(%arg12 : memref<!tpu.dma_semaphore, #tpu.memory_space<semaphore_mem>>) src(%dma_wait3A_351 : memref<2048xf32, #tpu.memory_space<hbm>>) dst(%dma_wait3A_350 : memref<2048xf32, #tpu.memory_space<vmem>>)
    %dma_wait3A_352 = tpu.memref_slice %arg10[%mul3A_206] : memref<4112xi32, #tpu.memory_space<vmem>> -> memref<512xi32, #tpu.memory_space<vmem>>
    %dma_wait3A_353 = tpu.memref_slice %arg5[%mul3A_206] : memref<4096xi32, #tpu.memory_space<hbm>> -> memref<512xi32, #tpu.memory_space<hbm>>
    %dma_wait3A_354 = tpu.memref_slice %arg10[%mul3A_206] : memref<4112xi32, #tpu.memory_space<vmem>> -> memref<512xi32, #tpu.memory_space<vmem>>
    %dma_wait3A_355 = tpu.memref_slice %arg5[%mul3A_206] : memref<4096xi32, #tpu.memory_space<hbm>> -> memref<512xi32, #tpu.memory_space<hbm>>
    tpu.wait_dma2 semaphore(%arg12 : memref<!tpu.dma_semaphore, #tpu.memory_space<semaphore_mem>>) src(%dma_wait3A_355 : memref<512xi32, #tpu.memory_space<hbm>>) dst(%dma_wait3A_354 : memref<512xi32, #tpu.memory_space<vmem>>)
    %mul3A_356 = arith.constant 4 : i32
    %mul3A_357 = arith.muli %add3A, %mul3A_356 : i32
    %iota3A = tpu.iota {dimensions = array<i32: 0>} : vector<16xi32>
    %scan3A_358 = arith.constant 0 : i32
    %scan3A_359 = arith.constant 0 : i32
    %scan3A_360 = arith.constant 256 : i32
    %scan3A_361 = arith.addi %scan3A_359, %scan3A_360 : i32
    %scan3A_362 = arith.constant 1 : i32
    scf.for %scan3A_366 = %scan3A_359 to %scan3A_361 step %scan3A_362  : i32 {
      %mul3A_367 = arith.constant 16 : i32
      %mul3A_368 = arith.muli %scan3A_366, %mul3A_367 : i32
      %get3A = arith.index_cast %mul3A_368 : i32 to index
      %get3A_369 = tpu.vector_load %arg10[%get3A] {strides = array<i32>} : memref<4112xi32, #tpu.memory_space<vmem>>, vector<16xi32>,
      %mul3A_370 = arith.constant 2 : i32
      %mul3A_371 = arith.muli %scan3A_366, %mul3A_370 : i32
      %add3A_372 = arith.constant 0 : i32
      %add3A_373 = arith.addi %mul3A_371, %add3A_372 : i32
      %slice3A = vector.extract_strided_slice %get3A_369 {offsets = [0], sizes = [1], strides = [1]} : vector<16xi32> to vector<1xi32>
      %squeeze3A = vector.extract %slice3A[0] : i32 from vector<1xi32>
      %slice3A_374 = vector.extract_strided_slice %get3A_369 {offsets = [1], sizes = [1], strides = [1]} : vector<16xi32> to vector<1xi32>
      %squeeze3A_375 = vector.extract %slice3A_374[0] : i32 from vector<1xi32>
      %add3A_376 = arith.constant 4 : i32
      %add3A_377 = arith.addi %mul3A_357, %add3A_376 : i32
      %lt3A = arith.cmpi slt, %squeeze3A, %add3A_377 : i32
      %gt3A = arith.cmpi sgt, %squeeze3A_375, %mul3A_357 : i32
      %and3A = arith.andi %lt3A, %gt3A : i1
      %convert_element_type3A = arith.extui %and3A : i1 to i32
      %cond3A = arith.constant 0 : i32
      %cond3A_378 = arith.cmpi ne, %convert_element_type3A, %cond3A : i32
      scf.if %cond3A_378 {
        %slice3A_395 = vector.extract_strided_slice %get3A_369 {offsets = [2], sizes = [1], strides = [1]} : vector<16xi32> to vector<1xi32>
        %squeeze3A_396 = vector.extract %slice3A_395[0] : i32 from vector<1xi32>
        %slice3A_397 = vector.extract_strided_slice %get3A_369 {offsets = [3], sizes = [1], strides = [1]} : vector<16xi32> to vector<1xi32>
        %squeeze3A_398 = vector.extract %slice3A_397[0] : i32 from vector<1xi32>
        %slice3A_399 = vector.extract_strided_slice %get3A_369 {offsets = [4], sizes = [1], strides = [1]} : vector<16xi32> to vector<1xi32>
        %squeeze3A_400 = vector.extract %slice3A_399[0] : i32 from vector<1xi32>
        %slice3A_401 = vector.extract_strided_slice %get3A_369 {offsets = [5], sizes = [1], strides = [1]} : vector<16xi32> to vector<1xi32>
        %squeeze3A_402 = vector.extract %slice3A_401[0] : i32 from vector<1xi32>
        %mul3A_403 = arith.constant 32 : i32
        %mul3A_404 = arith.muli %add3A_373, %mul3A_403 : i32
        %get3A_405 = arith.index_cast %mul3A_404 : i32 to index
        %get3A_406 = tpu.vector_load %arg9[%get3A_405] {strides = array<i32>} : memref<16384xf32, #tpu.memory_space<vmem>>, vector<16xf32>,
        %add3A_407 = arith.constant 16 : i32
        %add3A_408 = arith.addi %mul3A_404, %add3A_407 : i32
        %get3A_409 = arith.index_cast %add3A_408 : i32 to index
        %get3A_410 = tpu.vector_load %arg9[%get3A_409] {strides = array<i32>} : memref<16384xf32, #tpu.memory_space<vmem>>, vector<16xf32>,
        %get3A_411 = arith.index_cast %mul3A_404 : i32 to index
        %get3A_412 = tpu.vector_load %arg8[%get3A_411] {strides = array<i32>} : memref<16384xf32, #tpu.memory_space<vmem>>, vector<16xf32>,
        %add3A_413 = arith.constant 16 : i32
        %add3A_414 = arith.addi %mul3A_404, %add3A_413 : i32
        %get3A_415 = arith.index_cast %add3A_414 : i32 to index
        %get3A_416 = tpu.vector_load %arg8[%get3A_415] {strides = array<i32>} : memref<16384xf32, #tpu.memory_space<vmem>>, vector<16xf32>,
        %max3A = arith.maxsi %squeeze3A, %mul3A_357 : i32
        %add3A_417 = arith.constant 4 : i32
        %add3A_418 = arith.addi %mul3A_357, %add3A_417 : i32
        %min3A = arith.minsi %squeeze3A_375, %add3A_418 : i32
        %mul3A_419 = arith.constant 128 : i32
        %mul3A_420 = arith.muli %squeeze3A_396, %mul3A_419 : i32
        %add3A_421 = arith.addi %mul3A_420, %squeeze3A_400 : i32
        %le3A = arith.constant 16 : i32
        %le3A_422 = arith.cmpi sle, %squeeze3A_402, %le3A : i32
        %convert_element_type3A_423 = arith.extui %le3A_422 : i1 to i32
        %cond3A_424 = arith.constant 0 : i32
        %cond3A_425 = arith.cmpi ne, %convert_element_type3A_423, %cond3A_424 : i32
        scf.if %cond3A_425 {
          %while3A = arith.constant 0 : i32
          %while3A_431 = arith.subi %min3A, %max3A : i32
          %while3A_432 = arith.addi %max3A, %while3A_431 : i32
          %while3A_433 = arith.constant 1 : i32
          %while3A_434 = arith.divsi %while3A_431, %while3A_433 : i32
          %while3A_435 = arith.muli %while3A_434, %while3A_433 : i32
          %while3A_436 = arith.addi %max3A, %while3A_435 : i32
          %while3A_437 = arith.constant 1 : i32
          scf.for %while3A_439 = %max3A to %while3A_436 step %while3A_437  : i32 {
            %broadcast_in_dim3A_440 = vector.broadcast %mul3A_404 : i32 to vector<16xi32>
            %sub3A = arith.subi %while3A_439, %squeeze3A : i32
            %add3A_441 = vector.broadcast %sub3A : i32 to vector<16xi32>
            %add3A_442 = arith.addi %broadcast_in_dim3A_440, %add3A_441 : vector<16xi32>
            %gather3A = tpu.vector_load_idx %arg7[%add3A_442] : memref<16384xf32, #tpu.memory_space<vmem>>[vector<16xi32>], vector<16xf32>,
            %mul3A_443 = arith.mulf %gather3A, %get3A_406 : vector<16xf32>
            %mul3A_444 = arith.mulf %gather3A, %get3A_410 : vector<16xf32>
            %sub3A_445 = arith.subi %while3A_439, %mul3A_357 : i32
            %mul3A_446 = arith.constant 16384 : i32
            %mul3A_447 = arith.muli %sub3A_445, %mul3A_446 : i32
            %add3A_448 = arith.addi %mul3A_447, %add3A_421 : i32
            %add3A_449 = vector.broadcast %add3A_448 : i32 to vector<16xi32>
            %add3A_450 = arith.addi %add3A_449, %iota3A : vector<16xi32>
            %add3A_451 = arith.constant 16 : i32
            %add3A_452 = vector.broadcast %add3A_451 : i32 to vector<16xi32>
            %add3A_453 = arith.addi %add3A_450, %add3A_452 : vector<16xi32>
            %slice3A_454 = vector.extract_strided_slice %get3A_412 {offsets = [0], sizes = [1], strides = [1]} : vector<16xf32> to vector<1xf32>
            %squeeze3A_455 = vector.extract %slice3A_454[0] : f32 from vector<1xf32>
            %broadcast_in_dim3A_456 = vector.broadcast %squeeze3A_455 : f32 to vector<16xf32>
            %add3A_457 = arith.constant 0 : i32
            %add3A_458 = vector.broadcast %add3A_457 : i32 to vector<16xi32>
            %add3A_459 = arith.addi %add3A_450, %add3A_458 : vector<16xi32>
            %mul3A_460 = arith.mulf %broadcast_in_dim3A_456, %mul3A_443 : vector<16xf32>
            tpu.vector_store_idx %arg11[%add3A_459], %mul3A_460 {add = true} : memref<66816xf32, #tpu.memory_space<vmem>>[vector<16xi32>], vector<16xf32>,
            %slice3A_461 = vector.extract_strided_slice %get3A_412 {offsets = [1], sizes = [1], strides = [1]} : vector<16xf32> to vector<1xf32>
            %squeeze3A_462 = vector.extract %slice3A_461[0] : f32 from vector<1xf32>
            %broadcast_in_dim3A_463 = vector.broadcast %squeeze3A_462 : f32 to vector<16xf32>
            %add3A_464 = arith.constant 128 : i32
            %add3A_465 = vector.broadcast %add3A_464 : i32 to vector<16xi32>
            %add3A_466 = arith.addi %add3A_450, %add3A_465 : vector<16xi32>
            %mul3A_467 = arith.mulf %broadcast_in_dim3A_463, %mul3A_443 : vector<16xf32>
            tpu.vector_store_idx %arg11[%add3A_466], %mul3A_467 {add = true} : memref<66816xf32, #tpu.memory_space<vmem>>[vector<16xi32>], vector<16xf32>,
            %slice3A_468 = vector.extract_strided_slice %get3A_412 {offsets = [2], sizes = [1], strides = [1]} : vector<16xf32> to vector<1xf32>
            %squeeze3A_469 = vector.extract %slice3A_468[0] : f32 from vector<1xf32>
            %broadcast_in_dim3A_470 = vector.broadcast %squeeze3A_469 : f32 to vector<16xf32>
            %add3A_471 = arith.constant 256 : i32
            %add3A_472 = vector.broadcast %add3A_471 : i32 to vector<16xi32>
            %add3A_473 = arith.addi %add3A_450, %add3A_472 : vector<16xi32>
            %mul3A_474 = arith.mulf %broadcast_in_dim3A_470, %mul3A_443 : vector<16xf32>
            tpu.vector_store_idx %arg11[%add3A_473], %mul3A_474 {add = true} : memref<66816xf32, #tpu.memory_space<vmem>>[vector<16xi32>], vector<16xf32>,
            %slice3A_475 = vector.extract_strided_slice %get3A_412 {offsets = [3], sizes = [1], strides = [1]} : vector<16xf32> to vector<1xf32>
            %squeeze3A_476 = vector.extract %slice3A_475[0] : f32 from vector<1xf32>
            %broadcast_in_dim3A_477 = vector.broadcast %squeeze3A_476 : f32 to vector<16xf32>
            %add3A_478 = arith.constant 384 : i32
            %add3A_479 = vector.broadcast %add3A_478 : i32 to vector<16xi32>
            %add3A_480 = arith.addi %add3A_450, %add3A_479 : vector<16xi32>
            %mul3A_481 = arith.mulf %broadcast_in_dim3A_477, %mul3A_443 : vector<16xf32>
            tpu.vector_store_idx %arg11[%add3A_480], %mul3A_481 {add = true} : memref<66816xf32, #tpu.memory_space<vmem>>[vector<16xi32>], vector<16xf32>,
            %slice3A_482 = vector.extract_strided_slice %get3A_412 {offsets = [4], sizes = [1], strides = [1]} : vector<16xf32> to vector<1xf32>
            %squeeze3A_483 = vector.extract %slice3A_482[0] : f32 from vector<1xf32>
            %broadcast_in_dim3A_484 = vector.broadcast %squeeze3A_483 : f32 to vector<16xf32>
            %add3A_485 = arith.constant 512 : i32
            %add3A_486 = vector.broadcast %add3A_485 : i32 to vector<16xi32>
            %add3A_487 = arith.addi %add3A_450, %add3A_486 : vector<16xi32>
            %mul3A_488 = arith.mulf %broadcast_in_dim3A_484, %mul3A_443 : vector<16xf32>
            tpu.vector_store_idx %arg11[%add3A_487], %mul3A_488 {add = true} : memref<66816xf32, #tpu.memory_space<vmem>>[vector<16xi32>], vector<16xf32>,
            %slice3A_489 = vector.extract_strided_slice %get3A_412 {offsets = [5], sizes = [1], strides = [1]} : vector<16xf32> to vector<1xf32>
            %squeeze3A_490 = vector.extract %slice3A_489[0] : f32 from vector<1xf32>
            %broadcast_in_dim3A_491 = vector.broadcast %squeeze3A_490 : f32 to vector<16xf32>
            %add3A_492 = arith.constant 640 : i32
            %add3A_493 = vector.broadcast %add3A_492 : i32 to vector<16xi32>
            %add3A_494 = arith.addi %add3A_450, %add3A_493 : vector<16xi32>
            %mul3A_495 = arith.mulf %broadcast_in_dim3A_491, %mul3A_443 : vector<16xf32>
            tpu.vector_store_idx %arg11[%add3A_494], %mul3A_495 {add = true} : memref<66816xf32, #tpu.memory_space<vmem>>[vector<16xi32>], vector<16xf32>,
            %slice3A_496 = vector.extract_strided_slice %get3A_412 {offsets = [6], sizes = [1], strides = [1]} : vector<16xf32> to vector<1xf32>
            %squeeze3A_497 = vector.extract %slice3A_496[0] : f32 from vector<1xf32>
            %broadcast_in_dim3A_498 = vector.broadcast %squeeze3A_497 : f32 to vector<16xf32>
            %add3A_499 = arith.constant 768 : i32
            %add3A_500 = vector.broadcast %add3A_499 : i32 to vector<16xi32>
            %add3A_501 = arith.addi %add3A_450, %add3A_500 : vector<16xi32>
            %mul3A_502 = arith.mulf %broadcast_in_dim3A_498, %mul3A_443 : vector<16xf32>
            tpu.vector_store_idx %arg11[%add3A_501], %mul3A_502 {add = true} : memref<66816xf32, #tpu.memory_space<vmem>>[vector<16xi32>], vector<16xf32>,
            %slice3A_503 = vector.extract_strided_slice %get3A_412 {offsets = [7], sizes = [1], strides = [1]} : vector<16xf32> to vector<1xf32>
            %squeeze3A_504 = vector.extract %slice3A_503[0] : f32 from vector<1xf32>
            %broadcast_in_dim3A_505 = vector.broadcast %squeeze3A_504 : f32 to vector<16xf32>
            %add3A_506 = arith.constant 896 : i32
            %add3A_507 = vector.broadcast %add3A_506 : i32 to vector<16xi32>
            %add3A_508 = arith.addi %add3A_450, %add3A_507 : vector<16xi32>
            %mul3A_509 = arith.mulf %broadcast_in_dim3A_505, %mul3A_443 : vector<16xf32>
            tpu.vector_store_idx %arg11[%add3A_508], %mul3A_509 {add = true} : memref<66816xf32, #tpu.memory_space<vmem>>[vector<16xi32>], vector<16xf32>,
            %gt3A_510 = arith.constant 8 : i32
            %gt3A_511 = arith.cmpi sgt, %squeeze3A_398, %gt3A_510 : i32
            %convert_element_type3A_512 = arith.extui %gt3A_511 : i1 to i32
            %cond3A_513 = arith.constant 0 : i32
            %cond3A_514 = arith.cmpi ne, %convert_element_type3A_512, %cond3A_513 : i32
            scf.if %cond3A_514 {
              %slice3A_525 = vector.extract_strided_slice %get3A_412 {offsets = [8], sizes = [1], strides = [1]} : vector<16xf32> to vector<1xf32>
              %squeeze3A_526 = vector.extract %slice3A_525[0] : f32 from vector<1xf32>
              %broadcast_in_dim3A_527 = vector.broadcast %squeeze3A_526 : f32 to vector<16xf32>
              %add3A_528 = arith.constant 1024 : i32
              %add3A_529 = vector.broadcast %add3A_528 : i32 to vector<16xi32>
              %add3A_530 = arith.addi %add3A_450, %add3A_529 : vector<16xi32>
              %mul3A_531 = arith.mulf %broadcast_in_dim3A_527, %mul3A_443 : vector<16xf32>
              tpu.vector_store_idx %arg11[%add3A_530], %mul3A_531 {add = true} : memref<66816xf32, #tpu.memory_space<vmem>>[vector<16xi32>], vector<16xf32>,
              %slice3A_532 = vector.extract_strided_slice %get3A_412 {offsets = [9], sizes = [1], strides = [1]} : vector<16xf32> to vector<1xf32>
              %squeeze3A_533 = vector.extract %slice3A_532[0] : f32 from vector<1xf32>
              %broadcast_in_dim3A_534 = vector.broadcast %squeeze3A_533 : f32 to vector<16xf32>
              %add3A_535 = arith.constant 1152 : i32
              %add3A_536 = vector.broadcast %add3A_535 : i32 to vector<16xi32>
              %add3A_537 = arith.addi %add3A_450, %add3A_536 : vector<16xi32>
              %mul3A_538 = arith.mulf %broadcast_in_dim3A_534, %mul3A_443 : vector<16xf32>
              tpu.vector_store_idx %arg11[%add3A_537], %mul3A_538 {add = true} : memref<66816xf32, #tpu.memory_space<vmem>>[vector<16xi32>], vector<16xf32>,
              %slice3A_539 = vector.extract_strided_slice %get3A_412 {offsets = [10], sizes = [1], strides = [1]} : vector<16xf32> to vector<1xf32>
              %squeeze3A_540 = vector.extract %slice3A_539[0] : f32 from vector<1xf32>
              %broadcast_in_dim3A_541 = vector.broadcast %squeeze3A_540 : f32 to vector<16xf32>
              %add3A_542 = arith.constant 1280 : i32
              %add3A_543 = vector.broadcast %add3A_542 : i32 to vector<16xi32>
              %add3A_544 = arith.addi %add3A_450, %add3A_543 : vector<16xi32>
              %mul3A_545 = arith.mulf %broadcast_in_dim3A_541, %mul3A_443 : vector<16xf32>
              tpu.vector_store_idx %arg11[%add3A_544], %mul3A_545 {add = true} : memref<66816xf32, #tpu.memory_space<vmem>>[vector<16xi32>], vector<16xf32>,
              %slice3A_546 = vector.extract_strided_slice %get3A_412 {offsets = [11], sizes = [1], strides = [1]} : vector<16xf32> to vector<1xf32>
              %squeeze3A_547 = vector.extract %slice3A_546[0] : f32 from vector<1xf32>
              %broadcast_in_dim3A_548 = vector.broadcast %squeeze3A_547 : f32 to vector<16xf32>
              %add3A_549 = arith.constant 1408 : i32
              %add3A_550 = vector.broadcast %add3A_549 : i32 to vector<16xi32>
              %add3A_551 = arith.addi %add3A_450, %add3A_550 : vector<16xi32>
              %mul3A_552 = arith.mulf %broadcast_in_dim3A_548, %mul3A_443 : vector<16xf32>
              tpu.vector_store_idx %arg11[%add3A_551], %mul3A_552 {add = true} : memref<66816xf32, #tpu.memory_space<vmem>>[vector<16xi32>], vector<16xf32>,
              %slice3A_553 = vector.extract_strided_slice %get3A_412 {offsets = [12], sizes = [1], strides = [1]} : vector<16xf32> to vector<1xf32>
              %squeeze3A_554 = vector.extract %slice3A_553[0] : f32 from vector<1xf32>
              %broadcast_in_dim3A_555 = vector.broadcast %squeeze3A_554 : f32 to vector<16xf32>
              %add3A_556 = arith.constant 1536 : i32
              %add3A_557 = vector.broadcast %add3A_556 : i32 to vector<16xi32>
              %add3A_558 = arith.addi %add3A_450, %add3A_557 : vector<16xi32>
              %mul3A_559 = arith.mulf %broadcast_in_dim3A_555, %mul3A_443 : vector<16xf32>
              tpu.vector_store_idx %arg11[%add3A_558], %mul3A_559 {add = true} : memref<66816xf32, #tpu.memory_space<vmem>>[vector<16xi32>], vector<16xf32>,
              %slice3A_560 = vector.extract_strided_slice %get3A_412 {offsets = [13], sizes = [1], strides = [1]} : vector<16xf32> to vector<1xf32>
              %squeeze3A_561 = vector.extract %slice3A_560[0] : f32 from vector<1xf32>
              %broadcast_in_dim3A_562 = vector.broadcast %squeeze3A_561 : f32 to vector<16xf32>
              %add3A_563 = arith.constant 1664 : i32
              %add3A_564 = vector.broadcast %add3A_563 : i32 to vector<16xi32>
              %add3A_565 = arith.addi %add3A_450, %add3A_564 : vector<16xi32>
              %mul3A_566 = arith.mulf %broadcast_in_dim3A_562, %mul3A_443 : vector<16xf32>
              tpu.vector_store_idx %arg11[%add3A_565], %mul3A_566 {add = true} : memref<66816xf32, #tpu.memory_space<vmem>>[vector<16xi32>], vector<16xf32>,
              %slice3A_567 = vector.extract_strided_slice %get3A_412 {offsets = [14], sizes = [1], strides = [1]} : vector<16xf32> to vector<1xf32>
              %squeeze3A_568 = vector.extract %slice3A_567[0] : f32 from vector<1xf32>
              %broadcast_in_dim3A_569 = vector.broadcast %squeeze3A_568 : f32 to vector<16xf32>
              %add3A_570 = arith.constant 1792 : i32
              %add3A_571 = vector.broadcast %add3A_570 : i32 to vector<16xi32>
              %add3A_572 = arith.addi %add3A_450, %add3A_571 : vector<16xi32>
              %mul3A_573 = arith.mulf %broadcast_in_dim3A_569, %mul3A_443 : vector<16xf32>
              tpu.vector_store_idx %arg11[%add3A_572], %mul3A_573 {add = true} : memref<66816xf32, #tpu.memory_space<vmem>>[vector<16xi32>], vector<16xf32>,
              %slice3A_574 = vector.extract_strided_slice %get3A_412 {offsets = [15], sizes = [1], strides = [1]} : vector<16xf32> to vector<1xf32>
              %squeeze3A_575 = vector.extract %slice3A_574[0] : f32 from vector<1xf32>
              %broadcast_in_dim3A_576 = vector.broadcast %squeeze3A_575 : f32 to vector<16xf32>
              %add3A_577 = arith.constant 1920 : i32
              %add3A_578 = vector.broadcast %add3A_577 : i32 to vector<16xi32>
              %add3A_579 = arith.addi %add3A_450, %add3A_578 : vector<16xi32>
              %mul3A_580 = arith.mulf %broadcast_in_dim3A_576, %mul3A_443 : vector<16xf32>
              tpu.vector_store_idx %arg11[%add3A_579], %mul3A_580 {add = true} : memref<66816xf32, #tpu.memory_space<vmem>>[vector<16xi32>], vector<16xf32>,
            } else {
            }
            %gt3A_515 = arith.constant 16 : i32
            %gt3A_516 = arith.cmpi sgt, %squeeze3A_398, %gt3A_515 : i32
            %convert_element_type3A_517 = arith.extui %gt3A_516 : i1 to i32
            %cond3A_518 = arith.constant 0 : i32
            %cond3A_519 = arith.cmpi ne, %convert_element_type3A_517, %cond3A_518 : i32
            scf.if %cond3A_519 {
              %slice3A_525 = vector.extract_strided_slice %get3A_416 {offsets = [0], sizes = [1], strides = [1]} : vector<16xf32> to vector<1xf32>
              %squeeze3A_526 = vector.extract %slice3A_525[0] : f32 from vector<1xf32>
              %broadcast_in_dim3A_527 = vector.broadcast %squeeze3A_526 : f32 to vector<16xf32>
              %add3A_528 = arith.constant 2048 : i32
              %add3A_529 = vector.broadcast %add3A_528 : i32 to vector<16xi32>
              %add3A_530 = arith.addi %add3A_450, %add3A_529 : vector<16xi32>
              %mul3A_531 = arith.mulf %broadcast_in_dim3A_527, %mul3A_443 : vector<16xf32>
              tpu.vector_store_idx %arg11[%add3A_530], %mul3A_531 {add = true} : memref<66816xf32, #tpu.memory_space<vmem>>[vector<16xi32>], vector<16xf32>,
              %slice3A_532 = vector.extract_strided_slice %get3A_416 {offsets = [1], sizes = [1], strides = [1]} : vector<16xf32> to vector<1xf32>
              %squeeze3A_533 = vector.extract %slice3A_532[0] : f32 from vector<1xf32>
              %broadcast_in_dim3A_534 = vector.broadcast %squeeze3A_533 : f32 to vector<16xf32>
              %add3A_535 = arith.constant 2176 : i32
              %add3A_536 = vector.broadcast %add3A_535 : i32 to vector<16xi32>
              %add3A_537 = arith.addi %add3A_450, %add3A_536 : vector<16xi32>
              %mul3A_538 = arith.mulf %broadcast_in_dim3A_534, %mul3A_443 : vector<16xf32>
              tpu.vector_store_idx %arg11[%add3A_537], %mul3A_538 {add = true} : memref<66816xf32, #tpu.memory_space<vmem>>[vector<16xi32>], vector<16xf32>,
              %slice3A_539 = vector.extract_strided_slice %get3A_416 {offsets = [2], sizes = [1], strides = [1]} : vector<16xf32> to vector<1xf32>
              %squeeze3A_540 = vector.extract %slice3A_539[0] : f32 from vector<1xf32>
              %broadcast_in_dim3A_541 = vector.broadcast %squeeze3A_540 : f32 to vector<16xf32>
              %add3A_542 = arith.constant 2304 : i32
              %add3A_543 = vector.broadcast %add3A_542 : i32 to vector<16xi32>
              %add3A_544 = arith.addi %add3A_450, %add3A_543 : vector<16xi32>
              %mul3A_545 = arith.mulf %broadcast_in_dim3A_541, %mul3A_443 : vector<16xf32>
              tpu.vector_store_idx %arg11[%add3A_544], %mul3A_545 {add = true} : memref<66816xf32, #tpu.memory_space<vmem>>[vector<16xi32>], vector<16xf32>,
              %slice3A_546 = vector.extract_strided_slice %get3A_416 {offsets = [3], sizes = [1], strides = [1]} : vector<16xf32> to vector<1xf32>
              %squeeze3A_547 = vector.extract %slice3A_546[0] : f32 from vector<1xf32>
              %broadcast_in_dim3A_548 = vector.broadcast %squeeze3A_547 : f32 to vector<16xf32>
              %add3A_549 = arith.constant 2432 : i32
              %add3A_550 = vector.broadcast %add3A_549 : i32 to vector<16xi32>
              %add3A_551 = arith.addi %add3A_450, %add3A_550 : vector<16xi32>
              %mul3A_552 = arith.mulf %broadcast_in_dim3A_548, %mul3A_443 : vector<16xf32>
              tpu.vector_store_idx %arg11[%add3A_551], %mul3A_552 {add = true} : memref<66816xf32, #tpu.memory_space<vmem>>[vector<16xi32>], vector<16xf32>,
              %slice3A_553 = vector.extract_strided_slice %get3A_416 {offsets = [4], sizes = [1], strides = [1]} : vector<16xf32> to vector<1xf32>
              %squeeze3A_554 = vector.extract %slice3A_553[0] : f32 from vector<1xf32>
              %broadcast_in_dim3A_555 = vector.broadcast %squeeze3A_554 : f32 to vector<16xf32>
              %add3A_556 = arith.constant 2560 : i32
              %add3A_557 = vector.broadcast %add3A_556 : i32 to vector<16xi32>
              %add3A_558 = arith.addi %add3A_450, %add3A_557 : vector<16xi32>
              %mul3A_559 = arith.mulf %broadcast_in_dim3A_555, %mul3A_443 : vector<16xf32>
              tpu.vector_store_idx %arg11[%add3A_558], %mul3A_559 {add = true} : memref<66816xf32, #tpu.memory_space<vmem>>[vector<16xi32>], vector<16xf32>,
              %slice3A_560 = vector.extract_strided_slice %get3A_416 {offsets = [5], sizes = [1], strides = [1]} : vector<16xf32> to vector<1xf32>
              %squeeze3A_561 = vector.extract %slice3A_560[0] : f32 from vector<1xf32>
              %broadcast_in_dim3A_562 = vector.broadcast %squeeze3A_561 : f32 to vector<16xf32>
              %add3A_563 = arith.constant 2688 : i32
              %add3A_564 = vector.broadcast %add3A_563 : i32 to vector<16xi32>
              %add3A_565 = arith.addi %add3A_450, %add3A_564 : vector<16xi32>
              %mul3A_566 = arith.mulf %broadcast_in_dim3A_562, %mul3A_443 : vector<16xf32>
              tpu.vector_store_idx %arg11[%add3A_565], %mul3A_566 {add = true} : memref<66816xf32, #tpu.memory_space<vmem>>[vector<16xi32>], vector<16xf32>,
              %slice3A_567 = vector.extract_strided_slice %get3A_416 {offsets = [6], sizes = [1], strides = [1]} : vector<16xf32> to vector<1xf32>
              %squeeze3A_568 = vector.extract %slice3A_567[0] : f32 from vector<1xf32>
              %broadcast_in_dim3A_569 = vector.broadcast %squeeze3A_568 : f32 to vector<16xf32>
              %add3A_570 = arith.constant 2816 : i32
              %add3A_571 = vector.broadcast %add3A_570 : i32 to vector<16xi32>
              %add3A_572 = arith.addi %add3A_450, %add3A_571 : vector<16xi32>
              %mul3A_573 = arith.mulf %broadcast_in_dim3A_569, %mul3A_443 : vector<16xf32>
              tpu.vector_store_idx %arg11[%add3A_572], %mul3A_573 {add = true} : memref<66816xf32, #tpu.memory_space<vmem>>[vector<16xi32>], vector<16xf32>,
              %slice3A_574 = vector.extract_strided_slice %get3A_416 {offsets = [7], sizes = [1], strides = [1]} : vector<16xf32> to vector<1xf32>
              %squeeze3A_575 = vector.extract %slice3A_574[0] : f32 from vector<1xf32>
              %broadcast_in_dim3A_576 = vector.broadcast %squeeze3A_575 : f32 to vector<16xf32>
              %add3A_577 = arith.constant 2944 : i32
              %add3A_578 = vector.broadcast %add3A_577 : i32 to vector<16xi32>
              %add3A_579 = arith.addi %add3A_450, %add3A_578 : vector<16xi32>
              %mul3A_580 = arith.mulf %broadcast_in_dim3A_576, %mul3A_443 : vector<16xf32>
              tpu.vector_store_idx %arg11[%add3A_579], %mul3A_580 {add = true} : memref<66816xf32, #tpu.memory_space<vmem>>[vector<16xi32>], vector<16xf32>,
            } else {
            }
            %gt3A_520 = arith.constant 24 : i32
            %gt3A_521 = arith.cmpi sgt, %squeeze3A_398, %gt3A_520 : i32
            %convert_element_type3A_522 = arith.extui %gt3A_521 : i1 to i32
            %cond3A_523 = arith.constant 0 : i32
            %cond3A_524 = arith.cmpi ne, %convert_element_type3A_522, %cond3A_523 : i32
            scf.if %cond3A_524 {
              %slice3A_525 = vector.extract_strided_slice %get3A_416 {offsets = [8], sizes = [1], strides = [1]} : vector<16xf32> to vector<1xf32>
              %squeeze3A_526 = vector.extract %slice3A_525[0] : f32 from vector<1xf32>
              %broadcast_in_dim3A_527 = vector.broadcast %squeeze3A_526 : f32 to vector<16xf32>
              %add3A_528 = arith.constant 3072 : i32
              %add3A_529 = vector.broadcast %add3A_528 : i32 to vector<16xi32>
              %add3A_530 = arith.addi %add3A_450, %add3A_529 : vector<16xi32>
              %mul3A_531 = arith.mulf %broadcast_in_dim3A_527, %mul3A_443 : vector<16xf32>
              tpu.vector_store_idx %arg11[%add3A_530], %mul3A_531 {add = true} : memref<66816xf32, #tpu.memory_space<vmem>>[vector<16xi32>], vector<16xf32>,
              %slice3A_532 = vector.extract_strided_slice %get3A_416 {offsets = [9], sizes = [1], strides = [1]} : vector<16xf32> to vector<1xf32>
              %squeeze3A_533 = vector.extract %slice3A_532[0] : f32 from vector<1xf32>
              %broadcast_in_dim3A_534 = vector.broadcast %squeeze3A_533 : f32 to vector<16xf32>
              %add3A_535 = arith.constant 3200 : i32
              %add3A_536 = vector.broadcast %add3A_535 : i32 to vector<16xi32>
              %add3A_537 = arith.addi %add3A_450, %add3A_536 : vector<16xi32>
              %mul3A_538 = arith.mulf %broadcast_in_dim3A_534, %mul3A_443 : vector<16xf32>
              tpu.vector_store_idx %arg11[%add3A_537], %mul3A_538 {add = true} : memref<66816xf32, #tpu.memory_space<vmem>>[vector<16xi32>], vector<16xf32>,
              %slice3A_539 = vector.extract_strided_slice %get3A_416 {offsets = [10], sizes = [1], strides = [1]} : vector<16xf32> to vector<1xf32>
              %squeeze3A_540 = vector.extract %slice3A_539[0] : f32 from vector<1xf32>
              %broadcast_in_dim3A_541 = vector.broadcast %squeeze3A_540 : f32 to vector<16xf32>
              %add3A_542 = arith.constant 3328 : i32
              %add3A_543 = vector.broadcast %add3A_542 : i32 to vector<16xi32>
              %add3A_544 = arith.addi %add3A_450, %add3A_543 : vector<16xi32>
              %mul3A_545 = arith.mulf %broadcast_in_dim3A_541, %mul3A_443 : vector<16xf32>
              tpu.vector_store_idx %arg11[%add3A_544], %mul3A_545 {add = true} : memref<66816xf32, #tpu.memory_space<vmem>>[vector<16xi32>], vector<16xf32>,
              %slice3A_546 = vector.extract_strided_slice %get3A_416 {offsets = [11], sizes = [1], strides = [1]} : vector<16xf32> to vector<1xf32>
              %squeeze3A_547 = vector.extract %slice3A_546[0] : f32 from vector<1xf32>
              %broadcast_in_dim3A_548 = vector.broadcast %squeeze3A_547 : f32 to vector<16xf32>
              %add3A_549 = arith.constant 3456 : i32
              %add3A_550 = vector.broadcast %add3A_549 : i32 to vector<16xi32>
              %add3A_551 = arith.addi %add3A_450, %add3A_550 : vector<16xi32>
              %mul3A_552 = arith.mulf %broadcast_in_dim3A_548, %mul3A_443 : vector<16xf32>
              tpu.vector_store_idx %arg11[%add3A_551], %mul3A_552 {add = true} : memref<66816xf32, #tpu.memory_space<vmem>>[vector<16xi32>], vector<16xf32>,
              %slice3A_553 = vector.extract_strided_slice %get3A_416 {offsets = [12], sizes = [1], strides = [1]} : vector<16xf32> to vector<1xf32>
              %squeeze3A_554 = vector.extract %slice3A_553[0] : f32 from vector<1xf32>
              %broadcast_in_dim3A_555 = vector.broadcast %squeeze3A_554 : f32 to vector<16xf32>
              %add3A_556 = arith.constant 3584 : i32
              %add3A_557 = vector.broadcast %add3A_556 : i32 to vector<16xi32>
              %add3A_558 = arith.addi %add3A_450, %add3A_557 : vector<16xi32>
              %mul3A_559 = arith.mulf %broadcast_in_dim3A_555, %mul3A_443 : vector<16xf32>
              tpu.vector_store_idx %arg11[%add3A_558], %mul3A_559 {add = true} : memref<66816xf32, #tpu.memory_space<vmem>>[vector<16xi32>], vector<16xf32>,
              %slice3A_560 = vector.extract_strided_slice %get3A_416 {offsets = [13], sizes = [1], strides = [1]} : vector<16xf32> to vector<1xf32>
              %squeeze3A_561 = vector.extract %slice3A_560[0] : f32 from vector<1xf32>
              %broadcast_in_dim3A_562 = vector.broadcast %squeeze3A_561 : f32 to vector<16xf32>
              %add3A_563 = arith.constant 3712 : i32
              %add3A_564 = vector.broadcast %add3A_563 : i32 to vector<16xi32>
              %add3A_565 = arith.addi %add3A_450, %add3A_564 : vector<16xi32>
              %mul3A_566 = arith.mulf %broadcast_in_dim3A_562, %mul3A_443 : vector<16xf32>
              tpu.vector_store_idx %arg11[%add3A_565], %mul3A_566 {add = true} : memref<66816xf32, #tpu.memory_space<vmem>>[vector<16xi32>], vector<16xf32>,
              %slice3A_567 = vector.extract_strided_slice %get3A_416 {offsets = [14], sizes = [1], strides = [1]} : vector<16xf32> to vector<1xf32>
              %squeeze3A_568 = vector.extract %slice3A_567[0] : f32 from vector<1xf32>
              %broadcast_in_dim3A_569 = vector.broadcast %squeeze3A_568 : f32 to vector<16xf32>
              %add3A_570 = arith.constant 3840 : i32
              %add3A_571 = vector.broadcast %add3A_570 : i32 to vector<16xi32>
              %add3A_572 = arith.addi %add3A_450, %add3A_571 : vector<16xi32>
              %mul3A_573 = arith.mulf %broadcast_in_dim3A_569, %mul3A_443 : vector<16xf32>
              tpu.vector_store_idx %arg11[%add3A_572], %mul3A_573 {add = true} : memref<66816xf32, #tpu.memory_space<vmem>>[vector<16xi32>], vector<16xf32>,
              %slice3A_574 = vector.extract_strided_slice %get3A_416 {offsets = [15], sizes = [1], strides = [1]} : vector<16xf32> to vector<1xf32>
              %squeeze3A_575 = vector.extract %slice3A_574[0] : f32 from vector<1xf32>
              %broadcast_in_dim3A_576 = vector.broadcast %squeeze3A_575 : f32 to vector<16xf32>
              %add3A_577 = arith.constant 3968 : i32
              %add3A_578 = vector.broadcast %add3A_577 : i32 to vector<16xi32>
              %add3A_579 = arith.addi %add3A_450, %add3A_578 : vector<16xi32>
              %mul3A_580 = arith.mulf %broadcast_in_dim3A_576, %mul3A_443 : vector<16xf32>
              tpu.vector_store_idx %arg11[%add3A_579], %mul3A_580 {add = true} : memref<66816xf32, #tpu.memory_space<vmem>>[vector<16xi32>], vector<16xf32>,
            } else {
            }
          }
          %while3A_438 = arith.constant 1 : i32
          scf.for %while3A_439 = %while3A_436 to %while3A_432 step %while3A_438  : i32 {
            %broadcast_in_dim3A_440 = vector.broadcast %mul3A_404 : i32 to vector<16xi32>
            %sub3A = arith.subi %while3A_439, %squeeze3A : i32
            %add3A_441 = vector.broadcast %sub3A : i32 to vector<16xi32>
            %add3A_442 = arith.addi %broadcast_in_dim3A_440, %add3A_441 : vector<16xi32>
            %gather3A = tpu.vector_load_idx %arg7[%add3A_442] : memref<16384xf32, #tpu.memory_space<vmem>>[vector<16xi32>], vector<16xf32>,
            %mul3A_443 = arith.mulf %gather3A, %get3A_406 : vector<16xf32>
            %mul3A_444 = arith.mulf %gather3A, %get3A_410 : vector<16xf32>
            %sub3A_445 = arith.subi %while3A_439, %mul3A_357 : i32
            %mul3A_446 = arith.constant 16384 : i32
            %mul3A_447 = arith.muli %sub3A_445, %mul3A_446 : i32
            %add3A_448 = arith.addi %mul3A_447, %add3A_421 : i32
            %add3A_449 = vector.broadcast %add3A_448 : i32 to vector<16xi32>
            %add3A_450 = arith.addi %add3A_449, %iota3A : vector<16xi32>
            %add3A_451 = arith.constant 16 : i32
            %add3A_452 = vector.broadcast %add3A_451 : i32 to vector<16xi32>
            %add3A_453 = arith.addi %add3A_450, %add3A_452 : vector<16xi32>
            %slice3A_454 = vector.extract_strided_slice %get3A_412 {offsets = [0], sizes = [1], strides = [1]} : vector<16xf32> to vector<1xf32>
            %squeeze3A_455 = vector.extract %slice3A_454[0] : f32 from vector<1xf32>
            %broadcast_in_dim3A_456 = vector.broadcast %squeeze3A_455 : f32 to vector<16xf32>
            %add3A_457 = arith.constant 0 : i32
            %add3A_458 = vector.broadcast %add3A_457 : i32 to vector<16xi32>
            %add3A_459 = arith.addi %add3A_450, %add3A_458 : vector<16xi32>
            %mul3A_460 = arith.mulf %broadcast_in_dim3A_456, %mul3A_443 : vector<16xf32>
            tpu.vector_store_idx %arg11[%add3A_459], %mul3A_460 {add = true} : memref<66816xf32, #tpu.memory_space<vmem>>[vector<16xi32>], vector<16xf32>,
            %slice3A_461 = vector.extract_strided_slice %get3A_412 {offsets = [1], sizes = [1], strides = [1]} : vector<16xf32> to vector<1xf32>
            %squeeze3A_462 = vector.extract %slice3A_461[0] : f32 from vector<1xf32>
            %broadcast_in_dim3A_463 = vector.broadcast %squeeze3A_462 : f32 to vector<16xf32>
            %add3A_464 = arith.constant 128 : i32
            %add3A_465 = vector.broadcast %add3A_464 : i32 to vector<16xi32>
            %add3A_466 = arith.addi %add3A_450, %add3A_465 : vector<16xi32>
            %mul3A_467 = arith.mulf %broadcast_in_dim3A_463, %mul3A_443 : vector<16xf32>
            tpu.vector_store_idx %arg11[%add3A_466], %mul3A_467 {add = true} : memref<66816xf32, #tpu.memory_space<vmem>>[vector<16xi32>], vector<16xf32>,
            %slice3A_468 = vector.extract_strided_slice %get3A_412 {offsets = [2], sizes = [1], strides = [1]} : vector<16xf32> to vector<1xf32>
            %squeeze3A_469 = vector.extract %slice3A_468[0] : f32 from vector<1xf32>
            %broadcast_in_dim3A_470 = vector.broadcast %squeeze3A_469 : f32 to vector<16xf32>
            %add3A_471 = arith.constant 256 : i32
            %add3A_472 = vector.broadcast %add3A_471 : i32 to vector<16xi32>
            %add3A_473 = arith.addi %add3A_450, %add3A_472 : vector<16xi32>
            %mul3A_474 = arith.mulf %broadcast_in_dim3A_470, %mul3A_443 : vector<16xf32>
            tpu.vector_store_idx %arg11[%add3A_473], %mul3A_474 {add = true} : memref<66816xf32, #tpu.memory_space<vmem>>[vector<16xi32>], vector<16xf32>,
            %slice3A_475 = vector.extract_strided_slice %get3A_412 {offsets = [3], sizes = [1], strides = [1]} : vector<16xf32> to vector<1xf32>
            %squeeze3A_476 = vector.extract %slice3A_475[0] : f32 from vector<1xf32>
            %broadcast_in_dim3A_477 = vector.broadcast %squeeze3A_476 : f32 to vector<16xf32>
            %add3A_478 = arith.constant 384 : i32
            %add3A_479 = vector.broadcast %add3A_478 : i32 to vector<16xi32>
            %add3A_480 = arith.addi %add3A_450, %add3A_479 : vector<16xi32>
            %mul3A_481 = arith.mulf %broadcast_in_dim3A_477, %mul3A_443 : vector<16xf32>
            tpu.vector_store_idx %arg11[%add3A_480], %mul3A_481 {add = true} : memref<66816xf32, #tpu.memory_space<vmem>>[vector<16xi32>], vector<16xf32>,
            %slice3A_482 = vector.extract_strided_slice %get3A_412 {offsets = [4], sizes = [1], strides = [1]} : vector<16xf32> to vector<1xf32>
            %squeeze3A_483 = vector.extract %slice3A_482[0] : f32 from vector<1xf32>
            %broadcast_in_dim3A_484 = vector.broadcast %squeeze3A_483 : f32 to vector<16xf32>
            %add3A_485 = arith.constant 512 : i32
            %add3A_486 = vector.broadcast %add3A_485 : i32 to vector<16xi32>
            %add3A_487 = arith.addi %add3A_450, %add3A_486 : vector<16xi32>
            %mul3A_488 = arith.mulf %broadcast_in_dim3A_484, %mul3A_443 : vector<16xf32>
            tpu.vector_store_idx %arg11[%add3A_487], %mul3A_488 {add = true} : memref<66816xf32, #tpu.memory_space<vmem>>[vector<16xi32>], vector<16xf32>,
            %slice3A_489 = vector.extract_strided_slice %get3A_412 {offsets = [5], sizes = [1], strides = [1]} : vector<16xf32> to vector<1xf32>
            %squeeze3A_490 = vector.extract %slice3A_489[0] : f32 from vector<1xf32>
            %broadcast_in_dim3A_491 = vector.broadcast %squeeze3A_490 : f32 to vector<16xf32>
            %add3A_492 = arith.constant 640 : i32
            %add3A_493 = vector.broadcast %add3A_492 : i32 to vector<16xi32>
            %add3A_494 = arith.addi %add3A_450, %add3A_493 : vector<16xi32>
            %mul3A_495 = arith.mulf %broadcast_in_dim3A_491, %mul3A_443 : vector<16xf32>
            tpu.vector_store_idx %arg11[%add3A_494], %mul3A_495 {add = true} : memref<66816xf32, #tpu.memory_space<vmem>>[vector<16xi32>], vector<16xf32>,
            %slice3A_496 = vector.extract_strided_slice %get3A_412 {offsets = [6], sizes = [1], strides = [1]} : vector<16xf32> to vector<1xf32>
            %squeeze3A_497 = vector.extract %slice3A_496[0] : f32 from vector<1xf32>
            %broadcast_in_dim3A_498 = vector.broadcast %squeeze3A_497 : f32 to vector<16xf32>
            %add3A_499 = arith.constant 768 : i32
            %add3A_500 = vector.broadcast %add3A_499 : i32 to vector<16xi32>
            %add3A_501 = arith.addi %add3A_450, %add3A_500 : vector<16xi32>
            %mul3A_502 = arith.mulf %broadcast_in_dim3A_498, %mul3A_443 : vector<16xf32>
            tpu.vector_store_idx %arg11[%add3A_501], %mul3A_502 {add = true} : memref<66816xf32, #tpu.memory_space<vmem>>[vector<16xi32>], vector<16xf32>,
            %slice3A_503 = vector.extract_strided_slice %get3A_412 {offsets = [7], sizes = [1], strides = [1]} : vector<16xf32> to vector<1xf32>
            %squeeze3A_504 = vector.extract %slice3A_503[0] : f32 from vector<1xf32>
            %broadcast_in_dim3A_505 = vector.broadcast %squeeze3A_504 : f32 to vector<16xf32>
            %add3A_506 = arith.constant 896 : i32
            %add3A_507 = vector.broadcast %add3A_506 : i32 to vector<16xi32>
            %add3A_508 = arith.addi %add3A_450, %add3A_507 : vector<16xi32>
            %mul3A_509 = arith.mulf %broadcast_in_dim3A_505, %mul3A_443 : vector<16xf32>
            tpu.vector_store_idx %arg11[%add3A_508], %mul3A_509 {add = true} : memref<66816xf32, #tpu.memory_space<vmem>>[vector<16xi32>], vector<16xf32>,
            %gt3A_510 = arith.constant 8 : i32
            %gt3A_511 = arith.cmpi sgt, %squeeze3A_398, %gt3A_510 : i32
            %convert_element_type3A_512 = arith.extui %gt3A_511 : i1 to i32
            %cond3A_513 = arith.constant 0 : i32
            %cond3A_514 = arith.cmpi ne, %convert_element_type3A_512, %cond3A_513 : i32
            scf.if %cond3A_514 {
              %slice3A_525 = vector.extract_strided_slice %get3A_412 {offsets = [8], sizes = [1], strides = [1]} : vector<16xf32> to vector<1xf32>
              %squeeze3A_526 = vector.extract %slice3A_525[0] : f32 from vector<1xf32>
              %broadcast_in_dim3A_527 = vector.broadcast %squeeze3A_526 : f32 to vector<16xf32>
              %add3A_528 = arith.constant 1024 : i32
              %add3A_529 = vector.broadcast %add3A_528 : i32 to vector<16xi32>
              %add3A_530 = arith.addi %add3A_450, %add3A_529 : vector<16xi32>
              %mul3A_531 = arith.mulf %broadcast_in_dim3A_527, %mul3A_443 : vector<16xf32>
              tpu.vector_store_idx %arg11[%add3A_530], %mul3A_531 {add = true} : memref<66816xf32, #tpu.memory_space<vmem>>[vector<16xi32>], vector<16xf32>,
              %slice3A_532 = vector.extract_strided_slice %get3A_412 {offsets = [9], sizes = [1], strides = [1]} : vector<16xf32> to vector<1xf32>
              %squeeze3A_533 = vector.extract %slice3A_532[0] : f32 from vector<1xf32>
              %broadcast_in_dim3A_534 = vector.broadcast %squeeze3A_533 : f32 to vector<16xf32>
              %add3A_535 = arith.constant 1152 : i32
              %add3A_536 = vector.broadcast %add3A_535 : i32 to vector<16xi32>
              %add3A_537 = arith.addi %add3A_450, %add3A_536 : vector<16xi32>
              %mul3A_538 = arith.mulf %broadcast_in_dim3A_534, %mul3A_443 : vector<16xf32>
              tpu.vector_store_idx %arg11[%add3A_537], %mul3A_538 {add = true} : memref<66816xf32, #tpu.memory_space<vmem>>[vector<16xi32>], vector<16xf32>,
              %slice3A_539 = vector.extract_strided_slice %get3A_412 {offsets = [10], sizes = [1], strides = [1]} : vector<16xf32> to vector<1xf32>
              %squeeze3A_540 = vector.extract %slice3A_539[0] : f32 from vector<1xf32>
              %broadcast_in_dim3A_541 = vector.broadcast %squeeze3A_540 : f32 to vector<16xf32>
              %add3A_542 = arith.constant 1280 : i32
              %add3A_543 = vector.broadcast %add3A_542 : i32 to vector<16xi32>
              %add3A_544 = arith.addi %add3A_450, %add3A_543 : vector<16xi32>
              %mul3A_545 = arith.mulf %broadcast_in_dim3A_541, %mul3A_443 : vector<16xf32>
              tpu.vector_store_idx %arg11[%add3A_544], %mul3A_545 {add = true} : memref<66816xf32, #tpu.memory_space<vmem>>[vector<16xi32>], vector<16xf32>,
              %slice3A_546 = vector.extract_strided_slice %get3A_412 {offsets = [11], sizes = [1], strides = [1]} : vector<16xf32> to vector<1xf32>
              %squeeze3A_547 = vector.extract %slice3A_546[0] : f32 from vector<1xf32>
              %broadcast_in_dim3A_548 = vector.broadcast %squeeze3A_547 : f32 to vector<16xf32>
              %add3A_549 = arith.constant 1408 : i32
              %add3A_550 = vector.broadcast %add3A_549 : i32 to vector<16xi32>
              %add3A_551 = arith.addi %add3A_450, %add3A_550 : vector<16xi32>
              %mul3A_552 = arith.mulf %broadcast_in_dim3A_548, %mul3A_443 : vector<16xf32>
              tpu.vector_store_idx %arg11[%add3A_551], %mul3A_552 {add = true} : memref<66816xf32, #tpu.memory_space<vmem>>[vector<16xi32>], vector<16xf32>,
              %slice3A_553 = vector.extract_strided_slice %get3A_412 {offsets = [12], sizes = [1], strides = [1]} : vector<16xf32> to vector<1xf32>
              %squeeze3A_554 = vector.extract %slice3A_553[0] : f32 from vector<1xf32>
              %broadcast_in_dim3A_555 = vector.broadcast %squeeze3A_554 : f32 to vector<16xf32>
              %add3A_556 = arith.constant 1536 : i32
              %add3A_557 = vector.broadcast %add3A_556 : i32 to vector<16xi32>
              %add3A_558 = arith.addi %add3A_450, %add3A_557 : vector<16xi32>
              %mul3A_559 = arith.mulf %broadcast_in_dim3A_555, %mul3A_443 : vector<16xf32>
              tpu.vector_store_idx %arg11[%add3A_558], %mul3A_559 {add = true} : memref<66816xf32, #tpu.memory_space<vmem>>[vector<16xi32>], vector<16xf32>,
              %slice3A_560 = vector.extract_strided_slice %get3A_412 {offsets = [13], sizes = [1], strides = [1]} : vector<16xf32> to vector<1xf32>
              %squeeze3A_561 = vector.extract %slice3A_560[0] : f32 from vector<1xf32>
              %broadcast_in_dim3A_562 = vector.broadcast %squeeze3A_561 : f32 to vector<16xf32>
              %add3A_563 = arith.constant 1664 : i32
              %add3A_564 = vector.broadcast %add3A_563 : i32 to vector<16xi32>
              %add3A_565 = arith.addi %add3A_450, %add3A_564 : vector<16xi32>
              %mul3A_566 = arith.mulf %broadcast_in_dim3A_562, %mul3A_443 : vector<16xf32>
              tpu.vector_store_idx %arg11[%add3A_565], %mul3A_566 {add = true} : memref<66816xf32, #tpu.memory_space<vmem>>[vector<16xi32>], vector<16xf32>,
              %slice3A_567 = vector.extract_strided_slice %get3A_412 {offsets = [14], sizes = [1], strides = [1]} : vector<16xf32> to vector<1xf32>
              %squeeze3A_568 = vector.extract %slice3A_567[0] : f32 from vector<1xf32>
              %broadcast_in_dim3A_569 = vector.broadcast %squeeze3A_568 : f32 to vector<16xf32>
              %add3A_570 = arith.constant 1792 : i32
              %add3A_571 = vector.broadcast %add3A_570 : i32 to vector<16xi32>
              %add3A_572 = arith.addi %add3A_450, %add3A_571 : vector<16xi32>
              %mul3A_573 = arith.mulf %broadcast_in_dim3A_569, %mul3A_443 : vector<16xf32>
              tpu.vector_store_idx %arg11[%add3A_572], %mul3A_573 {add = true} : memref<66816xf32, #tpu.memory_space<vmem>>[vector<16xi32>], vector<16xf32>,
              %slice3A_574 = vector.extract_strided_slice %get3A_412 {offsets = [15], sizes = [1], strides = [1]} : vector<16xf32> to vector<1xf32>
              %squeeze3A_575 = vector.extract %slice3A_574[0] : f32 from vector<1xf32>
              %broadcast_in_dim3A_576 = vector.broadcast %squeeze3A_575 : f32 to vector<16xf32>
              %add3A_577 = arith.constant 1920 : i32
              %add3A_578 = vector.broadcast %add3A_577 : i32 to vector<16xi32>
              %add3A_579 = arith.addi %add3A_450, %add3A_578 : vector<16xi32>
              %mul3A_580 = arith.mulf %broadcast_in_dim3A_576, %mul3A_443 : vector<16xf32>
              tpu.vector_store_idx %arg11[%add3A_579], %mul3A_580 {add = true} : memref<66816xf32, #tpu.memory_space<vmem>>[vector<16xi32>], vector<16xf32>,
            } else {
            }
            %gt3A_515 = arith.constant 16 : i32
            %gt3A_516 = arith.cmpi sgt, %squeeze3A_398, %gt3A_515 : i32
            %convert_element_type3A_517 = arith.extui %gt3A_516 : i1 to i32
            %cond3A_518 = arith.constant 0 : i32
            %cond3A_519 = arith.cmpi ne, %convert_element_type3A_517, %cond3A_518 : i32
            scf.if %cond3A_519 {
              %slice3A_525 = vector.extract_strided_slice %get3A_416 {offsets = [0], sizes = [1], strides = [1]} : vector<16xf32> to vector<1xf32>
              %squeeze3A_526 = vector.extract %slice3A_525[0] : f32 from vector<1xf32>
              %broadcast_in_dim3A_527 = vector.broadcast %squeeze3A_526 : f32 to vector<16xf32>
              %add3A_528 = arith.constant 2048 : i32
              %add3A_529 = vector.broadcast %add3A_528 : i32 to vector<16xi32>
              %add3A_530 = arith.addi %add3A_450, %add3A_529 : vector<16xi32>
              %mul3A_531 = arith.mulf %broadcast_in_dim3A_527, %mul3A_443 : vector<16xf32>
              tpu.vector_store_idx %arg11[%add3A_530], %mul3A_531 {add = true} : memref<66816xf32, #tpu.memory_space<vmem>>[vector<16xi32>], vector<16xf32>,
              %slice3A_532 = vector.extract_strided_slice %get3A_416 {offsets = [1], sizes = [1], strides = [1]} : vector<16xf32> to vector<1xf32>
              %squeeze3A_533 = vector.extract %slice3A_532[0] : f32 from vector<1xf32>
              %broadcast_in_dim3A_534 = vector.broadcast %squeeze3A_533 : f32 to vector<16xf32>
              %add3A_535 = arith.constant 2176 : i32
              %add3A_536 = vector.broadcast %add3A_535 : i32 to vector<16xi32>
              %add3A_537 = arith.addi %add3A_450, %add3A_536 : vector<16xi32>
              %mul3A_538 = arith.mulf %broadcast_in_dim3A_534, %mul3A_443 : vector<16xf32>
              tpu.vector_store_idx %arg11[%add3A_537], %mul3A_538 {add = true} : memref<66816xf32, #tpu.memory_space<vmem>>[vector<16xi32>], vector<16xf32>,
              %slice3A_539 = vector.extract_strided_slice %get3A_416 {offsets = [2], sizes = [1], strides = [1]} : vector<16xf32> to vector<1xf32>
              %squeeze3A_540 = vector.extract %slice3A_539[0] : f32 from vector<1xf32>
              %broadcast_in_dim3A_541 = vector.broadcast %squeeze3A_540 : f32 to vector<16xf32>
              %add3A_542 = arith.constant 2304 : i32
              %add3A_543 = vector.broadcast %add3A_542 : i32 to vector<16xi32>
              %add3A_544 = arith.addi %add3A_450, %add3A_543 : vector<16xi32>
              %mul3A_545 = arith.mulf %broadcast_in_dim3A_541, %mul3A_443 : vector<16xf32>
              tpu.vector_store_idx %arg11[%add3A_544], %mul3A_545 {add = true} : memref<66816xf32, #tpu.memory_space<vmem>>[vector<16xi32>], vector<16xf32>,
              %slice3A_546 = vector.extract_strided_slice %get3A_416 {offsets = [3], sizes = [1], strides = [1]} : vector<16xf32> to vector<1xf32>
              %squeeze3A_547 = vector.extract %slice3A_546[0] : f32 from vector<1xf32>
              %broadcast_in_dim3A_548 = vector.broadcast %squeeze3A_547 : f32 to vector<16xf32>
              %add3A_549 = arith.constant 2432 : i32
              %add3A_550 = vector.broadcast %add3A_549 : i32 to vector<16xi32>
              %add3A_551 = arith.addi %add3A_450, %add3A_550 : vector<16xi32>
              %mul3A_552 = arith.mulf %broadcast_in_dim3A_548, %mul3A_443 : vector<16xf32>
              tpu.vector_store_idx %arg11[%add3A_551], %mul3A_552 {add = true} : memref<66816xf32, #tpu.memory_space<vmem>>[vector<16xi32>], vector<16xf32>,
              %slice3A_553 = vector.extract_strided_slice %get3A_416 {offsets = [4], sizes = [1], strides = [1]} : vector<16xf32> to vector<1xf32>
              %squeeze3A_554 = vector.extract %slice3A_553[0] : f32 from vector<1xf32>
              %broadcast_in_dim3A_555 = vector.broadcast %squeeze3A_554 : f32 to vector<16xf32>
              %add3A_556 = arith.constant 2560 : i32
              %add3A_557 = vector.broadcast %add3A_556 : i32 to vector<16xi32>
              %add3A_558 = arith.addi %add3A_450, %add3A_557 : vector<16xi32>
              %mul3A_559 = arith.mulf %broadcast_in_dim3A_555, %mul3A_443 : vector<16xf32>
              tpu.vector_store_idx %arg11[%add3A_558], %mul3A_559 {add = true} : memref<66816xf32, #tpu.memory_space<vmem>>[vector<16xi32>], vector<16xf32>,
              %slice3A_560 = vector.extract_strided_slice %get3A_416 {offsets = [5], sizes = [1], strides = [1]} : vector<16xf32> to vector<1xf32>
              %squeeze3A_561 = vector.extract %slice3A_560[0] : f32 from vector<1xf32>
              %broadcast_in_dim3A_562 = vector.broadcast %squeeze3A_561 : f32 to vector<16xf32>
              %add3A_563 = arith.constant 2688 : i32
              %add3A_564 = vector.broadcast %add3A_563 : i32 to vector<16xi32>
              %add3A_565 = arith.addi %add3A_450, %add3A_564 : vector<16xi32>
              %mul3A_566 = arith.mulf %broadcast_in_dim3A_562, %mul3A_443 : vector<16xf32>
              tpu.vector_store_idx %arg11[%add3A_565], %mul3A_566 {add = true} : memref<66816xf32, #tpu.memory_space<vmem>>[vector<16xi32>], vector<16xf32>,
              %slice3A_567 = vector.extract_strided_slice %get3A_416 {offsets = [6], sizes = [1], strides = [1]} : vector<16xf32> to vector<1xf32>
              %squeeze3A_568 = vector.extract %slice3A_567[0] : f32 from vector<1xf32>
              %broadcast_in_dim3A_569 = vector.broadcast %squeeze3A_568 : f32 to vector<16xf32>
              %add3A_570 = arith.constant 2816 : i32
              %add3A_571 = vector.broadcast %add3A_570 : i32 to vector<16xi32>
              %add3A_572 = arith.addi %add3A_450, %add3A_571 : vector<16xi32>
              %mul3A_573 = arith.mulf %broadcast_in_dim3A_569, %mul3A_443 : vector<16xf32>
              tpu.vector_store_idx %arg11[%add3A_572], %mul3A_573 {add = true} : memref<66816xf32, #tpu.memory_space<vmem>>[vector<16xi32>], vector<16xf32>,
              %slice3A_574 = vector.extract_strided_slice %get3A_416 {offsets = [7], sizes = [1], strides = [1]} : vector<16xf32> to vector<1xf32>
              %squeeze3A_575 = vector.extract %slice3A_574[0] : f32 from vector<1xf32>
              %broadcast_in_dim3A_576 = vector.broadcast %squeeze3A_575 : f32 to vector<16xf32>
              %add3A_577 = arith.constant 2944 : i32
              %add3A_578 = vector.broadcast %add3A_577 : i32 to vector<16xi32>
              %add3A_579 = arith.addi %add3A_450, %add3A_578 : vector<16xi32>
              %mul3A_580 = arith.mulf %broadcast_in_dim3A_576, %mul3A_443 : vector<16xf32>
              tpu.vector_store_idx %arg11[%add3A_579], %mul3A_580 {add = true} : memref<66816xf32, #tpu.memory_space<vmem>>[vector<16xi32>], vector<16xf32>,
            } else {
            }
            %gt3A_520 = arith.constant 24 : i32
            %gt3A_521 = arith.cmpi sgt, %squeeze3A_398, %gt3A_520 : i32
            %convert_element_type3A_522 = arith.extui %gt3A_521 : i1 to i32
            %cond3A_523 = arith.constant 0 : i32
            %cond3A_524 = arith.cmpi ne, %convert_element_type3A_522, %cond3A_523 : i32
            scf.if %cond3A_524 {
              %slice3A_525 = vector.extract_strided_slice %get3A_416 {offsets = [8], sizes = [1], strides = [1]} : vector<16xf32> to vector<1xf32>
              %squeeze3A_526 = vector.extract %slice3A_525[0] : f32 from vector<1xf32>
              %broadcast_in_dim3A_527 = vector.broadcast %squeeze3A_526 : f32 to vector<16xf32>
              %add3A_528 = arith.constant 3072 : i32
              %add3A_529 = vector.broadcast %add3A_528 : i32 to vector<16xi32>
              %add3A_530 = arith.addi %add3A_450, %add3A_529 : vector<16xi32>
              %mul3A_531 = arith.mulf %broadcast_in_dim3A_527, %mul3A_443 : vector<16xf32>
              tpu.vector_store_idx %arg11[%add3A_530], %mul3A_531 {add = true} : memref<66816xf32, #tpu.memory_space<vmem>>[vector<16xi32>], vector<16xf32>,
              %slice3A_532 = vector.extract_strided_slice %get3A_416 {offsets = [9], sizes = [1], strides = [1]} : vector<16xf32> to vector<1xf32>
              %squeeze3A_533 = vector.extract %slice3A_532[0] : f32 from vector<1xf32>
              %broadcast_in_dim3A_534 = vector.broadcast %squeeze3A_533 : f32 to vector<16xf32>
              %add3A_535 = arith.constant 3200 : i32
              %add3A_536 = vector.broadcast %add3A_535 : i32 to vector<16xi32>
              %add3A_537 = arith.addi %add3A_450, %add3A_536 : vector<16xi32>
              %mul3A_538 = arith.mulf %broadcast_in_dim3A_534, %mul3A_443 : vector<16xf32>
              tpu.vector_store_idx %arg11[%add3A_537], %mul3A_538 {add = true} : memref<66816xf32, #tpu.memory_space<vmem>>[vector<16xi32>], vector<16xf32>,
              %slice3A_539 = vector.extract_strided_slice %get3A_416 {offsets = [10], sizes = [1], strides = [1]} : vector<16xf32> to vector<1xf32>
              %squeeze3A_540 = vector.extract %slice3A_539[0] : f32 from vector<1xf32>
              %broadcast_in_dim3A_541 = vector.broadcast %squeeze3A_540 : f32 to vector<16xf32>
              %add3A_542 = arith.constant 3328 : i32
              %add3A_543 = vector.broadcast %add3A_542 : i32 to vector<16xi32>
              %add3A_544 = arith.addi %add3A_450, %add3A_543 : vector<16xi32>
              %mul3A_545 = arith.mulf %broadcast_in_dim3A_541, %mul3A_443 : vector<16xf32>
              tpu.vector_store_idx %arg11[%add3A_544], %mul3A_545 {add = true} : memref<66816xf32, #tpu.memory_space<vmem>>[vector<16xi32>], vector<16xf32>,
              %slice3A_546 = vector.extract_strided_slice %get3A_416 {offsets = [11], sizes = [1], strides = [1]} : vector<16xf32> to vector<1xf32>
              %squeeze3A_547 = vector.extract %slice3A_546[0] : f32 from vector<1xf32>
              %broadcast_in_dim3A_548 = vector.broadcast %squeeze3A_547 : f32 to vector<16xf32>
              %add3A_549 = arith.constant 3456 : i32
              %add3A_550 = vector.broadcast %add3A_549 : i32 to vector<16xi32>
              %add3A_551 = arith.addi %add3A_450, %add3A_550 : vector<16xi32>
              %mul3A_552 = arith.mulf %broadcast_in_dim3A_548, %mul3A_443 : vector<16xf32>
              tpu.vector_store_idx %arg11[%add3A_551], %mul3A_552 {add = true} : memref<66816xf32, #tpu.memory_space<vmem>>[vector<16xi32>], vector<16xf32>,
              %slice3A_553 = vector.extract_strided_slice %get3A_416 {offsets = [12], sizes = [1], strides = [1]} : vector<16xf32> to vector<1xf32>
              %squeeze3A_554 = vector.extract %slice3A_553[0] : f32 from vector<1xf32>
              %broadcast_in_dim3A_555 = vector.broadcast %squeeze3A_554 : f32 to vector<16xf32>
              %add3A_556 = arith.constant 3584 : i32
              %add3A_557 = vector.broadcast %add3A_556 : i32 to vector<16xi32>
              %add3A_558 = arith.addi %add3A_450, %add3A_557 : vector<16xi32>
              %mul3A_559 = arith.mulf %broadcast_in_dim3A_555, %mul3A_443 : vector<16xf32>
              tpu.vector_store_idx %arg11[%add3A_558], %mul3A_559 {add = true} : memref<66816xf32, #tpu.memory_space<vmem>>[vector<16xi32>], vector<16xf32>,
              %slice3A_560 = vector.extract_strided_slice %get3A_416 {offsets = [13], sizes = [1], strides = [1]} : vector<16xf32> to vector<1xf32>
              %squeeze3A_561 = vector.extract %slice3A_560[0] : f32 from vector<1xf32>
              %broadcast_in_dim3A_562 = vector.broadcast %squeeze3A_561 : f32 to vector<16xf32>
              %add3A_563 = arith.constant 3712 : i32
              %add3A_564 = vector.broadcast %add3A_563 : i32 to vector<16xi32>
              %add3A_565 = arith.addi %add3A_450, %add3A_564 : vector<16xi32>
              %mul3A_566 = arith.mulf %broadcast_in_dim3A_562, %mul3A_443 : vector<16xf32>
              tpu.vector_store_idx %arg11[%add3A_565], %mul3A_566 {add = true} : memref<66816xf32, #tpu.memory_space<vmem>>[vector<16xi32>], vector<16xf32>,
              %slice3A_567 = vector.extract_strided_slice %get3A_416 {offsets = [14], sizes = [1], strides = [1]} : vector<16xf32> to vector<1xf32>
              %squeeze3A_568 = vector.extract %slice3A_567[0] : f32 from vector<1xf32>
              %broadcast_in_dim3A_569 = vector.broadcast %squeeze3A_568 : f32 to vector<16xf32>
              %add3A_570 = arith.constant 3840 : i32
              %add3A_571 = vector.broadcast %add3A_570 : i32 to vector<16xi32>
              %add3A_572 = arith.addi %add3A_450, %add3A_571 : vector<16xi32>
              %mul3A_573 = arith.mulf %broadcast_in_dim3A_569, %mul3A_443 : vector<16xf32>
              tpu.vector_store_idx %arg11[%add3A_572], %mul3A_573 {add = true} : memref<66816xf32, #tpu.memory_space<vmem>>[vector<16xi32>], vector<16xf32>,
              %slice3A_574 = vector.extract_strided_slice %get3A_416 {offsets = [15], sizes = [1], strides = [1]} : vector<16xf32> to vector<1xf32>
              %squeeze3A_575 = vector.extract %slice3A_574[0] : f32 from vector<1xf32>
              %broadcast_in_dim3A_576 = vector.broadcast %squeeze3A_575 : f32 to vector<16xf32>
              %add3A_577 = arith.constant 3968 : i32
              %add3A_578 = vector.broadcast %add3A_577 : i32 to vector<16xi32>
              %add3A_579 = arith.addi %add3A_450, %add3A_578 : vector<16xi32>
              %mul3A_580 = arith.mulf %broadcast_in_dim3A_576, %mul3A_443 : vector<16xf32>
              tpu.vector_store_idx %arg11[%add3A_579], %mul3A_580 {add = true} : memref<66816xf32, #tpu.memory_space<vmem>>[vector<16xi32>], vector<16xf32>,
            } else {
            }
          }
        } else {
        }
        %gt3A_426 = arith.constant 16 : i32
        %gt3A_427 = arith.cmpi sgt, %squeeze3A_402, %gt3A_426 : i32
        %convert_element_type3A_428 = arith.extui %gt3A_427 : i1 to i32
        %cond3A_429 = arith.constant 0 : i32
        %cond3A_430 = arith.cmpi ne, %convert_element_type3A_428, %cond3A_429 : i32
        scf.if %cond3A_430 {
          %while3A = arith.constant 0 : i32
          %while3A_431 = arith.subi %min3A, %max3A : i32
          %while3A_432 = arith.addi %max3A, %while3A_431 : i32
          %while3A_433 = arith.constant 1 : i32
          %while3A_434 = arith.divsi %while3A_431, %while3A_433 : i32
          %while3A_435 = arith.muli %while3A_434, %while3A_433 : i32
          %while3A_436 = arith.addi %max3A, %while3A_435 : i32
          %while3A_437 = arith.constant 1 : i32
          scf.for %while3A_439 = %max3A to %while3A_436 step %while3A_437  : i32 {
            %broadcast_in_dim3A_440 = vector.broadcast %mul3A_404 : i32 to vector<16xi32>
            %sub3A = arith.subi %while3A_439, %squeeze3A : i32
            %add3A_441 = vector.broadcast %sub3A : i32 to vector<16xi32>
            %add3A_442 = arith.addi %broadcast_in_dim3A_440, %add3A_441 : vector<16xi32>
            %gather3A = tpu.vector_load_idx %arg7[%add3A_442] : memref<16384xf32, #tpu.memory_space<vmem>>[vector<16xi32>], vector<16xf32>,
            %mul3A_443 = arith.mulf %gather3A, %get3A_406 : vector<16xf32>
            %mul3A_444 = arith.mulf %gather3A, %get3A_410 : vector<16xf32>
            %sub3A_445 = arith.subi %while3A_439, %mul3A_357 : i32
            %mul3A_446 = arith.constant 16384 : i32
            %mul3A_447 = arith.muli %sub3A_445, %mul3A_446 : i32
            %add3A_448 = arith.addi %mul3A_447, %add3A_421 : i32
            %add3A_449 = vector.broadcast %add3A_448 : i32 to vector<16xi32>
            %add3A_450 = arith.addi %add3A_449, %iota3A : vector<16xi32>
            %add3A_451 = arith.constant 16 : i32
            %add3A_452 = vector.broadcast %add3A_451 : i32 to vector<16xi32>
            %add3A_453 = arith.addi %add3A_450, %add3A_452 : vector<16xi32>
            %slice3A_454 = vector.extract_strided_slice %get3A_412 {offsets = [0], sizes = [1], strides = [1]} : vector<16xf32> to vector<1xf32>
            %squeeze3A_455 = vector.extract %slice3A_454[0] : f32 from vector<1xf32>
            %broadcast_in_dim3A_456 = vector.broadcast %squeeze3A_455 : f32 to vector<16xf32>
            %add3A_457 = arith.constant 0 : i32
            %add3A_458 = vector.broadcast %add3A_457 : i32 to vector<16xi32>
            %add3A_459 = arith.addi %add3A_450, %add3A_458 : vector<16xi32>
            %mul3A_460 = arith.mulf %broadcast_in_dim3A_456, %mul3A_443 : vector<16xf32>
            tpu.vector_store_idx %arg11[%add3A_459], %mul3A_460 {add = true} : memref<66816xf32, #tpu.memory_space<vmem>>[vector<16xi32>], vector<16xf32>,
            %add3A_461 = arith.constant 0 : i32
            %add3A_462 = vector.broadcast %add3A_461 : i32 to vector<16xi32>
            %add3A_463 = arith.addi %add3A_453, %add3A_462 : vector<16xi32>
            %mul3A_464 = arith.mulf %broadcast_in_dim3A_456, %mul3A_444 : vector<16xf32>
            tpu.vector_store_idx %arg11[%add3A_463], %mul3A_464 {add = true} : memref<66816xf32, #tpu.memory_space<vmem>>[vector<16xi32>], vector<16xf32>,
            %slice3A_465 = vector.extract_strided_slice %get3A_412 {offsets = [1], sizes = [1], strides = [1]} : vector<16xf32> to vector<1xf32>
            %squeeze3A_466 = vector.extract %slice3A_465[0] : f32 from vector<1xf32>
            %broadcast_in_dim3A_467 = vector.broadcast %squeeze3A_466 : f32 to vector<16xf32>
            %add3A_468 = arith.constant 128 : i32
            %add3A_469 = vector.broadcast %add3A_468 : i32 to vector<16xi32>
            %add3A_470 = arith.addi %add3A_450, %add3A_469 : vector<16xi32>
            %mul3A_471 = arith.mulf %broadcast_in_dim3A_467, %mul3A_443 : vector<16xf32>
            tpu.vector_store_idx %arg11[%add3A_470], %mul3A_471 {add = true} : memref<66816xf32, #tpu.memory_space<vmem>>[vector<16xi32>], vector<16xf32>,
            %add3A_472 = arith.constant 128 : i32
            %add3A_473 = vector.broadcast %add3A_472 : i32 to vector<16xi32>
            %add3A_474 = arith.addi %add3A_453, %add3A_473 : vector<16xi32>
            %mul3A_475 = arith.mulf %broadcast_in_dim3A_467, %mul3A_444 : vector<16xf32>
            tpu.vector_store_idx %arg11[%add3A_474], %mul3A_475 {add = true} : memref<66816xf32, #tpu.memory_space<vmem>>[vector<16xi32>], vector<16xf32>,
            %slice3A_476 = vector.extract_strided_slice %get3A_412 {offsets = [2], sizes = [1], strides = [1]} : vector<16xf32> to vector<1xf32>
            %squeeze3A_477 = vector.extract %slice3A_476[0] : f32 from vector<1xf32>
            %broadcast_in_dim3A_478 = vector.broadcast %squeeze3A_477 : f32 to vector<16xf32>
            %add3A_479 = arith.constant 256 : i32
            %add3A_480 = vector.broadcast %add3A_479 : i32 to vector<16xi32>
            %add3A_481 = arith.addi %add3A_450, %add3A_480 : vector<16xi32>
            %mul3A_482 = arith.mulf %broadcast_in_dim3A_478, %mul3A_443 : vector<16xf32>
            tpu.vector_store_idx %arg11[%add3A_481], %mul3A_482 {add = true} : memref<66816xf32, #tpu.memory_space<vmem>>[vector<16xi32>], vector<16xf32>,
            %add3A_483 = arith.constant 256 : i32
            %add3A_484 = vector.broadcast %add3A_483 : i32 to vector<16xi32>
            %add3A_485 = arith.addi %add3A_453, %add3A_484 : vector<16xi32>
            %mul3A_486 = arith.mulf %broadcast_in_dim3A_478, %mul3A_444 : vector<16xf32>
            tpu.vector_store_idx %arg11[%add3A_485], %mul3A_486 {add = true} : memref<66816xf32, #tpu.memory_space<vmem>>[vector<16xi32>], vector<16xf32>,
            %slice3A_487 = vector.extract_strided_slice %get3A_412 {offsets = [3], sizes = [1], strides = [1]} : vector<16xf32> to vector<1xf32>
            %squeeze3A_488 = vector.extract %slice3A_487[0] : f32 from vector<1xf32>
            %broadcast_in_dim3A_489 = vector.broadcast %squeeze3A_488 : f32 to vector<16xf32>
            %add3A_490 = arith.constant 384 : i32
            %add3A_491 = vector.broadcast %add3A_490 : i32 to vector<16xi32>
            %add3A_492 = arith.addi %add3A_450, %add3A_491 : vector<16xi32>
            %mul3A_493 = arith.mulf %broadcast_in_dim3A_489, %mul3A_443 : vector<16xf32>
            tpu.vector_store_idx %arg11[%add3A_492], %mul3A_493 {add = true} : memref<66816xf32, #tpu.memory_space<vmem>>[vector<16xi32>], vector<16xf32>,
            %add3A_494 = arith.constant 384 : i32
            %add3A_495 = vector.broadcast %add3A_494 : i32 to vector<16xi32>
            %add3A_496 = arith.addi %add3A_453, %add3A_495 : vector<16xi32>
            %mul3A_497 = arith.mulf %broadcast_in_dim3A_489, %mul3A_444 : vector<16xf32>
            tpu.vector_store_idx %arg11[%add3A_496], %mul3A_497 {add = true} : memref<66816xf32, #tpu.memory_space<vmem>>[vector<16xi32>], vector<16xf32>,
            %slice3A_498 = vector.extract_strided_slice %get3A_412 {offsets = [4], sizes = [1], strides = [1]} : vector<16xf32> to vector<1xf32>
            %squeeze3A_499 = vector.extract %slice3A_498[0] : f32 from vector<1xf32>
            %broadcast_in_dim3A_500 = vector.broadcast %squeeze3A_499 : f32 to vector<16xf32>
            %add3A_501 = arith.constant 512 : i32
            %add3A_502 = vector.broadcast %add3A_501 : i32 to vector<16xi32>
            %add3A_503 = arith.addi %add3A_450, %add3A_502 : vector<16xi32>
            %mul3A_504 = arith.mulf %broadcast_in_dim3A_500, %mul3A_443 : vector<16xf32>
            tpu.vector_store_idx %arg11[%add3A_503], %mul3A_504 {add = true} : memref<66816xf32, #tpu.memory_space<vmem>>[vector<16xi32>], vector<16xf32>,
            %add3A_505 = arith.constant 512 : i32
            %add3A_506 = vector.broadcast %add3A_505 : i32 to vector<16xi32>
            %add3A_507 = arith.addi %add3A_453, %add3A_506 : vector<16xi32>
            %mul3A_508 = arith.mulf %broadcast_in_dim3A_500, %mul3A_444 : vector<16xf32>
            tpu.vector_store_idx %arg11[%add3A_507], %mul3A_508 {add = true} : memref<66816xf32, #tpu.memory_space<vmem>>[vector<16xi32>], vector<16xf32>,
            %slice3A_509 = vector.extract_strided_slice %get3A_412 {offsets = [5], sizes = [1], strides = [1]} : vector<16xf32> to vector<1xf32>
            %squeeze3A_510 = vector.extract %slice3A_509[0] : f32 from vector<1xf32>
            %broadcast_in_dim3A_511 = vector.broadcast %squeeze3A_510 : f32 to vector<16xf32>
            %add3A_512 = arith.constant 640 : i32
            %add3A_513 = vector.broadcast %add3A_512 : i32 to vector<16xi32>
            %add3A_514 = arith.addi %add3A_450, %add3A_513 : vector<16xi32>
            %mul3A_515 = arith.mulf %broadcast_in_dim3A_511, %mul3A_443 : vector<16xf32>
            tpu.vector_store_idx %arg11[%add3A_514], %mul3A_515 {add = true} : memref<66816xf32, #tpu.memory_space<vmem>>[vector<16xi32>], vector<16xf32>,
            %add3A_516 = arith.constant 640 : i32
            %add3A_517 = vector.broadcast %add3A_516 : i32 to vector<16xi32>
            %add3A_518 = arith.addi %add3A_453, %add3A_517 : vector<16xi32>
            %mul3A_519 = arith.mulf %broadcast_in_dim3A_511, %mul3A_444 : vector<16xf32>
            tpu.vector_store_idx %arg11[%add3A_518], %mul3A_519 {add = true} : memref<66816xf32, #tpu.memory_space<vmem>>[vector<16xi32>], vector<16xf32>,
            %slice3A_520 = vector.extract_strided_slice %get3A_412 {offsets = [6], sizes = [1], strides = [1]} : vector<16xf32> to vector<1xf32>
            %squeeze3A_521 = vector.extract %slice3A_520[0] : f32 from vector<1xf32>
            %broadcast_in_dim3A_522 = vector.broadcast %squeeze3A_521 : f32 to vector<16xf32>
            %add3A_523 = arith.constant 768 : i32
            %add3A_524 = vector.broadcast %add3A_523 : i32 to vector<16xi32>
            %add3A_525 = arith.addi %add3A_450, %add3A_524 : vector<16xi32>
            %mul3A_526 = arith.mulf %broadcast_in_dim3A_522, %mul3A_443 : vector<16xf32>
            tpu.vector_store_idx %arg11[%add3A_525], %mul3A_526 {add = true} : memref<66816xf32, #tpu.memory_space<vmem>>[vector<16xi32>], vector<16xf32>,
            %add3A_527 = arith.constant 768 : i32
            %add3A_528 = vector.broadcast %add3A_527 : i32 to vector<16xi32>
            %add3A_529 = arith.addi %add3A_453, %add3A_528 : vector<16xi32>
            %mul3A_530 = arith.mulf %broadcast_in_dim3A_522, %mul3A_444 : vector<16xf32>
            tpu.vector_store_idx %arg11[%add3A_529], %mul3A_530 {add = true} : memref<66816xf32, #tpu.memory_space<vmem>>[vector<16xi32>], vector<16xf32>,
            %slice3A_531 = vector.extract_strided_slice %get3A_412 {offsets = [7], sizes = [1], strides = [1]} : vector<16xf32> to vector<1xf32>
            %squeeze3A_532 = vector.extract %slice3A_531[0] : f32 from vector<1xf32>
            %broadcast_in_dim3A_533 = vector.broadcast %squeeze3A_532 : f32 to vector<16xf32>
            %add3A_534 = arith.constant 896 : i32
            %add3A_535 = vector.broadcast %add3A_534 : i32 to vector<16xi32>
            %add3A_536 = arith.addi %add3A_450, %add3A_535 : vector<16xi32>
            %mul3A_537 = arith.mulf %broadcast_in_dim3A_533, %mul3A_443 : vector<16xf32>
            tpu.vector_store_idx %arg11[%add3A_536], %mul3A_537 {add = true} : memref<66816xf32, #tpu.memory_space<vmem>>[vector<16xi32>], vector<16xf32>,
            %add3A_538 = arith.constant 896 : i32
            %add3A_539 = vector.broadcast %add3A_538 : i32 to vector<16xi32>
            %add3A_540 = arith.addi %add3A_453, %add3A_539 : vector<16xi32>
            %mul3A_541 = arith.mulf %broadcast_in_dim3A_533, %mul3A_444 : vector<16xf32>
            tpu.vector_store_idx %arg11[%add3A_540], %mul3A_541 {add = true} : memref<66816xf32, #tpu.memory_space<vmem>>[vector<16xi32>], vector<16xf32>,
            %gt3A_542 = arith.constant 8 : i32
            %gt3A_543 = arith.cmpi sgt, %squeeze3A_398, %gt3A_542 : i32
            %convert_element_type3A_544 = arith.extui %gt3A_543 : i1 to i32
            %cond3A_545 = arith.constant 0 : i32
            %cond3A_546 = arith.cmpi ne, %convert_element_type3A_544, %cond3A_545 : i32
            scf.if %cond3A_546 {
              %slice3A_557 = vector.extract_strided_slice %get3A_412 {offsets = [8], sizes = [1], strides = [1]} : vector<16xf32> to vector<1xf32>
              %squeeze3A_558 = vector.extract %slice3A_557[0] : f32 from vector<1xf32>
              %broadcast_in_dim3A_559 = vector.broadcast %squeeze3A_558 : f32 to vector<16xf32>
              %add3A_560 = arith.constant 1024 : i32
              %add3A_561 = vector.broadcast %add3A_560 : i32 to vector<16xi32>
              %add3A_562 = arith.addi %add3A_450, %add3A_561 : vector<16xi32>
              %mul3A_563 = arith.mulf %broadcast_in_dim3A_559, %mul3A_443 : vector<16xf32>
              tpu.vector_store_idx %arg11[%add3A_562], %mul3A_563 {add = true} : memref<66816xf32, #tpu.memory_space<vmem>>[vector<16xi32>], vector<16xf32>,
              %add3A_564 = arith.constant 1024 : i32
              %add3A_565 = vector.broadcast %add3A_564 : i32 to vector<16xi32>
              %add3A_566 = arith.addi %add3A_453, %add3A_565 : vector<16xi32>
              %mul3A_567 = arith.mulf %broadcast_in_dim3A_559, %mul3A_444 : vector<16xf32>
              tpu.vector_store_idx %arg11[%add3A_566], %mul3A_567 {add = true} : memref<66816xf32, #tpu.memory_space<vmem>>[vector<16xi32>], vector<16xf32>,
              %slice3A_568 = vector.extract_strided_slice %get3A_412 {offsets = [9], sizes = [1], strides = [1]} : vector<16xf32> to vector<1xf32>
              %squeeze3A_569 = vector.extract %slice3A_568[0] : f32 from vector<1xf32>
              %broadcast_in_dim3A_570 = vector.broadcast %squeeze3A_569 : f32 to vector<16xf32>
              %add3A_571 = arith.constant 1152 : i32
              %add3A_572 = vector.broadcast %add3A_571 : i32 to vector<16xi32>
              %add3A_573 = arith.addi %add3A_450, %add3A_572 : vector<16xi32>
              %mul3A_574 = arith.mulf %broadcast_in_dim3A_570, %mul3A_443 : vector<16xf32>
              tpu.vector_store_idx %arg11[%add3A_573], %mul3A_574 {add = true} : memref<66816xf32, #tpu.memory_space<vmem>>[vector<16xi32>], vector<16xf32>,
              %add3A_575 = arith.constant 1152 : i32
              %add3A_576 = vector.broadcast %add3A_575 : i32 to vector<16xi32>
              %add3A_577 = arith.addi %add3A_453, %add3A_576 : vector<16xi32>
              %mul3A_578 = arith.mulf %broadcast_in_dim3A_570, %mul3A_444 : vector<16xf32>
              tpu.vector_store_idx %arg11[%add3A_577], %mul3A_578 {add = true} : memref<66816xf32, #tpu.memory_space<vmem>>[vector<16xi32>], vector<16xf32>,
              %slice3A_579 = vector.extract_strided_slice %get3A_412 {offsets = [10], sizes = [1], strides = [1]} : vector<16xf32> to vector<1xf32>
              %squeeze3A_580 = vector.extract %slice3A_579[0] : f32 from vector<1xf32>
              %broadcast_in_dim3A_581 = vector.broadcast %squeeze3A_580 : f32 to vector<16xf32>
              %add3A_582 = arith.constant 1280 : i32
              %add3A_583 = vector.broadcast %add3A_582 : i32 to vector<16xi32>
              %add3A_584 = arith.addi %add3A_450, %add3A_583 : vector<16xi32>
              %mul3A_585 = arith.mulf %broadcast_in_dim3A_581, %mul3A_443 : vector<16xf32>
              tpu.vector_store_idx %arg11[%add3A_584], %mul3A_585 {add = true} : memref<66816xf32, #tpu.memory_space<vmem>>[vector<16xi32>], vector<16xf32>,
              %add3A_586 = arith.constant 1280 : i32
              %add3A_587 = vector.broadcast %add3A_586 : i32 to vector<16xi32>
              %add3A_588 = arith.addi %add3A_453, %add3A_587 : vector<16xi32>
              %mul3A_589 = arith.mulf %broadcast_in_dim3A_581, %mul3A_444 : vector<16xf32>
              tpu.vector_store_idx %arg11[%add3A_588], %mul3A_589 {add = true} : memref<66816xf32, #tpu.memory_space<vmem>>[vector<16xi32>], vector<16xf32>,
              %slice3A_590 = vector.extract_strided_slice %get3A_412 {offsets = [11], sizes = [1], strides = [1]} : vector<16xf32> to vector<1xf32>
              %squeeze3A_591 = vector.extract %slice3A_590[0] : f32 from vector<1xf32>
              %broadcast_in_dim3A_592 = vector.broadcast %squeeze3A_591 : f32 to vector<16xf32>
              %add3A_593 = arith.constant 1408 : i32
              %add3A_594 = vector.broadcast %add3A_593 : i32 to vector<16xi32>
              %add3A_595 = arith.addi %add3A_450, %add3A_594 : vector<16xi32>
              %mul3A_596 = arith.mulf %broadcast_in_dim3A_592, %mul3A_443 : vector<16xf32>
              tpu.vector_store_idx %arg11[%add3A_595], %mul3A_596 {add = true} : memref<66816xf32, #tpu.memory_space<vmem>>[vector<16xi32>], vector<16xf32>,
              %add3A_597 = arith.constant 1408 : i32
              %add3A_598 = vector.broadcast %add3A_597 : i32 to vector<16xi32>
              %add3A_599 = arith.addi %add3A_453, %add3A_598 : vector<16xi32>
              %mul3A_600 = arith.mulf %broadcast_in_dim3A_592, %mul3A_444 : vector<16xf32>
              tpu.vector_store_idx %arg11[%add3A_599], %mul3A_600 {add = true} : memref<66816xf32, #tpu.memory_space<vmem>>[vector<16xi32>], vector<16xf32>,
              %slice3A_601 = vector.extract_strided_slice %get3A_412 {offsets = [12], sizes = [1], strides = [1]} : vector<16xf32> to vector<1xf32>
              %squeeze3A_602 = vector.extract %slice3A_601[0] : f32 from vector<1xf32>
              %broadcast_in_dim3A_603 = vector.broadcast %squeeze3A_602 : f32 to vector<16xf32>
              %add3A_604 = arith.constant 1536 : i32
              %add3A_605 = vector.broadcast %add3A_604 : i32 to vector<16xi32>
              %add3A_606 = arith.addi %add3A_450, %add3A_605 : vector<16xi32>
              %mul3A_607 = arith.mulf %broadcast_in_dim3A_603, %mul3A_443 : vector<16xf32>
              tpu.vector_store_idx %arg11[%add3A_606], %mul3A_607 {add = true} : memref<66816xf32, #tpu.memory_space<vmem>>[vector<16xi32>], vector<16xf32>,
              %add3A_608 = arith.constant 1536 : i32
              %add3A_609 = vector.broadcast %add3A_608 : i32 to vector<16xi32>
              %add3A_610 = arith.addi %add3A_453, %add3A_609 : vector<16xi32>
              %mul3A_611 = arith.mulf %broadcast_in_dim3A_603, %mul3A_444 : vector<16xf32>
              tpu.vector_store_idx %arg11[%add3A_610], %mul3A_611 {add = true} : memref<66816xf32, #tpu.memory_space<vmem>>[vector<16xi32>], vector<16xf32>,
              %slice3A_612 = vector.extract_strided_slice %get3A_412 {offsets = [13], sizes = [1], strides = [1]} : vector<16xf32> to vector<1xf32>
              %squeeze3A_613 = vector.extract %slice3A_612[0] : f32 from vector<1xf32>
              %broadcast_in_dim3A_614 = vector.broadcast %squeeze3A_613 : f32 to vector<16xf32>
              %add3A_615 = arith.constant 1664 : i32
              %add3A_616 = vector.broadcast %add3A_615 : i32 to vector<16xi32>
              %add3A_617 = arith.addi %add3A_450, %add3A_616 : vector<16xi32>
              %mul3A_618 = arith.mulf %broadcast_in_dim3A_614, %mul3A_443 : vector<16xf32>
              tpu.vector_store_idx %arg11[%add3A_617], %mul3A_618 {add = true} : memref<66816xf32, #tpu.memory_space<vmem>>[vector<16xi32>], vector<16xf32>,
              %add3A_619 = arith.constant 1664 : i32
              %add3A_620 = vector.broadcast %add3A_619 : i32 to vector<16xi32>
              %add3A_621 = arith.addi %add3A_453, %add3A_620 : vector<16xi32>
              %mul3A_622 = arith.mulf %broadcast_in_dim3A_614, %mul3A_444 : vector<16xf32>
              tpu.vector_store_idx %arg11[%add3A_621], %mul3A_622 {add = true} : memref<66816xf32, #tpu.memory_space<vmem>>[vector<16xi32>], vector<16xf32>,
              %slice3A_623 = vector.extract_strided_slice %get3A_412 {offsets = [14], sizes = [1], strides = [1]} : vector<16xf32> to vector<1xf32>
              %squeeze3A_624 = vector.extract %slice3A_623[0] : f32 from vector<1xf32>
              %broadcast_in_dim3A_625 = vector.broadcast %squeeze3A_624 : f32 to vector<16xf32>
              %add3A_626 = arith.constant 1792 : i32
              %add3A_627 = vector.broadcast %add3A_626 : i32 to vector<16xi32>
              %add3A_628 = arith.addi %add3A_450, %add3A_627 : vector<16xi32>
              %mul3A_629 = arith.mulf %broadcast_in_dim3A_625, %mul3A_443 : vector<16xf32>
              tpu.vector_store_idx %arg11[%add3A_628], %mul3A_629 {add = true} : memref<66816xf32, #tpu.memory_space<vmem>>[vector<16xi32>], vector<16xf32>,
              %add3A_630 = arith.constant 1792 : i32
              %add3A_631 = vector.broadcast %add3A_630 : i32 to vector<16xi32>
              %add3A_632 = arith.addi %add3A_453, %add3A_631 : vector<16xi32>
              %mul3A_633 = arith.mulf %broadcast_in_dim3A_625, %mul3A_444 : vector<16xf32>
              tpu.vector_store_idx %arg11[%add3A_632], %mul3A_633 {add = true} : memref<66816xf32, #tpu.memory_space<vmem>>[vector<16xi32>], vector<16xf32>,
              %slice3A_634 = vector.extract_strided_slice %get3A_412 {offsets = [15], sizes = [1], strides = [1]} : vector<16xf32> to vector<1xf32>
              %squeeze3A_635 = vector.extract %slice3A_634[0] : f32 from vector<1xf32>
              %broadcast_in_dim3A_636 = vector.broadcast %squeeze3A_635 : f32 to vector<16xf32>
              %add3A_637 = arith.constant 1920 : i32
              %add3A_638 = vector.broadcast %add3A_637 : i32 to vector<16xi32>
              %add3A_639 = arith.addi %add3A_450, %add3A_638 : vector<16xi32>
              %mul3A_640 = arith.mulf %broadcast_in_dim3A_636, %mul3A_443 : vector<16xf32>
              tpu.vector_store_idx %arg11[%add3A_639], %mul3A_640 {add = true} : memref<66816xf32, #tpu.memory_space<vmem>>[vector<16xi32>], vector<16xf32>,
              %add3A_641 = arith.constant 1920 : i32
              %add3A_642 = vector.broadcast %add3A_641 : i32 to vector<16xi32>
              %add3A_643 = arith.addi %add3A_453, %add3A_642 : vector<16xi32>
              %mul3A_644 = arith.mulf %broadcast_in_dim3A_636, %mul3A_444 : vector<16xf32>
              tpu.vector_store_idx %arg11[%add3A_643], %mul3A_644 {add = true} : memref<66816xf32, #tpu.memory_space<vmem>>[vector<16xi32>], vector<16xf32>,
            } else {
            }
            %gt3A_547 = arith.constant 16 : i32
            %gt3A_548 = arith.cmpi sgt, %squeeze3A_398, %gt3A_547 : i32
            %convert_element_type3A_549 = arith.extui %gt3A_548 : i1 to i32
            %cond3A_550 = arith.constant 0 : i32
            %cond3A_551 = arith.cmpi ne, %convert_element_type3A_549, %cond3A_550 : i32
            scf.if %cond3A_551 {
              %slice3A_557 = vector.extract_strided_slice %get3A_416 {offsets = [0], sizes = [1], strides = [1]} : vector<16xf32> to vector<1xf32>
              %squeeze3A_558 = vector.extract %slice3A_557[0] : f32 from vector<1xf32>
              %broadcast_in_dim3A_559 = vector.broadcast %squeeze3A_558 : f32 to vector<16xf32>
              %add3A_560 = arith.constant 2048 : i32
              %add3A_561 = vector.broadcast %add3A_560 : i32 to vector<16xi32>
              %add3A_562 = arith.addi %add3A_450, %add3A_561 : vector<16xi32>
              %mul3A_563 = arith.mulf %broadcast_in_dim3A_559, %mul3A_443 : vector<16xf32>
              tpu.vector_store_idx %arg11[%add3A_562], %mul3A_563 {add = true} : memref<66816xf32, #tpu.memory_space<vmem>>[vector<16xi32>], vector<16xf32>,
              %add3A_564 = arith.constant 2048 : i32
              %add3A_565 = vector.broadcast %add3A_564 : i32 to vector<16xi32>
              %add3A_566 = arith.addi %add3A_453, %add3A_565 : vector<16xi32>
              %mul3A_567 = arith.mulf %broadcast_in_dim3A_559, %mul3A_444 : vector<16xf32>
              tpu.vector_store_idx %arg11[%add3A_566], %mul3A_567 {add = true} : memref<66816xf32, #tpu.memory_space<vmem>>[vector<16xi32>], vector<16xf32>,
              %slice3A_568 = vector.extract_strided_slice %get3A_416 {offsets = [1], sizes = [1], strides = [1]} : vector<16xf32> to vector<1xf32>
              %squeeze3A_569 = vector.extract %slice3A_568[0] : f32 from vector<1xf32>
              %broadcast_in_dim3A_570 = vector.broadcast %squeeze3A_569 : f32 to vector<16xf32>
              %add3A_571 = arith.constant 2176 : i32
              %add3A_572 = vector.broadcast %add3A_571 : i32 to vector<16xi32>
              %add3A_573 = arith.addi %add3A_450, %add3A_572 : vector<16xi32>
              %mul3A_574 = arith.mulf %broadcast_in_dim3A_570, %mul3A_443 : vector<16xf32>
              tpu.vector_store_idx %arg11[%add3A_573], %mul3A_574 {add = true} : memref<66816xf32, #tpu.memory_space<vmem>>[vector<16xi32>], vector<16xf32>,
              %add3A_575 = arith.constant 2176 : i32
              %add3A_576 = vector.broadcast %add3A_575 : i32 to vector<16xi32>
              %add3A_577 = arith.addi %add3A_453, %add3A_576 : vector<16xi32>
              %mul3A_578 = arith.mulf %broadcast_in_dim3A_570, %mul3A_444 : vector<16xf32>
              tpu.vector_store_idx %arg11[%add3A_577], %mul3A_578 {add = true} : memref<66816xf32, #tpu.memory_space<vmem>>[vector<16xi32>], vector<16xf32>,
              %slice3A_579 = vector.extract_strided_slice %get3A_416 {offsets = [2], sizes = [1], strides = [1]} : vector<16xf32> to vector<1xf32>
              %squeeze3A_580 = vector.extract %slice3A_579[0] : f32 from vector<1xf32>
              %broadcast_in_dim3A_581 = vector.broadcast %squeeze3A_580 : f32 to vector<16xf32>
              %add3A_582 = arith.constant 2304 : i32
              %add3A_583 = vector.broadcast %add3A_582 : i32 to vector<16xi32>
              %add3A_584 = arith.addi %add3A_450, %add3A_583 : vector<16xi32>
              %mul3A_585 = arith.mulf %broadcast_in_dim3A_581, %mul3A_443 : vector<16xf32>
              tpu.vector_store_idx %arg11[%add3A_584], %mul3A_585 {add = true} : memref<66816xf32, #tpu.memory_space<vmem>>[vector<16xi32>], vector<16xf32>,
              %add3A_586 = arith.constant 2304 : i32
              %add3A_587 = vector.broadcast %add3A_586 : i32 to vector<16xi32>
              %add3A_588 = arith.addi %add3A_453, %add3A_587 : vector<16xi32>
              %mul3A_589 = arith.mulf %broadcast_in_dim3A_581, %mul3A_444 : vector<16xf32>
              tpu.vector_store_idx %arg11[%add3A_588], %mul3A_589 {add = true} : memref<66816xf32, #tpu.memory_space<vmem>>[vector<16xi32>], vector<16xf32>,
              %slice3A_590 = vector.extract_strided_slice %get3A_416 {offsets = [3], sizes = [1], strides = [1]} : vector<16xf32> to vector<1xf32>
              %squeeze3A_591 = vector.extract %slice3A_590[0] : f32 from vector<1xf32>
              %broadcast_in_dim3A_592 = vector.broadcast %squeeze3A_591 : f32 to vector<16xf32>
              %add3A_593 = arith.constant 2432 : i32
              %add3A_594 = vector.broadcast %add3A_593 : i32 to vector<16xi32>
              %add3A_595 = arith.addi %add3A_450, %add3A_594 : vector<16xi32>
              %mul3A_596 = arith.mulf %broadcast_in_dim3A_592, %mul3A_443 : vector<16xf32>
              tpu.vector_store_idx %arg11[%add3A_595], %mul3A_596 {add = true} : memref<66816xf32, #tpu.memory_space<vmem>>[vector<16xi32>], vector<16xf32>,
              %add3A_597 = arith.constant 2432 : i32
              %add3A_598 = vector.broadcast %add3A_597 : i32 to vector<16xi32>
              %add3A_599 = arith.addi %add3A_453, %add3A_598 : vector<16xi32>
              %mul3A_600 = arith.mulf %broadcast_in_dim3A_592, %mul3A_444 : vector<16xf32>
              tpu.vector_store_idx %arg11[%add3A_599], %mul3A_600 {add = true} : memref<66816xf32, #tpu.memory_space<vmem>>[vector<16xi32>], vector<16xf32>,
              %slice3A_601 = vector.extract_strided_slice %get3A_416 {offsets = [4], sizes = [1], strides = [1]} : vector<16xf32> to vector<1xf32>
              %squeeze3A_602 = vector.extract %slice3A_601[0] : f32 from vector<1xf32>
              %broadcast_in_dim3A_603 = vector.broadcast %squeeze3A_602 : f32 to vector<16xf32>
              %add3A_604 = arith.constant 2560 : i32
              %add3A_605 = vector.broadcast %add3A_604 : i32 to vector<16xi32>
              %add3A_606 = arith.addi %add3A_450, %add3A_605 : vector<16xi32>
              %mul3A_607 = arith.mulf %broadcast_in_dim3A_603, %mul3A_443 : vector<16xf32>
              tpu.vector_store_idx %arg11[%add3A_606], %mul3A_607 {add = true} : memref<66816xf32, #tpu.memory_space<vmem>>[vector<16xi32>], vector<16xf32>,
              %add3A_608 = arith.constant 2560 : i32
              %add3A_609 = vector.broadcast %add3A_608 : i32 to vector<16xi32>
              %add3A_610 = arith.addi %add3A_453, %add3A_609 : vector<16xi32>
              %mul3A_611 = arith.mulf %broadcast_in_dim3A_603, %mul3A_444 : vector<16xf32>
              tpu.vector_store_idx %arg11[%add3A_610], %mul3A_611 {add = true} : memref<66816xf32, #tpu.memory_space<vmem>>[vector<16xi32>], vector<16xf32>,
              %slice3A_612 = vector.extract_strided_slice %get3A_416 {offsets = [5], sizes = [1], strides = [1]} : vector<16xf32> to vector<1xf32>
              %squeeze3A_613 = vector.extract %slice3A_612[0] : f32 from vector<1xf32>
              %broadcast_in_dim3A_614 = vector.broadcast %squeeze3A_613 : f32 to vector<16xf32>
              %add3A_615 = arith.constant 2688 : i32
              %add3A_616 = vector.broadcast %add3A_615 : i32 to vector<16xi32>
              %add3A_617 = arith.addi %add3A_450, %add3A_616 : vector<16xi32>
              %mul3A_618 = arith.mulf %broadcast_in_dim3A_614, %mul3A_443 : vector<16xf32>
              tpu.vector_store_idx %arg11[%add3A_617], %mul3A_618 {add = true} : memref<66816xf32, #tpu.memory_space<vmem>>[vector<16xi32>], vector<16xf32>,
              %add3A_619 = arith.constant 2688 : i32
              %add3A_620 = vector.broadcast %add3A_619 : i32 to vector<16xi32>
              %add3A_621 = arith.addi %add3A_453, %add3A_620 : vector<16xi32>
              %mul3A_622 = arith.mulf %broadcast_in_dim3A_614, %mul3A_444 : vector<16xf32>
              tpu.vector_store_idx %arg11[%add3A_621], %mul3A_622 {add = true} : memref<66816xf32, #tpu.memory_space<vmem>>[vector<16xi32>], vector<16xf32>,
              %slice3A_623 = vector.extract_strided_slice %get3A_416 {offsets = [6], sizes = [1], strides = [1]} : vector<16xf32> to vector<1xf32>
              %squeeze3A_624 = vector.extract %slice3A_623[0] : f32 from vector<1xf32>
              %broadcast_in_dim3A_625 = vector.broadcast %squeeze3A_624 : f32 to vector<16xf32>
              %add3A_626 = arith.constant 2816 : i32
              %add3A_627 = vector.broadcast %add3A_626 : i32 to vector<16xi32>
              %add3A_628 = arith.addi %add3A_450, %add3A_627 : vector<16xi32>
              %mul3A_629 = arith.mulf %broadcast_in_dim3A_625, %mul3A_443 : vector<16xf32>
              tpu.vector_store_idx %arg11[%add3A_628], %mul3A_629 {add = true} : memref<66816xf32, #tpu.memory_space<vmem>>[vector<16xi32>], vector<16xf32>,
              %add3A_630 = arith.constant 2816 : i32
              %add3A_631 = vector.broadcast %add3A_630 : i32 to vector<16xi32>
              %add3A_632 = arith.addi %add3A_453, %add3A_631 : vector<16xi32>
              %mul3A_633 = arith.mulf %broadcast_in_dim3A_625, %mul3A_444 : vector<16xf32>
              tpu.vector_store_idx %arg11[%add3A_632], %mul3A_633 {add = true} : memref<66816xf32, #tpu.memory_space<vmem>>[vector<16xi32>], vector<16xf32>,
              %slice3A_634 = vector.extract_strided_slice %get3A_416 {offsets = [7], sizes = [1], strides = [1]} : vector<16xf32> to vector<1xf32>
              %squeeze3A_635 = vector.extract %slice3A_634[0] : f32 from vector<1xf32>
              %broadcast_in_dim3A_636 = vector.broadcast %squeeze3A_635 : f32 to vector<16xf32>
              %add3A_637 = arith.constant 2944 : i32
              %add3A_638 = vector.broadcast %add3A_637 : i32 to vector<16xi32>
              %add3A_639 = arith.addi %add3A_450, %add3A_638 : vector<16xi32>
              %mul3A_640 = arith.mulf %broadcast_in_dim3A_636, %mul3A_443 : vector<16xf32>
              tpu.vector_store_idx %arg11[%add3A_639], %mul3A_640 {add = true} : memref<66816xf32, #tpu.memory_space<vmem>>[vector<16xi32>], vector<16xf32>,
              %add3A_641 = arith.constant 2944 : i32
              %add3A_642 = vector.broadcast %add3A_641 : i32 to vector<16xi32>
              %add3A_643 = arith.addi %add3A_453, %add3A_642 : vector<16xi32>
              %mul3A_644 = arith.mulf %broadcast_in_dim3A_636, %mul3A_444 : vector<16xf32>
              tpu.vector_store_idx %arg11[%add3A_643], %mul3A_644 {add = true} : memref<66816xf32, #tpu.memory_space<vmem>>[vector<16xi32>], vector<16xf32>,
            } else {
            }
            %gt3A_552 = arith.constant 24 : i32
            %gt3A_553 = arith.cmpi sgt, %squeeze3A_398, %gt3A_552 : i32
            %convert_element_type3A_554 = arith.extui %gt3A_553 : i1 to i32
            %cond3A_555 = arith.constant 0 : i32
            %cond3A_556 = arith.cmpi ne, %convert_element_type3A_554, %cond3A_555 : i32
            scf.if %cond3A_556 {
              %slice3A_557 = vector.extract_strided_slice %get3A_416 {offsets = [8], sizes = [1], strides = [1]} : vector<16xf32> to vector<1xf32>
              %squeeze3A_558 = vector.extract %slice3A_557[0] : f32 from vector<1xf32>
              %broadcast_in_dim3A_559 = vector.broadcast %squeeze3A_558 : f32 to vector<16xf32>
              %add3A_560 = arith.constant 3072 : i32
              %add3A_561 = vector.broadcast %add3A_560 : i32 to vector<16xi32>
              %add3A_562 = arith.addi %add3A_450, %add3A_561 : vector<16xi32>
              %mul3A_563 = arith.mulf %broadcast_in_dim3A_559, %mul3A_443 : vector<16xf32>
              tpu.vector_store_idx %arg11[%add3A_562], %mul3A_563 {add = true} : memref<66816xf32, #tpu.memory_space<vmem>>[vector<16xi32>], vector<16xf32>,
              %add3A_564 = arith.constant 3072 : i32
              %add3A_565 = vector.broadcast %add3A_564 : i32 to vector<16xi32>
              %add3A_566 = arith.addi %add3A_453, %add3A_565 : vector<16xi32>
              %mul3A_567 = arith.mulf %broadcast_in_dim3A_559, %mul3A_444 : vector<16xf32>
              tpu.vector_store_idx %arg11[%add3A_566], %mul3A_567 {add = true} : memref<66816xf32, #tpu.memory_space<vmem>>[vector<16xi32>], vector<16xf32>,
              %slice3A_568 = vector.extract_strided_slice %get3A_416 {offsets = [9], sizes = [1], strides = [1]} : vector<16xf32> to vector<1xf32>
              %squeeze3A_569 = vector.extract %slice3A_568[0] : f32 from vector<1xf32>
              %broadcast_in_dim3A_570 = vector.broadcast %squeeze3A_569 : f32 to vector<16xf32>
              %add3A_571 = arith.constant 3200 : i32
              %add3A_572 = vector.broadcast %add3A_571 : i32 to vector<16xi32>
              %add3A_573 = arith.addi %add3A_450, %add3A_572 : vector<16xi32>
              %mul3A_574 = arith.mulf %broadcast_in_dim3A_570, %mul3A_443 : vector<16xf32>
              tpu.vector_store_idx %arg11[%add3A_573], %mul3A_574 {add = true} : memref<66816xf32, #tpu.memory_space<vmem>>[vector<16xi32>], vector<16xf32>,
              %add3A_575 = arith.constant 3200 : i32
              %add3A_576 = vector.broadcast %add3A_575 : i32 to vector<16xi32>
              %add3A_577 = arith.addi %add3A_453, %add3A_576 : vector<16xi32>
              %mul3A_578 = arith.mulf %broadcast_in_dim3A_570, %mul3A_444 : vector<16xf32>
              tpu.vector_store_idx %arg11[%add3A_577], %mul3A_578 {add = true} : memref<66816xf32, #tpu.memory_space<vmem>>[vector<16xi32>], vector<16xf32>,
              %slice3A_579 = vector.extract_strided_slice %get3A_416 {offsets = [10], sizes = [1], strides = [1]} : vector<16xf32> to vector<1xf32>
              %squeeze3A_580 = vector.extract %slice3A_579[0] : f32 from vector<1xf32>
              %broadcast_in_dim3A_581 = vector.broadcast %squeeze3A_580 : f32 to vector<16xf32>
              %add3A_582 = arith.constant 3328 : i32
              %add3A_583 = vector.broadcast %add3A_582 : i32 to vector<16xi32>
              %add3A_584 = arith.addi %add3A_450, %add3A_583 : vector<16xi32>
              %mul3A_585 = arith.mulf %broadcast_in_dim3A_581, %mul3A_443 : vector<16xf32>
              tpu.vector_store_idx %arg11[%add3A_584], %mul3A_585 {add = true} : memref<66816xf32, #tpu.memory_space<vmem>>[vector<16xi32>], vector<16xf32>,
              %add3A_586 = arith.constant 3328 : i32
              %add3A_587 = vector.broadcast %add3A_586 : i32 to vector<16xi32>
              %add3A_588 = arith.addi %add3A_453, %add3A_587 : vector<16xi32>
              %mul3A_589 = arith.mulf %broadcast_in_dim3A_581, %mul3A_444 : vector<16xf32>
              tpu.vector_store_idx %arg11[%add3A_588], %mul3A_589 {add = true} : memref<66816xf32, #tpu.memory_space<vmem>>[vector<16xi32>], vector<16xf32>,
              %slice3A_590 = vector.extract_strided_slice %get3A_416 {offsets = [11], sizes = [1], strides = [1]} : vector<16xf32> to vector<1xf32>
              %squeeze3A_591 = vector.extract %slice3A_590[0] : f32 from vector<1xf32>
              %broadcast_in_dim3A_592 = vector.broadcast %squeeze3A_591 : f32 to vector<16xf32>
              %add3A_593 = arith.constant 3456 : i32
              %add3A_594 = vector.broadcast %add3A_593 : i32 to vector<16xi32>
              %add3A_595 = arith.addi %add3A_450, %add3A_594 : vector<16xi32>
              %mul3A_596 = arith.mulf %broadcast_in_dim3A_592, %mul3A_443 : vector<16xf32>
              tpu.vector_store_idx %arg11[%add3A_595], %mul3A_596 {add = true} : memref<66816xf32, #tpu.memory_space<vmem>>[vector<16xi32>], vector<16xf32>,
              %add3A_597 = arith.constant 3456 : i32
              %add3A_598 = vector.broadcast %add3A_597 : i32 to vector<16xi32>
              %add3A_599 = arith.addi %add3A_453, %add3A_598 : vector<16xi32>
              %mul3A_600 = arith.mulf %broadcast_in_dim3A_592, %mul3A_444 : vector<16xf32>
              tpu.vector_store_idx %arg11[%add3A_599], %mul3A_600 {add = true} : memref<66816xf32, #tpu.memory_space<vmem>>[vector<16xi32>], vector<16xf32>,
              %slice3A_601 = vector.extract_strided_slice %get3A_416 {offsets = [12], sizes = [1], strides = [1]} : vector<16xf32> to vector<1xf32>
              %squeeze3A_602 = vector.extract %slice3A_601[0] : f32 from vector<1xf32>
              %broadcast_in_dim3A_603 = vector.broadcast %squeeze3A_602 : f32 to vector<16xf32>
              %add3A_604 = arith.constant 3584 : i32
              %add3A_605 = vector.broadcast %add3A_604 : i32 to vector<16xi32>
              %add3A_606 = arith.addi %add3A_450, %add3A_605 : vector<16xi32>
              %mul3A_607 = arith.mulf %broadcast_in_dim3A_603, %mul3A_443 : vector<16xf32>
              tpu.vector_store_idx %arg11[%add3A_606], %mul3A_607 {add = true} : memref<66816xf32, #tpu.memory_space<vmem>>[vector<16xi32>], vector<16xf32>,
              %add3A_608 = arith.constant 3584 : i32
              %add3A_609 = vector.broadcast %add3A_608 : i32 to vector<16xi32>
              %add3A_610 = arith.addi %add3A_453, %add3A_609 : vector<16xi32>
              %mul3A_611 = arith.mulf %broadcast_in_dim3A_603, %mul3A_444 : vector<16xf32>
              tpu.vector_store_idx %arg11[%add3A_610], %mul3A_611 {add = true} : memref<66816xf32, #tpu.memory_space<vmem>>[vector<16xi32>], vector<16xf32>,
              %slice3A_612 = vector.extract_strided_slice %get3A_416 {offsets = [13], sizes = [1], strides = [1]} : vector<16xf32> to vector<1xf32>
              %squeeze3A_613 = vector.extract %slice3A_612[0] : f32 from vector<1xf32>
              %broadcast_in_dim3A_614 = vector.broadcast %squeeze3A_613 : f32 to vector<16xf32>
              %add3A_615 = arith.constant 3712 : i32
              %add3A_616 = vector.broadcast %add3A_615 : i32 to vector<16xi32>
              %add3A_617 = arith.addi %add3A_450, %add3A_616 : vector<16xi32>
              %mul3A_618 = arith.mulf %broadcast_in_dim3A_614, %mul3A_443 : vector<16xf32>
              tpu.vector_store_idx %arg11[%add3A_617], %mul3A_618 {add = true} : memref<66816xf32, #tpu.memory_space<vmem>>[vector<16xi32>], vector<16xf32>,
              %add3A_619 = arith.constant 3712 : i32
              %add3A_620 = vector.broadcast %add3A_619 : i32 to vector<16xi32>
              %add3A_621 = arith.addi %add3A_453, %add3A_620 : vector<16xi32>
              %mul3A_622 = arith.mulf %broadcast_in_dim3A_614, %mul3A_444 : vector<16xf32>
              tpu.vector_store_idx %arg11[%add3A_621], %mul3A_622 {add = true} : memref<66816xf32, #tpu.memory_space<vmem>>[vector<16xi32>], vector<16xf32>,
              %slice3A_623 = vector.extract_strided_slice %get3A_416 {offsets = [14], sizes = [1], strides = [1]} : vector<16xf32> to vector<1xf32>
              %squeeze3A_624 = vector.extract %slice3A_623[0] : f32 from vector<1xf32>
              %broadcast_in_dim3A_625 = vector.broadcast %squeeze3A_624 : f32 to vector<16xf32>
              %add3A_626 = arith.constant 3840 : i32
              %add3A_627 = vector.broadcast %add3A_626 : i32 to vector<16xi32>
              %add3A_628 = arith.addi %add3A_450, %add3A_627 : vector<16xi32>
              %mul3A_629 = arith.mulf %broadcast_in_dim3A_625, %mul3A_443 : vector<16xf32>
              tpu.vector_store_idx %arg11[%add3A_628], %mul3A_629 {add = true} : memref<66816xf32, #tpu.memory_space<vmem>>[vector<16xi32>], vector<16xf32>,
              %add3A_630 = arith.constant 3840 : i32
              %add3A_631 = vector.broadcast %add3A_630 : i32 to vector<16xi32>
              %add3A_632 = arith.addi %add3A_453, %add3A_631 : vector<16xi32>
              %mul3A_633 = arith.mulf %broadcast_in_dim3A_625, %mul3A_444 : vector<16xf32>
              tpu.vector_store_idx %arg11[%add3A_632], %mul3A_633 {add = true} : memref<66816xf32, #tpu.memory_space<vmem>>[vector<16xi32>], vector<16xf32>,
              %slice3A_634 = vector.extract_strided_slice %get3A_416 {offsets = [15], sizes = [1], strides = [1]} : vector<16xf32> to vector<1xf32>
              %squeeze3A_635 = vector.extract %slice3A_634[0] : f32 from vector<1xf32>
              %broadcast_in_dim3A_636 = vector.broadcast %squeeze3A_635 : f32 to vector<16xf32>
              %add3A_637 = arith.constant 3968 : i32
              %add3A_638 = vector.broadcast %add3A_637 : i32 to vector<16xi32>
              %add3A_639 = arith.addi %add3A_450, %add3A_638 : vector<16xi32>
              %mul3A_640 = arith.mulf %broadcast_in_dim3A_636, %mul3A_443 : vector<16xf32>
              tpu.vector_store_idx %arg11[%add3A_639], %mul3A_640 {add = true} : memref<66816xf32, #tpu.memory_space<vmem>>[vector<16xi32>], vector<16xf32>,
              %add3A_641 = arith.constant 3968 : i32
              %add3A_642 = vector.broadcast %add3A_641 : i32 to vector<16xi32>
              %add3A_643 = arith.addi %add3A_453, %add3A_642 : vector<16xi32>
              %mul3A_644 = arith.mulf %broadcast_in_dim3A_636, %mul3A_444 : vector<16xf32>
              tpu.vector_store_idx %arg11[%add3A_643], %mul3A_644 {add = true} : memref<66816xf32, #tpu.memory_space<vmem>>[vector<16xi32>], vector<16xf32>,
            } else {
            }
          }
          %while3A_438 = arith.constant 1 : i32
          scf.for %while3A_439 = %while3A_436 to %while3A_432 step %while3A_438  : i32 {
            %broadcast_in_dim3A_440 = vector.broadcast %mul3A_404 : i32 to vector<16xi32>
            %sub3A = arith.subi %while3A_439, %squeeze3A : i32
            %add3A_441 = vector.broadcast %sub3A : i32 to vector<16xi32>
            %add3A_442 = arith.addi %broadcast_in_dim3A_440, %add3A_441 : vector<16xi32>
            %gather3A = tpu.vector_load_idx %arg7[%add3A_442] : memref<16384xf32, #tpu.memory_space<vmem>>[vector<16xi32>], vector<16xf32>,
            %mul3A_443 = arith.mulf %gather3A, %get3A_406 : vector<16xf32>
            %mul3A_444 = arith.mulf %gather3A, %get3A_410 : vector<16xf32>
            %sub3A_445 = arith.subi %while3A_439, %mul3A_357 : i32
            %mul3A_446 = arith.constant 16384 : i32
            %mul3A_447 = arith.muli %sub3A_445, %mul3A_446 : i32
            %add3A_448 = arith.addi %mul3A_447, %add3A_421 : i32
            %add3A_449 = vector.broadcast %add3A_448 : i32 to vector<16xi32>
            %add3A_450 = arith.addi %add3A_449, %iota3A : vector<16xi32>
            %add3A_451 = arith.constant 16 : i32
            %add3A_452 = vector.broadcast %add3A_451 : i32 to vector<16xi32>
            %add3A_453 = arith.addi %add3A_450, %add3A_452 : vector<16xi32>
            %slice3A_454 = vector.extract_strided_slice %get3A_412 {offsets = [0], sizes = [1], strides = [1]} : vector<16xf32> to vector<1xf32>
            %squeeze3A_455 = vector.extract %slice3A_454[0] : f32 from vector<1xf32>
            %broadcast_in_dim3A_456 = vector.broadcast %squeeze3A_455 : f32 to vector<16xf32>
            %add3A_457 = arith.constant 0 : i32
            %add3A_458 = vector.broadcast %add3A_457 : i32 to vector<16xi32>
            %add3A_459 = arith.addi %add3A_450, %add3A_458 : vector<16xi32>
            %mul3A_460 = arith.mulf %broadcast_in_dim3A_456, %mul3A_443 : vector<16xf32>
            tpu.vector_store_idx %arg11[%add3A_459], %mul3A_460 {add = true} : memref<66816xf32, #tpu.memory_space<vmem>>[vector<16xi32>], vector<16xf32>,
            %add3A_461 = arith.constant 0 : i32
            %add3A_462 = vector.broadcast %add3A_461 : i32 to vector<16xi32>
            %add3A_463 = arith.addi %add3A_453, %add3A_462 : vector<16xi32>
            %mul3A_464 = arith.mulf %broadcast_in_dim3A_456, %mul3A_444 : vector<16xf32>
            tpu.vector_store_idx %arg11[%add3A_463], %mul3A_464 {add = true} : memref<66816xf32, #tpu.memory_space<vmem>>[vector<16xi32>], vector<16xf32>,
            %slice3A_465 = vector.extract_strided_slice %get3A_412 {offsets = [1], sizes = [1], strides = [1]} : vector<16xf32> to vector<1xf32>
            %squeeze3A_466 = vector.extract %slice3A_465[0] : f32 from vector<1xf32>
            %broadcast_in_dim3A_467 = vector.broadcast %squeeze3A_466 : f32 to vector<16xf32>
            %add3A_468 = arith.constant 128 : i32
            %add3A_469 = vector.broadcast %add3A_468 : i32 to vector<16xi32>
            %add3A_470 = arith.addi %add3A_450, %add3A_469 : vector<16xi32>
            %mul3A_471 = arith.mulf %broadcast_in_dim3A_467, %mul3A_443 : vector<16xf32>
            tpu.vector_store_idx %arg11[%add3A_470], %mul3A_471 {add = true} : memref<66816xf32, #tpu.memory_space<vmem>>[vector<16xi32>], vector<16xf32>,
            %add3A_472 = arith.constant 128 : i32
            %add3A_473 = vector.broadcast %add3A_472 : i32 to vector<16xi32>
            %add3A_474 = arith.addi %add3A_453, %add3A_473 : vector<16xi32>
            %mul3A_475 = arith.mulf %broadcast_in_dim3A_467, %mul3A_444 : vector<16xf32>
            tpu.vector_store_idx %arg11[%add3A_474], %mul3A_475 {add = true} : memref<66816xf32, #tpu.memory_space<vmem>>[vector<16xi32>], vector<16xf32>,
            %slice3A_476 = vector.extract_strided_slice %get3A_412 {offsets = [2], sizes = [1], strides = [1]} : vector<16xf32> to vector<1xf32>
            %squeeze3A_477 = vector.extract %slice3A_476[0] : f32 from vector<1xf32>
            %broadcast_in_dim3A_478 = vector.broadcast %squeeze3A_477 : f32 to vector<16xf32>
            %add3A_479 = arith.constant 256 : i32
            %add3A_480 = vector.broadcast %add3A_479 : i32 to vector<16xi32>
            %add3A_481 = arith.addi %add3A_450, %add3A_480 : vector<16xi32>
            %mul3A_482 = arith.mulf %broadcast_in_dim3A_478, %mul3A_443 : vector<16xf32>
            tpu.vector_store_idx %arg11[%add3A_481], %mul3A_482 {add = true} : memref<66816xf32, #tpu.memory_space<vmem>>[vector<16xi32>], vector<16xf32>,
            %add3A_483 = arith.constant 256 : i32
            %add3A_484 = vector.broadcast %add3A_483 : i32 to vector<16xi32>
            %add3A_485 = arith.addi %add3A_453, %add3A_484 : vector<16xi32>
            %mul3A_486 = arith.mulf %broadcast_in_dim3A_478, %mul3A_444 : vector<16xf32>
            tpu.vector_store_idx %arg11[%add3A_485], %mul3A_486 {add = true} : memref<66816xf32, #tpu.memory_space<vmem>>[vector<16xi32>], vector<16xf32>,
            %slice3A_487 = vector.extract_strided_slice %get3A_412 {offsets = [3], sizes = [1], strides = [1]} : vector<16xf32> to vector<1xf32>
            %squeeze3A_488 = vector.extract %slice3A_487[0] : f32 from vector<1xf32>
            %broadcast_in_dim3A_489 = vector.broadcast %squeeze3A_488 : f32 to vector<16xf32>
            %add3A_490 = arith.constant 384 : i32
            %add3A_491 = vector.broadcast %add3A_490 : i32 to vector<16xi32>
            %add3A_492 = arith.addi %add3A_450, %add3A_491 : vector<16xi32>
            %mul3A_493 = arith.mulf %broadcast_in_dim3A_489, %mul3A_443 : vector<16xf32>
            tpu.vector_store_idx %arg11[%add3A_492], %mul3A_493 {add = true} : memref<66816xf32, #tpu.memory_space<vmem>>[vector<16xi32>], vector<16xf32>,
            %add3A_494 = arith.constant 384 : i32
            %add3A_495 = vector.broadcast %add3A_494 : i32 to vector<16xi32>
            %add3A_496 = arith.addi %add3A_453, %add3A_495 : vector<16xi32>
            %mul3A_497 = arith.mulf %broadcast_in_dim3A_489, %mul3A_444 : vector<16xf32>
            tpu.vector_store_idx %arg11[%add3A_496], %mul3A_497 {add = true} : memref<66816xf32, #tpu.memory_space<vmem>>[vector<16xi32>], vector<16xf32>,
            %slice3A_498 = vector.extract_strided_slice %get3A_412 {offsets = [4], sizes = [1], strides = [1]} : vector<16xf32> to vector<1xf32>
            %squeeze3A_499 = vector.extract %slice3A_498[0] : f32 from vector<1xf32>
            %broadcast_in_dim3A_500 = vector.broadcast %squeeze3A_499 : f32 to vector<16xf32>
            %add3A_501 = arith.constant 512 : i32
            %add3A_502 = vector.broadcast %add3A_501 : i32 to vector<16xi32>
            %add3A_503 = arith.addi %add3A_450, %add3A_502 : vector<16xi32>
            %mul3A_504 = arith.mulf %broadcast_in_dim3A_500, %mul3A_443 : vector<16xf32>
            tpu.vector_store_idx %arg11[%add3A_503], %mul3A_504 {add = true} : memref<66816xf32, #tpu.memory_space<vmem>>[vector<16xi32>], vector<16xf32>,
            %add3A_505 = arith.constant 512 : i32
            %add3A_506 = vector.broadcast %add3A_505 : i32 to vector<16xi32>
            %add3A_507 = arith.addi %add3A_453, %add3A_506 : vector<16xi32>
            %mul3A_508 = arith.mulf %broadcast_in_dim3A_500, %mul3A_444 : vector<16xf32>
            tpu.vector_store_idx %arg11[%add3A_507], %mul3A_508 {add = true} : memref<66816xf32, #tpu.memory_space<vmem>>[vector<16xi32>], vector<16xf32>,
            %slice3A_509 = vector.extract_strided_slice %get3A_412 {offsets = [5], sizes = [1], strides = [1]} : vector<16xf32> to vector<1xf32>
            %squeeze3A_510 = vector.extract %slice3A_509[0] : f32 from vector<1xf32>
            %broadcast_in_dim3A_511 = vector.broadcast %squeeze3A_510 : f32 to vector<16xf32>
            %add3A_512 = arith.constant 640 : i32
            %add3A_513 = vector.broadcast %add3A_512 : i32 to vector<16xi32>
            %add3A_514 = arith.addi %add3A_450, %add3A_513 : vector<16xi32>
            %mul3A_515 = arith.mulf %broadcast_in_dim3A_511, %mul3A_443 : vector<16xf32>
            tpu.vector_store_idx %arg11[%add3A_514], %mul3A_515 {add = true} : memref<66816xf32, #tpu.memory_space<vmem>>[vector<16xi32>], vector<16xf32>,
            %add3A_516 = arith.constant 640 : i32
            %add3A_517 = vector.broadcast %add3A_516 : i32 to vector<16xi32>
            %add3A_518 = arith.addi %add3A_453, %add3A_517 : vector<16xi32>
            %mul3A_519 = arith.mulf %broadcast_in_dim3A_511, %mul3A_444 : vector<16xf32>
            tpu.vector_store_idx %arg11[%add3A_518], %mul3A_519 {add = true} : memref<66816xf32, #tpu.memory_space<vmem>>[vector<16xi32>], vector<16xf32>,
            %slice3A_520 = vector.extract_strided_slice %get3A_412 {offsets = [6], sizes = [1], strides = [1]} : vector<16xf32> to vector<1xf32>
            %squeeze3A_521 = vector.extract %slice3A_520[0] : f32 from vector<1xf32>
            %broadcast_in_dim3A_522 = vector.broadcast %squeeze3A_521 : f32 to vector<16xf32>
            %add3A_523 = arith.constant 768 : i32
            %add3A_524 = vector.broadcast %add3A_523 : i32 to vector<16xi32>
            %add3A_525 = arith.addi %add3A_450, %add3A_524 : vector<16xi32>
            %mul3A_526 = arith.mulf %broadcast_in_dim3A_522, %mul3A_443 : vector<16xf32>
            tpu.vector_store_idx %arg11[%add3A_525], %mul3A_526 {add = true} : memref<66816xf32, #tpu.memory_space<vmem>>[vector<16xi32>], vector<16xf32>,
            %add3A_527 = arith.constant 768 : i32
            %add3A_528 = vector.broadcast %add3A_527 : i32 to vector<16xi32>
            %add3A_529 = arith.addi %add3A_453, %add3A_528 : vector<16xi32>
            %mul3A_530 = arith.mulf %broadcast_in_dim3A_522, %mul3A_444 : vector<16xf32>
            tpu.vector_store_idx %arg11[%add3A_529], %mul3A_530 {add = true} : memref<66816xf32, #tpu.memory_space<vmem>>[vector<16xi32>], vector<16xf32>,
            %slice3A_531 = vector.extract_strided_slice %get3A_412 {offsets = [7], sizes = [1], strides = [1]} : vector<16xf32> to vector<1xf32>
            %squeeze3A_532 = vector.extract %slice3A_531[0] : f32 from vector<1xf32>
            %broadcast_in_dim3A_533 = vector.broadcast %squeeze3A_532 : f32 to vector<16xf32>
            %add3A_534 = arith.constant 896 : i32
            %add3A_535 = vector.broadcast %add3A_534 : i32 to vector<16xi32>
            %add3A_536 = arith.addi %add3A_450, %add3A_535 : vector<16xi32>
            %mul3A_537 = arith.mulf %broadcast_in_dim3A_533, %mul3A_443 : vector<16xf32>
            tpu.vector_store_idx %arg11[%add3A_536], %mul3A_537 {add = true} : memref<66816xf32, #tpu.memory_space<vmem>>[vector<16xi32>], vector<16xf32>,
            %add3A_538 = arith.constant 896 : i32
            %add3A_539 = vector.broadcast %add3A_538 : i32 to vector<16xi32>
            %add3A_540 = arith.addi %add3A_453, %add3A_539 : vector<16xi32>
            %mul3A_541 = arith.mulf %broadcast_in_dim3A_533, %mul3A_444 : vector<16xf32>
            tpu.vector_store_idx %arg11[%add3A_540], %mul3A_541 {add = true} : memref<66816xf32, #tpu.memory_space<vmem>>[vector<16xi32>], vector<16xf32>,
            %gt3A_542 = arith.constant 8 : i32
            %gt3A_543 = arith.cmpi sgt, %squeeze3A_398, %gt3A_542 : i32
            %convert_element_type3A_544 = arith.extui %gt3A_543 : i1 to i32
            %cond3A_545 = arith.constant 0 : i32
            %cond3A_546 = arith.cmpi ne, %convert_element_type3A_544, %cond3A_545 : i32
            scf.if %cond3A_546 {
              %slice3A_557 = vector.extract_strided_slice %get3A_412 {offsets = [8], sizes = [1], strides = [1]} : vector<16xf32> to vector<1xf32>
              %squeeze3A_558 = vector.extract %slice3A_557[0] : f32 from vector<1xf32>
              %broadcast_in_dim3A_559 = vector.broadcast %squeeze3A_558 : f32 to vector<16xf32>
              %add3A_560 = arith.constant 1024 : i32
              %add3A_561 = vector.broadcast %add3A_560 : i32 to vector<16xi32>
              %add3A_562 = arith.addi %add3A_450, %add3A_561 : vector<16xi32>
              %mul3A_563 = arith.mulf %broadcast_in_dim3A_559, %mul3A_443 : vector<16xf32>
              tpu.vector_store_idx %arg11[%add3A_562], %mul3A_563 {add = true} : memref<66816xf32, #tpu.memory_space<vmem>>[vector<16xi32>], vector<16xf32>,
              %add3A_564 = arith.constant 1024 : i32
              %add3A_565 = vector.broadcast %add3A_564 : i32 to vector<16xi32>
              %add3A_566 = arith.addi %add3A_453, %add3A_565 : vector<16xi32>
              %mul3A_567 = arith.mulf %broadcast_in_dim3A_559, %mul3A_444 : vector<16xf32>
              tpu.vector_store_idx %arg11[%add3A_566], %mul3A_567 {add = true} : memref<66816xf32, #tpu.memory_space<vmem>>[vector<16xi32>], vector<16xf32>,
              %slice3A_568 = vector.extract_strided_slice %get3A_412 {offsets = [9], sizes = [1], strides = [1]} : vector<16xf32> to vector<1xf32>
              %squeeze3A_569 = vector.extract %slice3A_568[0] : f32 from vector<1xf32>
              %broadcast_in_dim3A_570 = vector.broadcast %squeeze3A_569 : f32 to vector<16xf32>
              %add3A_571 = arith.constant 1152 : i32
              %add3A_572 = vector.broadcast %add3A_571 : i32 to vector<16xi32>
              %add3A_573 = arith.addi %add3A_450, %add3A_572 : vector<16xi32>
              %mul3A_574 = arith.mulf %broadcast_in_dim3A_570, %mul3A_443 : vector<16xf32>
              tpu.vector_store_idx %arg11[%add3A_573], %mul3A_574 {add = true} : memref<66816xf32, #tpu.memory_space<vmem>>[vector<16xi32>], vector<16xf32>,
              %add3A_575 = arith.constant 1152 : i32
              %add3A_576 = vector.broadcast %add3A_575 : i32 to vector<16xi32>
              %add3A_577 = arith.addi %add3A_453, %add3A_576 : vector<16xi32>
              %mul3A_578 = arith.mulf %broadcast_in_dim3A_570, %mul3A_444 : vector<16xf32>
              tpu.vector_store_idx %arg11[%add3A_577], %mul3A_578 {add = true} : memref<66816xf32, #tpu.memory_space<vmem>>[vector<16xi32>], vector<16xf32>,
              %slice3A_579 = vector.extract_strided_slice %get3A_412 {offsets = [10], sizes = [1], strides = [1]} : vector<16xf32> to vector<1xf32>
              %squeeze3A_580 = vector.extract %slice3A_579[0] : f32 from vector<1xf32>
              %broadcast_in_dim3A_581 = vector.broadcast %squeeze3A_580 : f32 to vector<16xf32>
              %add3A_582 = arith.constant 1280 : i32
              %add3A_583 = vector.broadcast %add3A_582 : i32 to vector<16xi32>
              %add3A_584 = arith.addi %add3A_450, %add3A_583 : vector<16xi32>
              %mul3A_585 = arith.mulf %broadcast_in_dim3A_581, %mul3A_443 : vector<16xf32>
              tpu.vector_store_idx %arg11[%add3A_584], %mul3A_585 {add = true} : memref<66816xf32, #tpu.memory_space<vmem>>[vector<16xi32>], vector<16xf32>,
              %add3A_586 = arith.constant 1280 : i32
              %add3A_587 = vector.broadcast %add3A_586 : i32 to vector<16xi32>
              %add3A_588 = arith.addi %add3A_453, %add3A_587 : vector<16xi32>
              %mul3A_589 = arith.mulf %broadcast_in_dim3A_581, %mul3A_444 : vector<16xf32>
              tpu.vector_store_idx %arg11[%add3A_588], %mul3A_589 {add = true} : memref<66816xf32, #tpu.memory_space<vmem>>[vector<16xi32>], vector<16xf32>,
              %slice3A_590 = vector.extract_strided_slice %get3A_412 {offsets = [11], sizes = [1], strides = [1]} : vector<16xf32> to vector<1xf32>
              %squeeze3A_591 = vector.extract %slice3A_590[0] : f32 from vector<1xf32>
              %broadcast_in_dim3A_592 = vector.broadcast %squeeze3A_591 : f32 to vector<16xf32>
              %add3A_593 = arith.constant 1408 : i32
              %add3A_594 = vector.broadcast %add3A_593 : i32 to vector<16xi32>
              %add3A_595 = arith.addi %add3A_450, %add3A_594 : vector<16xi32>
              %mul3A_596 = arith.mulf %broadcast_in_dim3A_592, %mul3A_443 : vector<16xf32>
              tpu.vector_store_idx %arg11[%add3A_595], %mul3A_596 {add = true} : memref<66816xf32, #tpu.memory_space<vmem>>[vector<16xi32>], vector<16xf32>,
              %add3A_597 = arith.constant 1408 : i32
              %add3A_598 = vector.broadcast %add3A_597 : i32 to vector<16xi32>
              %add3A_599 = arith.addi %add3A_453, %add3A_598 : vector<16xi32>
              %mul3A_600 = arith.mulf %broadcast_in_dim3A_592, %mul3A_444 : vector<16xf32>
              tpu.vector_store_idx %arg11[%add3A_599], %mul3A_600 {add = true} : memref<66816xf32, #tpu.memory_space<vmem>>[vector<16xi32>], vector<16xf32>,
              %slice3A_601 = vector.extract_strided_slice %get3A_412 {offsets = [12], sizes = [1], strides = [1]} : vector<16xf32> to vector<1xf32>
              %squeeze3A_602 = vector.extract %slice3A_601[0] : f32 from vector<1xf32>
              %broadcast_in_dim3A_603 = vector.broadcast %squeeze3A_602 : f32 to vector<16xf32>
              %add3A_604 = arith.constant 1536 : i32
              %add3A_605 = vector.broadcast %add3A_604 : i32 to vector<16xi32>
              %add3A_606 = arith.addi %add3A_450, %add3A_605 : vector<16xi32>
              %mul3A_607 = arith.mulf %broadcast_in_dim3A_603, %mul3A_443 : vector<16xf32>
              tpu.vector_store_idx %arg11[%add3A_606], %mul3A_607 {add = true} : memref<66816xf32, #tpu.memory_space<vmem>>[vector<16xi32>], vector<16xf32>,
              %add3A_608 = arith.constant 1536 : i32
              %add3A_609 = vector.broadcast %add3A_608 : i32 to vector<16xi32>
              %add3A_610 = arith.addi %add3A_453, %add3A_609 : vector<16xi32>
              %mul3A_611 = arith.mulf %broadcast_in_dim3A_603, %mul3A_444 : vector<16xf32>
              tpu.vector_store_idx %arg11[%add3A_610], %mul3A_611 {add = true} : memref<66816xf32, #tpu.memory_space<vmem>>[vector<16xi32>], vector<16xf32>,
              %slice3A_612 = vector.extract_strided_slice %get3A_412 {offsets = [13], sizes = [1], strides = [1]} : vector<16xf32> to vector<1xf32>
              %squeeze3A_613 = vector.extract %slice3A_612[0] : f32 from vector<1xf32>
              %broadcast_in_dim3A_614 = vector.broadcast %squeeze3A_613 : f32 to vector<16xf32>
              %add3A_615 = arith.constant 1664 : i32
              %add3A_616 = vector.broadcast %add3A_615 : i32 to vector<16xi32>
              %add3A_617 = arith.addi %add3A_450, %add3A_616 : vector<16xi32>
              %mul3A_618 = arith.mulf %broadcast_in_dim3A_614, %mul3A_443 : vector<16xf32>
              tpu.vector_store_idx %arg11[%add3A_617], %mul3A_618 {add = true} : memref<66816xf32, #tpu.memory_space<vmem>>[vector<16xi32>], vector<16xf32>,
              %add3A_619 = arith.constant 1664 : i32
              %add3A_620 = vector.broadcast %add3A_619 : i32 to vector<16xi32>
              %add3A_621 = arith.addi %add3A_453, %add3A_620 : vector<16xi32>
              %mul3A_622 = arith.mulf %broadcast_in_dim3A_614, %mul3A_444 : vector<16xf32>
              tpu.vector_store_idx %arg11[%add3A_621], %mul3A_622 {add = true} : memref<66816xf32, #tpu.memory_space<vmem>>[vector<16xi32>], vector<16xf32>,
              %slice3A_623 = vector.extract_strided_slice %get3A_412 {offsets = [14], sizes = [1], strides = [1]} : vector<16xf32> to vector<1xf32>
              %squeeze3A_624 = vector.extract %slice3A_623[0] : f32 from vector<1xf32>
              %broadcast_in_dim3A_625 = vector.broadcast %squeeze3A_624 : f32 to vector<16xf32>
              %add3A_626 = arith.constant 1792 : i32
              %add3A_627 = vector.broadcast %add3A_626 : i32 to vector<16xi32>
              %add3A_628 = arith.addi %add3A_450, %add3A_627 : vector<16xi32>
              %mul3A_629 = arith.mulf %broadcast_in_dim3A_625, %mul3A_443 : vector<16xf32>
              tpu.vector_store_idx %arg11[%add3A_628], %mul3A_629 {add = true} : memref<66816xf32, #tpu.memory_space<vmem>>[vector<16xi32>], vector<16xf32>,
              %add3A_630 = arith.constant 1792 : i32
              %add3A_631 = vector.broadcast %add3A_630 : i32 to vector<16xi32>
              %add3A_632 = arith.addi %add3A_453, %add3A_631 : vector<16xi32>
              %mul3A_633 = arith.mulf %broadcast_in_dim3A_625, %mul3A_444 : vector<16xf32>
              tpu.vector_store_idx %arg11[%add3A_632], %mul3A_633 {add = true} : memref<66816xf32, #tpu.memory_space<vmem>>[vector<16xi32>], vector<16xf32>,
              %slice3A_634 = vector.extract_strided_slice %get3A_412 {offsets = [15], sizes = [1], strides = [1]} : vector<16xf32> to vector<1xf32>
              %squeeze3A_635 = vector.extract %slice3A_634[0] : f32 from vector<1xf32>
              %broadcast_in_dim3A_636 = vector.broadcast %squeeze3A_635 : f32 to vector<16xf32>
              %add3A_637 = arith.constant 1920 : i32
              %add3A_638 = vector.broadcast %add3A_637 : i32 to vector<16xi32>
              %add3A_639 = arith.addi %add3A_450, %add3A_638 : vector<16xi32>
              %mul3A_640 = arith.mulf %broadcast_in_dim3A_636, %mul3A_443 : vector<16xf32>
              tpu.vector_store_idx %arg11[%add3A_639], %mul3A_640 {add = true} : memref<66816xf32, #tpu.memory_space<vmem>>[vector<16xi32>], vector<16xf32>,
              %add3A_641 = arith.constant 1920 : i32
              %add3A_642 = vector.broadcast %add3A_641 : i32 to vector<16xi32>
              %add3A_643 = arith.addi %add3A_453, %add3A_642 : vector<16xi32>
              %mul3A_644 = arith.mulf %broadcast_in_dim3A_636, %mul3A_444 : vector<16xf32>
              tpu.vector_store_idx %arg11[%add3A_643], %mul3A_644 {add = true} : memref<66816xf32, #tpu.memory_space<vmem>>[vector<16xi32>], vector<16xf32>,
            } else {
            }
            %gt3A_547 = arith.constant 16 : i32
            %gt3A_548 = arith.cmpi sgt, %squeeze3A_398, %gt3A_547 : i32
            %convert_element_type3A_549 = arith.extui %gt3A_548 : i1 to i32
            %cond3A_550 = arith.constant 0 : i32
            %cond3A_551 = arith.cmpi ne, %convert_element_type3A_549, %cond3A_550 : i32
            scf.if %cond3A_551 {
              %slice3A_557 = vector.extract_strided_slice %get3A_416 {offsets = [0], sizes = [1], strides = [1]} : vector<16xf32> to vector<1xf32>
              %squeeze3A_558 = vector.extract %slice3A_557[0] : f32 from vector<1xf32>
              %broadcast_in_dim3A_559 = vector.broadcast %squeeze3A_558 : f32 to vector<16xf32>
              %add3A_560 = arith.constant 2048 : i32
              %add3A_561 = vector.broadcast %add3A_560 : i32 to vector<16xi32>
              %add3A_562 = arith.addi %add3A_450, %add3A_561 : vector<16xi32>
              %mul3A_563 = arith.mulf %broadcast_in_dim3A_559, %mul3A_443 : vector<16xf32>
              tpu.vector_store_idx %arg11[%add3A_562], %mul3A_563 {add = true} : memref<66816xf32, #tpu.memory_space<vmem>>[vector<16xi32>], vector<16xf32>,
              %add3A_564 = arith.constant 2048 : i32
              %add3A_565 = vector.broadcast %add3A_564 : i32 to vector<16xi32>
              %add3A_566 = arith.addi %add3A_453, %add3A_565 : vector<16xi32>
              %mul3A_567 = arith.mulf %broadcast_in_dim3A_559, %mul3A_444 : vector<16xf32>
              tpu.vector_store_idx %arg11[%add3A_566], %mul3A_567 {add = true} : memref<66816xf32, #tpu.memory_space<vmem>>[vector<16xi32>], vector<16xf32>,
              %slice3A_568 = vector.extract_strided_slice %get3A_416 {offsets = [1], sizes = [1], strides = [1]} : vector<16xf32> to vector<1xf32>
              %squeeze3A_569 = vector.extract %slice3A_568[0] : f32 from vector<1xf32>
              %broadcast_in_dim3A_570 = vector.broadcast %squeeze3A_569 : f32 to vector<16xf32>
              %add3A_571 = arith.constant 2176 : i32
              %add3A_572 = vector.broadcast %add3A_571 : i32 to vector<16xi32>
              %add3A_573 = arith.addi %add3A_450, %add3A_572 : vector<16xi32>
              %mul3A_574 = arith.mulf %broadcast_in_dim3A_570, %mul3A_443 : vector<16xf32>
              tpu.vector_store_idx %arg11[%add3A_573], %mul3A_574 {add = true} : memref<66816xf32, #tpu.memory_space<vmem>>[vector<16xi32>], vector<16xf32>,
              %add3A_575 = arith.constant 2176 : i32
              %add3A_576 = vector.broadcast %add3A_575 : i32 to vector<16xi32>
              %add3A_577 = arith.addi %add3A_453, %add3A_576 : vector<16xi32>
              %mul3A_578 = arith.mulf %broadcast_in_dim3A_570, %mul3A_444 : vector<16xf32>
              tpu.vector_store_idx %arg11[%add3A_577], %mul3A_578 {add = true} : memref<66816xf32, #tpu.memory_space<vmem>>[vector<16xi32>], vector<16xf32>,
              %slice3A_579 = vector.extract_strided_slice %get3A_416 {offsets = [2], sizes = [1], strides = [1]} : vector<16xf32> to vector<1xf32>
              %squeeze3A_580 = vector.extract %slice3A_579[0] : f32 from vector<1xf32>
              %broadcast_in_dim3A_581 = vector.broadcast %squeeze3A_580 : f32 to vector<16xf32>
              %add3A_582 = arith.constant 2304 : i32
              %add3A_583 = vector.broadcast %add3A_582 : i32 to vector<16xi32>
              %add3A_584 = arith.addi %add3A_450, %add3A_583 : vector<16xi32>
              %mul3A_585 = arith.mulf %broadcast_in_dim3A_581, %mul3A_443 : vector<16xf32>
              tpu.vector_store_idx %arg11[%add3A_584], %mul3A_585 {add = true} : memref<66816xf32, #tpu.memory_space<vmem>>[vector<16xi32>], vector<16xf32>,
              %add3A_586 = arith.constant 2304 : i32
              %add3A_587 = vector.broadcast %add3A_586 : i32 to vector<16xi32>
              %add3A_588 = arith.addi %add3A_453, %add3A_587 : vector<16xi32>
              %mul3A_589 = arith.mulf %broadcast_in_dim3A_581, %mul3A_444 : vector<16xf32>
              tpu.vector_store_idx %arg11[%add3A_588], %mul3A_589 {add = true} : memref<66816xf32, #tpu.memory_space<vmem>>[vector<16xi32>], vector<16xf32>,
              %slice3A_590 = vector.extract_strided_slice %get3A_416 {offsets = [3], sizes = [1], strides = [1]} : vector<16xf32> to vector<1xf32>
              %squeeze3A_591 = vector.extract %slice3A_590[0] : f32 from vector<1xf32>
              %broadcast_in_dim3A_592 = vector.broadcast %squeeze3A_591 : f32 to vector<16xf32>
              %add3A_593 = arith.constant 2432 : i32
              %add3A_594 = vector.broadcast %add3A_593 : i32 to vector<16xi32>
              %add3A_595 = arith.addi %add3A_450, %add3A_594 : vector<16xi32>
              %mul3A_596 = arith.mulf %broadcast_in_dim3A_592, %mul3A_443 : vector<16xf32>
              tpu.vector_store_idx %arg11[%add3A_595], %mul3A_596 {add = true} : memref<66816xf32, #tpu.memory_space<vmem>>[vector<16xi32>], vector<16xf32>,
              %add3A_597 = arith.constant 2432 : i32
              %add3A_598 = vector.broadcast %add3A_597 : i32 to vector<16xi32>
              %add3A_599 = arith.addi %add3A_453, %add3A_598 : vector<16xi32>
              %mul3A_600 = arith.mulf %broadcast_in_dim3A_592, %mul3A_444 : vector<16xf32>
              tpu.vector_store_idx %arg11[%add3A_599], %mul3A_600 {add = true} : memref<66816xf32, #tpu.memory_space<vmem>>[vector<16xi32>], vector<16xf32>,
              %slice3A_601 = vector.extract_strided_slice %get3A_416 {offsets = [4], sizes = [1], strides = [1]} : vector<16xf32> to vector<1xf32>
              %squeeze3A_602 = vector.extract %slice3A_601[0] : f32 from vector<1xf32>
              %broadcast_in_dim3A_603 = vector.broadcast %squeeze3A_602 : f32 to vector<16xf32>
              %add3A_604 = arith.constant 2560 : i32
              %add3A_605 = vector.broadcast %add3A_604 : i32 to vector<16xi32>
              %add3A_606 = arith.addi %add3A_450, %add3A_605 : vector<16xi32>
              %mul3A_607 = arith.mulf %broadcast_in_dim3A_603, %mul3A_443 : vector<16xf32>
              tpu.vector_store_idx %arg11[%add3A_606], %mul3A_607 {add = true} : memref<66816xf32, #tpu.memory_space<vmem>>[vector<16xi32>], vector<16xf32>,
              %add3A_608 = arith.constant 2560 : i32
              %add3A_609 = vector.broadcast %add3A_608 : i32 to vector<16xi32>
              %add3A_610 = arith.addi %add3A_453, %add3A_609 : vector<16xi32>
              %mul3A_611 = arith.mulf %broadcast_in_dim3A_603, %mul3A_444 : vector<16xf32>
              tpu.vector_store_idx %arg11[%add3A_610], %mul3A_611 {add = true} : memref<66816xf32, #tpu.memory_space<vmem>>[vector<16xi32>], vector<16xf32>,
              %slice3A_612 = vector.extract_strided_slice %get3A_416 {offsets = [5], sizes = [1], strides = [1]} : vector<16xf32> to vector<1xf32>
              %squeeze3A_613 = vector.extract %slice3A_612[0] : f32 from vector<1xf32>
              %broadcast_in_dim3A_614 = vector.broadcast %squeeze3A_613 : f32 to vector<16xf32>
              %add3A_615 = arith.constant 2688 : i32
              %add3A_616 = vector.broadcast %add3A_615 : i32 to vector<16xi32>
              %add3A_617 = arith.addi %add3A_450, %add3A_616 : vector<16xi32>
              %mul3A_618 = arith.mulf %broadcast_in_dim3A_614, %mul3A_443 : vector<16xf32>
              tpu.vector_store_idx %arg11[%add3A_617], %mul3A_618 {add = true} : memref<66816xf32, #tpu.memory_space<vmem>>[vector<16xi32>], vector<16xf32>,
              %add3A_619 = arith.constant 2688 : i32
              %add3A_620 = vector.broadcast %add3A_619 : i32 to vector<16xi32>
              %add3A_621 = arith.addi %add3A_453, %add3A_620 : vector<16xi32>
              %mul3A_622 = arith.mulf %broadcast_in_dim3A_614, %mul3A_444 : vector<16xf32>
              tpu.vector_store_idx %arg11[%add3A_621], %mul3A_622 {add = true} : memref<66816xf32, #tpu.memory_space<vmem>>[vector<16xi32>], vector<16xf32>,
              %slice3A_623 = vector.extract_strided_slice %get3A_416 {offsets = [6], sizes = [1], strides = [1]} : vector<16xf32> to vector<1xf32>
              %squeeze3A_624 = vector.extract %slice3A_623[0] : f32 from vector<1xf32>
              %broadcast_in_dim3A_625 = vector.broadcast %squeeze3A_624 : f32 to vector<16xf32>
              %add3A_626 = arith.constant 2816 : i32
              %add3A_627 = vector.broadcast %add3A_626 : i32 to vector<16xi32>
              %add3A_628 = arith.addi %add3A_450, %add3A_627 : vector<16xi32>
              %mul3A_629 = arith.mulf %broadcast_in_dim3A_625, %mul3A_443 : vector<16xf32>
              tpu.vector_store_idx %arg11[%add3A_628], %mul3A_629 {add = true} : memref<66816xf32, #tpu.memory_space<vmem>>[vector<16xi32>], vector<16xf32>,
              %add3A_630 = arith.constant 2816 : i32
              %add3A_631 = vector.broadcast %add3A_630 : i32 to vector<16xi32>
              %add3A_632 = arith.addi %add3A_453, %add3A_631 : vector<16xi32>
              %mul3A_633 = arith.mulf %broadcast_in_dim3A_625, %mul3A_444 : vector<16xf32>
              tpu.vector_store_idx %arg11[%add3A_632], %mul3A_633 {add = true} : memref<66816xf32, #tpu.memory_space<vmem>>[vector<16xi32>], vector<16xf32>,
              %slice3A_634 = vector.extract_strided_slice %get3A_416 {offsets = [7], sizes = [1], strides = [1]} : vector<16xf32> to vector<1xf32>
              %squeeze3A_635 = vector.extract %slice3A_634[0] : f32 from vector<1xf32>
              %broadcast_in_dim3A_636 = vector.broadcast %squeeze3A_635 : f32 to vector<16xf32>
              %add3A_637 = arith.constant 2944 : i32
              %add3A_638 = vector.broadcast %add3A_637 : i32 to vector<16xi32>
              %add3A_639 = arith.addi %add3A_450, %add3A_638 : vector<16xi32>
              %mul3A_640 = arith.mulf %broadcast_in_dim3A_636, %mul3A_443 : vector<16xf32>
              tpu.vector_store_idx %arg11[%add3A_639], %mul3A_640 {add = true} : memref<66816xf32, #tpu.memory_space<vmem>>[vector<16xi32>], vector<16xf32>,
              %add3A_641 = arith.constant 2944 : i32
              %add3A_642 = vector.broadcast %add3A_641 : i32 to vector<16xi32>
              %add3A_643 = arith.addi %add3A_453, %add3A_642 : vector<16xi32>
              %mul3A_644 = arith.mulf %broadcast_in_dim3A_636, %mul3A_444 : vector<16xf32>
              tpu.vector_store_idx %arg11[%add3A_643], %mul3A_644 {add = true} : memref<66816xf32, #tpu.memory_space<vmem>>[vector<16xi32>], vector<16xf32>,
            } else {
            }
            %gt3A_552 = arith.constant 24 : i32
            %gt3A_553 = arith.cmpi sgt, %squeeze3A_398, %gt3A_552 : i32
            %convert_element_type3A_554 = arith.extui %gt3A_553 : i1 to i32
            %cond3A_555 = arith.constant 0 : i32
            %cond3A_556 = arith.cmpi ne, %convert_element_type3A_554, %cond3A_555 : i32
            scf.if %cond3A_556 {
              %slice3A_557 = vector.extract_strided_slice %get3A_416 {offsets = [8], sizes = [1], strides = [1]} : vector<16xf32> to vector<1xf32>
              %squeeze3A_558 = vector.extract %slice3A_557[0] : f32 from vector<1xf32>
              %broadcast_in_dim3A_559 = vector.broadcast %squeeze3A_558 : f32 to vector<16xf32>
              %add3A_560 = arith.constant 3072 : i32
              %add3A_561 = vector.broadcast %add3A_560 : i32 to vector<16xi32>
              %add3A_562 = arith.addi %add3A_450, %add3A_561 : vector<16xi32>
              %mul3A_563 = arith.mulf %broadcast_in_dim3A_559, %mul3A_443 : vector<16xf32>
              tpu.vector_store_idx %arg11[%add3A_562], %mul3A_563 {add = true} : memref<66816xf32, #tpu.memory_space<vmem>>[vector<16xi32>], vector<16xf32>,
              %add3A_564 = arith.constant 3072 : i32
              %add3A_565 = vector.broadcast %add3A_564 : i32 to vector<16xi32>
              %add3A_566 = arith.addi %add3A_453, %add3A_565 : vector<16xi32>
              %mul3A_567 = arith.mulf %broadcast_in_dim3A_559, %mul3A_444 : vector<16xf32>
              tpu.vector_store_idx %arg11[%add3A_566], %mul3A_567 {add = true} : memref<66816xf32, #tpu.memory_space<vmem>>[vector<16xi32>], vector<16xf32>,
              %slice3A_568 = vector.extract_strided_slice %get3A_416 {offsets = [9], sizes = [1], strides = [1]} : vector<16xf32> to vector<1xf32>
              %squeeze3A_569 = vector.extract %slice3A_568[0] : f32 from vector<1xf32>
              %broadcast_in_dim3A_570 = vector.broadcast %squeeze3A_569 : f32 to vector<16xf32>
              %add3A_571 = arith.constant 3200 : i32
              %add3A_572 = vector.broadcast %add3A_571 : i32 to vector<16xi32>
              %add3A_573 = arith.addi %add3A_450, %add3A_572 : vector<16xi32>
              %mul3A_574 = arith.mulf %broadcast_in_dim3A_570, %mul3A_443 : vector<16xf32>
              tpu.vector_store_idx %arg11[%add3A_573], %mul3A_574 {add = true} : memref<66816xf32, #tpu.memory_space<vmem>>[vector<16xi32>], vector<16xf32>,
              %add3A_575 = arith.constant 3200 : i32
              %add3A_576 = vector.broadcast %add3A_575 : i32 to vector<16xi32>
              %add3A_577 = arith.addi %add3A_453, %add3A_576 : vector<16xi32>
              %mul3A_578 = arith.mulf %broadcast_in_dim3A_570, %mul3A_444 : vector<16xf32>
              tpu.vector_store_idx %arg11[%add3A_577], %mul3A_578 {add = true} : memref<66816xf32, #tpu.memory_space<vmem>>[vector<16xi32>], vector<16xf32>,
              %slice3A_579 = vector.extract_strided_slice %get3A_416 {offsets = [10], sizes = [1], strides = [1]} : vector<16xf32> to vector<1xf32>
              %squeeze3A_580 = vector.extract %slice3A_579[0] : f32 from vector<1xf32>
              %broadcast_in_dim3A_581 = vector.broadcast %squeeze3A_580 : f32 to vector<16xf32>
              %add3A_582 = arith.constant 3328 : i32
              %add3A_583 = vector.broadcast %add3A_582 : i32 to vector<16xi32>
              %add3A_584 = arith.addi %add3A_450, %add3A_583 : vector<16xi32>
              %mul3A_585 = arith.mulf %broadcast_in_dim3A_581, %mul3A_443 : vector<16xf32>
              tpu.vector_store_idx %arg11[%add3A_584], %mul3A_585 {add = true} : memref<66816xf32, #tpu.memory_space<vmem>>[vector<16xi32>], vector<16xf32>,
              %add3A_586 = arith.constant 3328 : i32
              %add3A_587 = vector.broadcast %add3A_586 : i32 to vector<16xi32>
              %add3A_588 = arith.addi %add3A_453, %add3A_587 : vector<16xi32>
              %mul3A_589 = arith.mulf %broadcast_in_dim3A_581, %mul3A_444 : vector<16xf32>
              tpu.vector_store_idx %arg11[%add3A_588], %mul3A_589 {add = true} : memref<66816xf32, #tpu.memory_space<vmem>>[vector<16xi32>], vector<16xf32>,
              %slice3A_590 = vector.extract_strided_slice %get3A_416 {offsets = [11], sizes = [1], strides = [1]} : vector<16xf32> to vector<1xf32>
              %squeeze3A_591 = vector.extract %slice3A_590[0] : f32 from vector<1xf32>
              %broadcast_in_dim3A_592 = vector.broadcast %squeeze3A_591 : f32 to vector<16xf32>
              %add3A_593 = arith.constant 3456 : i32
              %add3A_594 = vector.broadcast %add3A_593 : i32 to vector<16xi32>
              %add3A_595 = arith.addi %add3A_450, %add3A_594 : vector<16xi32>
              %mul3A_596 = arith.mulf %broadcast_in_dim3A_592, %mul3A_443 : vector<16xf32>
              tpu.vector_store_idx %arg11[%add3A_595], %mul3A_596 {add = true} : memref<66816xf32, #tpu.memory_space<vmem>>[vector<16xi32>], vector<16xf32>,
              %add3A_597 = arith.constant 3456 : i32
              %add3A_598 = vector.broadcast %add3A_597 : i32 to vector<16xi32>
              %add3A_599 = arith.addi %add3A_453, %add3A_598 : vector<16xi32>
              %mul3A_600 = arith.mulf %broadcast_in_dim3A_592, %mul3A_444 : vector<16xf32>
              tpu.vector_store_idx %arg11[%add3A_599], %mul3A_600 {add = true} : memref<66816xf32, #tpu.memory_space<vmem>>[vector<16xi32>], vector<16xf32>,
              %slice3A_601 = vector.extract_strided_slice %get3A_416 {offsets = [12], sizes = [1], strides = [1]} : vector<16xf32> to vector<1xf32>
              %squeeze3A_602 = vector.extract %slice3A_601[0] : f32 from vector<1xf32>
              %broadcast_in_dim3A_603 = vector.broadcast %squeeze3A_602 : f32 to vector<16xf32>
              %add3A_604 = arith.constant 3584 : i32
              %add3A_605 = vector.broadcast %add3A_604 : i32 to vector<16xi32>
              %add3A_606 = arith.addi %add3A_450, %add3A_605 : vector<16xi32>
              %mul3A_607 = arith.mulf %broadcast_in_dim3A_603, %mul3A_443 : vector<16xf32>
              tpu.vector_store_idx %arg11[%add3A_606], %mul3A_607 {add = true} : memref<66816xf32, #tpu.memory_space<vmem>>[vector<16xi32>], vector<16xf32>,
              %add3A_608 = arith.constant 3584 : i32
              %add3A_609 = vector.broadcast %add3A_608 : i32 to vector<16xi32>
              %add3A_610 = arith.addi %add3A_453, %add3A_609 : vector<16xi32>
              %mul3A_611 = arith.mulf %broadcast_in_dim3A_603, %mul3A_444 : vector<16xf32>
              tpu.vector_store_idx %arg11[%add3A_610], %mul3A_611 {add = true} : memref<66816xf32, #tpu.memory_space<vmem>>[vector<16xi32>], vector<16xf32>,
              %slice3A_612 = vector.extract_strided_slice %get3A_416 {offsets = [13], sizes = [1], strides = [1]} : vector<16xf32> to vector<1xf32>
              %squeeze3A_613 = vector.extract %slice3A_612[0] : f32 from vector<1xf32>
              %broadcast_in_dim3A_614 = vector.broadcast %squeeze3A_613 : f32 to vector<16xf32>
              %add3A_615 = arith.constant 3712 : i32
              %add3A_616 = vector.broadcast %add3A_615 : i32 to vector<16xi32>
              %add3A_617 = arith.addi %add3A_450, %add3A_616 : vector<16xi32>
              %mul3A_618 = arith.mulf %broadcast_in_dim3A_614, %mul3A_443 : vector<16xf32>
              tpu.vector_store_idx %arg11[%add3A_617], %mul3A_618 {add = true} : memref<66816xf32, #tpu.memory_space<vmem>>[vector<16xi32>], vector<16xf32>,
              %add3A_619 = arith.constant 3712 : i32
              %add3A_620 = vector.broadcast %add3A_619 : i32 to vector<16xi32>
              %add3A_621 = arith.addi %add3A_453, %add3A_620 : vector<16xi32>
              %mul3A_622 = arith.mulf %broadcast_in_dim3A_614, %mul3A_444 : vector<16xf32>
              tpu.vector_store_idx %arg11[%add3A_621], %mul3A_622 {add = true} : memref<66816xf32, #tpu.memory_space<vmem>>[vector<16xi32>], vector<16xf32>,
              %slice3A_623 = vector.extract_strided_slice %get3A_416 {offsets = [14], sizes = [1], strides = [1]} : vector<16xf32> to vector<1xf32>
              %squeeze3A_624 = vector.extract %slice3A_623[0] : f32 from vector<1xf32>
              %broadcast_in_dim3A_625 = vector.broadcast %squeeze3A_624 : f32 to vector<16xf32>
              %add3A_626 = arith.constant 3840 : i32
              %add3A_627 = vector.broadcast %add3A_626 : i32 to vector<16xi32>
              %add3A_628 = arith.addi %add3A_450, %add3A_627 : vector<16xi32>
              %mul3A_629 = arith.mulf %broadcast_in_dim3A_625, %mul3A_443 : vector<16xf32>
              tpu.vector_store_idx %arg11[%add3A_628], %mul3A_629 {add = true} : memref<66816xf32, #tpu.memory_space<vmem>>[vector<16xi32>], vector<16xf32>,
              %add3A_630 = arith.constant 3840 : i32
              %add3A_631 = vector.broadcast %add3A_630 : i32 to vector<16xi32>
              %add3A_632 = arith.addi %add3A_453, %add3A_631 : vector<16xi32>
              %mul3A_633 = arith.mulf %broadcast_in_dim3A_625, %mul3A_444 : vector<16xf32>
              tpu.vector_store_idx %arg11[%add3A_632], %mul3A_633 {add = true} : memref<66816xf32, #tpu.memory_space<vmem>>[vector<16xi32>], vector<16xf32>,
              %slice3A_634 = vector.extract_strided_slice %get3A_416 {offsets = [15], sizes = [1], strides = [1]} : vector<16xf32> to vector<1xf32>
              %squeeze3A_635 = vector.extract %slice3A_634[0] : f32 from vector<1xf32>
              %broadcast_in_dim3A_636 = vector.broadcast %squeeze3A_635 : f32 to vector<16xf32>
              %add3A_637 = arith.constant 3968 : i32
              %add3A_638 = vector.broadcast %add3A_637 : i32 to vector<16xi32>
              %add3A_639 = arith.addi %add3A_450, %add3A_638 : vector<16xi32>
              %mul3A_640 = arith.mulf %broadcast_in_dim3A_636, %mul3A_443 : vector<16xf32>
              tpu.vector_store_idx %arg11[%add3A_639], %mul3A_640 {add = true} : memref<66816xf32, #tpu.memory_space<vmem>>[vector<16xi32>], vector<16xf32>,
              %add3A_641 = arith.constant 3968 : i32
              %add3A_642 = vector.broadcast %add3A_641 : i32 to vector<16xi32>
              %add3A_643 = arith.addi %add3A_453, %add3A_642 : vector<16xi32>
              %mul3A_644 = arith.mulf %broadcast_in_dim3A_636, %mul3A_444 : vector<16xf32>
              tpu.vector_store_idx %arg11[%add3A_643], %mul3A_644 {add = true} : memref<66816xf32, #tpu.memory_space<vmem>>[vector<16xi32>], vector<16xf32>,
            } else {
            }
          }
        } else {
        }
      } else {
      }
      %mul3A_379 = arith.constant 2 : i32
      %mul3A_380 = arith.muli %scan3A_366, %mul3A_379 : i32
      %add3A_381 = arith.constant 1 : i32
      %add3A_382 = arith.addi %mul3A_380, %add3A_381 : i32
      %slice3A_383 = vector.extract_strided_slice %get3A_369 {offsets = [8], sizes = [1], strides = [1]} : vector<16xi32> to vector<1xi32>
      %squeeze3A_384 = vector.extract %slice3A_383[0] : i32 from vector<1xi32>
      %slice3A_385 = vector.extract_strided_slice %get3A_369 {offsets = [9], sizes = [1], strides = [1]} : vector<16xi32> to vector<1xi32>
      %squeeze3A_386 = vector.extract %slice3A_385[0] : i32 from vector<1xi32>
      %add3A_387 = arith.constant 4 : i32
      %add3A_388 = arith.addi %mul3A_357, %add3A_387 : i32
      %lt3A_389 = arith.cmpi slt, %squeeze3A_384, %add3A_388 : i32
      %gt3A_390 = arith.cmpi sgt, %squeeze3A_386, %mul3A_357 : i32
      %and3A_391 = arith.andi %lt3A_389, %gt3A_390 : i1
      %convert_element_type3A_392 = arith.extui %and3A_391 : i1 to i32
      %cond3A_393 = arith.constant 0 : i32
      %cond3A_394 = arith.cmpi ne, %convert_element_type3A_392, %cond3A_393 : i32
      scf.if %cond3A_394 {
        %slice3A_395 = vector.extract_strided_slice %get3A_369 {offsets = [10], sizes = [1], strides = [1]} : vector<16xi32> to vector<1xi32>
        %squeeze3A_396 = vector.extract %slice3A_395[0] : i32 from vector<1xi32>
        %slice3A_397 = vector.extract_strided_slice %get3A_369 {offsets = [11], sizes = [1], strides = [1]} : vector<16xi32> to vector<1xi32>
        %squeeze3A_398 = vector.extract %slice3A_397[0] : i32 from vector<1xi32>
        %slice3A_399 = vector.extract_strided_slice %get3A_369 {offsets = [12], sizes = [1], strides = [1]} : vector<16xi32> to vector<1xi32>
        %squeeze3A_400 = vector.extract %slice3A_399[0] : i32 from vector<1xi32>
        %slice3A_401 = vector.extract_strided_slice %get3A_369 {offsets = [13], sizes = [1], strides = [1]} : vector<16xi32> to vector<1xi32>
        %squeeze3A_402 = vector.extract %slice3A_401[0] : i32 from vector<1xi32>
        %mul3A_403 = arith.constant 32 : i32
        %mul3A_404 = arith.muli %add3A_382, %mul3A_403 : i32
        %get3A_405 = arith.index_cast %mul3A_404 : i32 to index
        %get3A_406 = tpu.vector_load %arg9[%get3A_405] {strides = array<i32>} : memref<16384xf32, #tpu.memory_space<vmem>>, vector<16xf32>,
        %add3A_407 = arith.constant 16 : i32
        %add3A_408 = arith.addi %mul3A_404, %add3A_407 : i32
        %get3A_409 = arith.index_cast %add3A_408 : i32 to index
        %get3A_410 = tpu.vector_load %arg9[%get3A_409] {strides = array<i32>} : memref<16384xf32, #tpu.memory_space<vmem>>, vector<16xf32>,
        %get3A_411 = arith.index_cast %mul3A_404 : i32 to index
        %get3A_412 = tpu.vector_load %arg8[%get3A_411] {strides = array<i32>} : memref<16384xf32, #tpu.memory_space<vmem>>, vector<16xf32>,
        %add3A_413 = arith.constant 16 : i32
        %add3A_414 = arith.addi %mul3A_404, %add3A_413 : i32
        %get3A_415 = arith.index_cast %add3A_414 : i32 to index
        %get3A_416 = tpu.vector_load %arg8[%get3A_415] {strides = array<i32>} : memref<16384xf32, #tpu.memory_space<vmem>>, vector<16xf32>,
        %max3A = arith.maxsi %squeeze3A_384, %mul3A_357 : i32
        %add3A_417 = arith.constant 4 : i32
        %add3A_418 = arith.addi %mul3A_357, %add3A_417 : i32
        %min3A = arith.minsi %squeeze3A_386, %add3A_418 : i32
        %mul3A_419 = arith.constant 128 : i32
        %mul3A_420 = arith.muli %squeeze3A_396, %mul3A_419 : i32
        %add3A_421 = arith.addi %mul3A_420, %squeeze3A_400 : i32
        %le3A = arith.constant 16 : i32
        %le3A_422 = arith.cmpi sle, %squeeze3A_402, %le3A : i32
        %convert_element_type3A_423 = arith.extui %le3A_422 : i1 to i32
        %cond3A_424 = arith.constant 0 : i32
        %cond3A_425 = arith.cmpi ne, %convert_element_type3A_423, %cond3A_424 : i32
        scf.if %cond3A_425 {
          %while3A = arith.constant 0 : i32
          %while3A_431 = arith.subi %min3A, %max3A : i32
          %while3A_432 = arith.addi %max3A, %while3A_431 : i32
          %while3A_433 = arith.constant 1 : i32
          %while3A_434 = arith.divsi %while3A_431, %while3A_433 : i32
          %while3A_435 = arith.muli %while3A_434, %while3A_433 : i32
          %while3A_436 = arith.addi %max3A, %while3A_435 : i32
          %while3A_437 = arith.constant 1 : i32
          scf.for %while3A_439 = %max3A to %while3A_436 step %while3A_437  : i32 {
            %broadcast_in_dim3A_440 = vector.broadcast %mul3A_404 : i32 to vector<16xi32>
            %sub3A = arith.subi %while3A_439, %squeeze3A_384 : i32
            %add3A_441 = vector.broadcast %sub3A : i32 to vector<16xi32>
            %add3A_442 = arith.addi %broadcast_in_dim3A_440, %add3A_441 : vector<16xi32>
            %gather3A = tpu.vector_load_idx %arg7[%add3A_442] : memref<16384xf32, #tpu.memory_space<vmem>>[vector<16xi32>], vector<16xf32>,
            %mul3A_443 = arith.mulf %gather3A, %get3A_406 : vector<16xf32>
            %mul3A_444 = arith.mulf %gather3A, %get3A_410 : vector<16xf32>
            %sub3A_445 = arith.subi %while3A_439, %mul3A_357 : i32
            %mul3A_446 = arith.constant 16384 : i32
            %mul3A_447 = arith.muli %sub3A_445, %mul3A_446 : i32
            %add3A_448 = arith.addi %mul3A_447, %add3A_421 : i32
            %add3A_449 = vector.broadcast %add3A_448 : i32 to vector<16xi32>
            %add3A_450 = arith.addi %add3A_449, %iota3A : vector<16xi32>
            %add3A_451 = arith.constant 16 : i32
            %add3A_452 = vector.broadcast %add3A_451 : i32 to vector<16xi32>
            %add3A_453 = arith.addi %add3A_450, %add3A_452 : vector<16xi32>
            %slice3A_454 = vector.extract_strided_slice %get3A_412 {offsets = [0], sizes = [1], strides = [1]} : vector<16xf32> to vector<1xf32>
            %squeeze3A_455 = vector.extract %slice3A_454[0] : f32 from vector<1xf32>
            %broadcast_in_dim3A_456 = vector.broadcast %squeeze3A_455 : f32 to vector<16xf32>
            %add3A_457 = arith.constant 0 : i32
            %add3A_458 = vector.broadcast %add3A_457 : i32 to vector<16xi32>
            %add3A_459 = arith.addi %add3A_450, %add3A_458 : vector<16xi32>
            %mul3A_460 = arith.mulf %broadcast_in_dim3A_456, %mul3A_443 : vector<16xf32>
            tpu.vector_store_idx %arg11[%add3A_459], %mul3A_460 {add = true} : memref<66816xf32, #tpu.memory_space<vmem>>[vector<16xi32>], vector<16xf32>,
            %slice3A_461 = vector.extract_strided_slice %get3A_412 {offsets = [1], sizes = [1], strides = [1]} : vector<16xf32> to vector<1xf32>
            %squeeze3A_462 = vector.extract %slice3A_461[0] : f32 from vector<1xf32>
            %broadcast_in_dim3A_463 = vector.broadcast %squeeze3A_462 : f32 to vector<16xf32>
            %add3A_464 = arith.constant 128 : i32
            %add3A_465 = vector.broadcast %add3A_464 : i32 to vector<16xi32>
            %add3A_466 = arith.addi %add3A_450, %add3A_465 : vector<16xi32>
            %mul3A_467 = arith.mulf %broadcast_in_dim3A_463, %mul3A_443 : vector<16xf32>
            tpu.vector_store_idx %arg11[%add3A_466], %mul3A_467 {add = true} : memref<66816xf32, #tpu.memory_space<vmem>>[vector<16xi32>], vector<16xf32>,
            %slice3A_468 = vector.extract_strided_slice %get3A_412 {offsets = [2], sizes = [1], strides = [1]} : vector<16xf32> to vector<1xf32>
            %squeeze3A_469 = vector.extract %slice3A_468[0] : f32 from vector<1xf32>
            %broadcast_in_dim3A_470 = vector.broadcast %squeeze3A_469 : f32 to vector<16xf32>
            %add3A_471 = arith.constant 256 : i32
            %add3A_472 = vector.broadcast %add3A_471 : i32 to vector<16xi32>
            %add3A_473 = arith.addi %add3A_450, %add3A_472 : vector<16xi32>
            %mul3A_474 = arith.mulf %broadcast_in_dim3A_470, %mul3A_443 : vector<16xf32>
            tpu.vector_store_idx %arg11[%add3A_473], %mul3A_474 {add = true} : memref<66816xf32, #tpu.memory_space<vmem>>[vector<16xi32>], vector<16xf32>,
            %slice3A_475 = vector.extract_strided_slice %get3A_412 {offsets = [3], sizes = [1], strides = [1]} : vector<16xf32> to vector<1xf32>
            %squeeze3A_476 = vector.extract %slice3A_475[0] : f32 from vector<1xf32>
            %broadcast_in_dim3A_477 = vector.broadcast %squeeze3A_476 : f32 to vector<16xf32>
            %add3A_478 = arith.constant 384 : i32
            %add3A_479 = vector.broadcast %add3A_478 : i32 to vector<16xi32>
            %add3A_480 = arith.addi %add3A_450, %add3A_479 : vector<16xi32>
            %mul3A_481 = arith.mulf %broadcast_in_dim3A_477, %mul3A_443 : vector<16xf32>
            tpu.vector_store_idx %arg11[%add3A_480], %mul3A_481 {add = true} : memref<66816xf32, #tpu.memory_space<vmem>>[vector<16xi32>], vector<16xf32>,
            %slice3A_482 = vector.extract_strided_slice %get3A_412 {offsets = [4], sizes = [1], strides = [1]} : vector<16xf32> to vector<1xf32>
            %squeeze3A_483 = vector.extract %slice3A_482[0] : f32 from vector<1xf32>
            %broadcast_in_dim3A_484 = vector.broadcast %squeeze3A_483 : f32 to vector<16xf32>
            %add3A_485 = arith.constant 512 : i32
            %add3A_486 = vector.broadcast %add3A_485 : i32 to vector<16xi32>
            %add3A_487 = arith.addi %add3A_450, %add3A_486 : vector<16xi32>
            %mul3A_488 = arith.mulf %broadcast_in_dim3A_484, %mul3A_443 : vector<16xf32>
            tpu.vector_store_idx %arg11[%add3A_487], %mul3A_488 {add = true} : memref<66816xf32, #tpu.memory_space<vmem>>[vector<16xi32>], vector<16xf32>,
            %slice3A_489 = vector.extract_strided_slice %get3A_412 {offsets = [5], sizes = [1], strides = [1]} : vector<16xf32> to vector<1xf32>
            %squeeze3A_490 = vector.extract %slice3A_489[0] : f32 from vector<1xf32>
            %broadcast_in_dim3A_491 = vector.broadcast %squeeze3A_490 : f32 to vector<16xf32>
            %add3A_492 = arith.constant 640 : i32
            %add3A_493 = vector.broadcast %add3A_492 : i32 to vector<16xi32>
            %add3A_494 = arith.addi %add3A_450, %add3A_493 : vector<16xi32>
            %mul3A_495 = arith.mulf %broadcast_in_dim3A_491, %mul3A_443 : vector<16xf32>
            tpu.vector_store_idx %arg11[%add3A_494], %mul3A_495 {add = true} : memref<66816xf32, #tpu.memory_space<vmem>>[vector<16xi32>], vector<16xf32>,
            %slice3A_496 = vector.extract_strided_slice %get3A_412 {offsets = [6], sizes = [1], strides = [1]} : vector<16xf32> to vector<1xf32>
            %squeeze3A_497 = vector.extract %slice3A_496[0] : f32 from vector<1xf32>
            %broadcast_in_dim3A_498 = vector.broadcast %squeeze3A_497 : f32 to vector<16xf32>
            %add3A_499 = arith.constant 768 : i32
            %add3A_500 = vector.broadcast %add3A_499 : i32 to vector<16xi32>
            %add3A_501 = arith.addi %add3A_450, %add3A_500 : vector<16xi32>
            %mul3A_502 = arith.mulf %broadcast_in_dim3A_498, %mul3A_443 : vector<16xf32>
            tpu.vector_store_idx %arg11[%add3A_501], %mul3A_502 {add = true} : memref<66816xf32, #tpu.memory_space<vmem>>[vector<16xi32>], vector<16xf32>,
            %slice3A_503 = vector.extract_strided_slice %get3A_412 {offsets = [7], sizes = [1], strides = [1]} : vector<16xf32> to vector<1xf32>
            %squeeze3A_504 = vector.extract %slice3A_503[0] : f32 from vector<1xf32>
            %broadcast_in_dim3A_505 = vector.broadcast %squeeze3A_504 : f32 to vector<16xf32>
            %add3A_506 = arith.constant 896 : i32
            %add3A_507 = vector.broadcast %add3A_506 : i32 to vector<16xi32>
            %add3A_508 = arith.addi %add3A_450, %add3A_507 : vector<16xi32>
            %mul3A_509 = arith.mulf %broadcast_in_dim3A_505, %mul3A_443 : vector<16xf32>
            tpu.vector_store_idx %arg11[%add3A_508], %mul3A_509 {add = true} : memref<66816xf32, #tpu.memory_space<vmem>>[vector<16xi32>], vector<16xf32>,
            %gt3A_510 = arith.constant 8 : i32
            %gt3A_511 = arith.cmpi sgt, %squeeze3A_398, %gt3A_510 : i32
            %convert_element_type3A_512 = arith.extui %gt3A_511 : i1 to i32
            %cond3A_513 = arith.constant 0 : i32
            %cond3A_514 = arith.cmpi ne, %convert_element_type3A_512, %cond3A_513 : i32
            scf.if %cond3A_514 {
              %slice3A_525 = vector.extract_strided_slice %get3A_412 {offsets = [8], sizes = [1], strides = [1]} : vector<16xf32> to vector<1xf32>
              %squeeze3A_526 = vector.extract %slice3A_525[0] : f32 from vector<1xf32>
              %broadcast_in_dim3A_527 = vector.broadcast %squeeze3A_526 : f32 to vector<16xf32>
              %add3A_528 = arith.constant 1024 : i32
              %add3A_529 = vector.broadcast %add3A_528 : i32 to vector<16xi32>
              %add3A_530 = arith.addi %add3A_450, %add3A_529 : vector<16xi32>
              %mul3A_531 = arith.mulf %broadcast_in_dim3A_527, %mul3A_443 : vector<16xf32>
              tpu.vector_store_idx %arg11[%add3A_530], %mul3A_531 {add = true} : memref<66816xf32, #tpu.memory_space<vmem>>[vector<16xi32>], vector<16xf32>,
              %slice3A_532 = vector.extract_strided_slice %get3A_412 {offsets = [9], sizes = [1], strides = [1]} : vector<16xf32> to vector<1xf32>
              %squeeze3A_533 = vector.extract %slice3A_532[0] : f32 from vector<1xf32>
              %broadcast_in_dim3A_534 = vector.broadcast %squeeze3A_533 : f32 to vector<16xf32>
              %add3A_535 = arith.constant 1152 : i32
              %add3A_536 = vector.broadcast %add3A_535 : i32 to vector<16xi32>
              %add3A_537 = arith.addi %add3A_450, %add3A_536 : vector<16xi32>
              %mul3A_538 = arith.mulf %broadcast_in_dim3A_534, %mul3A_443 : vector<16xf32>
              tpu.vector_store_idx %arg11[%add3A_537], %mul3A_538 {add = true} : memref<66816xf32, #tpu.memory_space<vmem>>[vector<16xi32>], vector<16xf32>,
              %slice3A_539 = vector.extract_strided_slice %get3A_412 {offsets = [10], sizes = [1], strides = [1]} : vector<16xf32> to vector<1xf32>
              %squeeze3A_540 = vector.extract %slice3A_539[0] : f32 from vector<1xf32>
              %broadcast_in_dim3A_541 = vector.broadcast %squeeze3A_540 : f32 to vector<16xf32>
              %add3A_542 = arith.constant 1280 : i32
              %add3A_543 = vector.broadcast %add3A_542 : i32 to vector<16xi32>
              %add3A_544 = arith.addi %add3A_450, %add3A_543 : vector<16xi32>
              %mul3A_545 = arith.mulf %broadcast_in_dim3A_541, %mul3A_443 : vector<16xf32>
              tpu.vector_store_idx %arg11[%add3A_544], %mul3A_545 {add = true} : memref<66816xf32, #tpu.memory_space<vmem>>[vector<16xi32>], vector<16xf32>,
              %slice3A_546 = vector.extract_strided_slice %get3A_412 {offsets = [11], sizes = [1], strides = [1]} : vector<16xf32> to vector<1xf32>
              %squeeze3A_547 = vector.extract %slice3A_546[0] : f32 from vector<1xf32>
              %broadcast_in_dim3A_548 = vector.broadcast %squeeze3A_547 : f32 to vector<16xf32>
              %add3A_549 = arith.constant 1408 : i32
              %add3A_550 = vector.broadcast %add3A_549 : i32 to vector<16xi32>
              %add3A_551 = arith.addi %add3A_450, %add3A_550 : vector<16xi32>
              %mul3A_552 = arith.mulf %broadcast_in_dim3A_548, %mul3A_443 : vector<16xf32>
              tpu.vector_store_idx %arg11[%add3A_551], %mul3A_552 {add = true} : memref<66816xf32, #tpu.memory_space<vmem>>[vector<16xi32>], vector<16xf32>,
              %slice3A_553 = vector.extract_strided_slice %get3A_412 {offsets = [12], sizes = [1], strides = [1]} : vector<16xf32> to vector<1xf32>
              %squeeze3A_554 = vector.extract %slice3A_553[0] : f32 from vector<1xf32>
              %broadcast_in_dim3A_555 = vector.broadcast %squeeze3A_554 : f32 to vector<16xf32>
              %add3A_556 = arith.constant 1536 : i32
              %add3A_557 = vector.broadcast %add3A_556 : i32 to vector<16xi32>
              %add3A_558 = arith.addi %add3A_450, %add3A_557 : vector<16xi32>
              %mul3A_559 = arith.mulf %broadcast_in_dim3A_555, %mul3A_443 : vector<16xf32>
              tpu.vector_store_idx %arg11[%add3A_558], %mul3A_559 {add = true} : memref<66816xf32, #tpu.memory_space<vmem>>[vector<16xi32>], vector<16xf32>,
              %slice3A_560 = vector.extract_strided_slice %get3A_412 {offsets = [13], sizes = [1], strides = [1]} : vector<16xf32> to vector<1xf32>
              %squeeze3A_561 = vector.extract %slice3A_560[0] : f32 from vector<1xf32>
              %broadcast_in_dim3A_562 = vector.broadcast %squeeze3A_561 : f32 to vector<16xf32>
              %add3A_563 = arith.constant 1664 : i32
              %add3A_564 = vector.broadcast %add3A_563 : i32 to vector<16xi32>
              %add3A_565 = arith.addi %add3A_450, %add3A_564 : vector<16xi32>
              %mul3A_566 = arith.mulf %broadcast_in_dim3A_562, %mul3A_443 : vector<16xf32>
              tpu.vector_store_idx %arg11[%add3A_565], %mul3A_566 {add = true} : memref<66816xf32, #tpu.memory_space<vmem>>[vector<16xi32>], vector<16xf32>,
              %slice3A_567 = vector.extract_strided_slice %get3A_412 {offsets = [14], sizes = [1], strides = [1]} : vector<16xf32> to vector<1xf32>
              %squeeze3A_568 = vector.extract %slice3A_567[0] : f32 from vector<1xf32>
              %broadcast_in_dim3A_569 = vector.broadcast %squeeze3A_568 : f32 to vector<16xf32>
              %add3A_570 = arith.constant 1792 : i32
              %add3A_571 = vector.broadcast %add3A_570 : i32 to vector<16xi32>
              %add3A_572 = arith.addi %add3A_450, %add3A_571 : vector<16xi32>
              %mul3A_573 = arith.mulf %broadcast_in_dim3A_569, %mul3A_443 : vector<16xf32>
              tpu.vector_store_idx %arg11[%add3A_572], %mul3A_573 {add = true} : memref<66816xf32, #tpu.memory_space<vmem>>[vector<16xi32>], vector<16xf32>,
              %slice3A_574 = vector.extract_strided_slice %get3A_412 {offsets = [15], sizes = [1], strides = [1]} : vector<16xf32> to vector<1xf32>
              %squeeze3A_575 = vector.extract %slice3A_574[0] : f32 from vector<1xf32>
              %broadcast_in_dim3A_576 = vector.broadcast %squeeze3A_575 : f32 to vector<16xf32>
              %add3A_577 = arith.constant 1920 : i32
              %add3A_578 = vector.broadcast %add3A_577 : i32 to vector<16xi32>
              %add3A_579 = arith.addi %add3A_450, %add3A_578 : vector<16xi32>
              %mul3A_580 = arith.mulf %broadcast_in_dim3A_576, %mul3A_443 : vector<16xf32>
              tpu.vector_store_idx %arg11[%add3A_579], %mul3A_580 {add = true} : memref<66816xf32, #tpu.memory_space<vmem>>[vector<16xi32>], vector<16xf32>,
            } else {
            }
            %gt3A_515 = arith.constant 16 : i32
            %gt3A_516 = arith.cmpi sgt, %squeeze3A_398, %gt3A_515 : i32
            %convert_element_type3A_517 = arith.extui %gt3A_516 : i1 to i32
            %cond3A_518 = arith.constant 0 : i32
            %cond3A_519 = arith.cmpi ne, %convert_element_type3A_517, %cond3A_518 : i32
            scf.if %cond3A_519 {
              %slice3A_525 = vector.extract_strided_slice %get3A_416 {offsets = [0], sizes = [1], strides = [1]} : vector<16xf32> to vector<1xf32>
              %squeeze3A_526 = vector.extract %slice3A_525[0] : f32 from vector<1xf32>
              %broadcast_in_dim3A_527 = vector.broadcast %squeeze3A_526 : f32 to vector<16xf32>
              %add3A_528 = arith.constant 2048 : i32
              %add3A_529 = vector.broadcast %add3A_528 : i32 to vector<16xi32>
              %add3A_530 = arith.addi %add3A_450, %add3A_529 : vector<16xi32>
              %mul3A_531 = arith.mulf %broadcast_in_dim3A_527, %mul3A_443 : vector<16xf32>
              tpu.vector_store_idx %arg11[%add3A_530], %mul3A_531 {add = true} : memref<66816xf32, #tpu.memory_space<vmem>>[vector<16xi32>], vector<16xf32>,
              %slice3A_532 = vector.extract_strided_slice %get3A_416 {offsets = [1], sizes = [1], strides = [1]} : vector<16xf32> to vector<1xf32>
              %squeeze3A_533 = vector.extract %slice3A_532[0] : f32 from vector<1xf32>
              %broadcast_in_dim3A_534 = vector.broadcast %squeeze3A_533 : f32 to vector<16xf32>
              %add3A_535 = arith.constant 2176 : i32
              %add3A_536 = vector.broadcast %add3A_535 : i32 to vector<16xi32>
              %add3A_537 = arith.addi %add3A_450, %add3A_536 : vector<16xi32>
              %mul3A_538 = arith.mulf %broadcast_in_dim3A_534, %mul3A_443 : vector<16xf32>
              tpu.vector_store_idx %arg11[%add3A_537], %mul3A_538 {add = true} : memref<66816xf32, #tpu.memory_space<vmem>>[vector<16xi32>], vector<16xf32>,
              %slice3A_539 = vector.extract_strided_slice %get3A_416 {offsets = [2], sizes = [1], strides = [1]} : vector<16xf32> to vector<1xf32>
              %squeeze3A_540 = vector.extract %slice3A_539[0] : f32 from vector<1xf32>
              %broadcast_in_dim3A_541 = vector.broadcast %squeeze3A_540 : f32 to vector<16xf32>
              %add3A_542 = arith.constant 2304 : i32
              %add3A_543 = vector.broadcast %add3A_542 : i32 to vector<16xi32>
              %add3A_544 = arith.addi %add3A_450, %add3A_543 : vector<16xi32>
              %mul3A_545 = arith.mulf %broadcast_in_dim3A_541, %mul3A_443 : vector<16xf32>
              tpu.vector_store_idx %arg11[%add3A_544], %mul3A_545 {add = true} : memref<66816xf32, #tpu.memory_space<vmem>>[vector<16xi32>], vector<16xf32>,
              %slice3A_546 = vector.extract_strided_slice %get3A_416 {offsets = [3], sizes = [1], strides = [1]} : vector<16xf32> to vector<1xf32>
              %squeeze3A_547 = vector.extract %slice3A_546[0] : f32 from vector<1xf32>
              %broadcast_in_dim3A_548 = vector.broadcast %squeeze3A_547 : f32 to vector<16xf32>
              %add3A_549 = arith.constant 2432 : i32
              %add3A_550 = vector.broadcast %add3A_549 : i32 to vector<16xi32>
              %add3A_551 = arith.addi %add3A_450, %add3A_550 : vector<16xi32>
              %mul3A_552 = arith.mulf %broadcast_in_dim3A_548, %mul3A_443 : vector<16xf32>
              tpu.vector_store_idx %arg11[%add3A_551], %mul3A_552 {add = true} : memref<66816xf32, #tpu.memory_space<vmem>>[vector<16xi32>], vector<16xf32>,
              %slice3A_553 = vector.extract_strided_slice %get3A_416 {offsets = [4], sizes = [1], strides = [1]} : vector<16xf32> to vector<1xf32>
              %squeeze3A_554 = vector.extract %slice3A_553[0] : f32 from vector<1xf32>
              %broadcast_in_dim3A_555 = vector.broadcast %squeeze3A_554 : f32 to vector<16xf32>
              %add3A_556 = arith.constant 2560 : i32
              %add3A_557 = vector.broadcast %add3A_556 : i32 to vector<16xi32>
              %add3A_558 = arith.addi %add3A_450, %add3A_557 : vector<16xi32>
              %mul3A_559 = arith.mulf %broadcast_in_dim3A_555, %mul3A_443 : vector<16xf32>
              tpu.vector_store_idx %arg11[%add3A_558], %mul3A_559 {add = true} : memref<66816xf32, #tpu.memory_space<vmem>>[vector<16xi32>], vector<16xf32>,
              %slice3A_560 = vector.extract_strided_slice %get3A_416 {offsets = [5], sizes = [1], strides = [1]} : vector<16xf32> to vector<1xf32>
              %squeeze3A_561 = vector.extract %slice3A_560[0] : f32 from vector<1xf32>
              %broadcast_in_dim3A_562 = vector.broadcast %squeeze3A_561 : f32 to vector<16xf32>
              %add3A_563 = arith.constant 2688 : i32
              %add3A_564 = vector.broadcast %add3A_563 : i32 to vector<16xi32>
              %add3A_565 = arith.addi %add3A_450, %add3A_564 : vector<16xi32>
              %mul3A_566 = arith.mulf %broadcast_in_dim3A_562, %mul3A_443 : vector<16xf32>
              tpu.vector_store_idx %arg11[%add3A_565], %mul3A_566 {add = true} : memref<66816xf32, #tpu.memory_space<vmem>>[vector<16xi32>], vector<16xf32>,
              %slice3A_567 = vector.extract_strided_slice %get3A_416 {offsets = [6], sizes = [1], strides = [1]} : vector<16xf32> to vector<1xf32>
              %squeeze3A_568 = vector.extract %slice3A_567[0] : f32 from vector<1xf32>
              %broadcast_in_dim3A_569 = vector.broadcast %squeeze3A_568 : f32 to vector<16xf32>
              %add3A_570 = arith.constant 2816 : i32
              %add3A_571 = vector.broadcast %add3A_570 : i32 to vector<16xi32>
              %add3A_572 = arith.addi %add3A_450, %add3A_571 : vector<16xi32>
              %mul3A_573 = arith.mulf %broadcast_in_dim3A_569, %mul3A_443 : vector<16xf32>
              tpu.vector_store_idx %arg11[%add3A_572], %mul3A_573 {add = true} : memref<66816xf32, #tpu.memory_space<vmem>>[vector<16xi32>], vector<16xf32>,
              %slice3A_574 = vector.extract_strided_slice %get3A_416 {offsets = [7], sizes = [1], strides = [1]} : vector<16xf32> to vector<1xf32>
              %squeeze3A_575 = vector.extract %slice3A_574[0] : f32 from vector<1xf32>
              %broadcast_in_dim3A_576 = vector.broadcast %squeeze3A_575 : f32 to vector<16xf32>
              %add3A_577 = arith.constant 2944 : i32
              %add3A_578 = vector.broadcast %add3A_577 : i32 to vector<16xi32>
              %add3A_579 = arith.addi %add3A_450, %add3A_578 : vector<16xi32>
              %mul3A_580 = arith.mulf %broadcast_in_dim3A_576, %mul3A_443 : vector<16xf32>
              tpu.vector_store_idx %arg11[%add3A_579], %mul3A_580 {add = true} : memref<66816xf32, #tpu.memory_space<vmem>>[vector<16xi32>], vector<16xf32>,
            } else {
            }
            %gt3A_520 = arith.constant 24 : i32
            %gt3A_521 = arith.cmpi sgt, %squeeze3A_398, %gt3A_520 : i32
            %convert_element_type3A_522 = arith.extui %gt3A_521 : i1 to i32
            %cond3A_523 = arith.constant 0 : i32
            %cond3A_524 = arith.cmpi ne, %convert_element_type3A_522, %cond3A_523 : i32
            scf.if %cond3A_524 {
              %slice3A_525 = vector.extract_strided_slice %get3A_416 {offsets = [8], sizes = [1], strides = [1]} : vector<16xf32> to vector<1xf32>
              %squeeze3A_526 = vector.extract %slice3A_525[0] : f32 from vector<1xf32>
              %broadcast_in_dim3A_527 = vector.broadcast %squeeze3A_526 : f32 to vector<16xf32>
              %add3A_528 = arith.constant 3072 : i32
              %add3A_529 = vector.broadcast %add3A_528 : i32 to vector<16xi32>
              %add3A_530 = arith.addi %add3A_450, %add3A_529 : vector<16xi32>
              %mul3A_531 = arith.mulf %broadcast_in_dim3A_527, %mul3A_443 : vector<16xf32>
              tpu.vector_store_idx %arg11[%add3A_530], %mul3A_531 {add = true} : memref<66816xf32, #tpu.memory_space<vmem>>[vector<16xi32>], vector<16xf32>,
              %slice3A_532 = vector.extract_strided_slice %get3A_416 {offsets = [9], sizes = [1], strides = [1]} : vector<16xf32> to vector<1xf32>
              %squeeze3A_533 = vector.extract %slice3A_532[0] : f32 from vector<1xf32>
              %broadcast_in_dim3A_534 = vector.broadcast %squeeze3A_533 : f32 to vector<16xf32>
              %add3A_535 = arith.constant 3200 : i32
              %add3A_536 = vector.broadcast %add3A_535 : i32 to vector<16xi32>
              %add3A_537 = arith.addi %add3A_450, %add3A_536 : vector<16xi32>
              %mul3A_538 = arith.mulf %broadcast_in_dim3A_534, %mul3A_443 : vector<16xf32>
              tpu.vector_store_idx %arg11[%add3A_537], %mul3A_538 {add = true} : memref<66816xf32, #tpu.memory_space<vmem>>[vector<16xi32>], vector<16xf32>,
              %slice3A_539 = vector.extract_strided_slice %get3A_416 {offsets = [10], sizes = [1], strides = [1]} : vector<16xf32> to vector<1xf32>
              %squeeze3A_540 = vector.extract %slice3A_539[0] : f32 from vector<1xf32>
              %broadcast_in_dim3A_541 = vector.broadcast %squeeze3A_540 : f32 to vector<16xf32>
              %add3A_542 = arith.constant 3328 : i32
              %add3A_543 = vector.broadcast %add3A_542 : i32 to vector<16xi32>
              %add3A_544 = arith.addi %add3A_450, %add3A_543 : vector<16xi32>
              %mul3A_545 = arith.mulf %broadcast_in_dim3A_541, %mul3A_443 : vector<16xf32>
              tpu.vector_store_idx %arg11[%add3A_544], %mul3A_545 {add = true} : memref<66816xf32, #tpu.memory_space<vmem>>[vector<16xi32>], vector<16xf32>,
              %slice3A_546 = vector.extract_strided_slice %get3A_416 {offsets = [11], sizes = [1], strides = [1]} : vector<16xf32> to vector<1xf32>
              %squeeze3A_547 = vector.extract %slice3A_546[0] : f32 from vector<1xf32>
              %broadcast_in_dim3A_548 = vector.broadcast %squeeze3A_547 : f32 to vector<16xf32>
              %add3A_549 = arith.constant 3456 : i32
              %add3A_550 = vector.broadcast %add3A_549 : i32 to vector<16xi32>
              %add3A_551 = arith.addi %add3A_450, %add3A_550 : vector<16xi32>
              %mul3A_552 = arith.mulf %broadcast_in_dim3A_548, %mul3A_443 : vector<16xf32>
              tpu.vector_store_idx %arg11[%add3A_551], %mul3A_552 {add = true} : memref<66816xf32, #tpu.memory_space<vmem>>[vector<16xi32>], vector<16xf32>,
              %slice3A_553 = vector.extract_strided_slice %get3A_416 {offsets = [12], sizes = [1], strides = [1]} : vector<16xf32> to vector<1xf32>
              %squeeze3A_554 = vector.extract %slice3A_553[0] : f32 from vector<1xf32>
              %broadcast_in_dim3A_555 = vector.broadcast %squeeze3A_554 : f32 to vector<16xf32>
              %add3A_556 = arith.constant 3584 : i32
              %add3A_557 = vector.broadcast %add3A_556 : i32 to vector<16xi32>
              %add3A_558 = arith.addi %add3A_450, %add3A_557 : vector<16xi32>
              %mul3A_559 = arith.mulf %broadcast_in_dim3A_555, %mul3A_443 : vector<16xf32>
              tpu.vector_store_idx %arg11[%add3A_558], %mul3A_559 {add = true} : memref<66816xf32, #tpu.memory_space<vmem>>[vector<16xi32>], vector<16xf32>,
              %slice3A_560 = vector.extract_strided_slice %get3A_416 {offsets = [13], sizes = [1], strides = [1]} : vector<16xf32> to vector<1xf32>
              %squeeze3A_561 = vector.extract %slice3A_560[0] : f32 from vector<1xf32>
              %broadcast_in_dim3A_562 = vector.broadcast %squeeze3A_561 : f32 to vector<16xf32>
              %add3A_563 = arith.constant 3712 : i32
              %add3A_564 = vector.broadcast %add3A_563 : i32 to vector<16xi32>
              %add3A_565 = arith.addi %add3A_450, %add3A_564 : vector<16xi32>
              %mul3A_566 = arith.mulf %broadcast_in_dim3A_562, %mul3A_443 : vector<16xf32>
              tpu.vector_store_idx %arg11[%add3A_565], %mul3A_566 {add = true} : memref<66816xf32, #tpu.memory_space<vmem>>[vector<16xi32>], vector<16xf32>,
              %slice3A_567 = vector.extract_strided_slice %get3A_416 {offsets = [14], sizes = [1], strides = [1]} : vector<16xf32> to vector<1xf32>
              %squeeze3A_568 = vector.extract %slice3A_567[0] : f32 from vector<1xf32>
              %broadcast_in_dim3A_569 = vector.broadcast %squeeze3A_568 : f32 to vector<16xf32>
              %add3A_570 = arith.constant 3840 : i32
              %add3A_571 = vector.broadcast %add3A_570 : i32 to vector<16xi32>
              %add3A_572 = arith.addi %add3A_450, %add3A_571 : vector<16xi32>
              %mul3A_573 = arith.mulf %broadcast_in_dim3A_569, %mul3A_443 : vector<16xf32>
              tpu.vector_store_idx %arg11[%add3A_572], %mul3A_573 {add = true} : memref<66816xf32, #tpu.memory_space<vmem>>[vector<16xi32>], vector<16xf32>,
              %slice3A_574 = vector.extract_strided_slice %get3A_416 {offsets = [15], sizes = [1], strides = [1]} : vector<16xf32> to vector<1xf32>
              %squeeze3A_575 = vector.extract %slice3A_574[0] : f32 from vector<1xf32>
              %broadcast_in_dim3A_576 = vector.broadcast %squeeze3A_575 : f32 to vector<16xf32>
              %add3A_577 = arith.constant 3968 : i32
              %add3A_578 = vector.broadcast %add3A_577 : i32 to vector<16xi32>
              %add3A_579 = arith.addi %add3A_450, %add3A_578 : vector<16xi32>
              %mul3A_580 = arith.mulf %broadcast_in_dim3A_576, %mul3A_443 : vector<16xf32>
              tpu.vector_store_idx %arg11[%add3A_579], %mul3A_580 {add = true} : memref<66816xf32, #tpu.memory_space<vmem>>[vector<16xi32>], vector<16xf32>,
            } else {
            }
          }
          %while3A_438 = arith.constant 1 : i32
          scf.for %while3A_439 = %while3A_436 to %while3A_432 step %while3A_438  : i32 {
            %broadcast_in_dim3A_440 = vector.broadcast %mul3A_404 : i32 to vector<16xi32>
            %sub3A = arith.subi %while3A_439, %squeeze3A_384 : i32
            %add3A_441 = vector.broadcast %sub3A : i32 to vector<16xi32>
            %add3A_442 = arith.addi %broadcast_in_dim3A_440, %add3A_441 : vector<16xi32>
            %gather3A = tpu.vector_load_idx %arg7[%add3A_442] : memref<16384xf32, #tpu.memory_space<vmem>>[vector<16xi32>], vector<16xf32>,
            %mul3A_443 = arith.mulf %gather3A, %get3A_406 : vector<16xf32>
            %mul3A_444 = arith.mulf %gather3A, %get3A_410 : vector<16xf32>
            %sub3A_445 = arith.subi %while3A_439, %mul3A_357 : i32
            %mul3A_446 = arith.constant 16384 : i32
            %mul3A_447 = arith.muli %sub3A_445, %mul3A_446 : i32
            %add3A_448 = arith.addi %mul3A_447, %add3A_421 : i32
            %add3A_449 = vector.broadcast %add3A_448 : i32 to vector<16xi32>
            %add3A_450 = arith.addi %add3A_449, %iota3A : vector<16xi32>
            %add3A_451 = arith.constant 16 : i32
            %add3A_452 = vector.broadcast %add3A_451 : i32 to vector<16xi32>
            %add3A_453 = arith.addi %add3A_450, %add3A_452 : vector<16xi32>
            %slice3A_454 = vector.extract_strided_slice %get3A_412 {offsets = [0], sizes = [1], strides = [1]} : vector<16xf32> to vector<1xf32>
            %squeeze3A_455 = vector.extract %slice3A_454[0] : f32 from vector<1xf32>
            %broadcast_in_dim3A_456 = vector.broadcast %squeeze3A_455 : f32 to vector<16xf32>
            %add3A_457 = arith.constant 0 : i32
            %add3A_458 = vector.broadcast %add3A_457 : i32 to vector<16xi32>
            %add3A_459 = arith.addi %add3A_450, %add3A_458 : vector<16xi32>
            %mul3A_460 = arith.mulf %broadcast_in_dim3A_456, %mul3A_443 : vector<16xf32>
            tpu.vector_store_idx %arg11[%add3A_459], %mul3A_460 {add = true} : memref<66816xf32, #tpu.memory_space<vmem>>[vector<16xi32>], vector<16xf32>,
            %slice3A_461 = vector.extract_strided_slice %get3A_412 {offsets = [1], sizes = [1], strides = [1]} : vector<16xf32> to vector<1xf32>
            %squeeze3A_462 = vector.extract %slice3A_461[0] : f32 from vector<1xf32>
            %broadcast_in_dim3A_463 = vector.broadcast %squeeze3A_462 : f32 to vector<16xf32>
            %add3A_464 = arith.constant 128 : i32
            %add3A_465 = vector.broadcast %add3A_464 : i32 to vector<16xi32>
            %add3A_466 = arith.addi %add3A_450, %add3A_465 : vector<16xi32>
            %mul3A_467 = arith.mulf %broadcast_in_dim3A_463, %mul3A_443 : vector<16xf32>
            tpu.vector_store_idx %arg11[%add3A_466], %mul3A_467 {add = true} : memref<66816xf32, #tpu.memory_space<vmem>>[vector<16xi32>], vector<16xf32>,
            %slice3A_468 = vector.extract_strided_slice %get3A_412 {offsets = [2], sizes = [1], strides = [1]} : vector<16xf32> to vector<1xf32>
            %squeeze3A_469 = vector.extract %slice3A_468[0] : f32 from vector<1xf32>
            %broadcast_in_dim3A_470 = vector.broadcast %squeeze3A_469 : f32 to vector<16xf32>
            %add3A_471 = arith.constant 256 : i32
            %add3A_472 = vector.broadcast %add3A_471 : i32 to vector<16xi32>
            %add3A_473 = arith.addi %add3A_450, %add3A_472 : vector<16xi32>
            %mul3A_474 = arith.mulf %broadcast_in_dim3A_470, %mul3A_443 : vector<16xf32>
            tpu.vector_store_idx %arg11[%add3A_473], %mul3A_474 {add = true} : memref<66816xf32, #tpu.memory_space<vmem>>[vector<16xi32>], vector<16xf32>,
            %slice3A_475 = vector.extract_strided_slice %get3A_412 {offsets = [3], sizes = [1], strides = [1]} : vector<16xf32> to vector<1xf32>
            %squeeze3A_476 = vector.extract %slice3A_475[0] : f32 from vector<1xf32>
            %broadcast_in_dim3A_477 = vector.broadcast %squeeze3A_476 : f32 to vector<16xf32>
            %add3A_478 = arith.constant 384 : i32
            %add3A_479 = vector.broadcast %add3A_478 : i32 to vector<16xi32>
            %add3A_480 = arith.addi %add3A_450, %add3A_479 : vector<16xi32>
            %mul3A_481 = arith.mulf %broadcast_in_dim3A_477, %mul3A_443 : vector<16xf32>
            tpu.vector_store_idx %arg11[%add3A_480], %mul3A_481 {add = true} : memref<66816xf32, #tpu.memory_space<vmem>>[vector<16xi32>], vector<16xf32>,
            %slice3A_482 = vector.extract_strided_slice %get3A_412 {offsets = [4], sizes = [1], strides = [1]} : vector<16xf32> to vector<1xf32>
            %squeeze3A_483 = vector.extract %slice3A_482[0] : f32 from vector<1xf32>
            %broadcast_in_dim3A_484 = vector.broadcast %squeeze3A_483 : f32 to vector<16xf32>
            %add3A_485 = arith.constant 512 : i32
            %add3A_486 = vector.broadcast %add3A_485 : i32 to vector<16xi32>
            %add3A_487 = arith.addi %add3A_450, %add3A_486 : vector<16xi32>
            %mul3A_488 = arith.mulf %broadcast_in_dim3A_484, %mul3A_443 : vector<16xf32>
            tpu.vector_store_idx %arg11[%add3A_487], %mul3A_488 {add = true} : memref<66816xf32, #tpu.memory_space<vmem>>[vector<16xi32>], vector<16xf32>,
            %slice3A_489 = vector.extract_strided_slice %get3A_412 {offsets = [5], sizes = [1], strides = [1]} : vector<16xf32> to vector<1xf32>
            %squeeze3A_490 = vector.extract %slice3A_489[0] : f32 from vector<1xf32>
            %broadcast_in_dim3A_491 = vector.broadcast %squeeze3A_490 : f32 to vector<16xf32>
            %add3A_492 = arith.constant 640 : i32
            %add3A_493 = vector.broadcast %add3A_492 : i32 to vector<16xi32>
            %add3A_494 = arith.addi %add3A_450, %add3A_493 : vector<16xi32>
            %mul3A_495 = arith.mulf %broadcast_in_dim3A_491, %mul3A_443 : vector<16xf32>
            tpu.vector_store_idx %arg11[%add3A_494], %mul3A_495 {add = true} : memref<66816xf32, #tpu.memory_space<vmem>>[vector<16xi32>], vector<16xf32>,
            %slice3A_496 = vector.extract_strided_slice %get3A_412 {offsets = [6], sizes = [1], strides = [1]} : vector<16xf32> to vector<1xf32>
            %squeeze3A_497 = vector.extract %slice3A_496[0] : f32 from vector<1xf32>
            %broadcast_in_dim3A_498 = vector.broadcast %squeeze3A_497 : f32 to vector<16xf32>
            %add3A_499 = arith.constant 768 : i32
            %add3A_500 = vector.broadcast %add3A_499 : i32 to vector<16xi32>
            %add3A_501 = arith.addi %add3A_450, %add3A_500 : vector<16xi32>
            %mul3A_502 = arith.mulf %broadcast_in_dim3A_498, %mul3A_443 : vector<16xf32>
            tpu.vector_store_idx %arg11[%add3A_501], %mul3A_502 {add = true} : memref<66816xf32, #tpu.memory_space<vmem>>[vector<16xi32>], vector<16xf32>,
            %slice3A_503 = vector.extract_strided_slice %get3A_412 {offsets = [7], sizes = [1], strides = [1]} : vector<16xf32> to vector<1xf32>
            %squeeze3A_504 = vector.extract %slice3A_503[0] : f32 from vector<1xf32>
            %broadcast_in_dim3A_505 = vector.broadcast %squeeze3A_504 : f32 to vector<16xf32>
            %add3A_506 = arith.constant 896 : i32
            %add3A_507 = vector.broadcast %add3A_506 : i32 to vector<16xi32>
            %add3A_508 = arith.addi %add3A_450, %add3A_507 : vector<16xi32>
            %mul3A_509 = arith.mulf %broadcast_in_dim3A_505, %mul3A_443 : vector<16xf32>
            tpu.vector_store_idx %arg11[%add3A_508], %mul3A_509 {add = true} : memref<66816xf32, #tpu.memory_space<vmem>>[vector<16xi32>], vector<16xf32>,
            %gt3A_510 = arith.constant 8 : i32
            %gt3A_511 = arith.cmpi sgt, %squeeze3A_398, %gt3A_510 : i32
            %convert_element_type3A_512 = arith.extui %gt3A_511 : i1 to i32
            %cond3A_513 = arith.constant 0 : i32
            %cond3A_514 = arith.cmpi ne, %convert_element_type3A_512, %cond3A_513 : i32
            scf.if %cond3A_514 {
              %slice3A_525 = vector.extract_strided_slice %get3A_412 {offsets = [8], sizes = [1], strides = [1]} : vector<16xf32> to vector<1xf32>
              %squeeze3A_526 = vector.extract %slice3A_525[0] : f32 from vector<1xf32>
              %broadcast_in_dim3A_527 = vector.broadcast %squeeze3A_526 : f32 to vector<16xf32>
              %add3A_528 = arith.constant 1024 : i32
              %add3A_529 = vector.broadcast %add3A_528 : i32 to vector<16xi32>
              %add3A_530 = arith.addi %add3A_450, %add3A_529 : vector<16xi32>
              %mul3A_531 = arith.mulf %broadcast_in_dim3A_527, %mul3A_443 : vector<16xf32>
              tpu.vector_store_idx %arg11[%add3A_530], %mul3A_531 {add = true} : memref<66816xf32, #tpu.memory_space<vmem>>[vector<16xi32>], vector<16xf32>,
              %slice3A_532 = vector.extract_strided_slice %get3A_412 {offsets = [9], sizes = [1], strides = [1]} : vector<16xf32> to vector<1xf32>
              %squeeze3A_533 = vector.extract %slice3A_532[0] : f32 from vector<1xf32>
              %broadcast_in_dim3A_534 = vector.broadcast %squeeze3A_533 : f32 to vector<16xf32>
              %add3A_535 = arith.constant 1152 : i32
              %add3A_536 = vector.broadcast %add3A_535 : i32 to vector<16xi32>
              %add3A_537 = arith.addi %add3A_450, %add3A_536 : vector<16xi32>
              %mul3A_538 = arith.mulf %broadcast_in_dim3A_534, %mul3A_443 : vector<16xf32>
              tpu.vector_store_idx %arg11[%add3A_537], %mul3A_538 {add = true} : memref<66816xf32, #tpu.memory_space<vmem>>[vector<16xi32>], vector<16xf32>,
              %slice3A_539 = vector.extract_strided_slice %get3A_412 {offsets = [10], sizes = [1], strides = [1]} : vector<16xf32> to vector<1xf32>
              %squeeze3A_540 = vector.extract %slice3A_539[0] : f32 from vector<1xf32>
              %broadcast_in_dim3A_541 = vector.broadcast %squeeze3A_540 : f32 to vector<16xf32>
              %add3A_542 = arith.constant 1280 : i32
              %add3A_543 = vector.broadcast %add3A_542 : i32 to vector<16xi32>
              %add3A_544 = arith.addi %add3A_450, %add3A_543 : vector<16xi32>
              %mul3A_545 = arith.mulf %broadcast_in_dim3A_541, %mul3A_443 : vector<16xf32>
              tpu.vector_store_idx %arg11[%add3A_544], %mul3A_545 {add = true} : memref<66816xf32, #tpu.memory_space<vmem>>[vector<16xi32>], vector<16xf32>,
              %slice3A_546 = vector.extract_strided_slice %get3A_412 {offsets = [11], sizes = [1], strides = [1]} : vector<16xf32> to vector<1xf32>
              %squeeze3A_547 = vector.extract %slice3A_546[0] : f32 from vector<1xf32>
              %broadcast_in_dim3A_548 = vector.broadcast %squeeze3A_547 : f32 to vector<16xf32>
              %add3A_549 = arith.constant 1408 : i32
              %add3A_550 = vector.broadcast %add3A_549 : i32 to vector<16xi32>
              %add3A_551 = arith.addi %add3A_450, %add3A_550 : vector<16xi32>
              %mul3A_552 = arith.mulf %broadcast_in_dim3A_548, %mul3A_443 : vector<16xf32>
              tpu.vector_store_idx %arg11[%add3A_551], %mul3A_552 {add = true} : memref<66816xf32, #tpu.memory_space<vmem>>[vector<16xi32>], vector<16xf32>,
              %slice3A_553 = vector.extract_strided_slice %get3A_412 {offsets = [12], sizes = [1], strides = [1]} : vector<16xf32> to vector<1xf32>
              %squeeze3A_554 = vector.extract %slice3A_553[0] : f32 from vector<1xf32>
              %broadcast_in_dim3A_555 = vector.broadcast %squeeze3A_554 : f32 to vector<16xf32>
              %add3A_556 = arith.constant 1536 : i32
              %add3A_557 = vector.broadcast %add3A_556 : i32 to vector<16xi32>
              %add3A_558 = arith.addi %add3A_450, %add3A_557 : vector<16xi32>
              %mul3A_559 = arith.mulf %broadcast_in_dim3A_555, %mul3A_443 : vector<16xf32>
              tpu.vector_store_idx %arg11[%add3A_558], %mul3A_559 {add = true} : memref<66816xf32, #tpu.memory_space<vmem>>[vector<16xi32>], vector<16xf32>,
              %slice3A_560 = vector.extract_strided_slice %get3A_412 {offsets = [13], sizes = [1], strides = [1]} : vector<16xf32> to vector<1xf32>
              %squeeze3A_561 = vector.extract %slice3A_560[0] : f32 from vector<1xf32>
              %broadcast_in_dim3A_562 = vector.broadcast %squeeze3A_561 : f32 to vector<16xf32>
              %add3A_563 = arith.constant 1664 : i32
              %add3A_564 = vector.broadcast %add3A_563 : i32 to vector<16xi32>
              %add3A_565 = arith.addi %add3A_450, %add3A_564 : vector<16xi32>
              %mul3A_566 = arith.mulf %broadcast_in_dim3A_562, %mul3A_443 : vector<16xf32>
              tpu.vector_store_idx %arg11[%add3A_565], %mul3A_566 {add = true} : memref<66816xf32, #tpu.memory_space<vmem>>[vector<16xi32>], vector<16xf32>,
              %slice3A_567 = vector.extract_strided_slice %get3A_412 {offsets = [14], sizes = [1], strides = [1]} : vector<16xf32> to vector<1xf32>
              %squeeze3A_568 = vector.extract %slice3A_567[0] : f32 from vector<1xf32>
              %broadcast_in_dim3A_569 = vector.broadcast %squeeze3A_568 : f32 to vector<16xf32>
              %add3A_570 = arith.constant 1792 : i32
              %add3A_571 = vector.broadcast %add3A_570 : i32 to vector<16xi32>
              %add3A_572 = arith.addi %add3A_450, %add3A_571 : vector<16xi32>
              %mul3A_573 = arith.mulf %broadcast_in_dim3A_569, %mul3A_443 : vector<16xf32>
              tpu.vector_store_idx %arg11[%add3A_572], %mul3A_573 {add = true} : memref<66816xf32, #tpu.memory_space<vmem>>[vector<16xi32>], vector<16xf32>,
              %slice3A_574 = vector.extract_strided_slice %get3A_412 {offsets = [15], sizes = [1], strides = [1]} : vector<16xf32> to vector<1xf32>
              %squeeze3A_575 = vector.extract %slice3A_574[0] : f32 from vector<1xf32>
              %broadcast_in_dim3A_576 = vector.broadcast %squeeze3A_575 : f32 to vector<16xf32>
              %add3A_577 = arith.constant 1920 : i32
              %add3A_578 = vector.broadcast %add3A_577 : i32 to vector<16xi32>
              %add3A_579 = arith.addi %add3A_450, %add3A_578 : vector<16xi32>
              %mul3A_580 = arith.mulf %broadcast_in_dim3A_576, %mul3A_443 : vector<16xf32>
              tpu.vector_store_idx %arg11[%add3A_579], %mul3A_580 {add = true} : memref<66816xf32, #tpu.memory_space<vmem>>[vector<16xi32>], vector<16xf32>,
            } else {
            }
            %gt3A_515 = arith.constant 16 : i32
            %gt3A_516 = arith.cmpi sgt, %squeeze3A_398, %gt3A_515 : i32
            %convert_element_type3A_517 = arith.extui %gt3A_516 : i1 to i32
            %cond3A_518 = arith.constant 0 : i32
            %cond3A_519 = arith.cmpi ne, %convert_element_type3A_517, %cond3A_518 : i32
            scf.if %cond3A_519 {
              %slice3A_525 = vector.extract_strided_slice %get3A_416 {offsets = [0], sizes = [1], strides = [1]} : vector<16xf32> to vector<1xf32>
              %squeeze3A_526 = vector.extract %slice3A_525[0] : f32 from vector<1xf32>
              %broadcast_in_dim3A_527 = vector.broadcast %squeeze3A_526 : f32 to vector<16xf32>
              %add3A_528 = arith.constant 2048 : i32
              %add3A_529 = vector.broadcast %add3A_528 : i32 to vector<16xi32>
              %add3A_530 = arith.addi %add3A_450, %add3A_529 : vector<16xi32>
              %mul3A_531 = arith.mulf %broadcast_in_dim3A_527, %mul3A_443 : vector<16xf32>
              tpu.vector_store_idx %arg11[%add3A_530], %mul3A_531 {add = true} : memref<66816xf32, #tpu.memory_space<vmem>>[vector<16xi32>], vector<16xf32>,
              %slice3A_532 = vector.extract_strided_slice %get3A_416 {offsets = [1], sizes = [1], strides = [1]} : vector<16xf32> to vector<1xf32>
              %squeeze3A_533 = vector.extract %slice3A_532[0] : f32 from vector<1xf32>
              %broadcast_in_dim3A_534 = vector.broadcast %squeeze3A_533 : f32 to vector<16xf32>
              %add3A_535 = arith.constant 2176 : i32
              %add3A_536 = vector.broadcast %add3A_535 : i32 to vector<16xi32>
              %add3A_537 = arith.addi %add3A_450, %add3A_536 : vector<16xi32>
              %mul3A_538 = arith.mulf %broadcast_in_dim3A_534, %mul3A_443 : vector<16xf32>
              tpu.vector_store_idx %arg11[%add3A_537], %mul3A_538 {add = true} : memref<66816xf32, #tpu.memory_space<vmem>>[vector<16xi32>], vector<16xf32>,
              %slice3A_539 = vector.extract_strided_slice %get3A_416 {offsets = [2], sizes = [1], strides = [1]} : vector<16xf32> to vector<1xf32>
              %squeeze3A_540 = vector.extract %slice3A_539[0] : f32 from vector<1xf32>
              %broadcast_in_dim3A_541 = vector.broadcast %squeeze3A_540 : f32 to vector<16xf32>
              %add3A_542 = arith.constant 2304 : i32
              %add3A_543 = vector.broadcast %add3A_542 : i32 to vector<16xi32>
              %add3A_544 = arith.addi %add3A_450, %add3A_543 : vector<16xi32>
              %mul3A_545 = arith.mulf %broadcast_in_dim3A_541, %mul3A_443 : vector<16xf32>
              tpu.vector_store_idx %arg11[%add3A_544], %mul3A_545 {add = true} : memref<66816xf32, #tpu.memory_space<vmem>>[vector<16xi32>], vector<16xf32>,
              %slice3A_546 = vector.extract_strided_slice %get3A_416 {offsets = [3], sizes = [1], strides = [1]} : vector<16xf32> to vector<1xf32>
              %squeeze3A_547 = vector.extract %slice3A_546[0] : f32 from vector<1xf32>
              %broadcast_in_dim3A_548 = vector.broadcast %squeeze3A_547 : f32 to vector<16xf32>
              %add3A_549 = arith.constant 2432 : i32
              %add3A_550 = vector.broadcast %add3A_549 : i32 to vector<16xi32>
              %add3A_551 = arith.addi %add3A_450, %add3A_550 : vector<16xi32>
              %mul3A_552 = arith.mulf %broadcast_in_dim3A_548, %mul3A_443 : vector<16xf32>
              tpu.vector_store_idx %arg11[%add3A_551], %mul3A_552 {add = true} : memref<66816xf32, #tpu.memory_space<vmem>>[vector<16xi32>], vector<16xf32>,
              %slice3A_553 = vector.extract_strided_slice %get3A_416 {offsets = [4], sizes = [1], strides = [1]} : vector<16xf32> to vector<1xf32>
              %squeeze3A_554 = vector.extract %slice3A_553[0] : f32 from vector<1xf32>
              %broadcast_in_dim3A_555 = vector.broadcast %squeeze3A_554 : f32 to vector<16xf32>
              %add3A_556 = arith.constant 2560 : i32
              %add3A_557 = vector.broadcast %add3A_556 : i32 to vector<16xi32>
              %add3A_558 = arith.addi %add3A_450, %add3A_557 : vector<16xi32>
              %mul3A_559 = arith.mulf %broadcast_in_dim3A_555, %mul3A_443 : vector<16xf32>
              tpu.vector_store_idx %arg11[%add3A_558], %mul3A_559 {add = true} : memref<66816xf32, #tpu.memory_space<vmem>>[vector<16xi32>], vector<16xf32>,
              %slice3A_560 = vector.extract_strided_slice %get3A_416 {offsets = [5], sizes = [1], strides = [1]} : vector<16xf32> to vector<1xf32>
              %squeeze3A_561 = vector.extract %slice3A_560[0] : f32 from vector<1xf32>
              %broadcast_in_dim3A_562 = vector.broadcast %squeeze3A_561 : f32 to vector<16xf32>
              %add3A_563 = arith.constant 2688 : i32
              %add3A_564 = vector.broadcast %add3A_563 : i32 to vector<16xi32>
              %add3A_565 = arith.addi %add3A_450, %add3A_564 : vector<16xi32>
              %mul3A_566 = arith.mulf %broadcast_in_dim3A_562, %mul3A_443 : vector<16xf32>
              tpu.vector_store_idx %arg11[%add3A_565], %mul3A_566 {add = true} : memref<66816xf32, #tpu.memory_space<vmem>>[vector<16xi32>], vector<16xf32>,
              %slice3A_567 = vector.extract_strided_slice %get3A_416 {offsets = [6], sizes = [1], strides = [1]} : vector<16xf32> to vector<1xf32>
              %squeeze3A_568 = vector.extract %slice3A_567[0] : f32 from vector<1xf32>
              %broadcast_in_dim3A_569 = vector.broadcast %squeeze3A_568 : f32 to vector<16xf32>
              %add3A_570 = arith.constant 2816 : i32
              %add3A_571 = vector.broadcast %add3A_570 : i32 to vector<16xi32>
              %add3A_572 = arith.addi %add3A_450, %add3A_571 : vector<16xi32>
              %mul3A_573 = arith.mulf %broadcast_in_dim3A_569, %mul3A_443 : vector<16xf32>
              tpu.vector_store_idx %arg11[%add3A_572], %mul3A_573 {add = true} : memref<66816xf32, #tpu.memory_space<vmem>>[vector<16xi32>], vector<16xf32>,
              %slice3A_574 = vector.extract_strided_slice %get3A_416 {offsets = [7], sizes = [1], strides = [1]} : vector<16xf32> to vector<1xf32>
              %squeeze3A_575 = vector.extract %slice3A_574[0] : f32 from vector<1xf32>
              %broadcast_in_dim3A_576 = vector.broadcast %squeeze3A_575 : f32 to vector<16xf32>
              %add3A_577 = arith.constant 2944 : i32
              %add3A_578 = vector.broadcast %add3A_577 : i32 to vector<16xi32>
              %add3A_579 = arith.addi %add3A_450, %add3A_578 : vector<16xi32>
              %mul3A_580 = arith.mulf %broadcast_in_dim3A_576, %mul3A_443 : vector<16xf32>
              tpu.vector_store_idx %arg11[%add3A_579], %mul3A_580 {add = true} : memref<66816xf32, #tpu.memory_space<vmem>>[vector<16xi32>], vector<16xf32>,
            } else {
            }
            %gt3A_520 = arith.constant 24 : i32
            %gt3A_521 = arith.cmpi sgt, %squeeze3A_398, %gt3A_520 : i32
            %convert_element_type3A_522 = arith.extui %gt3A_521 : i1 to i32
            %cond3A_523 = arith.constant 0 : i32
            %cond3A_524 = arith.cmpi ne, %convert_element_type3A_522, %cond3A_523 : i32
            scf.if %cond3A_524 {
              %slice3A_525 = vector.extract_strided_slice %get3A_416 {offsets = [8], sizes = [1], strides = [1]} : vector<16xf32> to vector<1xf32>
              %squeeze3A_526 = vector.extract %slice3A_525[0] : f32 from vector<1xf32>
              %broadcast_in_dim3A_527 = vector.broadcast %squeeze3A_526 : f32 to vector<16xf32>
              %add3A_528 = arith.constant 3072 : i32
              %add3A_529 = vector.broadcast %add3A_528 : i32 to vector<16xi32>
              %add3A_530 = arith.addi %add3A_450, %add3A_529 : vector<16xi32>
              %mul3A_531 = arith.mulf %broadcast_in_dim3A_527, %mul3A_443 : vector<16xf32>
              tpu.vector_store_idx %arg11[%add3A_530], %mul3A_531 {add = true} : memref<66816xf32, #tpu.memory_space<vmem>>[vector<16xi32>], vector<16xf32>,
              %slice3A_532 = vector.extract_strided_slice %get3A_416 {offsets = [9], sizes = [1], strides = [1]} : vector<16xf32> to vector<1xf32>
              %squeeze3A_533 = vector.extract %slice3A_532[0] : f32 from vector<1xf32>
              %broadcast_in_dim3A_534 = vector.broadcast %squeeze3A_533 : f32 to vector<16xf32>
              %add3A_535 = arith.constant 3200 : i32
              %add3A_536 = vector.broadcast %add3A_535 : i32 to vector<16xi32>
              %add3A_537 = arith.addi %add3A_450, %add3A_536 : vector<16xi32>
              %mul3A_538 = arith.mulf %broadcast_in_dim3A_534, %mul3A_443 : vector<16xf32>
              tpu.vector_store_idx %arg11[%add3A_537], %mul3A_538 {add = true} : memref<66816xf32, #tpu.memory_space<vmem>>[vector<16xi32>], vector<16xf32>,
              %slice3A_539 = vector.extract_strided_slice %get3A_416 {offsets = [10], sizes = [1], strides = [1]} : vector<16xf32> to vector<1xf32>
              %squeeze3A_540 = vector.extract %slice3A_539[0] : f32 from vector<1xf32>
              %broadcast_in_dim3A_541 = vector.broadcast %squeeze3A_540 : f32 to vector<16xf32>
              %add3A_542 = arith.constant 3328 : i32
              %add3A_543 = vector.broadcast %add3A_542 : i32 to vector<16xi32>
              %add3A_544 = arith.addi %add3A_450, %add3A_543 : vector<16xi32>
              %mul3A_545 = arith.mulf %broadcast_in_dim3A_541, %mul3A_443 : vector<16xf32>
              tpu.vector_store_idx %arg11[%add3A_544], %mul3A_545 {add = true} : memref<66816xf32, #tpu.memory_space<vmem>>[vector<16xi32>], vector<16xf32>,
              %slice3A_546 = vector.extract_strided_slice %get3A_416 {offsets = [11], sizes = [1], strides = [1]} : vector<16xf32> to vector<1xf32>
              %squeeze3A_547 = vector.extract %slice3A_546[0] : f32 from vector<1xf32>
              %broadcast_in_dim3A_548 = vector.broadcast %squeeze3A_547 : f32 to vector<16xf32>
              %add3A_549 = arith.constant 3456 : i32
              %add3A_550 = vector.broadcast %add3A_549 : i32 to vector<16xi32>
              %add3A_551 = arith.addi %add3A_450, %add3A_550 : vector<16xi32>
              %mul3A_552 = arith.mulf %broadcast_in_dim3A_548, %mul3A_443 : vector<16xf32>
              tpu.vector_store_idx %arg11[%add3A_551], %mul3A_552 {add = true} : memref<66816xf32, #tpu.memory_space<vmem>>[vector<16xi32>], vector<16xf32>,
              %slice3A_553 = vector.extract_strided_slice %get3A_416 {offsets = [12], sizes = [1], strides = [1]} : vector<16xf32> to vector<1xf32>
              %squeeze3A_554 = vector.extract %slice3A_553[0] : f32 from vector<1xf32>
              %broadcast_in_dim3A_555 = vector.broadcast %squeeze3A_554 : f32 to vector<16xf32>
              %add3A_556 = arith.constant 3584 : i32
              %add3A_557 = vector.broadcast %add3A_556 : i32 to vector<16xi32>
              %add3A_558 = arith.addi %add3A_450, %add3A_557 : vector<16xi32>
              %mul3A_559 = arith.mulf %broadcast_in_dim3A_555, %mul3A_443 : vector<16xf32>
              tpu.vector_store_idx %arg11[%add3A_558], %mul3A_559 {add = true} : memref<66816xf32, #tpu.memory_space<vmem>>[vector<16xi32>], vector<16xf32>,
              %slice3A_560 = vector.extract_strided_slice %get3A_416 {offsets = [13], sizes = [1], strides = [1]} : vector<16xf32> to vector<1xf32>
              %squeeze3A_561 = vector.extract %slice3A_560[0] : f32 from vector<1xf32>
              %broadcast_in_dim3A_562 = vector.broadcast %squeeze3A_561 : f32 to vector<16xf32>
              %add3A_563 = arith.constant 3712 : i32
              %add3A_564 = vector.broadcast %add3A_563 : i32 to vector<16xi32>
              %add3A_565 = arith.addi %add3A_450, %add3A_564 : vector<16xi32>
              %mul3A_566 = arith.mulf %broadcast_in_dim3A_562, %mul3A_443 : vector<16xf32>
              tpu.vector_store_idx %arg11[%add3A_565], %mul3A_566 {add = true} : memref<66816xf32, #tpu.memory_space<vmem>>[vector<16xi32>], vector<16xf32>,
              %slice3A_567 = vector.extract_strided_slice %get3A_416 {offsets = [14], sizes = [1], strides = [1]} : vector<16xf32> to vector<1xf32>
              %squeeze3A_568 = vector.extract %slice3A_567[0] : f32 from vector<1xf32>
              %broadcast_in_dim3A_569 = vector.broadcast %squeeze3A_568 : f32 to vector<16xf32>
              %add3A_570 = arith.constant 3840 : i32
              %add3A_571 = vector.broadcast %add3A_570 : i32 to vector<16xi32>
              %add3A_572 = arith.addi %add3A_450, %add3A_571 : vector<16xi32>
              %mul3A_573 = arith.mulf %broadcast_in_dim3A_569, %mul3A_443 : vector<16xf32>
              tpu.vector_store_idx %arg11[%add3A_572], %mul3A_573 {add = true} : memref<66816xf32, #tpu.memory_space<vmem>>[vector<16xi32>], vector<16xf32>,
              %slice3A_574 = vector.extract_strided_slice %get3A_416 {offsets = [15], sizes = [1], strides = [1]} : vector<16xf32> to vector<1xf32>
              %squeeze3A_575 = vector.extract %slice3A_574[0] : f32 from vector<1xf32>
              %broadcast_in_dim3A_576 = vector.broadcast %squeeze3A_575 : f32 to vector<16xf32>
              %add3A_577 = arith.constant 3968 : i32
              %add3A_578 = vector.broadcast %add3A_577 : i32 to vector<16xi32>
              %add3A_579 = arith.addi %add3A_450, %add3A_578 : vector<16xi32>
              %mul3A_580 = arith.mulf %broadcast_in_dim3A_576, %mul3A_443 : vector<16xf32>
              tpu.vector_store_idx %arg11[%add3A_579], %mul3A_580 {add = true} : memref<66816xf32, #tpu.memory_space<vmem>>[vector<16xi32>], vector<16xf32>,
            } else {
            }
          }
        } else {
        }
        %gt3A_426 = arith.constant 16 : i32
        %gt3A_427 = arith.cmpi sgt, %squeeze3A_402, %gt3A_426 : i32
        %convert_element_type3A_428 = arith.extui %gt3A_427 : i1 to i32
        %cond3A_429 = arith.constant 0 : i32
        %cond3A_430 = arith.cmpi ne, %convert_element_type3A_428, %cond3A_429 : i32
        scf.if %cond3A_430 {
          %while3A = arith.constant 0 : i32
          %while3A_431 = arith.subi %min3A, %max3A : i32
          %while3A_432 = arith.addi %max3A, %while3A_431 : i32
          %while3A_433 = arith.constant 1 : i32
          %while3A_434 = arith.divsi %while3A_431, %while3A_433 : i32
          %while3A_435 = arith.muli %while3A_434, %while3A_433 : i32
          %while3A_436 = arith.addi %max3A, %while3A_435 : i32
          %while3A_437 = arith.constant 1 : i32
          scf.for %while3A_439 = %max3A to %while3A_436 step %while3A_437  : i32 {
            %broadcast_in_dim3A_440 = vector.broadcast %mul3A_404 : i32 to vector<16xi32>
            %sub3A = arith.subi %while3A_439, %squeeze3A_384 : i32
            %add3A_441 = vector.broadcast %sub3A : i32 to vector<16xi32>
            %add3A_442 = arith.addi %broadcast_in_dim3A_440, %add3A_441 : vector<16xi32>
            %gather3A = tpu.vector_load_idx %arg7[%add3A_442] : memref<16384xf32, #tpu.memory_space<vmem>>[vector<16xi32>], vector<16xf32>,
            %mul3A_443 = arith.mulf %gather3A, %get3A_406 : vector<16xf32>
            %mul3A_444 = arith.mulf %gather3A, %get3A_410 : vector<16xf32>
            %sub3A_445 = arith.subi %while3A_439, %mul3A_357 : i32
            %mul3A_446 = arith.constant 16384 : i32
            %mul3A_447 = arith.muli %sub3A_445, %mul3A_446 : i32
            %add3A_448 = arith.addi %mul3A_447, %add3A_421 : i32
            %add3A_449 = vector.broadcast %add3A_448 : i32 to vector<16xi32>
            %add3A_450 = arith.addi %add3A_449, %iota3A : vector<16xi32>
            %add3A_451 = arith.constant 16 : i32
            %add3A_452 = vector.broadcast %add3A_451 : i32 to vector<16xi32>
            %add3A_453 = arith.addi %add3A_450, %add3A_452 : vector<16xi32>
            %slice3A_454 = vector.extract_strided_slice %get3A_412 {offsets = [0], sizes = [1], strides = [1]} : vector<16xf32> to vector<1xf32>
            %squeeze3A_455 = vector.extract %slice3A_454[0] : f32 from vector<1xf32>
            %broadcast_in_dim3A_456 = vector.broadcast %squeeze3A_455 : f32 to vector<16xf32>
            %add3A_457 = arith.constant 0 : i32
            %add3A_458 = vector.broadcast %add3A_457 : i32 to vector<16xi32>
            %add3A_459 = arith.addi %add3A_450, %add3A_458 : vector<16xi32>
            %mul3A_460 = arith.mulf %broadcast_in_dim3A_456, %mul3A_443 : vector<16xf32>
            tpu.vector_store_idx %arg11[%add3A_459], %mul3A_460 {add = true} : memref<66816xf32, #tpu.memory_space<vmem>>[vector<16xi32>], vector<16xf32>,
            %add3A_461 = arith.constant 0 : i32
            %add3A_462 = vector.broadcast %add3A_461 : i32 to vector<16xi32>
            %add3A_463 = arith.addi %add3A_453, %add3A_462 : vector<16xi32>
            %mul3A_464 = arith.mulf %broadcast_in_dim3A_456, %mul3A_444 : vector<16xf32>
            tpu.vector_store_idx %arg11[%add3A_463], %mul3A_464 {add = true} : memref<66816xf32, #tpu.memory_space<vmem>>[vector<16xi32>], vector<16xf32>,
            %slice3A_465 = vector.extract_strided_slice %get3A_412 {offsets = [1], sizes = [1], strides = [1]} : vector<16xf32> to vector<1xf32>
            %squeeze3A_466 = vector.extract %slice3A_465[0] : f32 from vector<1xf32>
            %broadcast_in_dim3A_467 = vector.broadcast %squeeze3A_466 : f32 to vector<16xf32>
            %add3A_468 = arith.constant 128 : i32
            %add3A_469 = vector.broadcast %add3A_468 : i32 to vector<16xi32>
            %add3A_470 = arith.addi %add3A_450, %add3A_469 : vector<16xi32>
            %mul3A_471 = arith.mulf %broadcast_in_dim3A_467, %mul3A_443 : vector<16xf32>
            tpu.vector_store_idx %arg11[%add3A_470], %mul3A_471 {add = true} : memref<66816xf32, #tpu.memory_space<vmem>>[vector<16xi32>], vector<16xf32>,
            %add3A_472 = arith.constant 128 : i32
            %add3A_473 = vector.broadcast %add3A_472 : i32 to vector<16xi32>
            %add3A_474 = arith.addi %add3A_453, %add3A_473 : vector<16xi32>
            %mul3A_475 = arith.mulf %broadcast_in_dim3A_467, %mul3A_444 : vector<16xf32>
            tpu.vector_store_idx %arg11[%add3A_474], %mul3A_475 {add = true} : memref<66816xf32, #tpu.memory_space<vmem>>[vector<16xi32>], vector<16xf32>,
            %slice3A_476 = vector.extract_strided_slice %get3A_412 {offsets = [2], sizes = [1], strides = [1]} : vector<16xf32> to vector<1xf32>
            %squeeze3A_477 = vector.extract %slice3A_476[0] : f32 from vector<1xf32>
            %broadcast_in_dim3A_478 = vector.broadcast %squeeze3A_477 : f32 to vector<16xf32>
            %add3A_479 = arith.constant 256 : i32
            %add3A_480 = vector.broadcast %add3A_479 : i32 to vector<16xi32>
            %add3A_481 = arith.addi %add3A_450, %add3A_480 : vector<16xi32>
            %mul3A_482 = arith.mulf %broadcast_in_dim3A_478, %mul3A_443 : vector<16xf32>
            tpu.vector_store_idx %arg11[%add3A_481], %mul3A_482 {add = true} : memref<66816xf32, #tpu.memory_space<vmem>>[vector<16xi32>], vector<16xf32>,
            %add3A_483 = arith.constant 256 : i32
            %add3A_484 = vector.broadcast %add3A_483 : i32 to vector<16xi32>
            %add3A_485 = arith.addi %add3A_453, %add3A_484 : vector<16xi32>
            %mul3A_486 = arith.mulf %broadcast_in_dim3A_478, %mul3A_444 : vector<16xf32>
            tpu.vector_store_idx %arg11[%add3A_485], %mul3A_486 {add = true} : memref<66816xf32, #tpu.memory_space<vmem>>[vector<16xi32>], vector<16xf32>,
            %slice3A_487 = vector.extract_strided_slice %get3A_412 {offsets = [3], sizes = [1], strides = [1]} : vector<16xf32> to vector<1xf32>
            %squeeze3A_488 = vector.extract %slice3A_487[0] : f32 from vector<1xf32>
            %broadcast_in_dim3A_489 = vector.broadcast %squeeze3A_488 : f32 to vector<16xf32>
            %add3A_490 = arith.constant 384 : i32
            %add3A_491 = vector.broadcast %add3A_490 : i32 to vector<16xi32>
            %add3A_492 = arith.addi %add3A_450, %add3A_491 : vector<16xi32>
            %mul3A_493 = arith.mulf %broadcast_in_dim3A_489, %mul3A_443 : vector<16xf32>
            tpu.vector_store_idx %arg11[%add3A_492], %mul3A_493 {add = true} : memref<66816xf32, #tpu.memory_space<vmem>>[vector<16xi32>], vector<16xf32>,
            %add3A_494 = arith.constant 384 : i32
            %add3A_495 = vector.broadcast %add3A_494 : i32 to vector<16xi32>
            %add3A_496 = arith.addi %add3A_453, %add3A_495 : vector<16xi32>
            %mul3A_497 = arith.mulf %broadcast_in_dim3A_489, %mul3A_444 : vector<16xf32>
            tpu.vector_store_idx %arg11[%add3A_496], %mul3A_497 {add = true} : memref<66816xf32, #tpu.memory_space<vmem>>[vector<16xi32>], vector<16xf32>,
            %slice3A_498 = vector.extract_strided_slice %get3A_412 {offsets = [4], sizes = [1], strides = [1]} : vector<16xf32> to vector<1xf32>
            %squeeze3A_499 = vector.extract %slice3A_498[0] : f32 from vector<1xf32>
            %broadcast_in_dim3A_500 = vector.broadcast %squeeze3A_499 : f32 to vector<16xf32>
            %add3A_501 = arith.constant 512 : i32
            %add3A_502 = vector.broadcast %add3A_501 : i32 to vector<16xi32>
            %add3A_503 = arith.addi %add3A_450, %add3A_502 : vector<16xi32>
            %mul3A_504 = arith.mulf %broadcast_in_dim3A_500, %mul3A_443 : vector<16xf32>
            tpu.vector_store_idx %arg11[%add3A_503], %mul3A_504 {add = true} : memref<66816xf32, #tpu.memory_space<vmem>>[vector<16xi32>], vector<16xf32>,
            %add3A_505 = arith.constant 512 : i32
            %add3A_506 = vector.broadcast %add3A_505 : i32 to vector<16xi32>
            %add3A_507 = arith.addi %add3A_453, %add3A_506 : vector<16xi32>
            %mul3A_508 = arith.mulf %broadcast_in_dim3A_500, %mul3A_444 : vector<16xf32>
            tpu.vector_store_idx %arg11[%add3A_507], %mul3A_508 {add = true} : memref<66816xf32, #tpu.memory_space<vmem>>[vector<16xi32>], vector<16xf32>,
            %slice3A_509 = vector.extract_strided_slice %get3A_412 {offsets = [5], sizes = [1], strides = [1]} : vector<16xf32> to vector<1xf32>
            %squeeze3A_510 = vector.extract %slice3A_509[0] : f32 from vector<1xf32>
            %broadcast_in_dim3A_511 = vector.broadcast %squeeze3A_510 : f32 to vector<16xf32>
            %add3A_512 = arith.constant 640 : i32
            %add3A_513 = vector.broadcast %add3A_512 : i32 to vector<16xi32>
            %add3A_514 = arith.addi %add3A_450, %add3A_513 : vector<16xi32>
            %mul3A_515 = arith.mulf %broadcast_in_dim3A_511, %mul3A_443 : vector<16xf32>
            tpu.vector_store_idx %arg11[%add3A_514], %mul3A_515 {add = true} : memref<66816xf32, #tpu.memory_space<vmem>>[vector<16xi32>], vector<16xf32>,
            %add3A_516 = arith.constant 640 : i32
            %add3A_517 = vector.broadcast %add3A_516 : i32 to vector<16xi32>
            %add3A_518 = arith.addi %add3A_453, %add3A_517 : vector<16xi32>
            %mul3A_519 = arith.mulf %broadcast_in_dim3A_511, %mul3A_444 : vector<16xf32>
            tpu.vector_store_idx %arg11[%add3A_518], %mul3A_519 {add = true} : memref<66816xf32, #tpu.memory_space<vmem>>[vector<16xi32>], vector<16xf32>,
            %slice3A_520 = vector.extract_strided_slice %get3A_412 {offsets = [6], sizes = [1], strides = [1]} : vector<16xf32> to vector<1xf32>
            %squeeze3A_521 = vector.extract %slice3A_520[0] : f32 from vector<1xf32>
            %broadcast_in_dim3A_522 = vector.broadcast %squeeze3A_521 : f32 to vector<16xf32>
            %add3A_523 = arith.constant 768 : i32
            %add3A_524 = vector.broadcast %add3A_523 : i32 to vector<16xi32>
            %add3A_525 = arith.addi %add3A_450, %add3A_524 : vector<16xi32>
            %mul3A_526 = arith.mulf %broadcast_in_dim3A_522, %mul3A_443 : vector<16xf32>
            tpu.vector_store_idx %arg11[%add3A_525], %mul3A_526 {add = true} : memref<66816xf32, #tpu.memory_space<vmem>>[vector<16xi32>], vector<16xf32>,
            %add3A_527 = arith.constant 768 : i32
            %add3A_528 = vector.broadcast %add3A_527 : i32 to vector<16xi32>
            %add3A_529 = arith.addi %add3A_453, %add3A_528 : vector<16xi32>
            %mul3A_530 = arith.mulf %broadcast_in_dim3A_522, %mul3A_444 : vector<16xf32>
            tpu.vector_store_idx %arg11[%add3A_529], %mul3A_530 {add = true} : memref<66816xf32, #tpu.memory_space<vmem>>[vector<16xi32>], vector<16xf32>,
            %slice3A_531 = vector.extract_strided_slice %get3A_412 {offsets = [7], sizes = [1], strides = [1]} : vector<16xf32> to vector<1xf32>
            %squeeze3A_532 = vector.extract %slice3A_531[0] : f32 from vector<1xf32>
            %broadcast_in_dim3A_533 = vector.broadcast %squeeze3A_532 : f32 to vector<16xf32>
            %add3A_534 = arith.constant 896 : i32
            %add3A_535 = vector.broadcast %add3A_534 : i32 to vector<16xi32>
            %add3A_536 = arith.addi %add3A_450, %add3A_535 : vector<16xi32>
            %mul3A_537 = arith.mulf %broadcast_in_dim3A_533, %mul3A_443 : vector<16xf32>
            tpu.vector_store_idx %arg11[%add3A_536], %mul3A_537 {add = true} : memref<66816xf32, #tpu.memory_space<vmem>>[vector<16xi32>], vector<16xf32>,
            %add3A_538 = arith.constant 896 : i32
            %add3A_539 = vector.broadcast %add3A_538 : i32 to vector<16xi32>
            %add3A_540 = arith.addi %add3A_453, %add3A_539 : vector<16xi32>
            %mul3A_541 = arith.mulf %broadcast_in_dim3A_533, %mul3A_444 : vector<16xf32>
            tpu.vector_store_idx %arg11[%add3A_540], %mul3A_541 {add = true} : memref<66816xf32, #tpu.memory_space<vmem>>[vector<16xi32>], vector<16xf32>,
            %gt3A_542 = arith.constant 8 : i32
            %gt3A_543 = arith.cmpi sgt, %squeeze3A_398, %gt3A_542 : i32
            %convert_element_type3A_544 = arith.extui %gt3A_543 : i1 to i32
            %cond3A_545 = arith.constant 0 : i32
            %cond3A_546 = arith.cmpi ne, %convert_element_type3A_544, %cond3A_545 : i32
            scf.if %cond3A_546 {
              %slice3A_557 = vector.extract_strided_slice %get3A_412 {offsets = [8], sizes = [1], strides = [1]} : vector<16xf32> to vector<1xf32>
              %squeeze3A_558 = vector.extract %slice3A_557[0] : f32 from vector<1xf32>
              %broadcast_in_dim3A_559 = vector.broadcast %squeeze3A_558 : f32 to vector<16xf32>
              %add3A_560 = arith.constant 1024 : i32
              %add3A_561 = vector.broadcast %add3A_560 : i32 to vector<16xi32>
              %add3A_562 = arith.addi %add3A_450, %add3A_561 : vector<16xi32>
              %mul3A_563 = arith.mulf %broadcast_in_dim3A_559, %mul3A_443 : vector<16xf32>
              tpu.vector_store_idx %arg11[%add3A_562], %mul3A_563 {add = true} : memref<66816xf32, #tpu.memory_space<vmem>>[vector<16xi32>], vector<16xf32>,
              %add3A_564 = arith.constant 1024 : i32
              %add3A_565 = vector.broadcast %add3A_564 : i32 to vector<16xi32>
              %add3A_566 = arith.addi %add3A_453, %add3A_565 : vector<16xi32>
              %mul3A_567 = arith.mulf %broadcast_in_dim3A_559, %mul3A_444 : vector<16xf32>
              tpu.vector_store_idx %arg11[%add3A_566], %mul3A_567 {add = true} : memref<66816xf32, #tpu.memory_space<vmem>>[vector<16xi32>], vector<16xf32>,
              %slice3A_568 = vector.extract_strided_slice %get3A_412 {offsets = [9], sizes = [1], strides = [1]} : vector<16xf32> to vector<1xf32>
              %squeeze3A_569 = vector.extract %slice3A_568[0] : f32 from vector<1xf32>
              %broadcast_in_dim3A_570 = vector.broadcast %squeeze3A_569 : f32 to vector<16xf32>
              %add3A_571 = arith.constant 1152 : i32
              %add3A_572 = vector.broadcast %add3A_571 : i32 to vector<16xi32>
              %add3A_573 = arith.addi %add3A_450, %add3A_572 : vector<16xi32>
              %mul3A_574 = arith.mulf %broadcast_in_dim3A_570, %mul3A_443 : vector<16xf32>
              tpu.vector_store_idx %arg11[%add3A_573], %mul3A_574 {add = true} : memref<66816xf32, #tpu.memory_space<vmem>>[vector<16xi32>], vector<16xf32>,
              %add3A_575 = arith.constant 1152 : i32
              %add3A_576 = vector.broadcast %add3A_575 : i32 to vector<16xi32>
              %add3A_577 = arith.addi %add3A_453, %add3A_576 : vector<16xi32>
              %mul3A_578 = arith.mulf %broadcast_in_dim3A_570, %mul3A_444 : vector<16xf32>
              tpu.vector_store_idx %arg11[%add3A_577], %mul3A_578 {add = true} : memref<66816xf32, #tpu.memory_space<vmem>>[vector<16xi32>], vector<16xf32>,
              %slice3A_579 = vector.extract_strided_slice %get3A_412 {offsets = [10], sizes = [1], strides = [1]} : vector<16xf32> to vector<1xf32>
              %squeeze3A_580 = vector.extract %slice3A_579[0] : f32 from vector<1xf32>
              %broadcast_in_dim3A_581 = vector.broadcast %squeeze3A_580 : f32 to vector<16xf32>
              %add3A_582 = arith.constant 1280 : i32
              %add3A_583 = vector.broadcast %add3A_582 : i32 to vector<16xi32>
              %add3A_584 = arith.addi %add3A_450, %add3A_583 : vector<16xi32>
              %mul3A_585 = arith.mulf %broadcast_in_dim3A_581, %mul3A_443 : vector<16xf32>
              tpu.vector_store_idx %arg11[%add3A_584], %mul3A_585 {add = true} : memref<66816xf32, #tpu.memory_space<vmem>>[vector<16xi32>], vector<16xf32>,
              %add3A_586 = arith.constant 1280 : i32
              %add3A_587 = vector.broadcast %add3A_586 : i32 to vector<16xi32>
              %add3A_588 = arith.addi %add3A_453, %add3A_587 : vector<16xi32>
              %mul3A_589 = arith.mulf %broadcast_in_dim3A_581, %mul3A_444 : vector<16xf32>
              tpu.vector_store_idx %arg11[%add3A_588], %mul3A_589 {add = true} : memref<66816xf32, #tpu.memory_space<vmem>>[vector<16xi32>], vector<16xf32>,
              %slice3A_590 = vector.extract_strided_slice %get3A_412 {offsets = [11], sizes = [1], strides = [1]} : vector<16xf32> to vector<1xf32>
              %squeeze3A_591 = vector.extract %slice3A_590[0] : f32 from vector<1xf32>
              %broadcast_in_dim3A_592 = vector.broadcast %squeeze3A_591 : f32 to vector<16xf32>
              %add3A_593 = arith.constant 1408 : i32
              %add3A_594 = vector.broadcast %add3A_593 : i32 to vector<16xi32>
              %add3A_595 = arith.addi %add3A_450, %add3A_594 : vector<16xi32>
              %mul3A_596 = arith.mulf %broadcast_in_dim3A_592, %mul3A_443 : vector<16xf32>
              tpu.vector_store_idx %arg11[%add3A_595], %mul3A_596 {add = true} : memref<66816xf32, #tpu.memory_space<vmem>>[vector<16xi32>], vector<16xf32>,
              %add3A_597 = arith.constant 1408 : i32
              %add3A_598 = vector.broadcast %add3A_597 : i32 to vector<16xi32>
              %add3A_599 = arith.addi %add3A_453, %add3A_598 : vector<16xi32>
              %mul3A_600 = arith.mulf %broadcast_in_dim3A_592, %mul3A_444 : vector<16xf32>
              tpu.vector_store_idx %arg11[%add3A_599], %mul3A_600 {add = true} : memref<66816xf32, #tpu.memory_space<vmem>>[vector<16xi32>], vector<16xf32>,
              %slice3A_601 = vector.extract_strided_slice %get3A_412 {offsets = [12], sizes = [1], strides = [1]} : vector<16xf32> to vector<1xf32>
              %squeeze3A_602 = vector.extract %slice3A_601[0] : f32 from vector<1xf32>
              %broadcast_in_dim3A_603 = vector.broadcast %squeeze3A_602 : f32 to vector<16xf32>
              %add3A_604 = arith.constant 1536 : i32
              %add3A_605 = vector.broadcast %add3A_604 : i32 to vector<16xi32>
              %add3A_606 = arith.addi %add3A_450, %add3A_605 : vector<16xi32>
              %mul3A_607 = arith.mulf %broadcast_in_dim3A_603, %mul3A_443 : vector<16xf32>
              tpu.vector_store_idx %arg11[%add3A_606], %mul3A_607 {add = true} : memref<66816xf32, #tpu.memory_space<vmem>>[vector<16xi32>], vector<16xf32>,
              %add3A_608 = arith.constant 1536 : i32
              %add3A_609 = vector.broadcast %add3A_608 : i32 to vector<16xi32>
              %add3A_610 = arith.addi %add3A_453, %add3A_609 : vector<16xi32>
              %mul3A_611 = arith.mulf %broadcast_in_dim3A_603, %mul3A_444 : vector<16xf32>
              tpu.vector_store_idx %arg11[%add3A_610], %mul3A_611 {add = true} : memref<66816xf32, #tpu.memory_space<vmem>>[vector<16xi32>], vector<16xf32>,
              %slice3A_612 = vector.extract_strided_slice %get3A_412 {offsets = [13], sizes = [1], strides = [1]} : vector<16xf32> to vector<1xf32>
              %squeeze3A_613 = vector.extract %slice3A_612[0] : f32 from vector<1xf32>
              %broadcast_in_dim3A_614 = vector.broadcast %squeeze3A_613 : f32 to vector<16xf32>
              %add3A_615 = arith.constant 1664 : i32
              %add3A_616 = vector.broadcast %add3A_615 : i32 to vector<16xi32>
              %add3A_617 = arith.addi %add3A_450, %add3A_616 : vector<16xi32>
              %mul3A_618 = arith.mulf %broadcast_in_dim3A_614, %mul3A_443 : vector<16xf32>
              tpu.vector_store_idx %arg11[%add3A_617], %mul3A_618 {add = true} : memref<66816xf32, #tpu.memory_space<vmem>>[vector<16xi32>], vector<16xf32>,
              %add3A_619 = arith.constant 1664 : i32
              %add3A_620 = vector.broadcast %add3A_619 : i32 to vector<16xi32>
              %add3A_621 = arith.addi %add3A_453, %add3A_620 : vector<16xi32>
              %mul3A_622 = arith.mulf %broadcast_in_dim3A_614, %mul3A_444 : vector<16xf32>
              tpu.vector_store_idx %arg11[%add3A_621], %mul3A_622 {add = true} : memref<66816xf32, #tpu.memory_space<vmem>>[vector<16xi32>], vector<16xf32>,
              %slice3A_623 = vector.extract_strided_slice %get3A_412 {offsets = [14], sizes = [1], strides = [1]} : vector<16xf32> to vector<1xf32>
              %squeeze3A_624 = vector.extract %slice3A_623[0] : f32 from vector<1xf32>
              %broadcast_in_dim3A_625 = vector.broadcast %squeeze3A_624 : f32 to vector<16xf32>
              %add3A_626 = arith.constant 1792 : i32
              %add3A_627 = vector.broadcast %add3A_626 : i32 to vector<16xi32>
              %add3A_628 = arith.addi %add3A_450, %add3A_627 : vector<16xi32>
              %mul3A_629 = arith.mulf %broadcast_in_dim3A_625, %mul3A_443 : vector<16xf32>
              tpu.vector_store_idx %arg11[%add3A_628], %mul3A_629 {add = true} : memref<66816xf32, #tpu.memory_space<vmem>>[vector<16xi32>], vector<16xf32>,
              %add3A_630 = arith.constant 1792 : i32
              %add3A_631 = vector.broadcast %add3A_630 : i32 to vector<16xi32>
              %add3A_632 = arith.addi %add3A_453, %add3A_631 : vector<16xi32>
              %mul3A_633 = arith.mulf %broadcast_in_dim3A_625, %mul3A_444 : vector<16xf32>
              tpu.vector_store_idx %arg11[%add3A_632], %mul3A_633 {add = true} : memref<66816xf32, #tpu.memory_space<vmem>>[vector<16xi32>], vector<16xf32>,
              %slice3A_634 = vector.extract_strided_slice %get3A_412 {offsets = [15], sizes = [1], strides = [1]} : vector<16xf32> to vector<1xf32>
              %squeeze3A_635 = vector.extract %slice3A_634[0] : f32 from vector<1xf32>
              %broadcast_in_dim3A_636 = vector.broadcast %squeeze3A_635 : f32 to vector<16xf32>
              %add3A_637 = arith.constant 1920 : i32
              %add3A_638 = vector.broadcast %add3A_637 : i32 to vector<16xi32>
              %add3A_639 = arith.addi %add3A_450, %add3A_638 : vector<16xi32>
              %mul3A_640 = arith.mulf %broadcast_in_dim3A_636, %mul3A_443 : vector<16xf32>
              tpu.vector_store_idx %arg11[%add3A_639], %mul3A_640 {add = true} : memref<66816xf32, #tpu.memory_space<vmem>>[vector<16xi32>], vector<16xf32>,
              %add3A_641 = arith.constant 1920 : i32
              %add3A_642 = vector.broadcast %add3A_641 : i32 to vector<16xi32>
              %add3A_643 = arith.addi %add3A_453, %add3A_642 : vector<16xi32>
              %mul3A_644 = arith.mulf %broadcast_in_dim3A_636, %mul3A_444 : vector<16xf32>
              tpu.vector_store_idx %arg11[%add3A_643], %mul3A_644 {add = true} : memref<66816xf32, #tpu.memory_space<vmem>>[vector<16xi32>], vector<16xf32>,
            } else {
            }
            %gt3A_547 = arith.constant 16 : i32
            %gt3A_548 = arith.cmpi sgt, %squeeze3A_398, %gt3A_547 : i32
            %convert_element_type3A_549 = arith.extui %gt3A_548 : i1 to i32
            %cond3A_550 = arith.constant 0 : i32
            %cond3A_551 = arith.cmpi ne, %convert_element_type3A_549, %cond3A_550 : i32
            scf.if %cond3A_551 {
              %slice3A_557 = vector.extract_strided_slice %get3A_416 {offsets = [0], sizes = [1], strides = [1]} : vector<16xf32> to vector<1xf32>
              %squeeze3A_558 = vector.extract %slice3A_557[0] : f32 from vector<1xf32>
              %broadcast_in_dim3A_559 = vector.broadcast %squeeze3A_558 : f32 to vector<16xf32>
              %add3A_560 = arith.constant 2048 : i32
              %add3A_561 = vector.broadcast %add3A_560 : i32 to vector<16xi32>
              %add3A_562 = arith.addi %add3A_450, %add3A_561 : vector<16xi32>
              %mul3A_563 = arith.mulf %broadcast_in_dim3A_559, %mul3A_443 : vector<16xf32>
              tpu.vector_store_idx %arg11[%add3A_562], %mul3A_563 {add = true} : memref<66816xf32, #tpu.memory_space<vmem>>[vector<16xi32>], vector<16xf32>,
              %add3A_564 = arith.constant 2048 : i32
              %add3A_565 = vector.broadcast %add3A_564 : i32 to vector<16xi32>
              %add3A_566 = arith.addi %add3A_453, %add3A_565 : vector<16xi32>
              %mul3A_567 = arith.mulf %broadcast_in_dim3A_559, %mul3A_444 : vector<16xf32>
              tpu.vector_store_idx %arg11[%add3A_566], %mul3A_567 {add = true} : memref<66816xf32, #tpu.memory_space<vmem>>[vector<16xi32>], vector<16xf32>,
              %slice3A_568 = vector.extract_strided_slice %get3A_416 {offsets = [1], sizes = [1], strides = [1]} : vector<16xf32> to vector<1xf32>
              %squeeze3A_569 = vector.extract %slice3A_568[0] : f32 from vector<1xf32>
              %broadcast_in_dim3A_570 = vector.broadcast %squeeze3A_569 : f32 to vector<16xf32>
              %add3A_571 = arith.constant 2176 : i32
              %add3A_572 = vector.broadcast %add3A_571 : i32 to vector<16xi32>
              %add3A_573 = arith.addi %add3A_450, %add3A_572 : vector<16xi32>
              %mul3A_574 = arith.mulf %broadcast_in_dim3A_570, %mul3A_443 : vector<16xf32>
              tpu.vector_store_idx %arg11[%add3A_573], %mul3A_574 {add = true} : memref<66816xf32, #tpu.memory_space<vmem>>[vector<16xi32>], vector<16xf32>,
              %add3A_575 = arith.constant 2176 : i32
              %add3A_576 = vector.broadcast %add3A_575 : i32 to vector<16xi32>
              %add3A_577 = arith.addi %add3A_453, %add3A_576 : vector<16xi32>
              %mul3A_578 = arith.mulf %broadcast_in_dim3A_570, %mul3A_444 : vector<16xf32>
              tpu.vector_store_idx %arg11[%add3A_577], %mul3A_578 {add = true} : memref<66816xf32, #tpu.memory_space<vmem>>[vector<16xi32>], vector<16xf32>,
              %slice3A_579 = vector.extract_strided_slice %get3A_416 {offsets = [2], sizes = [1], strides = [1]} : vector<16xf32> to vector<1xf32>
              %squeeze3A_580 = vector.extract %slice3A_579[0] : f32 from vector<1xf32>
              %broadcast_in_dim3A_581 = vector.broadcast %squeeze3A_580 : f32 to vector<16xf32>
              %add3A_582 = arith.constant 2304 : i32
              %add3A_583 = vector.broadcast %add3A_582 : i32 to vector<16xi32>
              %add3A_584 = arith.addi %add3A_450, %add3A_583 : vector<16xi32>
              %mul3A_585 = arith.mulf %broadcast_in_dim3A_581, %mul3A_443 : vector<16xf32>
              tpu.vector_store_idx %arg11[%add3A_584], %mul3A_585 {add = true} : memref<66816xf32, #tpu.memory_space<vmem>>[vector<16xi32>], vector<16xf32>,
              %add3A_586 = arith.constant 2304 : i32
              %add3A_587 = vector.broadcast %add3A_586 : i32 to vector<16xi32>
              %add3A_588 = arith.addi %add3A_453, %add3A_587 : vector<16xi32>
              %mul3A_589 = arith.mulf %broadcast_in_dim3A_581, %mul3A_444 : vector<16xf32>
              tpu.vector_store_idx %arg11[%add3A_588], %mul3A_589 {add = true} : memref<66816xf32, #tpu.memory_space<vmem>>[vector<16xi32>], vector<16xf32>,
              %slice3A_590 = vector.extract_strided_slice %get3A_416 {offsets = [3], sizes = [1], strides = [1]} : vector<16xf32> to vector<1xf32>
              %squeeze3A_591 = vector.extract %slice3A_590[0] : f32 from vector<1xf32>
              %broadcast_in_dim3A_592 = vector.broadcast %squeeze3A_591 : f32 to vector<16xf32>
              %add3A_593 = arith.constant 2432 : i32
              %add3A_594 = vector.broadcast %add3A_593 : i32 to vector<16xi32>
              %add3A_595 = arith.addi %add3A_450, %add3A_594 : vector<16xi32>
              %mul3A_596 = arith.mulf %broadcast_in_dim3A_592, %mul3A_443 : vector<16xf32>
              tpu.vector_store_idx %arg11[%add3A_595], %mul3A_596 {add = true} : memref<66816xf32, #tpu.memory_space<vmem>>[vector<16xi32>], vector<16xf32>,
              %add3A_597 = arith.constant 2432 : i32
              %add3A_598 = vector.broadcast %add3A_597 : i32 to vector<16xi32>
              %add3A_599 = arith.addi %add3A_453, %add3A_598 : vector<16xi32>
              %mul3A_600 = arith.mulf %broadcast_in_dim3A_592, %mul3A_444 : vector<16xf32>
              tpu.vector_store_idx %arg11[%add3A_599], %mul3A_600 {add = true} : memref<66816xf32, #tpu.memory_space<vmem>>[vector<16xi32>], vector<16xf32>,
              %slice3A_601 = vector.extract_strided_slice %get3A_416 {offsets = [4], sizes = [1], strides = [1]} : vector<16xf32> to vector<1xf32>
              %squeeze3A_602 = vector.extract %slice3A_601[0] : f32 from vector<1xf32>
              %broadcast_in_dim3A_603 = vector.broadcast %squeeze3A_602 : f32 to vector<16xf32>
              %add3A_604 = arith.constant 2560 : i32
              %add3A_605 = vector.broadcast %add3A_604 : i32 to vector<16xi32>
              %add3A_606 = arith.addi %add3A_450, %add3A_605 : vector<16xi32>
              %mul3A_607 = arith.mulf %broadcast_in_dim3A_603, %mul3A_443 : vector<16xf32>
              tpu.vector_store_idx %arg11[%add3A_606], %mul3A_607 {add = true} : memref<66816xf32, #tpu.memory_space<vmem>>[vector<16xi32>], vector<16xf32>,
              %add3A_608 = arith.constant 2560 : i32
              %add3A_609 = vector.broadcast %add3A_608 : i32 to vector<16xi32>
              %add3A_610 = arith.addi %add3A_453, %add3A_609 : vector<16xi32>
              %mul3A_611 = arith.mulf %broadcast_in_dim3A_603, %mul3A_444 : vector<16xf32>
              tpu.vector_store_idx %arg11[%add3A_610], %mul3A_611 {add = true} : memref<66816xf32, #tpu.memory_space<vmem>>[vector<16xi32>], vector<16xf32>,
              %slice3A_612 = vector.extract_strided_slice %get3A_416 {offsets = [5], sizes = [1], strides = [1]} : vector<16xf32> to vector<1xf32>
              %squeeze3A_613 = vector.extract %slice3A_612[0] : f32 from vector<1xf32>
              %broadcast_in_dim3A_614 = vector.broadcast %squeeze3A_613 : f32 to vector<16xf32>
              %add3A_615 = arith.constant 2688 : i32
              %add3A_616 = vector.broadcast %add3A_615 : i32 to vector<16xi32>
              %add3A_617 = arith.addi %add3A_450, %add3A_616 : vector<16xi32>
              %mul3A_618 = arith.mulf %broadcast_in_dim3A_614, %mul3A_443 : vector<16xf32>
              tpu.vector_store_idx %arg11[%add3A_617], %mul3A_618 {add = true} : memref<66816xf32, #tpu.memory_space<vmem>>[vector<16xi32>], vector<16xf32>,
              %add3A_619 = arith.constant 2688 : i32
              %add3A_620 = vector.broadcast %add3A_619 : i32 to vector<16xi32>
              %add3A_621 = arith.addi %add3A_453, %add3A_620 : vector<16xi32>
              %mul3A_622 = arith.mulf %broadcast_in_dim3A_614, %mul3A_444 : vector<16xf32>
              tpu.vector_store_idx %arg11[%add3A_621], %mul3A_622 {add = true} : memref<66816xf32, #tpu.memory_space<vmem>>[vector<16xi32>], vector<16xf32>,
              %slice3A_623 = vector.extract_strided_slice %get3A_416 {offsets = [6], sizes = [1], strides = [1]} : vector<16xf32> to vector<1xf32>
              %squeeze3A_624 = vector.extract %slice3A_623[0] : f32 from vector<1xf32>
              %broadcast_in_dim3A_625 = vector.broadcast %squeeze3A_624 : f32 to vector<16xf32>
              %add3A_626 = arith.constant 2816 : i32
              %add3A_627 = vector.broadcast %add3A_626 : i32 to vector<16xi32>
              %add3A_628 = arith.addi %add3A_450, %add3A_627 : vector<16xi32>
              %mul3A_629 = arith.mulf %broadcast_in_dim3A_625, %mul3A_443 : vector<16xf32>
              tpu.vector_store_idx %arg11[%add3A_628], %mul3A_629 {add = true} : memref<66816xf32, #tpu.memory_space<vmem>>[vector<16xi32>], vector<16xf32>,
              %add3A_630 = arith.constant 2816 : i32
              %add3A_631 = vector.broadcast %add3A_630 : i32 to vector<16xi32>
              %add3A_632 = arith.addi %add3A_453, %add3A_631 : vector<16xi32>
              %mul3A_633 = arith.mulf %broadcast_in_dim3A_625, %mul3A_444 : vector<16xf32>
              tpu.vector_store_idx %arg11[%add3A_632], %mul3A_633 {add = true} : memref<66816xf32, #tpu.memory_space<vmem>>[vector<16xi32>], vector<16xf32>,
              %slice3A_634 = vector.extract_strided_slice %get3A_416 {offsets = [7], sizes = [1], strides = [1]} : vector<16xf32> to vector<1xf32>
              %squeeze3A_635 = vector.extract %slice3A_634[0] : f32 from vector<1xf32>
              %broadcast_in_dim3A_636 = vector.broadcast %squeeze3A_635 : f32 to vector<16xf32>
              %add3A_637 = arith.constant 2944 : i32
              %add3A_638 = vector.broadcast %add3A_637 : i32 to vector<16xi32>
              %add3A_639 = arith.addi %add3A_450, %add3A_638 : vector<16xi32>
              %mul3A_640 = arith.mulf %broadcast_in_dim3A_636, %mul3A_443 : vector<16xf32>
              tpu.vector_store_idx %arg11[%add3A_639], %mul3A_640 {add = true} : memref<66816xf32, #tpu.memory_space<vmem>>[vector<16xi32>], vector<16xf32>,
              %add3A_641 = arith.constant 2944 : i32
              %add3A_642 = vector.broadcast %add3A_641 : i32 to vector<16xi32>
              %add3A_643 = arith.addi %add3A_453, %add3A_642 : vector<16xi32>
              %mul3A_644 = arith.mulf %broadcast_in_dim3A_636, %mul3A_444 : vector<16xf32>
              tpu.vector_store_idx %arg11[%add3A_643], %mul3A_644 {add = true} : memref<66816xf32, #tpu.memory_space<vmem>>[vector<16xi32>], vector<16xf32>,
            } else {
            }
            %gt3A_552 = arith.constant 24 : i32
            %gt3A_553 = arith.cmpi sgt, %squeeze3A_398, %gt3A_552 : i32
            %convert_element_type3A_554 = arith.extui %gt3A_553 : i1 to i32
            %cond3A_555 = arith.constant 0 : i32
            %cond3A_556 = arith.cmpi ne, %convert_element_type3A_554, %cond3A_555 : i32
            scf.if %cond3A_556 {
              %slice3A_557 = vector.extract_strided_slice %get3A_416 {offsets = [8], sizes = [1], strides = [1]} : vector<16xf32> to vector<1xf32>
              %squeeze3A_558 = vector.extract %slice3A_557[0] : f32 from vector<1xf32>
              %broadcast_in_dim3A_559 = vector.broadcast %squeeze3A_558 : f32 to vector<16xf32>
              %add3A_560 = arith.constant 3072 : i32
              %add3A_561 = vector.broadcast %add3A_560 : i32 to vector<16xi32>
              %add3A_562 = arith.addi %add3A_450, %add3A_561 : vector<16xi32>
              %mul3A_563 = arith.mulf %broadcast_in_dim3A_559, %mul3A_443 : vector<16xf32>
              tpu.vector_store_idx %arg11[%add3A_562], %mul3A_563 {add = true} : memref<66816xf32, #tpu.memory_space<vmem>>[vector<16xi32>], vector<16xf32>,
              %add3A_564 = arith.constant 3072 : i32
              %add3A_565 = vector.broadcast %add3A_564 : i32 to vector<16xi32>
              %add3A_566 = arith.addi %add3A_453, %add3A_565 : vector<16xi32>
              %mul3A_567 = arith.mulf %broadcast_in_dim3A_559, %mul3A_444 : vector<16xf32>
              tpu.vector_store_idx %arg11[%add3A_566], %mul3A_567 {add = true} : memref<66816xf32, #tpu.memory_space<vmem>>[vector<16xi32>], vector<16xf32>,
              %slice3A_568 = vector.extract_strided_slice %get3A_416 {offsets = [9], sizes = [1], strides = [1]} : vector<16xf32> to vector<1xf32>
              %squeeze3A_569 = vector.extract %slice3A_568[0] : f32 from vector<1xf32>
              %broadcast_in_dim3A_570 = vector.broadcast %squeeze3A_569 : f32 to vector<16xf32>
              %add3A_571 = arith.constant 3200 : i32
              %add3A_572 = vector.broadcast %add3A_571 : i32 to vector<16xi32>
              %add3A_573 = arith.addi %add3A_450, %add3A_572 : vector<16xi32>
              %mul3A_574 = arith.mulf %broadcast_in_dim3A_570, %mul3A_443 : vector<16xf32>
              tpu.vector_store_idx %arg11[%add3A_573], %mul3A_574 {add = true} : memref<66816xf32, #tpu.memory_space<vmem>>[vector<16xi32>], vector<16xf32>,
              %add3A_575 = arith.constant 3200 : i32
              %add3A_576 = vector.broadcast %add3A_575 : i32 to vector<16xi32>
              %add3A_577 = arith.addi %add3A_453, %add3A_576 : vector<16xi32>
              %mul3A_578 = arith.mulf %broadcast_in_dim3A_570, %mul3A_444 : vector<16xf32>
              tpu.vector_store_idx %arg11[%add3A_577], %mul3A_578 {add = true} : memref<66816xf32, #tpu.memory_space<vmem>>[vector<16xi32>], vector<16xf32>,
              %slice3A_579 = vector.extract_strided_slice %get3A_416 {offsets = [10], sizes = [1], strides = [1]} : vector<16xf32> to vector<1xf32>
              %squeeze3A_580 = vector.extract %slice3A_579[0] : f32 from vector<1xf32>
              %broadcast_in_dim3A_581 = vector.broadcast %squeeze3A_580 : f32 to vector<16xf32>
              %add3A_582 = arith.constant 3328 : i32
              %add3A_583 = vector.broadcast %add3A_582 : i32 to vector<16xi32>
              %add3A_584 = arith.addi %add3A_450, %add3A_583 : vector<16xi32>
              %mul3A_585 = arith.mulf %broadcast_in_dim3A_581, %mul3A_443 : vector<16xf32>
              tpu.vector_store_idx %arg11[%add3A_584], %mul3A_585 {add = true} : memref<66816xf32, #tpu.memory_space<vmem>>[vector<16xi32>], vector<16xf32>,
              %add3A_586 = arith.constant 3328 : i32
              %add3A_587 = vector.broadcast %add3A_586 : i32 to vector<16xi32>
              %add3A_588 = arith.addi %add3A_453, %add3A_587 : vector<16xi32>
              %mul3A_589 = arith.mulf %broadcast_in_dim3A_581, %mul3A_444 : vector<16xf32>
              tpu.vector_store_idx %arg11[%add3A_588], %mul3A_589 {add = true} : memref<66816xf32, #tpu.memory_space<vmem>>[vector<16xi32>], vector<16xf32>,
              %slice3A_590 = vector.extract_strided_slice %get3A_416 {offsets = [11], sizes = [1], strides = [1]} : vector<16xf32> to vector<1xf32>
              %squeeze3A_591 = vector.extract %slice3A_590[0] : f32 from vector<1xf32>
              %broadcast_in_dim3A_592 = vector.broadcast %squeeze3A_591 : f32 to vector<16xf32>
              %add3A_593 = arith.constant 3456 : i32
              %add3A_594 = vector.broadcast %add3A_593 : i32 to vector<16xi32>
              %add3A_595 = arith.addi %add3A_450, %add3A_594 : vector<16xi32>
              %mul3A_596 = arith.mulf %broadcast_in_dim3A_592, %mul3A_443 : vector<16xf32>
              tpu.vector_store_idx %arg11[%add3A_595], %mul3A_596 {add = true} : memref<66816xf32, #tpu.memory_space<vmem>>[vector<16xi32>], vector<16xf32>,
              %add3A_597 = arith.constant 3456 : i32
              %add3A_598 = vector.broadcast %add3A_597 : i32 to vector<16xi32>
              %add3A_599 = arith.addi %add3A_453, %add3A_598 : vector<16xi32>
              %mul3A_600 = arith.mulf %broadcast_in_dim3A_592, %mul3A_444 : vector<16xf32>
              tpu.vector_store_idx %arg11[%add3A_599], %mul3A_600 {add = true} : memref<66816xf32, #tpu.memory_space<vmem>>[vector<16xi32>], vector<16xf32>,
              %slice3A_601 = vector.extract_strided_slice %get3A_416 {offsets = [12], sizes = [1], strides = [1]} : vector<16xf32> to vector<1xf32>
              %squeeze3A_602 = vector.extract %slice3A_601[0] : f32 from vector<1xf32>
              %broadcast_in_dim3A_603 = vector.broadcast %squeeze3A_602 : f32 to vector<16xf32>
              %add3A_604 = arith.constant 3584 : i32
              %add3A_605 = vector.broadcast %add3A_604 : i32 to vector<16xi32>
              %add3A_606 = arith.addi %add3A_450, %add3A_605 : vector<16xi32>
              %mul3A_607 = arith.mulf %broadcast_in_dim3A_603, %mul3A_443 : vector<16xf32>
              tpu.vector_store_idx %arg11[%add3A_606], %mul3A_607 {add = true} : memref<66816xf32, #tpu.memory_space<vmem>>[vector<16xi32>], vector<16xf32>,
              %add3A_608 = arith.constant 3584 : i32
              %add3A_609 = vector.broadcast %add3A_608 : i32 to vector<16xi32>
              %add3A_610 = arith.addi %add3A_453, %add3A_609 : vector<16xi32>
              %mul3A_611 = arith.mulf %broadcast_in_dim3A_603, %mul3A_444 : vector<16xf32>
              tpu.vector_store_idx %arg11[%add3A_610], %mul3A_611 {add = true} : memref<66816xf32, #tpu.memory_space<vmem>>[vector<16xi32>], vector<16xf32>,
              %slice3A_612 = vector.extract_strided_slice %get3A_416 {offsets = [13], sizes = [1], strides = [1]} : vector<16xf32> to vector<1xf32>
              %squeeze3A_613 = vector.extract %slice3A_612[0] : f32 from vector<1xf32>
              %broadcast_in_dim3A_614 = vector.broadcast %squeeze3A_613 : f32 to vector<16xf32>
              %add3A_615 = arith.constant 3712 : i32
              %add3A_616 = vector.broadcast %add3A_615 : i32 to vector<16xi32>
              %add3A_617 = arith.addi %add3A_450, %add3A_616 : vector<16xi32>
              %mul3A_618 = arith.mulf %broadcast_in_dim3A_614, %mul3A_443 : vector<16xf32>
              tpu.vector_store_idx %arg11[%add3A_617], %mul3A_618 {add = true} : memref<66816xf32, #tpu.memory_space<vmem>>[vector<16xi32>], vector<16xf32>,
              %add3A_619 = arith.constant 3712 : i32
              %add3A_620 = vector.broadcast %add3A_619 : i32 to vector<16xi32>
              %add3A_621 = arith.addi %add3A_453, %add3A_620 : vector<16xi32>
              %mul3A_622 = arith.mulf %broadcast_in_dim3A_614, %mul3A_444 : vector<16xf32>
              tpu.vector_store_idx %arg11[%add3A_621], %mul3A_622 {add = true} : memref<66816xf32, #tpu.memory_space<vmem>>[vector<16xi32>], vector<16xf32>,
              %slice3A_623 = vector.extract_strided_slice %get3A_416 {offsets = [14], sizes = [1], strides = [1]} : vector<16xf32> to vector<1xf32>
              %squeeze3A_624 = vector.extract %slice3A_623[0] : f32 from vector<1xf32>
              %broadcast_in_dim3A_625 = vector.broadcast %squeeze3A_624 : f32 to vector<16xf32>
              %add3A_626 = arith.constant 3840 : i32
              %add3A_627 = vector.broadcast %add3A_626 : i32 to vector<16xi32>
              %add3A_628 = arith.addi %add3A_450, %add3A_627 : vector<16xi32>
              %mul3A_629 = arith.mulf %broadcast_in_dim3A_625, %mul3A_443 : vector<16xf32>
              tpu.vector_store_idx %arg11[%add3A_628], %mul3A_629 {add = true} : memref<66816xf32, #tpu.memory_space<vmem>>[vector<16xi32>], vector<16xf32>,
              %add3A_630 = arith.constant 3840 : i32
              %add3A_631 = vector.broadcast %add3A_630 : i32 to vector<16xi32>
              %add3A_632 = arith.addi %add3A_453, %add3A_631 : vector<16xi32>
              %mul3A_633 = arith.mulf %broadcast_in_dim3A_625, %mul3A_444 : vector<16xf32>
              tpu.vector_store_idx %arg11[%add3A_632], %mul3A_633 {add = true} : memref<66816xf32, #tpu.memory_space<vmem>>[vector<16xi32>], vector<16xf32>,
              %slice3A_634 = vector.extract_strided_slice %get3A_416 {offsets = [15], sizes = [1], strides = [1]} : vector<16xf32> to vector<1xf32>
              %squeeze3A_635 = vector.extract %slice3A_634[0] : f32 from vector<1xf32>
              %broadcast_in_dim3A_636 = vector.broadcast %squeeze3A_635 : f32 to vector<16xf32>
              %add3A_637 = arith.constant 3968 : i32
              %add3A_638 = vector.broadcast %add3A_637 : i32 to vector<16xi32>
              %add3A_639 = arith.addi %add3A_450, %add3A_638 : vector<16xi32>
              %mul3A_640 = arith.mulf %broadcast_in_dim3A_636, %mul3A_443 : vector<16xf32>
              tpu.vector_store_idx %arg11[%add3A_639], %mul3A_640 {add = true} : memref<66816xf32, #tpu.memory_space<vmem>>[vector<16xi32>], vector<16xf32>,
              %add3A_641 = arith.constant 3968 : i32
              %add3A_642 = vector.broadcast %add3A_641 : i32 to vector<16xi32>
              %add3A_643 = arith.addi %add3A_453, %add3A_642 : vector<16xi32>
              %mul3A_644 = arith.mulf %broadcast_in_dim3A_636, %mul3A_444 : vector<16xf32>
              tpu.vector_store_idx %arg11[%add3A_643], %mul3A_644 {add = true} : memref<66816xf32, #tpu.memory_space<vmem>>[vector<16xi32>], vector<16xf32>,
            } else {
            }
          }
          %while3A_438 = arith.constant 1 : i32
          scf.for %while3A_439 = %while3A_436 to %while3A_432 step %while3A_438  : i32 {
            %broadcast_in_dim3A_440 = vector.broadcast %mul3A_404 : i32 to vector<16xi32>
            %sub3A = arith.subi %while3A_439, %squeeze3A_384 : i32
            %add3A_441 = vector.broadcast %sub3A : i32 to vector<16xi32>
            %add3A_442 = arith.addi %broadcast_in_dim3A_440, %add3A_441 : vector<16xi32>
            %gather3A = tpu.vector_load_idx %arg7[%add3A_442] : memref<16384xf32, #tpu.memory_space<vmem>>[vector<16xi32>], vector<16xf32>,
            %mul3A_443 = arith.mulf %gather3A, %get3A_406 : vector<16xf32>
            %mul3A_444 = arith.mulf %gather3A, %get3A_410 : vector<16xf32>
            %sub3A_445 = arith.subi %while3A_439, %mul3A_357 : i32
            %mul3A_446 = arith.constant 16384 : i32
            %mul3A_447 = arith.muli %sub3A_445, %mul3A_446 : i32
            %add3A_448 = arith.addi %mul3A_447, %add3A_421 : i32
            %add3A_449 = vector.broadcast %add3A_448 : i32 to vector<16xi32>
            %add3A_450 = arith.addi %add3A_449, %iota3A : vector<16xi32>
            %add3A_451 = arith.constant 16 : i32
            %add3A_452 = vector.broadcast %add3A_451 : i32 to vector<16xi32>
            %add3A_453 = arith.addi %add3A_450, %add3A_452 : vector<16xi32>
            %slice3A_454 = vector.extract_strided_slice %get3A_412 {offsets = [0], sizes = [1], strides = [1]} : vector<16xf32> to vector<1xf32>
            %squeeze3A_455 = vector.extract %slice3A_454[0] : f32 from vector<1xf32>
            %broadcast_in_dim3A_456 = vector.broadcast %squeeze3A_455 : f32 to vector<16xf32>
            %add3A_457 = arith.constant 0 : i32
            %add3A_458 = vector.broadcast %add3A_457 : i32 to vector<16xi32>
            %add3A_459 = arith.addi %add3A_450, %add3A_458 : vector<16xi32>
            %mul3A_460 = arith.mulf %broadcast_in_dim3A_456, %mul3A_443 : vector<16xf32>
            tpu.vector_store_idx %arg11[%add3A_459], %mul3A_460 {add = true} : memref<66816xf32, #tpu.memory_space<vmem>>[vector<16xi32>], vector<16xf32>,
            %add3A_461 = arith.constant 0 : i32
            %add3A_462 = vector.broadcast %add3A_461 : i32 to vector<16xi32>
            %add3A_463 = arith.addi %add3A_453, %add3A_462 : vector<16xi32>
            %mul3A_464 = arith.mulf %broadcast_in_dim3A_456, %mul3A_444 : vector<16xf32>
            tpu.vector_store_idx %arg11[%add3A_463], %mul3A_464 {add = true} : memref<66816xf32, #tpu.memory_space<vmem>>[vector<16xi32>], vector<16xf32>,
            %slice3A_465 = vector.extract_strided_slice %get3A_412 {offsets = [1], sizes = [1], strides = [1]} : vector<16xf32> to vector<1xf32>
            %squeeze3A_466 = vector.extract %slice3A_465[0] : f32 from vector<1xf32>
            %broadcast_in_dim3A_467 = vector.broadcast %squeeze3A_466 : f32 to vector<16xf32>
            %add3A_468 = arith.constant 128 : i32
            %add3A_469 = vector.broadcast %add3A_468 : i32 to vector<16xi32>
            %add3A_470 = arith.addi %add3A_450, %add3A_469 : vector<16xi32>
            %mul3A_471 = arith.mulf %broadcast_in_dim3A_467, %mul3A_443 : vector<16xf32>
            tpu.vector_store_idx %arg11[%add3A_470], %mul3A_471 {add = true} : memref<66816xf32, #tpu.memory_space<vmem>>[vector<16xi32>], vector<16xf32>,
            %add3A_472 = arith.constant 128 : i32
            %add3A_473 = vector.broadcast %add3A_472 : i32 to vector<16xi32>
            %add3A_474 = arith.addi %add3A_453, %add3A_473 : vector<16xi32>
            %mul3A_475 = arith.mulf %broadcast_in_dim3A_467, %mul3A_444 : vector<16xf32>
            tpu.vector_store_idx %arg11[%add3A_474], %mul3A_475 {add = true} : memref<66816xf32, #tpu.memory_space<vmem>>[vector<16xi32>], vector<16xf32>,
            %slice3A_476 = vector.extract_strided_slice %get3A_412 {offsets = [2], sizes = [1], strides = [1]} : vector<16xf32> to vector<1xf32>
            %squeeze3A_477 = vector.extract %slice3A_476[0] : f32 from vector<1xf32>
            %broadcast_in_dim3A_478 = vector.broadcast %squeeze3A_477 : f32 to vector<16xf32>
            %add3A_479 = arith.constant 256 : i32
            %add3A_480 = vector.broadcast %add3A_479 : i32 to vector<16xi32>
            %add3A_481 = arith.addi %add3A_450, %add3A_480 : vector<16xi32>
            %mul3A_482 = arith.mulf %broadcast_in_dim3A_478, %mul3A_443 : vector<16xf32>
            tpu.vector_store_idx %arg11[%add3A_481], %mul3A_482 {add = true} : memref<66816xf32, #tpu.memory_space<vmem>>[vector<16xi32>], vector<16xf32>,
            %add3A_483 = arith.constant 256 : i32
            %add3A_484 = vector.broadcast %add3A_483 : i32 to vector<16xi32>
            %add3A_485 = arith.addi %add3A_453, %add3A_484 : vector<16xi32>
            %mul3A_486 = arith.mulf %broadcast_in_dim3A_478, %mul3A_444 : vector<16xf32>
            tpu.vector_store_idx %arg11[%add3A_485], %mul3A_486 {add = true} : memref<66816xf32, #tpu.memory_space<vmem>>[vector<16xi32>], vector<16xf32>,
            %slice3A_487 = vector.extract_strided_slice %get3A_412 {offsets = [3], sizes = [1], strides = [1]} : vector<16xf32> to vector<1xf32>
            %squeeze3A_488 = vector.extract %slice3A_487[0] : f32 from vector<1xf32>
            %broadcast_in_dim3A_489 = vector.broadcast %squeeze3A_488 : f32 to vector<16xf32>
            %add3A_490 = arith.constant 384 : i32
            %add3A_491 = vector.broadcast %add3A_490 : i32 to vector<16xi32>
            %add3A_492 = arith.addi %add3A_450, %add3A_491 : vector<16xi32>
            %mul3A_493 = arith.mulf %broadcast_in_dim3A_489, %mul3A_443 : vector<16xf32>
            tpu.vector_store_idx %arg11[%add3A_492], %mul3A_493 {add = true} : memref<66816xf32, #tpu.memory_space<vmem>>[vector<16xi32>], vector<16xf32>,
            %add3A_494 = arith.constant 384 : i32
            %add3A_495 = vector.broadcast %add3A_494 : i32 to vector<16xi32>
            %add3A_496 = arith.addi %add3A_453, %add3A_495 : vector<16xi32>
            %mul3A_497 = arith.mulf %broadcast_in_dim3A_489, %mul3A_444 : vector<16xf32>
            tpu.vector_store_idx %arg11[%add3A_496], %mul3A_497 {add = true} : memref<66816xf32, #tpu.memory_space<vmem>>[vector<16xi32>], vector<16xf32>,
            %slice3A_498 = vector.extract_strided_slice %get3A_412 {offsets = [4], sizes = [1], strides = [1]} : vector<16xf32> to vector<1xf32>
            %squeeze3A_499 = vector.extract %slice3A_498[0] : f32 from vector<1xf32>
            %broadcast_in_dim3A_500 = vector.broadcast %squeeze3A_499 : f32 to vector<16xf32>
            %add3A_501 = arith.constant 512 : i32
            %add3A_502 = vector.broadcast %add3A_501 : i32 to vector<16xi32>
            %add3A_503 = arith.addi %add3A_450, %add3A_502 : vector<16xi32>
            %mul3A_504 = arith.mulf %broadcast_in_dim3A_500, %mul3A_443 : vector<16xf32>
            tpu.vector_store_idx %arg11[%add3A_503], %mul3A_504 {add = true} : memref<66816xf32, #tpu.memory_space<vmem>>[vector<16xi32>], vector<16xf32>,
            %add3A_505 = arith.constant 512 : i32
            %add3A_506 = vector.broadcast %add3A_505 : i32 to vector<16xi32>
            %add3A_507 = arith.addi %add3A_453, %add3A_506 : vector<16xi32>
            %mul3A_508 = arith.mulf %broadcast_in_dim3A_500, %mul3A_444 : vector<16xf32>
            tpu.vector_store_idx %arg11[%add3A_507], %mul3A_508 {add = true} : memref<66816xf32, #tpu.memory_space<vmem>>[vector<16xi32>], vector<16xf32>,
            %slice3A_509 = vector.extract_strided_slice %get3A_412 {offsets = [5], sizes = [1], strides = [1]} : vector<16xf32> to vector<1xf32>
            %squeeze3A_510 = vector.extract %slice3A_509[0] : f32 from vector<1xf32>
            %broadcast_in_dim3A_511 = vector.broadcast %squeeze3A_510 : f32 to vector<16xf32>
            %add3A_512 = arith.constant 640 : i32
            %add3A_513 = vector.broadcast %add3A_512 : i32 to vector<16xi32>
            %add3A_514 = arith.addi %add3A_450, %add3A_513 : vector<16xi32>
            %mul3A_515 = arith.mulf %broadcast_in_dim3A_511, %mul3A_443 : vector<16xf32>
            tpu.vector_store_idx %arg11[%add3A_514], %mul3A_515 {add = true} : memref<66816xf32, #tpu.memory_space<vmem>>[vector<16xi32>], vector<16xf32>,
            %add3A_516 = arith.constant 640 : i32
            %add3A_517 = vector.broadcast %add3A_516 : i32 to vector<16xi32>
            %add3A_518 = arith.addi %add3A_453, %add3A_517 : vector<16xi32>
            %mul3A_519 = arith.mulf %broadcast_in_dim3A_511, %mul3A_444 : vector<16xf32>
            tpu.vector_store_idx %arg11[%add3A_518], %mul3A_519 {add = true} : memref<66816xf32, #tpu.memory_space<vmem>>[vector<16xi32>], vector<16xf32>,
            %slice3A_520 = vector.extract_strided_slice %get3A_412 {offsets = [6], sizes = [1], strides = [1]} : vector<16xf32> to vector<1xf32>
            %squeeze3A_521 = vector.extract %slice3A_520[0] : f32 from vector<1xf32>
            %broadcast_in_dim3A_522 = vector.broadcast %squeeze3A_521 : f32 to vector<16xf32>
            %add3A_523 = arith.constant 768 : i32
            %add3A_524 = vector.broadcast %add3A_523 : i32 to vector<16xi32>
            %add3A_525 = arith.addi %add3A_450, %add3A_524 : vector<16xi32>
            %mul3A_526 = arith.mulf %broadcast_in_dim3A_522, %mul3A_443 : vector<16xf32>
            tpu.vector_store_idx %arg11[%add3A_525], %mul3A_526 {add = true} : memref<66816xf32, #tpu.memory_space<vmem>>[vector<16xi32>], vector<16xf32>,
            %add3A_527 = arith.constant 768 : i32
            %add3A_528 = vector.broadcast %add3A_527 : i32 to vector<16xi32>
            %add3A_529 = arith.addi %add3A_453, %add3A_528 : vector<16xi32>
            %mul3A_530 = arith.mulf %broadcast_in_dim3A_522, %mul3A_444 : vector<16xf32>
            tpu.vector_store_idx %arg11[%add3A_529], %mul3A_530 {add = true} : memref<66816xf32, #tpu.memory_space<vmem>>[vector<16xi32>], vector<16xf32>,
            %slice3A_531 = vector.extract_strided_slice %get3A_412 {offsets = [7], sizes = [1], strides = [1]} : vector<16xf32> to vector<1xf32>
            %squeeze3A_532 = vector.extract %slice3A_531[0] : f32 from vector<1xf32>
            %broadcast_in_dim3A_533 = vector.broadcast %squeeze3A_532 : f32 to vector<16xf32>
            %add3A_534 = arith.constant 896 : i32
            %add3A_535 = vector.broadcast %add3A_534 : i32 to vector<16xi32>
            %add3A_536 = arith.addi %add3A_450, %add3A_535 : vector<16xi32>
            %mul3A_537 = arith.mulf %broadcast_in_dim3A_533, %mul3A_443 : vector<16xf32>
            tpu.vector_store_idx %arg11[%add3A_536], %mul3A_537 {add = true} : memref<66816xf32, #tpu.memory_space<vmem>>[vector<16xi32>], vector<16xf32>,
            %add3A_538 = arith.constant 896 : i32
            %add3A_539 = vector.broadcast %add3A_538 : i32 to vector<16xi32>
            %add3A_540 = arith.addi %add3A_453, %add3A_539 : vector<16xi32>
            %mul3A_541 = arith.mulf %broadcast_in_dim3A_533, %mul3A_444 : vector<16xf32>
            tpu.vector_store_idx %arg11[%add3A_540], %mul3A_541 {add = true} : memref<66816xf32, #tpu.memory_space<vmem>>[vector<16xi32>], vector<16xf32>,
            %gt3A_542 = arith.constant 8 : i32
            %gt3A_543 = arith.cmpi sgt, %squeeze3A_398, %gt3A_542 : i32
            %convert_element_type3A_544 = arith.extui %gt3A_543 : i1 to i32
            %cond3A_545 = arith.constant 0 : i32
            %cond3A_546 = arith.cmpi ne, %convert_element_type3A_544, %cond3A_545 : i32
            scf.if %cond3A_546 {
              %slice3A_557 = vector.extract_strided_slice %get3A_412 {offsets = [8], sizes = [1], strides = [1]} : vector<16xf32> to vector<1xf32>
              %squeeze3A_558 = vector.extract %slice3A_557[0] : f32 from vector<1xf32>
              %broadcast_in_dim3A_559 = vector.broadcast %squeeze3A_558 : f32 to vector<16xf32>
              %add3A_560 = arith.constant 1024 : i32
              %add3A_561 = vector.broadcast %add3A_560 : i32 to vector<16xi32>
              %add3A_562 = arith.addi %add3A_450, %add3A_561 : vector<16xi32>
              %mul3A_563 = arith.mulf %broadcast_in_dim3A_559, %mul3A_443 : vector<16xf32>
              tpu.vector_store_idx %arg11[%add3A_562], %mul3A_563 {add = true} : memref<66816xf32, #tpu.memory_space<vmem>>[vector<16xi32>], vector<16xf32>,
              %add3A_564 = arith.constant 1024 : i32
              %add3A_565 = vector.broadcast %add3A_564 : i32 to vector<16xi32>
              %add3A_566 = arith.addi %add3A_453, %add3A_565 : vector<16xi32>
              %mul3A_567 = arith.mulf %broadcast_in_dim3A_559, %mul3A_444 : vector<16xf32>
              tpu.vector_store_idx %arg11[%add3A_566], %mul3A_567 {add = true} : memref<66816xf32, #tpu.memory_space<vmem>>[vector<16xi32>], vector<16xf32>,
              %slice3A_568 = vector.extract_strided_slice %get3A_412 {offsets = [9], sizes = [1], strides = [1]} : vector<16xf32> to vector<1xf32>
              %squeeze3A_569 = vector.extract %slice3A_568[0] : f32 from vector<1xf32>
              %broadcast_in_dim3A_570 = vector.broadcast %squeeze3A_569 : f32 to vector<16xf32>
              %add3A_571 = arith.constant 1152 : i32
              %add3A_572 = vector.broadcast %add3A_571 : i32 to vector<16xi32>
              %add3A_573 = arith.addi %add3A_450, %add3A_572 : vector<16xi32>
              %mul3A_574 = arith.mulf %broadcast_in_dim3A_570, %mul3A_443 : vector<16xf32>
              tpu.vector_store_idx %arg11[%add3A_573], %mul3A_574 {add = true} : memref<66816xf32, #tpu.memory_space<vmem>>[vector<16xi32>], vector<16xf32>,
              %add3A_575 = arith.constant 1152 : i32
              %add3A_576 = vector.broadcast %add3A_575 : i32 to vector<16xi32>
              %add3A_577 = arith.addi %add3A_453, %add3A_576 : vector<16xi32>
              %mul3A_578 = arith.mulf %broadcast_in_dim3A_570, %mul3A_444 : vector<16xf32>
              tpu.vector_store_idx %arg11[%add3A_577], %mul3A_578 {add = true} : memref<66816xf32, #tpu.memory_space<vmem>>[vector<16xi32>], vector<16xf32>,
              %slice3A_579 = vector.extract_strided_slice %get3A_412 {offsets = [10], sizes = [1], strides = [1]} : vector<16xf32> to vector<1xf32>
              %squeeze3A_580 = vector.extract %slice3A_579[0] : f32 from vector<1xf32>
              %broadcast_in_dim3A_581 = vector.broadcast %squeeze3A_580 : f32 to vector<16xf32>
              %add3A_582 = arith.constant 1280 : i32
              %add3A_583 = vector.broadcast %add3A_582 : i32 to vector<16xi32>
              %add3A_584 = arith.addi %add3A_450, %add3A_583 : vector<16xi32>
              %mul3A_585 = arith.mulf %broadcast_in_dim3A_581, %mul3A_443 : vector<16xf32>
              tpu.vector_store_idx %arg11[%add3A_584], %mul3A_585 {add = true} : memref<66816xf32, #tpu.memory_space<vmem>>[vector<16xi32>], vector<16xf32>,
              %add3A_586 = arith.constant 1280 : i32
              %add3A_587 = vector.broadcast %add3A_586 : i32 to vector<16xi32>
              %add3A_588 = arith.addi %add3A_453, %add3A_587 : vector<16xi32>
              %mul3A_589 = arith.mulf %broadcast_in_dim3A_581, %mul3A_444 : vector<16xf32>
              tpu.vector_store_idx %arg11[%add3A_588], %mul3A_589 {add = true} : memref<66816xf32, #tpu.memory_space<vmem>>[vector<16xi32>], vector<16xf32>,
              %slice3A_590 = vector.extract_strided_slice %get3A_412 {offsets = [11], sizes = [1], strides = [1]} : vector<16xf32> to vector<1xf32>
              %squeeze3A_591 = vector.extract %slice3A_590[0] : f32 from vector<1xf32>
              %broadcast_in_dim3A_592 = vector.broadcast %squeeze3A_591 : f32 to vector<16xf32>
              %add3A_593 = arith.constant 1408 : i32
              %add3A_594 = vector.broadcast %add3A_593 : i32 to vector<16xi32>
              %add3A_595 = arith.addi %add3A_450, %add3A_594 : vector<16xi32>
              %mul3A_596 = arith.mulf %broadcast_in_dim3A_592, %mul3A_443 : vector<16xf32>
              tpu.vector_store_idx %arg11[%add3A_595], %mul3A_596 {add = true} : memref<66816xf32, #tpu.memory_space<vmem>>[vector<16xi32>], vector<16xf32>,
              %add3A_597 = arith.constant 1408 : i32
              %add3A_598 = vector.broadcast %add3A_597 : i32 to vector<16xi32>
              %add3A_599 = arith.addi %add3A_453, %add3A_598 : vector<16xi32>
              %mul3A_600 = arith.mulf %broadcast_in_dim3A_592, %mul3A_444 : vector<16xf32>
              tpu.vector_store_idx %arg11[%add3A_599], %mul3A_600 {add = true} : memref<66816xf32, #tpu.memory_space<vmem>>[vector<16xi32>], vector<16xf32>,
              %slice3A_601 = vector.extract_strided_slice %get3A_412 {offsets = [12], sizes = [1], strides = [1]} : vector<16xf32> to vector<1xf32>
              %squeeze3A_602 = vector.extract %slice3A_601[0] : f32 from vector<1xf32>
              %broadcast_in_dim3A_603 = vector.broadcast %squeeze3A_602 : f32 to vector<16xf32>
              %add3A_604 = arith.constant 1536 : i32
              %add3A_605 = vector.broadcast %add3A_604 : i32 to vector<16xi32>
              %add3A_606 = arith.addi %add3A_450, %add3A_605 : vector<16xi32>
              %mul3A_607 = arith.mulf %broadcast_in_dim3A_603, %mul3A_443 : vector<16xf32>
              tpu.vector_store_idx %arg11[%add3A_606], %mul3A_607 {add = true} : memref<66816xf32, #tpu.memory_space<vmem>>[vector<16xi32>], vector<16xf32>,
              %add3A_608 = arith.constant 1536 : i32
              %add3A_609 = vector.broadcast %add3A_608 : i32 to vector<16xi32>
              %add3A_610 = arith.addi %add3A_453, %add3A_609 : vector<16xi32>
              %mul3A_611 = arith.mulf %broadcast_in_dim3A_603, %mul3A_444 : vector<16xf32>
              tpu.vector_store_idx %arg11[%add3A_610], %mul3A_611 {add = true} : memref<66816xf32, #tpu.memory_space<vmem>>[vector<16xi32>], vector<16xf32>,
              %slice3A_612 = vector.extract_strided_slice %get3A_412 {offsets = [13], sizes = [1], strides = [1]} : vector<16xf32> to vector<1xf32>
              %squeeze3A_613 = vector.extract %slice3A_612[0] : f32 from vector<1xf32>
              %broadcast_in_dim3A_614 = vector.broadcast %squeeze3A_613 : f32 to vector<16xf32>
              %add3A_615 = arith.constant 1664 : i32
              %add3A_616 = vector.broadcast %add3A_615 : i32 to vector<16xi32>
              %add3A_617 = arith.addi %add3A_450, %add3A_616 : vector<16xi32>
              %mul3A_618 = arith.mulf %broadcast_in_dim3A_614, %mul3A_443 : vector<16xf32>
              tpu.vector_store_idx %arg11[%add3A_617], %mul3A_618 {add = true} : memref<66816xf32, #tpu.memory_space<vmem>>[vector<16xi32>], vector<16xf32>,
              %add3A_619 = arith.constant 1664 : i32
              %add3A_620 = vector.broadcast %add3A_619 : i32 to vector<16xi32>
              %add3A_621 = arith.addi %add3A_453, %add3A_620 : vector<16xi32>
              %mul3A_622 = arith.mulf %broadcast_in_dim3A_614, %mul3A_444 : vector<16xf32>
              tpu.vector_store_idx %arg11[%add3A_621], %mul3A_622 {add = true} : memref<66816xf32, #tpu.memory_space<vmem>>[vector<16xi32>], vector<16xf32>,
              %slice3A_623 = vector.extract_strided_slice %get3A_412 {offsets = [14], sizes = [1], strides = [1]} : vector<16xf32> to vector<1xf32>
              %squeeze3A_624 = vector.extract %slice3A_623[0] : f32 from vector<1xf32>
              %broadcast_in_dim3A_625 = vector.broadcast %squeeze3A_624 : f32 to vector<16xf32>
              %add3A_626 = arith.constant 1792 : i32
              %add3A_627 = vector.broadcast %add3A_626 : i32 to vector<16xi32>
              %add3A_628 = arith.addi %add3A_450, %add3A_627 : vector<16xi32>
              %mul3A_629 = arith.mulf %broadcast_in_dim3A_625, %mul3A_443 : vector<16xf32>
              tpu.vector_store_idx %arg11[%add3A_628], %mul3A_629 {add = true} : memref<66816xf32, #tpu.memory_space<vmem>>[vector<16xi32>], vector<16xf32>,
              %add3A_630 = arith.constant 1792 : i32
              %add3A_631 = vector.broadcast %add3A_630 : i32 to vector<16xi32>
              %add3A_632 = arith.addi %add3A_453, %add3A_631 : vector<16xi32>
              %mul3A_633 = arith.mulf %broadcast_in_dim3A_625, %mul3A_444 : vector<16xf32>
              tpu.vector_store_idx %arg11[%add3A_632], %mul3A_633 {add = true} : memref<66816xf32, #tpu.memory_space<vmem>>[vector<16xi32>], vector<16xf32>,
              %slice3A_634 = vector.extract_strided_slice %get3A_412 {offsets = [15], sizes = [1], strides = [1]} : vector<16xf32> to vector<1xf32>
              %squeeze3A_635 = vector.extract %slice3A_634[0] : f32 from vector<1xf32>
              %broadcast_in_dim3A_636 = vector.broadcast %squeeze3A_635 : f32 to vector<16xf32>
              %add3A_637 = arith.constant 1920 : i32
              %add3A_638 = vector.broadcast %add3A_637 : i32 to vector<16xi32>
              %add3A_639 = arith.addi %add3A_450, %add3A_638 : vector<16xi32>
              %mul3A_640 = arith.mulf %broadcast_in_dim3A_636, %mul3A_443 : vector<16xf32>
              tpu.vector_store_idx %arg11[%add3A_639], %mul3A_640 {add = true} : memref<66816xf32, #tpu.memory_space<vmem>>[vector<16xi32>], vector<16xf32>,
              %add3A_641 = arith.constant 1920 : i32
              %add3A_642 = vector.broadcast %add3A_641 : i32 to vector<16xi32>
              %add3A_643 = arith.addi %add3A_453, %add3A_642 : vector<16xi32>
              %mul3A_644 = arith.mulf %broadcast_in_dim3A_636, %mul3A_444 : vector<16xf32>
              tpu.vector_store_idx %arg11[%add3A_643], %mul3A_644 {add = true} : memref<66816xf32, #tpu.memory_space<vmem>>[vector<16xi32>], vector<16xf32>,
            } else {
            }
            %gt3A_547 = arith.constant 16 : i32
            %gt3A_548 = arith.cmpi sgt, %squeeze3A_398, %gt3A_547 : i32
            %convert_element_type3A_549 = arith.extui %gt3A_548 : i1 to i32
            %cond3A_550 = arith.constant 0 : i32
            %cond3A_551 = arith.cmpi ne, %convert_element_type3A_549, %cond3A_550 : i32
            scf.if %cond3A_551 {
              %slice3A_557 = vector.extract_strided_slice %get3A_416 {offsets = [0], sizes = [1], strides = [1]} : vector<16xf32> to vector<1xf32>
              %squeeze3A_558 = vector.extract %slice3A_557[0] : f32 from vector<1xf32>
              %broadcast_in_dim3A_559 = vector.broadcast %squeeze3A_558 : f32 to vector<16xf32>
              %add3A_560 = arith.constant 2048 : i32
              %add3A_561 = vector.broadcast %add3A_560 : i32 to vector<16xi32>
              %add3A_562 = arith.addi %add3A_450, %add3A_561 : vector<16xi32>
              %mul3A_563 = arith.mulf %broadcast_in_dim3A_559, %mul3A_443 : vector<16xf32>
              tpu.vector_store_idx %arg11[%add3A_562], %mul3A_563 {add = true} : memref<66816xf32, #tpu.memory_space<vmem>>[vector<16xi32>], vector<16xf32>,
              %add3A_564 = arith.constant 2048 : i32
              %add3A_565 = vector.broadcast %add3A_564 : i32 to vector<16xi32>
              %add3A_566 = arith.addi %add3A_453, %add3A_565 : vector<16xi32>
              %mul3A_567 = arith.mulf %broadcast_in_dim3A_559, %mul3A_444 : vector<16xf32>
              tpu.vector_store_idx %arg11[%add3A_566], %mul3A_567 {add = true} : memref<66816xf32, #tpu.memory_space<vmem>>[vector<16xi32>], vector<16xf32>,
              %slice3A_568 = vector.extract_strided_slice %get3A_416 {offsets = [1], sizes = [1], strides = [1]} : vector<16xf32> to vector<1xf32>
              %squeeze3A_569 = vector.extract %slice3A_568[0] : f32 from vector<1xf32>
              %broadcast_in_dim3A_570 = vector.broadcast %squeeze3A_569 : f32 to vector<16xf32>
              %add3A_571 = arith.constant 2176 : i32
              %add3A_572 = vector.broadcast %add3A_571 : i32 to vector<16xi32>
              %add3A_573 = arith.addi %add3A_450, %add3A_572 : vector<16xi32>
              %mul3A_574 = arith.mulf %broadcast_in_dim3A_570, %mul3A_443 : vector<16xf32>
              tpu.vector_store_idx %arg11[%add3A_573], %mul3A_574 {add = true} : memref<66816xf32, #tpu.memory_space<vmem>>[vector<16xi32>], vector<16xf32>,
              %add3A_575 = arith.constant 2176 : i32
              %add3A_576 = vector.broadcast %add3A_575 : i32 to vector<16xi32>
              %add3A_577 = arith.addi %add3A_453, %add3A_576 : vector<16xi32>
              %mul3A_578 = arith.mulf %broadcast_in_dim3A_570, %mul3A_444 : vector<16xf32>
              tpu.vector_store_idx %arg11[%add3A_577], %mul3A_578 {add = true} : memref<66816xf32, #tpu.memory_space<vmem>>[vector<16xi32>], vector<16xf32>,
              %slice3A_579 = vector.extract_strided_slice %get3A_416 {offsets = [2], sizes = [1], strides = [1]} : vector<16xf32> to vector<1xf32>
              %squeeze3A_580 = vector.extract %slice3A_579[0] : f32 from vector<1xf32>
              %broadcast_in_dim3A_581 = vector.broadcast %squeeze3A_580 : f32 to vector<16xf32>
              %add3A_582 = arith.constant 2304 : i32
              %add3A_583 = vector.broadcast %add3A_582 : i32 to vector<16xi32>
              %add3A_584 = arith.addi %add3A_450, %add3A_583 : vector<16xi32>
              %mul3A_585 = arith.mulf %broadcast_in_dim3A_581, %mul3A_443 : vector<16xf32>
              tpu.vector_store_idx %arg11[%add3A_584], %mul3A_585 {add = true} : memref<66816xf32, #tpu.memory_space<vmem>>[vector<16xi32>], vector<16xf32>,
              %add3A_586 = arith.constant 2304 : i32
              %add3A_587 = vector.broadcast %add3A_586 : i32 to vector<16xi32>
              %add3A_588 = arith.addi %add3A_453, %add3A_587 : vector<16xi32>
              %mul3A_589 = arith.mulf %broadcast_in_dim3A_581, %mul3A_444 : vector<16xf32>
              tpu.vector_store_idx %arg11[%add3A_588], %mul3A_589 {add = true} : memref<66816xf32, #tpu.memory_space<vmem>>[vector<16xi32>], vector<16xf32>,
              %slice3A_590 = vector.extract_strided_slice %get3A_416 {offsets = [3], sizes = [1], strides = [1]} : vector<16xf32> to vector<1xf32>
              %squeeze3A_591 = vector.extract %slice3A_590[0] : f32 from vector<1xf32>
              %broadcast_in_dim3A_592 = vector.broadcast %squeeze3A_591 : f32 to vector<16xf32>
              %add3A_593 = arith.constant 2432 : i32
              %add3A_594 = vector.broadcast %add3A_593 : i32 to vector<16xi32>
              %add3A_595 = arith.addi %add3A_450, %add3A_594 : vector<16xi32>
              %mul3A_596 = arith.mulf %broadcast_in_dim3A_592, %mul3A_443 : vector<16xf32>
              tpu.vector_store_idx %arg11[%add3A_595], %mul3A_596 {add = true} : memref<66816xf32, #tpu.memory_space<vmem>>[vector<16xi32>], vector<16xf32>,
              %add3A_597 = arith.constant 2432 : i32
              %add3A_598 = vector.broadcast %add3A_597 : i32 to vector<16xi32>
              %add3A_599 = arith.addi %add3A_453, %add3A_598 : vector<16xi32>
              %mul3A_600 = arith.mulf %broadcast_in_dim3A_592, %mul3A_444 : vector<16xf32>
              tpu.vector_store_idx %arg11[%add3A_599], %mul3A_600 {add = true} : memref<66816xf32, #tpu.memory_space<vmem>>[vector<16xi32>], vector<16xf32>,
              %slice3A_601 = vector.extract_strided_slice %get3A_416 {offsets = [4], sizes = [1], strides = [1]} : vector<16xf32> to vector<1xf32>
              %squeeze3A_602 = vector.extract %slice3A_601[0] : f32 from vector<1xf32>
              %broadcast_in_dim3A_603 = vector.broadcast %squeeze3A_602 : f32 to vector<16xf32>
              %add3A_604 = arith.constant 2560 : i32
              %add3A_605 = vector.broadcast %add3A_604 : i32 to vector<16xi32>
              %add3A_606 = arith.addi %add3A_450, %add3A_605 : vector<16xi32>
              %mul3A_607 = arith.mulf %broadcast_in_dim3A_603, %mul3A_443 : vector<16xf32>
              tpu.vector_store_idx %arg11[%add3A_606], %mul3A_607 {add = true} : memref<66816xf32, #tpu.memory_space<vmem>>[vector<16xi32>], vector<16xf32>,
              %add3A_608 = arith.constant 2560 : i32
              %add3A_609 = vector.broadcast %add3A_608 : i32 to vector<16xi32>
              %add3A_610 = arith.addi %add3A_453, %add3A_609 : vector<16xi32>
              %mul3A_611 = arith.mulf %broadcast_in_dim3A_603, %mul3A_444 : vector<16xf32>
              tpu.vector_store_idx %arg11[%add3A_610], %mul3A_611 {add = true} : memref<66816xf32, #tpu.memory_space<vmem>>[vector<16xi32>], vector<16xf32>,
              %slice3A_612 = vector.extract_strided_slice %get3A_416 {offsets = [5], sizes = [1], strides = [1]} : vector<16xf32> to vector<1xf32>
              %squeeze3A_613 = vector.extract %slice3A_612[0] : f32 from vector<1xf32>
              %broadcast_in_dim3A_614 = vector.broadcast %squeeze3A_613 : f32 to vector<16xf32>
              %add3A_615 = arith.constant 2688 : i32
              %add3A_616 = vector.broadcast %add3A_615 : i32 to vector<16xi32>
              %add3A_617 = arith.addi %add3A_450, %add3A_616 : vector<16xi32>
              %mul3A_618 = arith.mulf %broadcast_in_dim3A_614, %mul3A_443 : vector<16xf32>
              tpu.vector_store_idx %arg11[%add3A_617], %mul3A_618 {add = true} : memref<66816xf32, #tpu.memory_space<vmem>>[vector<16xi32>], vector<16xf32>,
              %add3A_619 = arith.constant 2688 : i32
              %add3A_620 = vector.broadcast %add3A_619 : i32 to vector<16xi32>
              %add3A_621 = arith.addi %add3A_453, %add3A_620 : vector<16xi32>
              %mul3A_622 = arith.mulf %broadcast_in_dim3A_614, %mul3A_444 : vector<16xf32>
              tpu.vector_store_idx %arg11[%add3A_621], %mul3A_622 {add = true} : memref<66816xf32, #tpu.memory_space<vmem>>[vector<16xi32>], vector<16xf32>,
              %slice3A_623 = vector.extract_strided_slice %get3A_416 {offsets = [6], sizes = [1], strides = [1]} : vector<16xf32> to vector<1xf32>
              %squeeze3A_624 = vector.extract %slice3A_623[0] : f32 from vector<1xf32>
              %broadcast_in_dim3A_625 = vector.broadcast %squeeze3A_624 : f32 to vector<16xf32>
              %add3A_626 = arith.constant 2816 : i32
              %add3A_627 = vector.broadcast %add3A_626 : i32 to vector<16xi32>
              %add3A_628 = arith.addi %add3A_450, %add3A_627 : vector<16xi32>
              %mul3A_629 = arith.mulf %broadcast_in_dim3A_625, %mul3A_443 : vector<16xf32>
              tpu.vector_store_idx %arg11[%add3A_628], %mul3A_629 {add = true} : memref<66816xf32, #tpu.memory_space<vmem>>[vector<16xi32>], vector<16xf32>,
              %add3A_630 = arith.constant 2816 : i32
              %add3A_631 = vector.broadcast %add3A_630 : i32 to vector<16xi32>
              %add3A_632 = arith.addi %add3A_453, %add3A_631 : vector<16xi32>
              %mul3A_633 = arith.mulf %broadcast_in_dim3A_625, %mul3A_444 : vector<16xf32>
              tpu.vector_store_idx %arg11[%add3A_632], %mul3A_633 {add = true} : memref<66816xf32, #tpu.memory_space<vmem>>[vector<16xi32>], vector<16xf32>,
              %slice3A_634 = vector.extract_strided_slice %get3A_416 {offsets = [7], sizes = [1], strides = [1]} : vector<16xf32> to vector<1xf32>
              %squeeze3A_635 = vector.extract %slice3A_634[0] : f32 from vector<1xf32>
              %broadcast_in_dim3A_636 = vector.broadcast %squeeze3A_635 : f32 to vector<16xf32>
              %add3A_637 = arith.constant 2944 : i32
              %add3A_638 = vector.broadcast %add3A_637 : i32 to vector<16xi32>
              %add3A_639 = arith.addi %add3A_450, %add3A_638 : vector<16xi32>
              %mul3A_640 = arith.mulf %broadcast_in_dim3A_636, %mul3A_443 : vector<16xf32>
              tpu.vector_store_idx %arg11[%add3A_639], %mul3A_640 {add = true} : memref<66816xf32, #tpu.memory_space<vmem>>[vector<16xi32>], vector<16xf32>,
              %add3A_641 = arith.constant 2944 : i32
              %add3A_642 = vector.broadcast %add3A_641 : i32 to vector<16xi32>
              %add3A_643 = arith.addi %add3A_453, %add3A_642 : vector<16xi32>
              %mul3A_644 = arith.mulf %broadcast_in_dim3A_636, %mul3A_444 : vector<16xf32>
              tpu.vector_store_idx %arg11[%add3A_643], %mul3A_644 {add = true} : memref<66816xf32, #tpu.memory_space<vmem>>[vector<16xi32>], vector<16xf32>,
            } else {
            }
            %gt3A_552 = arith.constant 24 : i32
            %gt3A_553 = arith.cmpi sgt, %squeeze3A_398, %gt3A_552 : i32
            %convert_element_type3A_554 = arith.extui %gt3A_553 : i1 to i32
            %cond3A_555 = arith.constant 0 : i32
            %cond3A_556 = arith.cmpi ne, %convert_element_type3A_554, %cond3A_555 : i32
            scf.if %cond3A_556 {
              %slice3A_557 = vector.extract_strided_slice %get3A_416 {offsets = [8], sizes = [1], strides = [1]} : vector<16xf32> to vector<1xf32>
              %squeeze3A_558 = vector.extract %slice3A_557[0] : f32 from vector<1xf32>
              %broadcast_in_dim3A_559 = vector.broadcast %squeeze3A_558 : f32 to vector<16xf32>
              %add3A_560 = arith.constant 3072 : i32
              %add3A_561 = vector.broadcast %add3A_560 : i32 to vector<16xi32>
              %add3A_562 = arith.addi %add3A_450, %add3A_561 : vector<16xi32>
              %mul3A_563 = arith.mulf %broadcast_in_dim3A_559, %mul3A_443 : vector<16xf32>
              tpu.vector_store_idx %arg11[%add3A_562], %mul3A_563 {add = true} : memref<66816xf32, #tpu.memory_space<vmem>>[vector<16xi32>], vector<16xf32>,
              %add3A_564 = arith.constant 3072 : i32
              %add3A_565 = vector.broadcast %add3A_564 : i32 to vector<16xi32>
              %add3A_566 = arith.addi %add3A_453, %add3A_565 : vector<16xi32>
              %mul3A_567 = arith.mulf %broadcast_in_dim3A_559, %mul3A_444 : vector<16xf32>
              tpu.vector_store_idx %arg11[%add3A_566], %mul3A_567 {add = true} : memref<66816xf32, #tpu.memory_space<vmem>>[vector<16xi32>], vector<16xf32>,
              %slice3A_568 = vector.extract_strided_slice %get3A_416 {offsets = [9], sizes = [1], strides = [1]} : vector<16xf32> to vector<1xf32>
              %squeeze3A_569 = vector.extract %slice3A_568[0] : f32 from vector<1xf32>
              %broadcast_in_dim3A_570 = vector.broadcast %squeeze3A_569 : f32 to vector<16xf32>
              %add3A_571 = arith.constant 3200 : i32
              %add3A_572 = vector.broadcast %add3A_571 : i32 to vector<16xi32>
              %add3A_573 = arith.addi %add3A_450, %add3A_572 : vector<16xi32>
              %mul3A_574 = arith.mulf %broadcast_in_dim3A_570, %mul3A_443 : vector<16xf32>
              tpu.vector_store_idx %arg11[%add3A_573], %mul3A_574 {add = true} : memref<66816xf32, #tpu.memory_space<vmem>>[vector<16xi32>], vector<16xf32>,
              %add3A_575 = arith.constant 3200 : i32
              %add3A_576 = vector.broadcast %add3A_575 : i32 to vector<16xi32>
              %add3A_577 = arith.addi %add3A_453, %add3A_576 : vector<16xi32>
              %mul3A_578 = arith.mulf %broadcast_in_dim3A_570, %mul3A_444 : vector<16xf32>
              tpu.vector_store_idx %arg11[%add3A_577], %mul3A_578 {add = true} : memref<66816xf32, #tpu.memory_space<vmem>>[vector<16xi32>], vector<16xf32>,
              %slice3A_579 = vector.extract_strided_slice %get3A_416 {offsets = [10], sizes = [1], strides = [1]} : vector<16xf32> to vector<1xf32>
              %squeeze3A_580 = vector.extract %slice3A_579[0] : f32 from vector<1xf32>
              %broadcast_in_dim3A_581 = vector.broadcast %squeeze3A_580 : f32 to vector<16xf32>
              %add3A_582 = arith.constant 3328 : i32
              %add3A_583 = vector.broadcast %add3A_582 : i32 to vector<16xi32>
              %add3A_584 = arith.addi %add3A_450, %add3A_583 : vector<16xi32>
              %mul3A_585 = arith.mulf %broadcast_in_dim3A_581, %mul3A_443 : vector<16xf32>
              tpu.vector_store_idx %arg11[%add3A_584], %mul3A_585 {add = true} : memref<66816xf32, #tpu.memory_space<vmem>>[vector<16xi32>], vector<16xf32>,
              %add3A_586 = arith.constant 3328 : i32
              %add3A_587 = vector.broadcast %add3A_586 : i32 to vector<16xi32>
              %add3A_588 = arith.addi %add3A_453, %add3A_587 : vector<16xi32>
              %mul3A_589 = arith.mulf %broadcast_in_dim3A_581, %mul3A_444 : vector<16xf32>
              tpu.vector_store_idx %arg11[%add3A_588], %mul3A_589 {add = true} : memref<66816xf32, #tpu.memory_space<vmem>>[vector<16xi32>], vector<16xf32>,
              %slice3A_590 = vector.extract_strided_slice %get3A_416 {offsets = [11], sizes = [1], strides = [1]} : vector<16xf32> to vector<1xf32>
              %squeeze3A_591 = vector.extract %slice3A_590[0] : f32 from vector<1xf32>
              %broadcast_in_dim3A_592 = vector.broadcast %squeeze3A_591 : f32 to vector<16xf32>
              %add3A_593 = arith.constant 3456 : i32
              %add3A_594 = vector.broadcast %add3A_593 : i32 to vector<16xi32>
              %add3A_595 = arith.addi %add3A_450, %add3A_594 : vector<16xi32>
              %mul3A_596 = arith.mulf %broadcast_in_dim3A_592, %mul3A_443 : vector<16xf32>
              tpu.vector_store_idx %arg11[%add3A_595], %mul3A_596 {add = true} : memref<66816xf32, #tpu.memory_space<vmem>>[vector<16xi32>], vector<16xf32>,
              %add3A_597 = arith.constant 3456 : i32
              %add3A_598 = vector.broadcast %add3A_597 : i32 to vector<16xi32>
              %add3A_599 = arith.addi %add3A_453, %add3A_598 : vector<16xi32>
              %mul3A_600 = arith.mulf %broadcast_in_dim3A_592, %mul3A_444 : vector<16xf32>
              tpu.vector_store_idx %arg11[%add3A_599], %mul3A_600 {add = true} : memref<66816xf32, #tpu.memory_space<vmem>>[vector<16xi32>], vector<16xf32>,
              %slice3A_601 = vector.extract_strided_slice %get3A_416 {offsets = [12], sizes = [1], strides = [1]} : vector<16xf32> to vector<1xf32>
              %squeeze3A_602 = vector.extract %slice3A_601[0] : f32 from vector<1xf32>
              %broadcast_in_dim3A_603 = vector.broadcast %squeeze3A_602 : f32 to vector<16xf32>
              %add3A_604 = arith.constant 3584 : i32
              %add3A_605 = vector.broadcast %add3A_604 : i32 to vector<16xi32>
              %add3A_606 = arith.addi %add3A_450, %add3A_605 : vector<16xi32>
              %mul3A_607 = arith.mulf %broadcast_in_dim3A_603, %mul3A_443 : vector<16xf32>
              tpu.vector_store_idx %arg11[%add3A_606], %mul3A_607 {add = true} : memref<66816xf32, #tpu.memory_space<vmem>>[vector<16xi32>], vector<16xf32>,
              %add3A_608 = arith.constant 3584 : i32
              %add3A_609 = vector.broadcast %add3A_608 : i32 to vector<16xi32>
              %add3A_610 = arith.addi %add3A_453, %add3A_609 : vector<16xi32>
              %mul3A_611 = arith.mulf %broadcast_in_dim3A_603, %mul3A_444 : vector<16xf32>
              tpu.vector_store_idx %arg11[%add3A_610], %mul3A_611 {add = true} : memref<66816xf32, #tpu.memory_space<vmem>>[vector<16xi32>], vector<16xf32>,
              %slice3A_612 = vector.extract_strided_slice %get3A_416 {offsets = [13], sizes = [1], strides = [1]} : vector<16xf32> to vector<1xf32>
              %squeeze3A_613 = vector.extract %slice3A_612[0] : f32 from vector<1xf32>
              %broadcast_in_dim3A_614 = vector.broadcast %squeeze3A_613 : f32 to vector<16xf32>
              %add3A_615 = arith.constant 3712 : i32
              %add3A_616 = vector.broadcast %add3A_615 : i32 to vector<16xi32>
              %add3A_617 = arith.addi %add3A_450, %add3A_616 : vector<16xi32>
              %mul3A_618 = arith.mulf %broadcast_in_dim3A_614, %mul3A_443 : vector<16xf32>
              tpu.vector_store_idx %arg11[%add3A_617], %mul3A_618 {add = true} : memref<66816xf32, #tpu.memory_space<vmem>>[vector<16xi32>], vector<16xf32>,
              %add3A_619 = arith.constant 3712 : i32
              %add3A_620 = vector.broadcast %add3A_619 : i32 to vector<16xi32>
              %add3A_621 = arith.addi %add3A_453, %add3A_620 : vector<16xi32>
              %mul3A_622 = arith.mulf %broadcast_in_dim3A_614, %mul3A_444 : vector<16xf32>
              tpu.vector_store_idx %arg11[%add3A_621], %mul3A_622 {add = true} : memref<66816xf32, #tpu.memory_space<vmem>>[vector<16xi32>], vector<16xf32>,
              %slice3A_623 = vector.extract_strided_slice %get3A_416 {offsets = [14], sizes = [1], strides = [1]} : vector<16xf32> to vector<1xf32>
              %squeeze3A_624 = vector.extract %slice3A_623[0] : f32 from vector<1xf32>
              %broadcast_in_dim3A_625 = vector.broadcast %squeeze3A_624 : f32 to vector<16xf32>
              %add3A_626 = arith.constant 3840 : i32
              %add3A_627 = vector.broadcast %add3A_626 : i32 to vector<16xi32>
              %add3A_628 = arith.addi %add3A_450, %add3A_627 : vector<16xi32>
              %mul3A_629 = arith.mulf %broadcast_in_dim3A_625, %mul3A_443 : vector<16xf32>
              tpu.vector_store_idx %arg11[%add3A_628], %mul3A_629 {add = true} : memref<66816xf32, #tpu.memory_space<vmem>>[vector<16xi32>], vector<16xf32>,
              %add3A_630 = arith.constant 3840 : i32
              %add3A_631 = vector.broadcast %add3A_630 : i32 to vector<16xi32>
              %add3A_632 = arith.addi %add3A_453, %add3A_631 : vector<16xi32>
              %mul3A_633 = arith.mulf %broadcast_in_dim3A_625, %mul3A_444 : vector<16xf32>
              tpu.vector_store_idx %arg11[%add3A_632], %mul3A_633 {add = true} : memref<66816xf32, #tpu.memory_space<vmem>>[vector<16xi32>], vector<16xf32>,
              %slice3A_634 = vector.extract_strided_slice %get3A_416 {offsets = [15], sizes = [1], strides = [1]} : vector<16xf32> to vector<1xf32>
              %squeeze3A_635 = vector.extract %slice3A_634[0] : f32 from vector<1xf32>
              %broadcast_in_dim3A_636 = vector.broadcast %squeeze3A_635 : f32 to vector<16xf32>
              %add3A_637 = arith.constant 3968 : i32
              %add3A_638 = vector.broadcast %add3A_637 : i32 to vector<16xi32>
              %add3A_639 = arith.addi %add3A_450, %add3A_638 : vector<16xi32>
              %mul3A_640 = arith.mulf %broadcast_in_dim3A_636, %mul3A_443 : vector<16xf32>
              tpu.vector_store_idx %arg11[%add3A_639], %mul3A_640 {add = true} : memref<66816xf32, #tpu.memory_space<vmem>>[vector<16xi32>], vector<16xf32>,
              %add3A_641 = arith.constant 3968 : i32
              %add3A_642 = vector.broadcast %add3A_641 : i32 to vector<16xi32>
              %add3A_643 = arith.addi %add3A_453, %add3A_642 : vector<16xi32>
              %mul3A_644 = arith.mulf %broadcast_in_dim3A_636, %mul3A_444 : vector<16xf32>
              tpu.vector_store_idx %arg11[%add3A_643], %mul3A_644 {add = true} : memref<66816xf32, #tpu.memory_space<vmem>>[vector<16xi32>], vector<16xf32>,
            } else {
            }
          }
        } else {
        }
      } else {
      }
    }
    %scan3A_363 = arith.constant 256 : i32
    %mul3A_364 = arith.constant 65536 : i32
    %mul3A_365 = arith.muli %add3A, %mul3A_364 : i32
    "tpu.region"() ({
      %run_scoped3A = tpu.sem_alloc : memref<!tpu.dma_semaphore, #tpu.memory_space<semaphore_mem>>
      %dma_start3A_366 = arith.constant 0 : i32
      %dma_start3A_367 = tpu.memref_slice %arg11[%dma_start3A_366] : memref<66816xf32, #tpu.memory_space<vmem>> -> memref<65536xf32, #tpu.memory_space<vmem>>
      %dma_start3A_368 = tpu.memref_slice %arg6[%mul3A_365] : memref<2097152xf32, #tpu.memory_space<hbm>> -> memref<65536xf32, #tpu.memory_space<hbm>>
      %dma_start3A_369 = tpu.memref_slice %arg6[%mul3A_365] : memref<2097152xf32, #tpu.memory_space<hbm>> -> memref<65536xf32, #tpu.memory_space<hbm>>
      %dma_start3A_370 = arith.constant 0 : i32
      %dma_start3A_371 = tpu.memref_slice %arg11[%dma_start3A_370] : memref<66816xf32, #tpu.memory_space<vmem>> -> memref<65536xf32, #tpu.memory_space<vmem>>
      tpu.enqueue_dma source(%dma_start3A_371 : memref<65536xf32, #tpu.memory_space<vmem>>) target(%dma_start3A_369 : memref<65536xf32, #tpu.memory_space<hbm>>) target_semaphore(%run_scoped3A : memref<!tpu.dma_semaphore, #tpu.memory_space<semaphore_mem>>)
      %dma_wait3A_372 = arith.constant 0 : i32
      %dma_wait3A_373 = tpu.memref_slice %arg11[%dma_wait3A_372] : memref<66816xf32, #tpu.memory_space<vmem>> -> memref<65536xf32, #tpu.memory_space<vmem>>
      %dma_wait3A_374 = tpu.memref_slice %arg6[%mul3A_365] : memref<2097152xf32, #tpu.memory_space<hbm>> -> memref<65536xf32, #tpu.memory_space<hbm>>
      %dma_wait3A_375 = tpu.memref_slice %arg6[%mul3A_365] : memref<2097152xf32, #tpu.memory_space<hbm>> -> memref<65536xf32, #tpu.memory_space<hbm>>
      %dma_wait3A_376 = arith.constant 0 : i32
      %dma_wait3A_377 = tpu.memref_slice %arg11[%dma_wait3A_376] : memref<66816xf32, #tpu.memory_space<vmem>> -> memref<65536xf32, #tpu.memory_space<vmem>>
      tpu.wait_dma2 semaphore(%run_scoped3A : memref<!tpu.dma_semaphore, #tpu.memory_space<semaphore_mem>>) src(%dma_wait3A_377 : memref<65536xf32, #tpu.memory_space<vmem>>) dst(%dma_wait3A_375 : memref<65536xf32, #tpu.memory_space<hbm>>)
      tpu.yield
    }) : () -> ()
    return
  }
}

module attributes {stable_mosaic.version = 14 : i64} {
  func.func @_tc_body(%arg0: memref<8x512xf32, #tpu.memory_space<vmem>>, %arg1: memref<512x32xf32, #tpu.memory_space<vmem>>, %arg2: memref<512x32xf32, #tpu.memory_space<vmem>>, %arg3: memref<512x32xf32, #tpu.memory_space<vmem>>, %arg4: memref<512x8xi32, #tpu.memory_space<vmem>>) attributes {dimension_semantics = [], scalar_prefetch = 0 : i64, scratch_operands = 0 : i64, tpu.core_type = #tpu.core_type<tc>} {
    %iota3A = tpu.iota {dimensions = array<i32: 1>} : vector<512x32xi32>
    %convert_element_type3A = arith.sitofp %iota3A : vector<512x32xi32> to vector<512x32xf32>
    %get3A = arith.constant 0 : index
    %get3A_0 = arith.constant 0 : index
    %get3A_1 = vector.load %arg0[%get3A, %get3A_0] : memref<8x512xf32, #tpu.memory_space<vmem>>, vector<1x512xf32>
    %get3A_2 = vector.shape_cast %get3A_1 : vector<1x512xf32> to vector<512xf32>
    %reshape3A = vector.shape_cast %get3A_2 : vector<512xf32> to vector<512x1xf32>
    %get3A_3 = arith.constant 1 : index
    %get3A_4 = arith.constant 0 : index
    %get3A_5 = vector.load %arg0[%get3A_3, %get3A_4] : memref<8x512xf32, #tpu.memory_space<vmem>>, vector<1x512xf32>
    %get3A_6 = vector.shape_cast %get3A_5 : vector<1x512xf32> to vector<512xf32>
    %reshape3A_7 = vector.shape_cast %get3A_6 : vector<512xf32> to vector<512x1xf32>
    %get3A_8 = arith.constant 2 : index
    %get3A_9 = arith.constant 0 : index
    %get3A_10 = vector.load %arg0[%get3A_8, %get3A_9] : memref<8x512xf32, #tpu.memory_space<vmem>>, vector<1x512xf32>
    %get3A_11 = vector.shape_cast %get3A_10 : vector<1x512xf32> to vector<512xf32>
    %reshape3A_12 = vector.shape_cast %get3A_11 : vector<512xf32> to vector<512x1xf32>
    %get3A_13 = arith.constant 3 : index
    %get3A_14 = arith.constant 0 : index
    %get3A_15 = vector.load %arg0[%get3A_13, %get3A_14] : memref<8x512xf32, #tpu.memory_space<vmem>>, vector<1x512xf32>
    %get3A_16 = vector.shape_cast %get3A_15 : vector<1x512xf32> to vector<512xf32>
    %reshape3A_17 = vector.shape_cast %get3A_16 : vector<512xf32> to vector<512x1xf32>
    %get3A_18 = arith.constant 4 : index
    %get3A_19 = arith.constant 0 : index
    %get3A_20 = vector.load %arg0[%get3A_18, %get3A_19] : memref<8x512xf32, #tpu.memory_space<vmem>>, vector<1x512xf32>
    %get3A_21 = vector.shape_cast %get3A_20 : vector<1x512xf32> to vector<512xf32>
    %reshape3A_22 = vector.shape_cast %get3A_21 : vector<512xf32> to vector<512x1xf32>
    %mul3A = arith.constant 1.270000e+02 : f32
    %mul3A_23 = vector.broadcast %mul3A : f32 to vector<512x1xf32>
    %mul3A_24 = arith.mulf %reshape3A, %mul3A_23 : vector<512x1xf32>
    %mul3A_25 = arith.constant 3.000000e+00 : f32
    %mul3A_26 = vector.broadcast %mul3A_25 : f32 to vector<512x1xf32>
    %mul3A_27 = arith.mulf %mul3A_26, %reshape3A_17 : vector<512x1xf32>
    %mul3A_28 = arith.constant 1.270000e+02 : f32
    %mul3A_29 = vector.broadcast %mul3A_28 : f32 to vector<512x1xf32>
    %mul3A_30 = arith.mulf %mul3A_27, %mul3A_29 : vector<512x1xf32>
    %sub3A = arith.subf %mul3A_24, %mul3A_30 : vector<512x1xf32>
    %max3A = arith.constant 0.000000e+00 : f32
    %max3A_31 = vector.broadcast %max3A : f32 to vector<512x1xf32>
    %max3A_32 = arith.maximumf %sub3A, %max3A_31 : vector<512x1xf32>
    %floor3A = math.floor %max3A_32 : vector<512x1xf32>
    %add3A = arith.addf %mul3A_24, %mul3A_30 : vector<512x1xf32>
    %min3A = arith.constant 1.270000e+02 : f32
    %min3A_33 = vector.broadcast %min3A : f32 to vector<512x1xf32>
    %min3A_34 = arith.minimumf %add3A, %min3A_33 : vector<512x1xf32>
    %add3A_35 = arith.constant 1.000000e+00 : f32
    %add3A_36 = vector.broadcast %add3A_35 : f32 to vector<512x1xf32>
    %add3A_37 = arith.addf %min3A_34, %add3A_36 : vector<512x1xf32>
    %floor3A_38 = math.floor %add3A_37 : vector<512x1xf32>
    %min3A_39 = arith.constant 1.280000e+02 : f32
    %min3A_40 = vector.broadcast %min3A_39 : f32 to vector<512x1xf32>
    %min3A_41 = arith.minimumf %floor3A_38, %min3A_40 : vector<512x1xf32>
    %mul3A_42 = arith.constant 1.270000e+02 : f32
    %mul3A_43 = vector.broadcast %mul3A_42 : f32 to vector<512x1xf32>
    %mul3A_44 = arith.mulf %reshape3A_7, %mul3A_43 : vector<512x1xf32>
    %mul3A_45 = arith.constant 3.000000e+00 : f32
    %mul3A_46 = vector.broadcast %mul3A_45 : f32 to vector<512x1xf32>
    %mul3A_47 = arith.mulf %mul3A_46, %reshape3A_17 : vector<512x1xf32>
    %mul3A_48 = arith.constant 1.270000e+02 : f32
    %mul3A_49 = vector.broadcast %mul3A_48 : f32 to vector<512x1xf32>
    %mul3A_50 = arith.mulf %mul3A_47, %mul3A_49 : vector<512x1xf32>
    %sub3A_51 = arith.subf %mul3A_44, %mul3A_50 : vector<512x1xf32>
    %max3A_52 = arith.constant 0.000000e+00 : f32
    %max3A_53 = vector.broadcast %max3A_52 : f32 to vector<512x1xf32>
    %max3A_54 = arith.maximumf %sub3A_51, %max3A_53 : vector<512x1xf32>
    %floor3A_55 = math.floor %max3A_54 : vector<512x1xf32>
    %add3A_56 = arith.addf %mul3A_44, %mul3A_50 : vector<512x1xf32>
    %min3A_57 = arith.constant 1.270000e+02 : f32
    %min3A_58 = vector.broadcast %min3A_57 : f32 to vector<512x1xf32>
    %min3A_59 = arith.minimumf %add3A_56, %min3A_58 : vector<512x1xf32>
    %add3A_60 = arith.constant 1.000000e+00 : f32
    %add3A_61 = vector.broadcast %add3A_60 : f32 to vector<512x1xf32>
    %add3A_62 = arith.addf %min3A_59, %add3A_61 : vector<512x1xf32>
    %floor3A_63 = math.floor %add3A_62 : vector<512x1xf32>
    %min3A_64 = arith.constant 1.280000e+02 : f32
    %min3A_65 = vector.broadcast %min3A_64 : f32 to vector<512x1xf32>
    %min3A_66 = arith.minimumf %floor3A_63, %min3A_65 : vector<512x1xf32>
    %mul3A_67 = arith.constant 1.270000e+02 : f32
    %mul3A_68 = vector.broadcast %mul3A_67 : f32 to vector<512x1xf32>
    %mul3A_69 = arith.mulf %reshape3A_12, %mul3A_68 : vector<512x1xf32>
    %mul3A_70 = arith.constant 3.000000e+00 : f32
    %mul3A_71 = vector.broadcast %mul3A_70 : f32 to vector<512x1xf32>
    %mul3A_72 = arith.mulf %mul3A_71, %reshape3A_17 : vector<512x1xf32>
    %mul3A_73 = arith.constant 1.270000e+02 : f32
    %mul3A_74 = vector.broadcast %mul3A_73 : f32 to vector<512x1xf32>
    %mul3A_75 = arith.mulf %mul3A_72, %mul3A_74 : vector<512x1xf32>
    %sub3A_76 = arith.subf %mul3A_69, %mul3A_75 : vector<512x1xf32>
    %max3A_77 = arith.constant 0.000000e+00 : f32
    %max3A_78 = vector.broadcast %max3A_77 : f32 to vector<512x1xf32>
    %max3A_79 = arith.maximumf %sub3A_76, %max3A_78 : vector<512x1xf32>
    %floor3A_80 = math.floor %max3A_79 : vector<512x1xf32>
    %add3A_81 = arith.addf %mul3A_69, %mul3A_75 : vector<512x1xf32>
    %min3A_82 = arith.constant 1.270000e+02 : f32
    %min3A_83 = vector.broadcast %min3A_82 : f32 to vector<512x1xf32>
    %min3A_84 = arith.minimumf %add3A_81, %min3A_83 : vector<512x1xf32>
    %add3A_85 = arith.constant 1.000000e+00 : f32
    %add3A_86 = vector.broadcast %add3A_85 : f32 to vector<512x1xf32>
    %add3A_87 = arith.addf %min3A_84, %add3A_86 : vector<512x1xf32>
    %floor3A_88 = math.floor %add3A_87 : vector<512x1xf32>
    %min3A_89 = arith.constant 1.280000e+02 : f32
    %min3A_90 = vector.broadcast %min3A_89 : f32 to vector<512x1xf32>
    %min3A_91 = arith.minimumf %floor3A_88, %min3A_90 : vector<512x1xf32>
    %add3A_92 = vector.broadcast %floor3A : vector<512x1xf32> to vector<512x32xf32>
    %add3A_93 = arith.addf %add3A_92, %convert_element_type3A : vector<512x32xf32>
    %mul3A_94 = arith.constant 0.00787401571 : f32
    %mul3A_95 = vector.broadcast %mul3A_94 : f32 to vector<512x32xf32>
    %mul3A_96 = arith.mulf %add3A_93, %mul3A_95 : vector<512x32xf32>
    %sub3A_97 = vector.broadcast %reshape3A : vector<512x1xf32> to vector<512x32xf32>
    %sub3A_98 = arith.subf %mul3A_96, %sub3A_97 : vector<512x32xf32>
    %integer_pow3A = arith.mulf %sub3A_98, %sub3A_98 : vector<512x32xf32>
    %mul3A_99 = arith.constant -5.000000e-01 : f32
    %mul3A_100 = vector.broadcast %mul3A_99 : f32 to vector<512x32xf32>
    %mul3A_101 = arith.mulf %mul3A_100, %integer_pow3A : vector<512x32xf32>
    %mul3A_102 = arith.mulf %reshape3A_17, %reshape3A_17 : vector<512x1xf32>
    %div3A = vector.broadcast %mul3A_102 : vector<512x1xf32> to vector<512x32xf32>
    %div3A_103 = arith.divf %mul3A_101, %div3A : vector<512x32xf32>
    %exp3A = math.exp %div3A_103 : vector<512x32xf32>
    %sub3A_104 = arith.subf %min3A_41, %floor3A : vector<512x1xf32>
    %lt3A = vector.broadcast %sub3A_104 : vector<512x1xf32> to vector<512x32xf32>
    %lt3A_105 = arith.cmpf olt, %convert_element_type3A, %lt3A : vector<512x32xf32>
    %jit3A = arith.constant 0.000000e+00 : f32
    %broadcast_in_dim3A = vector.broadcast %jit3A : f32 to vector<512x32xf32>
    %select_n3A = arith.select %lt3A_105, %exp3A, %broadcast_in_dim3A : vector<512x32xi1>, vector<512x32xf32>
    %mul3A_106 = vector.broadcast %reshape3A_22 : vector<512x1xf32> to vector<512x32xf32>
    %mul3A_107 = arith.mulf %select_n3A, %mul3A_106 : vector<512x32xf32>
    %swap3A = arith.constant 0 : index
    %swap3A_108 = arith.constant 0 : index
    %swap3A_109 = vector.load %arg1[%swap3A, %swap3A_108] : memref<512x32xf32, #tpu.memory_space<vmem>>, vector<512x32xf32>
    tpu.vector_store %arg1[%swap3A, %swap3A_108], %mul3A_107 {strides = array<i32>} : memref<512x32xf32, #tpu.memory_space<vmem>>, vector<512x32xf32>,
    %add3A_110 = vector.broadcast %floor3A_55 : vector<512x1xf32> to vector<512x32xf32>
    %add3A_111 = arith.addf %add3A_110, %convert_element_type3A : vector<512x32xf32>
    %mul3A_112 = arith.constant 0.00787401571 : f32
    %mul3A_113 = vector.broadcast %mul3A_112 : f32 to vector<512x32xf32>
    %mul3A_114 = arith.mulf %add3A_111, %mul3A_113 : vector<512x32xf32>
    %sub3A_115 = vector.broadcast %reshape3A_7 : vector<512x1xf32> to vector<512x32xf32>
    %sub3A_116 = arith.subf %mul3A_114, %sub3A_115 : vector<512x32xf32>
    %integer_pow3A_117 = arith.mulf %sub3A_116, %sub3A_116 : vector<512x32xf32>
    %mul3A_118 = arith.constant -5.000000e-01 : f32
    %mul3A_119 = vector.broadcast %mul3A_118 : f32 to vector<512x32xf32>
    %mul3A_120 = arith.mulf %mul3A_119, %integer_pow3A_117 : vector<512x32xf32>
    %mul3A_121 = arith.mulf %reshape3A_17, %reshape3A_17 : vector<512x1xf32>
    %div3A_122 = vector.broadcast %mul3A_121 : vector<512x1xf32> to vector<512x32xf32>
    %div3A_123 = arith.divf %mul3A_120, %div3A_122 : vector<512x32xf32>
    %exp3A_124 = math.exp %div3A_123 : vector<512x32xf32>
    %sub3A_125 = arith.subf %min3A_66, %floor3A_55 : vector<512x1xf32>
    %lt3A_126 = vector.broadcast %sub3A_125 : vector<512x1xf32> to vector<512x32xf32>
    %lt3A_127 = arith.cmpf olt, %convert_element_type3A, %lt3A_126 : vector<512x32xf32>
    %jit3A_128 = arith.constant 0.000000e+00 : f32
    %broadcast_in_dim3A_129 = vector.broadcast %jit3A_128 : f32 to vector<512x32xf32>
    %select_n3A_130 = arith.select %lt3A_127, %exp3A_124, %broadcast_in_dim3A_129 : vector<512x32xi1>, vector<512x32xf32>
    %swap3A_131 = arith.constant 0 : index
    %swap3A_132 = arith.constant 0 : index
    %swap3A_133 = vector.load %arg2[%swap3A_131, %swap3A_132] : memref<512x32xf32, #tpu.memory_space<vmem>>, vector<512x32xf32>
    tpu.vector_store %arg2[%swap3A_131, %swap3A_132], %select_n3A_130 {strides = array<i32>} : memref<512x32xf32, #tpu.memory_space<vmem>>, vector<512x32xf32>,
    %add3A_134 = vector.broadcast %floor3A_80 : vector<512x1xf32> to vector<512x32xf32>
    %add3A_135 = arith.addf %add3A_134, %convert_element_type3A : vector<512x32xf32>
    %mul3A_136 = arith.constant 0.00787401571 : f32
    %mul3A_137 = vector.broadcast %mul3A_136 : f32 to vector<512x32xf32>
    %mul3A_138 = arith.mulf %add3A_135, %mul3A_137 : vector<512x32xf32>
    %sub3A_139 = vector.broadcast %reshape3A_12 : vector<512x1xf32> to vector<512x32xf32>
    %sub3A_140 = arith.subf %mul3A_138, %sub3A_139 : vector<512x32xf32>
    %integer_pow3A_141 = arith.mulf %sub3A_140, %sub3A_140 : vector<512x32xf32>
    %mul3A_142 = arith.constant -5.000000e-01 : f32
    %mul3A_143 = vector.broadcast %mul3A_142 : f32 to vector<512x32xf32>
    %mul3A_144 = arith.mulf %mul3A_143, %integer_pow3A_141 : vector<512x32xf32>
    %mul3A_145 = arith.mulf %reshape3A_17, %reshape3A_17 : vector<512x1xf32>
    %div3A_146 = vector.broadcast %mul3A_145 : vector<512x1xf32> to vector<512x32xf32>
    %div3A_147 = arith.divf %mul3A_144, %div3A_146 : vector<512x32xf32>
    %exp3A_148 = math.exp %div3A_147 : vector<512x32xf32>
    %sub3A_149 = arith.subf %min3A_91, %floor3A_80 : vector<512x1xf32>
    %lt3A_150 = vector.broadcast %sub3A_149 : vector<512x1xf32> to vector<512x32xf32>
    %lt3A_151 = arith.cmpf olt, %convert_element_type3A, %lt3A_150 : vector<512x32xf32>
    %jit3A_152 = arith.constant 0.000000e+00 : f32
    %broadcast_in_dim3A_153 = vector.broadcast %jit3A_152 : f32 to vector<512x32xf32>
    %select_n3A_154 = arith.select %lt3A_151, %exp3A_148, %broadcast_in_dim3A_153 : vector<512x32xi1>, vector<512x32xf32>
    %swap3A_155 = arith.constant 0 : index
    %swap3A_156 = arith.constant 0 : index
    %swap3A_157 = vector.load %arg3[%swap3A_155, %swap3A_156] : memref<512x32xf32, #tpu.memory_space<vmem>>, vector<512x32xf32>
    tpu.vector_store %arg3[%swap3A_155, %swap3A_156], %select_n3A_154 {strides = array<i32>} : memref<512x32xf32, #tpu.memory_space<vmem>>, vector<512x32xf32>,
    %convert_element_type3A_158 = arith.fptosi %floor3A : vector<512x1xf32> to vector<512x1xi32>
    %convert_element_type3A_159 = arith.fptosi %min3A_41 : vector<512x1xf32> to vector<512x1xi32>
    %convert_element_type3A_160 = arith.fptosi %floor3A_55 : vector<512x1xf32> to vector<512x1xi32>
    %sub3A_161 = arith.subf %min3A_66, %floor3A_55 : vector<512x1xf32>
    %convert_element_type3A_162 = arith.fptosi %sub3A_161 : vector<512x1xf32> to vector<512x1xi32>
    %convert_element_type3A_163 = arith.fptosi %floor3A_80 : vector<512x1xf32> to vector<512x1xi32>
    %sub3A_164 = arith.subf %min3A_91, %floor3A_80 : vector<512x1xf32>
    %convert_element_type3A_165 = arith.fptosi %sub3A_164 : vector<512x1xf32> to vector<512x1xi32>
    %broadcast_in_dim3A_166 = arith.constant 0 : i32
    %broadcast_in_dim3A_167 = vector.broadcast %broadcast_in_dim3A_166 : i32 to vector<512x2xi32>
    %concatenate3A = tpu.concatenate %convert_element_type3A_158, %convert_element_type3A_159, %convert_element_type3A_160, %convert_element_type3A_162, %convert_element_type3A_163, %convert_element_type3A_165, %broadcast_in_dim3A_167 in 1 : vector<512x1xi32>, vector<512x1xi32>, vector<512x1xi32>, vector<512x1xi32>, vector<512x1xi32>, vector<512x1xi32>, vector<512x2xi32> -> vector<512x8xi32>
    %swap3A_168 = arith.constant 0 : index
    %swap3A_169 = arith.constant 0 : index
    %swap3A_170 = vector.load %arg4[%swap3A_168, %swap3A_169] : memref<512x8xi32, #tpu.memory_space<vmem>>, vector<512x8xi32>
    tpu.vector_store %arg4[%swap3A_168, %swap3A_169], %concatenate3A {strides = array<i32>} : memref<512x8xi32, #tpu.memory_space<vmem>>, vector<512x8xi32>,
    return
  }
}

</mosaic_0001>

<sc_bundles>
// kernel: kernel.4.cloned.1.call-start
scs
__scs_entry_jumppad:
0x0: {  	(pc) =	sbr.rel $0x88, $3  }
0x1: {  	(tag) =	ssettag $0x0;
	lr =	simm.s32 $0x1  }
0x2: {  	[smem:$0x3F9E] =	sst lr;
	_ =	strace $0xD0000000  }
0x3: {  	_ = 	snop  }
0x4: {  	_ = 	snop  }
0x5: {  	_ = 	snop  }
0x6: {  	_ = 	snop  }
0x7: {  	_ = 	snop  }
__scs_overlays_trampoline_lowered:
0x8: {  	[smem:$0x3FAD] =	sst s0  }
0x9: {  	[smem:$0x3FAE] =	sst s1  }
0xa: {  	[smem:$0x3FAF] =	sst s2  }
0xb: {  	[smem:$0x3FB0] =	sst s3  }
0xc: {  	[smem:$0x3FB1] =	sst s4  }
0xd: {  	[smem:$0x3FB2] =	sst s5  }
0xe: {  	[smem:$0x3FB3] =	sst s6  }
0xf: {  	[smem:$0x3FB4] =	sst s7  }
0x10: {  	[smem:$0x3FB5] =	sst s8  }
0x11: {  	[smem:$0x3FB6] =	sst s9;
	s0 =	simm.s32 @!p0 $0x0  }
0x12: {  	s1 =	sld [smem:$0x3F9C];
	s0 =	simm.s32 @p0 $0x1  }
0x13: {  	[smem:$0x3FB7] =	sst s0;
	s0 =	simm.s32 @!p1 $0x0  }
0x14: {  	s2 =	sld [smem:$0x3F9B];
	s0 =	simm.s32 @p1 $0x1  }
0x15: {  	[smem:$0x3FB8] =	sst s0;
	s0 =	simm.s32 @!p2 $0x0  }
0x16: {  	s3 =	sld [smem:$0x3FDB];
	s0 =	simm.s32 @p2 $0x1  }
0x17: {  	s4 =	simm.s32 $0x1BF5;
	[smem:$0x3FBA] =	sst s0  }
0x18: {  	s0 =	sld [smem:$0x3F9D];
	_ =	swait.ge [sflag:s4], $0x0  }
0x19: {  	s7 =	sld [smem:$0x3F9E]  }
0x1a: {  	s8 =	sadd.s32 $0xFFFFE003, lr  }
0x1b: {  	s9 =	sadd.s32 $0xFFFFFEF7, lr;
	s5 =	simm.s32 $0xFFFFFFFF;
	p2 =	slt.u32 s8, $0xFFFFF086  }
0x1c: {  	p1 =	slt.u32 s9, $0xF7A;
	s5 =	simm.s32 @!p2 $0x0  }
0x1d: {  	s5 =	simm.s32 @p1 $0x1;
	p0 =	seq.s32 s7, s2  }
0x1e: {  	s7 =	smul.u32 @!p0 $0xF7A, s2;
	p2 =	seq.s32 @!p0 s5, $0x0  }
0x1f: {  	s9 =	smul.u32 $0xF7A, s1;
	s8 =	simm.s32 @!p0 $0x1BF5;
	p2 =	por !p2, p0  }
0x20: {  	[sflag:s8] =	ssyncset.s32 @!p0 $0xFFFFF086;
	s6 =	sadd.s32 @!p0 s3, s7;
	s7 =	simm.s32 @!p0 $0x108  }
0x21: {  	s3 =	sadd.s32 s3, s9;
	s6 =	sadd.s32 @!p0 $0x88, s6;
	s7 =	simm.s32 @p2 $0x1082  }
0x22: {  	[simem:s7], [sflag:s8] =	dma.local @!p0 [hbm:s6], $0xF7A  }
0x23: {  	s9 =	sor.u32 $0xD0000000, s2;
	s6 =	simm.s32 $0x108;
	_ =	swait.ge @!p0 [sflag:s8], $0x0  }
0x24: {  	s3 =	sadd.s32 $0x88, s3;
	s6 =	simm.s32 @!p1 $0x1082;
	[sflag:s4] =	ssyncset.s32 $0xFFFFF086  }
0x25: {  	[simem:s6], [sflag:s4] =	dma.local [hbm:s3], $0xF7A  }
0x26: {  	[smem:$0x3F9E] =	sst s1;
	(tag) =	ssettag s2;
	_ =	strace s9  }
0x27: {  	s1 =	sld [smem:$0x3FAE]  }
0x28: {  	s2 =	sld [smem:$0x3FAF]  }
0x29: {  	s4 =	sld [smem:$0x3FB1]  }
0x2a: {  	p0 =	seq.s32 s5, $0x0;
	s5 =	sld [smem:$0x3FB2]  }
0x2b: {  	s6 =	sld [smem:$0x3FB3]  }
0x2c: {  	s7 =	sld [smem:$0x3FB4]  }
0x2d: {  	s3 =	simm.s32 $0x108;
	s8 =	sld [smem:$0x3FB5]  }
0x2e: {  	s3 =	simm.s32 @!p0 $0x1082;
	s9 =	sld [smem:$0x3FB6]  }
0x2f: {  	lr =	sadd.s32 s0, s3;
	s0 =	sld [smem:$0x3FAD]  }
0x30: {  	s3 =	sld [smem:$0x3FB0]  }
0x31: {  	[smem:$0x3FB9] =	sst s10  }
0x32: {  	s10 =	sld [smem:$0x3FB7];
	_ =	sdelay $0x3  }
0x33: {  	p0 =	seq.s32 s10, $0x1;
	s10 =	sld [smem:$0x3FB9];
	_ =	sdelay $0x3  }
0x34: {  	[smem:$0x3FB9] =	sst s10  }
0x35: {  	s10 =	sld [smem:$0x3FB8];
	_ =	sdelay $0x3  }
0x36: {  	p1 =	seq.s32 s10, $0x1;
	s10 =	sld [smem:$0x3FB9];
	_ =	sdelay $0x3  }
0x37: {  	[smem:$0x3FB9] =	sst s10  }
0x38: {  	s10 =	sld [smem:$0x3FBA]  }
0x39: {  	_ = 	snop;
	(pc) =	sbr.ind lr, $3  }
0x3a: {  	_ = 	snop  }
0x3b: {  	_ = 	snop  }
0x3c: {  	p2 =	seq.s32 s10, $0x1;
	s10 =	sld [smem:$0x3FB9]  }
0x3d: {  	_ =	shalt  }
0x3e: {  	_ =	shalt  }
0x3f: {  	_ =	shalt  }
0x40: {  	_ =	shalt  }
0x41: {  	_ =	shalt  }
0x42: {  	_ =	shalt  }
0x43: {  	_ =	shalt  }
0x44: {  	_ =	shalt  }
0x45: {  	_ =	shalt  }
0x46: {  	_ =	shalt  }
0x47: {  	_ =	shalt  }
0x48: {  	_ =	shalt  }
0x49: {  	_ =	shalt  }
0x4a: {  	_ =	shalt  }
0x4b: {  	_ =	shalt  }
0x4c: {  	_ =	shalt  }
0x4d: {  	_ =	shalt  }
0x4e: {  	_ =	shalt  }
0x4f: {  	_ =	shalt  }
0x50: {  	_ =	shalt  }
0x51: {  	_ =	shalt  }
0x52: {  	_ =	shalt  }
0x53: {  	_ =	shalt  }
0x54: {  	_ =	shalt  }
0x55: {  	_ =	shalt  }
0x56: {  	_ =	shalt  }
0x57: {  	_ =	shalt  }
0x58: {  	_ =	shalt  }
0x59: {  	_ =	shalt  }
0x5a: {  	_ =	shalt  }
0x5b: {  	_ =	shalt  }
0x5c: {  	_ =	shalt  }
0x5d: {  	_ =	shalt  }
0x5e: {  	_ =	shalt  }
0x5f: {  	_ =	shalt  }
0x60: {  	_ =	shalt  }
0x61: {  	_ =	shalt  }
0x62: {  	_ =	shalt  }
0x63: {  	_ =	shalt  }
0x64: {  	_ =	shalt  }
0x65: {  	_ =	shalt  }
0x66: {  	_ =	shalt  }
0x67: {  	_ =	shalt  }
0x68: {  	_ =	shalt  }
0x69: {  	_ =	shalt  }
0x6a: {  	_ =	shalt  }
0x6b: {  	_ =	shalt  }
0x6c: {  	_ =	shalt  }
0x6d: {  	_ =	shalt  }
0x6e: {  	_ =	shalt  }
0x6f: {  	_ =	shalt  }
0x70: {  	_ =	shalt  }
0x71: {  	_ =	shalt  }
0x72: {  	_ =	shalt  }
0x73: {  	_ =	shalt  }
0x74: {  	_ =	shalt  }
0x75: {  	_ =	shalt  }
0x76: {  	_ =	shalt  }
0x77: {  	_ =	shalt  }
0x78: {  	_ =	shalt  }
0x79: {  	_ =	shalt  }
0x7a: {  	_ =	shalt  }
0x7b: {  	_ =	shalt  }
0x7c: {  	_ =	shalt  }
0x7d: {  	_ =	shalt  }
0x7e: {  	_ =	shalt  }
0x7f: {  	_ =	shalt  }
0x80: {  	_ =	shalt  }
0x81: {  	_ =	shalt  }
0x82: {  	_ =	shalt  }
0x83: {  	_ =	shalt  }
0x84: {  	_ =	shalt  }
0x85: {  	_ =	shalt  }
0x86: {  	_ =	shalt  }
0x87: {  	_ =	shalt  }
.Lfunc_end0:
.L_simem_size_0:
called_computation_lowered:
.L_overlay_start_0:
0x88: {  	s2 =	sld [smem:$0x3FD9]  }
0x89: {  	s3 =	sld [smem:$0x3FFE];
	_ =	sdelay $0x1  }
0x8a: {  	s1 =	srdreg.scid  }
0x8b: {  	s0 =	sand.u32 $0x1, s1  }
0x8c: {  	s17 =	sshll.u32 s0, $0xA;
	s2 =	sadd.s32 s3, s2  }
0x8d: {  	s2 =	sadd.s32 s2, s17  }
0x8e: {  	[smem:$0x3FC5] =	sst s2  }
0x8f: {  	_ = 	snop  }
0x90: {  	s2 =	sld [smem:$0x3FD0];
	(tm) =	ssettm $0x1  }
0x91: {  	s18 =	sld [smem:$0x3FFB];
	_ =	sdelay $0x3  }
0x92: {  	_ =	strace s18  }
0x93: {  	s3 =	sld [smem:$0x3FFC];
	_ =	sdelay $0x3  }
0x94: {  	_ =	strace s3  }
0x95: {  	s3 =	sld [smem:$0x3FFD];
	_ =	sdelay $0x3  }
0x96: {  	_ =	strace s3  }
0x97: {  	_ =	strace $0x8FFFFFFF  }
0x98: {  	s19 =	sld [smem:$0x3FDB];
	_ =	sdelay $0x1  }
0x99: {  	s4 =	simm.s32 $_scs_section_size  }
0x9a: {  	s5 =	simm.s32 $_size__tile_overlayer_lowered;
	s6 =	simm.s32 $_tile_overlayer_lowered  }
0x9b: {  	s22 =	simm.s32 $0x1BFF;
	s21 =	sshll.u32 s6, $0x1;
	s3 =	sadd.s32 s4, s19  }
0x9c: {  	s7 =	simm.s32 $0x0;
	s20 =	sshll.u32 s5, $0x1;
	s5 =	sadd.s32 s21, s3  }
0x9d: {  	[timem:s7], [sflag:s22] =	dma.local [hbm:s5], s20  }
0x9e: {  	_ =	swait.ge [sflag:s22], s20  }
0x9f: {  	s4 =	ssub.s32 $0x0, s20;
	[sflag:s22] =	ssyncset.done $0x0  }
0xa0: {  	[sflag:s22] =	ssyncadd.s32 s4;
	_ =	sdelay $0x1  }
0xa1: {  	s23 =	simm.s32 $0x1B8B  }
0xa2: {  	_ =	swait.ge [sflag:s23], $0x1  }
0xa3: {  	[sflag:s23] =	ssyncset.done $0x0  }
0xa4: {  	s25 =	simm.s32 $0x1B8E;
	s24 =	sld [smem:$0x3FFE];
	[sflag:s23] =	ssyncadd.s32 $0xFFFFFFFF  }
0xa5: {  	s26 =	simm.s32 $execute0_lowered;
	[smem:$0x3FD2] =	sst s25  }
0xa6: {  	s5 =	sshll.u32 s26, $0x1;
	_ =	strace $0x80000046;
	[dreg:$0x1] =	wrdreg $0xFFFFFFFF  }
0xa7: {  	s28 =	simm.s32 $_size_execute0_lowered;
	s3 =	sadd.s32 s3, s5;
	[dreg:$0x0] =	wrdreg $0x0  }
0xa8: {  	s5 =	sshll.u32 s28, $0x1;
	[dreg:$0x2] =	wrdreg s3  }
0xa9: {  	[dreg:$0x3] =	wrdreg s5  }
0xaa: {  	[dreg:$0x4] =	wrdreg $0xC0  }
0xab: {  	_ =	task [dreg:s7], $0x5FFFF  }
0xac: {  	[dreg:$0x1] =	wrdreg $0xFFFFFFFF  }
0xad: {  	[dreg:$0x0] =	wrdreg $0x60  }
0xae: {  	[dreg:$0x2] =	wrdreg s24  }
0xaf: {  	[dreg:$0x3] =	wrdreg s2  }
0xb0: {  	[dreg:$0x4] =	wrdreg $0x9  }
0xb1: {  	_ =	task.clear_ibuf [dreg:s7], $0x5FFFF;
	_ =	strace $0x90000046  }
0xb2: {  	s29 =	simm.s32 $0x9;
	_ =	strace $0x80000048  }
0xb3: {  	_ =	swait.ge [sflag:s29], $0x1  }
0xb4: {  	[sflag:s29] =	ssyncadd.s32 $0xFFFFFFFF  }
0xb5: {  	_ =	strace $0x90000048  }
0xb6: {  	_ =	sfence  }
0xb7: {  	s30 =	sld [smem:$0x0];
	_ =	sdelay $0x2  }
0xb8: {  	s31 =	sshll.u32 s1, $0xD;
	s1 =	sshrl.u32 s1, $0x2  }
0xb9: {  	s3 =	sand.u32 $0x4000, s31;
	s1 =	sadd.s32 s1, s30  }
0xba: {  	s0 =	sor.u32 s3, s0;
	s1 =	sshll.u32 s1, $0x11  }
0xbb: {  	s0 =	sor.u32 s1, s0  }
0xbc: {  	s0 =	sadd.s32 $0x8F2B, s0  }
0xbd: {  	[sflag:s0] =	ssyncadd.remote.s32 $0x1  }
0xbe: {  	_ =	sfence.sel $0xFFFF  }
0xbf: {  	[dreg:$0x0] =	wrdreg $0xFFFFFFFF;
	(pc) =	sbr.abs _section_cstart, $3  }
0xc0: {  	[dreg:$0x1] =	wrdreg $0xFFFFFFFF  }
0xc1: {  	_ =	task.clear_ibuf [dreg:s7], $0x2FFFF;
	_ =	strace $0x9FFFFFFF  }
0xc2: {  	(tm) =	ssettm $0x7FFFFFFF  }
0xc3: {  	_ =	shalt  }
tec
execute0_lowered:
.L_overlay_start_1:
0x0: {  	(tag) =	ssettag $0x1  }
0x1: {  	s0 =	srdreg.scid;
	s17 =	stileid.u32  }
0x2: {  	s4 =	rddreg [dreg:$0x0];
	s3 =	sand.u32 $0x1, s0;
	s30 =	sshll.u32 s17, $0x1  }
0x3: {  	s5 =	sadd.s32 $0x800, s4;
	s0 =	sor.u32 s3, s30  }
0x4: {  	s9 =	sadd.s32 $0x1200, s4;
	s1 =	ssub.s32 $0x2, s3;
	s2 =	sand.u32 $0x7, s0  }
0x5: {  	s11 =	sadd.s32 $0x1A00, s4;
	s6 =	sshrl.u32 s1, $0x1;
	s8 =	sshll.u32 s2, $0x8  }
0x6: {  	s7 =	sadd.s32 $0x1, s0;
	s1 =	ssub.s32 s1, s6;
	s31 =	sadd.s32 s5, s8  }
0x7: {  	s6 =	sand.u32 $0x7, s7;
	s10 =	sadd.s32 s9, s8;
	[dreg:$0x3] =	wrdreg s31  }
0x8: {  	s12 =	sadd.s32 s11, s8;
	[dreg:$0x4] =	wrdreg s10;
	s10 =	sshll.u32 s6, $0x8  }
0x9: {  	s14 =	sadd.s32 $0x2, s0;
	[dreg:$0x5] =	wrdreg s12;
	s13 =	sadd.s32 s5, s10  }
0xa: {  	s7 =	sand.u32 $0x7, s14;
	s15 =	sadd.s32 s9, s10;
	[dreg:$0x6] =	wrdreg s13  }
0xb: {  	s12 =	sshll.u32 s7, $0x8;
	s10 =	sadd.s32 s11, s10;
	[dreg:$0x7] =	wrdreg s15  }
0xc: {  	s16 =	sadd.s32 $0x3, s0;
	s18 =	sadd.s32 s5, s12;
	[dreg:$0x8] =	wrdreg s10  }
0xd: {  	s19 =	sadd.s32 s9, s12;
	s10 =	sand.u32 $0x7, s16;
	[dreg:$0x9] =	wrdreg s18  }
0xe: {  	s12 =	sadd.s32 s11, s12;
	[dreg:$0xa] =	wrdreg s19;
	s20 =	sshll.u32 s10, $0x8  }
0xf: {  	s4 =	sadd.s32 $0x1000, s4;
	[dreg:$0xb] =	wrdreg s12;
	s21 =	sadd.s32 s5, s20  }
0x10: {  	s12 =	sxor.u32 $0x4, s2;
	s13 =	sadd.s32 s9, s20;
	[dreg:$0xc] =	wrdreg s21  }
0x11: {  	s22 =	sshll.u32 s12, $0x8;
	s8 =	sadd.s32 s11, s20;
	[dreg:$0xd] =	wrdreg s13  }
0x12: {  	s14 =	sadd.s32 $0x5, s0;
	s23 =	sadd.s32 s5, s22;
	[dreg:$0xe] =	wrdreg s8  }
0x13: {  	s15 =	sadd.s32 $0x6, s0;
	s24 =	sadd.s32 s9, s22;
	[dreg:$0xf] =	wrdreg s23  }
0x14: {  	s16 =	sadd.s32 $0xFFFFFFFF, s0;
	s8 =	sand.u32 $0x7, s14;
	[dreg:$0x10] =	wrdreg s24  }
0x15: {  	s13 =	sadd.s32 s11, s22;
	s22 =	sshll.u32 s2, $0x6;
	s23 =	sshll.u32 s6, $0x6  }
0x16: {  	s25 =	sshll.u32 s8, $0x8;
	[dreg:$0x11] =	wrdreg s13;
	s24 =	sadd.s32 s4, s23  }
0x17: {  	s6 =	sshll.u32 s6, $0xB;
	s26 =	sadd.s32 s5, s25;
	[dreg:$0x1c] =	wrdreg s24  }
0x18: {  	s13 =	sand.u32 $0x7, s15;
	s28 =	sadd.s32 s9, s25;
	[dreg:$0x12] =	wrdreg s26  }
0x19: {  	s30 =	sshll.u32 s13, $0x8;
	s14 =	sadd.s32 s11, s25;
	[dreg:$0x13] =	wrdreg s28  }
0x1a: {  	s25 =	sshll.u32 s7, $0x6;
	[dreg:$0x14] =	wrdreg s14;
	s31 =	sadd.s32 s5, s30  }
0x1b: {  	s14 =	sand.u32 $0x7, s16;
	s18 =	sadd.s32 s9, s30;
	[dreg:$0x15] =	wrdreg s31  }
0x1c: {  	s15 =	sadd.s32 s11, s30;
	s26 =	sshll.u32 s10, $0x6;
	[dreg:$0x16] =	wrdreg s18  }
0x1d: {  	s28 =	sshll.u32 s12, $0x6;
	s16 =	sshll.u32 s0, $0xD;
	[dreg:$0x17] =	wrdreg s15  }
0x1e: {  	s19 =	sshll.u32 s14, $0x8;
	s30 =	sadd.s32 s4, s28;
	s15 =	rddreg [dreg:$0x1]  }
0x1f: {  	s10 =	sshll.u32 s10, $0xB;
	s5 =	sadd.s32 s5, s19;
	[dreg:$0x1f] =	wrdreg s30  }
0x20: {  	s31 =	sshll.u32 s8, $0x6;
	s20 =	sadd.s32 s9, s19;
	[dreg:$0x18] =	wrdreg s5  }
0x21: {  	s18 =	sshll.u32 s17, $0x3;
	s21 =	sadd.s32 s11, s19;
	[dreg:$0x19] =	wrdreg s20  }
0x22: {  	s17 =	sshll.u32 s14, $0xB;
	[dreg:$0x1a] =	wrdreg s21;
	s5 =	sadd.s32 s4, s22  }
0x23: {  	s9 =	sshll.u32 s13, $0x6;
	[dreg:$0x1b] =	wrdreg s5;
	s5 =	sadd.s32 s4, s25  }
0x24: {  	s11 =	sshll.u32 s14, $0x6;
	[dreg:$0x1d] =	wrdreg s5;
	s5 =	sadd.s32 s4, s26  }
0x25: {  	s19 =	sshrl.u32 s6, $0x2;
	[dreg:$0x1e] =	wrdreg s5;
	s5 =	sadd.s32 s4, s31  }
0x26: {  	s20 =	sor.u32 $0xC000, s19;
	[smem:$0x7E2] =	sst s5;
	s5 =	sadd.s32 s4, s9  }
0x27: {  	s22 =	sshrl.u32 s10, $0x2;
	s4 =	sadd.s32 s4, s11;
	[smem:$0x7E3] =	sst s5  }
0x28: {  	[smem:$0x7E4] =	sst s4;
	s4 =	sadd.s32 s15, s16;
	s5 =	sshll.u32 s2, $0xB  }
0x29: {  	[smem:$0x7E5] =	sst s4;
	s4 =	simm.s32 $0x0;
	s2 =	sshrl.u32 s5, $0x2  }
0x2a: {  	s23 =	sor.u32 $0xC000, s22;
	[smem:$0x7FF] =	sst s4;
	s2 =	sor.u32 $0xC000, s2  }
0x2b: {  	s11 =	sshll.u32 s12, $0xB;
	_ =	strace $0x80000047;
	[smem:$0x7E6] =	sst s2  }
0x2c: {  	v1 =	vlaneseq.u32;
	s12 =	sshrl.u32 s11, $0x2;
	s16 =	sshll.u32 s13, $0xB;
	[smem:$0x7E7] =	sst s20  }
0x2d: {  	v9 =	vor.u32 $0x800, v1;
	s24 =	sor.u32 $0xC000, s12;
	s26 =	sshrl.u32 s16, $0x2;
	[smem:$0x7E9] =	sst s23  }
0x2e: {  	s28 =	sshrl.u32 s17, $0x2;
	s30 =	sor.u32 $0xC000, s26;
	[smem:$0x7EA] =	sst s24;
	[tilespmem:$0x1FEB0] =	vst v9;
	v9 =	vor.u32 $0x880, v1  }
0x2f: {  	s31 =	sor.u32 $0xC000, s28;
	[smem:$0x7EC] =	sst s30;
	[tilespmem:$0x1FEC0] =	vst v9;
	v9 =	vor.u32 $0x900, v1  }
0x30: {  	s9 =	sshll.u32 s7, $0xB;
	s7 =	smax.u32 s1, $0x1;
	[smem:$0x7ED] =	sst s31;
	[tilespmem:$0x1FED0] =	vst v9;
	v9 =	vor.u32 $0x980, v1  }
0x31: {  	s15 =	sshll.u32 s8, $0xB;
	s8 =	sor.u32 $0x4000, s5;
	[smem:$0x7EE] =	sst s7;
	[tilespmem:$0x1FEE0] =	vst v9;
	v9 =	vor.u32 $0xA00, v1  }
0x32: {  	s13 =	sor.u32 $0x8000, s5;
	[smem:$0x7EF] =	sst s8;
	[tilespmem:$0x1FEF0] =	vst v9;
	v9 =	vor.u32 $0xA80, v1  }
0x33: {  	s3 =	sshll.u32 s3, $0x2;
	s14 =	sor.u32 $0x4000, s6;
	[smem:$0x7F0] =	sst s13;
	[tilespmem:$0x1FF00] =	vst v9;
	v9 =	vor.u32 $0xB00, v1  }
0x34: {  	s3 =	sor.u32 s3, s18;
	s18 =	sor.u32 $0x8000, s6;
	[smem:$0x7F1] =	sst s14;
	[tilespmem:$0x1FF10] =	vst v9;
	v9 =	vor.u32 $0xB80, v1  }
0x35: {  	s19 =	sor.u32 $0x4000, s9;
	[smem:$0x7F2] =	sst s18;
	[tilespmem:$0x1FF20] =	vst v9;
	v9 =	vor.u32 $0xC00, v1  }
0x36: {  	s22 =	sor.u32 $0x8000, s10;
	[smem:$0x7F3] =	sst s19;
	[tilespmem:$0x1FF30] =	vst v9;
	v9 =	vor.u32 $0xC10, v1  }
0x37: {  	s26 =	sor.u32 $0x8000, s15;
	[smem:$0x7F6] =	sst s22;
	[tilespmem:$0x1FF40] =	vst v9;
	v9 =	vor.u32 $0xC80, v1  }
0x38: {  	s21 =	sshrl.u32 s9, $0x2;
	s28 =	sor.u32 $0x4000, s16;
	[smem:$0x7FA] =	sst s26;
	[tilespmem:$0x1FF50] =	vst v9;
	v9 =	vor.u32 $0xC90, v1  }
0x39: {  	s2 =	sor.u32 $0xC000, s21;
	[smem:$0x7FB] =	sst s28;
	[tilespmem:$0x1FF60] =	vst v9;
	v9 =	vor.u32 $0xD00, v1  }
0x3a: {  	s25 =	sshrl.u32 s15, $0x2;
	s20 =	sor.u32 $0x8000, s9;
	[smem:$0x7E8] =	sst s2;
	[tilespmem:$0x1FF70] =	vst v9;
	v9 =	vor.u32 $0xD10, v1  }
0x3b: {  	v2 =	vor.u32 $0x80, v1;
	v3 =	vor.u32 $0x100, v1;
	s12 =	sshll.u32 s0, $0x2;
	s21 =	sor.u32 $0x4000, s10;
	[smem:$0x7F4] =	sst s20;
	[tilespmem:$0x1FF80] =	vst v9;
	v9 =	vor.u32 $0xD80, v1  }
0x3c: {  	v4 =	vor.u32 $0x180, v1;
	v5 =	vor.u32 $0x200, v1;
	s29 =	sadd.s32 $0x4, s12;
	s23 =	sor.u32 $0x4000, s11;
	[smem:$0x7F5] =	sst s21;
	[tilespmem:$0x1FF90] =	vst v9;
	v9 =	vor.u32 $0xD90, v1  }
0x3d: {  	v6 =	vor.u32 $0x280, v1;
	v7 =	vor.u32 $0x300, v1;
	s24 =	sor.u32 $0x8000, s11;
	s30 =	sor.u32 $0x8000, s16;
	[smem:$0x7F7] =	sst s23;
	[tilespmem:$0x1FFA0] =	vst v9;
	v9 =	vor.u32 $0xE00, v1  }
.Ltmp0:
0x3e: {  	v8 =	vor.u32 $0x380, v1;
	s31 =	sor.u32 $0x4000, s17;
	[smem:$0x7F8] =	sst s24;
	[tilespmem:$0x1FFB0] =	vst v9;
	v9 =	vor.u32 $0xE10, v1;
	(pc) =	sbr.rel .LBB2_1-.Ltmp0, $4  }
0x3f: {  	v17 =	vor.u32 $0x10, v1;
	v18 =	vor.u32 $0x90, v1;
	s14 =	sor.u32 $0x8000, s17;
	s19 =	ssub.s32 $0x0, s3;
	[smem:$0x7FC] =	sst s30;
	[tilespmem:$0x1FFC0] =	vst v9;
	v9 =	vor.u32 $0xE80, v1  }
0x40: {  	v0 =	vimm.f32 $0.0e+00;
	v19 =	vor.u32 $0x110, v1;
	s22 =	simm.s32 $0xD080;
	s2 =	sor.u32 $0xC000, s25;
	[smem:$0x7FD] =	sst s31;
	[tilespmem:$0x1FFD0] =	vst v9;
	v9 =	vor.u32 $0xE90, v1  }
0x41: {  	v20 =	vor.u32 $0x190, v1;
	v21 =	vor.u32 $0x210, v1;
	s25 =	sor.u32 $0x4000, s15;
	s20 =	simm.s32 $0x1;
	[smem:$0x7EB] =	sst s2;
	[tilespmem:$0x1FFE0] =	vst v9;
	v9 =	vor.u32 $0xF00, v1  }
0x42: {  	v22 =	vor.u32 $0x290, v1;
	v23 =	vor.u32 $0x310, v1;
	v24 =	vor.u32 $0x390, v1;
	s23 =	simm.s32 $0x2;
	s24 =	simm.s32 $0x0;
	[smem:$0x7F9] =	sst s25;
	[tilespmem:$0x1FFF0] =	vst v9  }
.LBB2_27:
0x43: {  	s0 =	sld [smem:$0x7E5];
	_ =	sdelay $0x2  }
0x44: {  	[hbm4b:s0+s4] =	stream.linear.scatter [tilespmem:s22], [sflag:$0x2], $0x10000, $0x38;
	[tilespmem:$0x1D580] =	vst v63  }
0x45: {  	_ =	swait.ge [sflag:s23], $0x10000  }
0x46: {  	s31 =	sld [smem:$0x7EE];
	_ =	sdelay $0x1  }
0x47: {  	s24 =	sadd.s32 $0x1, s24  }
0x48: {  	p0 =	sne.s32 s24, s31  }
.Ltmp1:
0x49: {  	_ = 	snop;
	(pc) =	sbr.rel @!p0 .LBB2_28-.Ltmp1, $3  }
0x4a: {  	_ =	sdelay $0x1  }
0x4b: {  	[sflag:s23] =	ssyncset.done $0x0  }
0x4c: {  	[sflag:s23] =	ssyncadd.s32 $0xFFFF0000  }
.LBB2_1:
0x4d: {  	s0 =	rddreg [dreg:$0x3]  }
0x4e: {  	s25 =	rddreg [dreg:$0x4]  }
0x4f: {  	s1 =	sld [smem:$0x7EF]  }
0x50: {  	s26 =	rddreg [dreg:$0x5]  }
0x51: {  	s28 =	sld [smem:$0x7F0]  }
0x52: {  	s30 =	rddreg [dreg:$0x1b]  }
0x53: {  	s31 =	sld [smem:$0x7E6]  }
0x54: {  	s2 =	rddreg [dreg:$0x7]  }
0x55: {  	s7 =	sld [smem:$0x7F1]  }
0x56: {  	s8 =	rddreg [dreg:$0x8]  }
0x57: {  	s13 =	sld [smem:$0x7F2]  }
0x58: {  	s18 =	rddreg [dreg:$0x1c]  }
0x59: {  	[tilespmem:s5], [sflag:$0x1] =	stream.linear.gather [hbm4b:s0+s4], $0x800, $0x38;
	[tilespmem:$0x1D580] =	vst v63  }
0x5a: {  	s21 =	sld [smem:$0x7E7]  }
0x5b: {  	[tilespmem:s1], [sflag:$0x1] =	stream.linear.gather [hbm4b:s25+s4], $0x800, $0x38;
	[tilespmem:$0x1D580] =	vst v63  }
0x5c: {  	s1 =	rddreg [dreg:$0x6]  }
0x5d: {  	s25 =	rddreg [dreg:$0x9]  }
0x5e: {  	[tilespmem:s28], [sflag:$0x1] =	stream.linear.gather [hbm4b:s26+s4], $0x800, $0x38;
	[tilespmem:$0x1D580] =	vst v63  }
0x5f: {  	s26 =	rddreg [dreg:$0xa]  }
0x60: {  	s28 =	sld [smem:$0x7F3]  }
0x61: {  	[tilespmem:s31], [sflag:$0x1] =	stream.linear.gather [hbm4b:s30+s4], $0x200, $0x38;
	[tilespmem:$0x1D580] =	vst v63  }
0x62: {  	s30 =	rddreg [dreg:$0xb]  }
0x63: {  	s31 =	sld [smem:$0x7F4]  }
0x64: {  	[tilespmem:s6], [sflag:$0x1] =	stream.linear.gather [hbm4b:s1+s4], $0x800, $0x38;
	[tilespmem:$0x1D580] =	vst v63  }
0x65: {  	s1 =	rddreg [dreg:$0x1d]  }
0x66: {  	[tilespmem:s7], [sflag:$0x1] =	stream.linear.gather [hbm4b:s2+s4], $0x800, $0x38;
	[tilespmem:$0x1D580] =	vst v63  }
0x67: {  	s2 =	sld [smem:$0x7E8]  }
0x68: {  	s7 =	rddreg [dreg:$0xc]  }
0x69: {  	[tilespmem:s13], [sflag:$0x1] =	stream.linear.gather [hbm4b:s8+s4], $0x800, $0x38;
	[tilespmem:$0x1D580] =	vst v63  }
0x6a: {  	s8 =	rddreg [dreg:$0xd]  }
0x6b: {  	s13 =	sld [smem:$0x7F5]  }
0x6c: {  	[tilespmem:s21], [sflag:$0x1] =	stream.linear.gather [hbm4b:s18+s4], $0x200, $0x38;
	[tilespmem:$0x1D580] =	vst v63  }
0x6d: {  	s18 =	rddreg [dreg:$0xe]  }
0x6e: {  	s21 =	sld [smem:$0x7F6]  }
0x6f: {  	[tilespmem:s9], [sflag:$0x1] =	stream.linear.gather [hbm4b:s25+s4], $0x800, $0x38;
	[tilespmem:$0x1D580] =	vst v63  }
0x70: {  	s25 =	rddreg [dreg:$0x1e]  }
0x71: {  	[tilespmem:s28], [sflag:$0x1] =	stream.linear.gather [hbm4b:s26+s4], $0x800, $0x38;
	[tilespmem:$0x1D580] =	vst v63  }
0x72: {  	s26 =	sld [smem:$0x7E9]  }
0x73: {  	s28 =	rddreg [dreg:$0xf]  }
0x74: {  	[tilespmem:s31], [sflag:$0x1] =	stream.linear.gather [hbm4b:s30+s4], $0x800, $0x38;
	[tilespmem:$0x1D580] =	vst v63  }
0x75: {  	s30 =	rddreg [dreg:$0x10]  }
0x76: {  	s31 =	sld [smem:$0x7F7]  }
0x77: {  	[tilespmem:s2], [sflag:$0x1] =	stream.linear.gather [hbm4b:s1+s4], $0x200, $0x38;
	[tilespmem:$0x1D580] =	vst v63  }
0x78: {  	s1 =	rddreg [dreg:$0x11]  }
0x79: {  	s2 =	sld [smem:$0x7F8]  }
0x7a: {  	[tilespmem:s10], [sflag:$0x1] =	stream.linear.gather [hbm4b:s7+s4], $0x800, $0x38;
	[tilespmem:$0x1D580] =	vst v63  }
0x7b: {  	s7 =	rddreg [dreg:$0x1f]  }
0x7c: {  	[tilespmem:s13], [sflag:$0x1] =	stream.linear.gather [hbm4b:s8+s4], $0x800, $0x38;
	[tilespmem:$0x1D580] =	vst v63  }
0x7d: {  	s8 =	sld [smem:$0x7EA]  }
0x7e: {  	s13 =	rddreg [dreg:$0x12]  }
0x7f: {  	[tilespmem:s21], [sflag:$0x1] =	stream.linear.gather [hbm4b:s18+s4], $0x800, $0x38;
	[tilespmem:$0x1D580] =	vst v63  }
0x80: {  	s18 =	rddreg [dreg:$0x13]  }
0x81: {  	s21 =	sld [smem:$0x7F9]  }
0x82: {  	[tilespmem:s26], [sflag:$0x1] =	stream.linear.gather [hbm4b:s25+s4], $0x200, $0x38;
	[tilespmem:$0x1D580] =	vst v63  }
0x83: {  	s25 =	rddreg [dreg:$0x14]  }
0x84: {  	s26 =	sld [smem:$0x7FA]  }
0x85: {  	[tilespmem:s11], [sflag:$0x1] =	stream.linear.gather [hbm4b:s28+s4], $0x800, $0x38;
	[tilespmem:$0x1D580] =	vst v63  }
0x86: {  	s28 =	sld [smem:$0x7E2]  }
0x87: {  	[tilespmem:s31], [sflag:$0x1] =	stream.linear.gather [hbm4b:s30+s4], $0x800, $0x38;
	[tilespmem:$0x1D580] =	vst v63  }
0x88: {  	s30 =	sld [smem:$0x7EB]  }
0x89: {  	s31 =	rddreg [dreg:$0x15]  }
0x8a: {  	[tilespmem:s2], [sflag:$0x1] =	stream.linear.gather [hbm4b:s1+s4], $0x800, $0x38;
	[tilespmem:$0x1D580] =	vst v63  }
0x8b: {  	s1 =	rddreg [dreg:$0x16]  }
0x8c: {  	[tilespmem:s8], [sflag:$0x1] =	stream.linear.gather [hbm4b:s7+s4], $0x200, $0x38;
	[tilespmem:$0x1D580] =	vst v63  }
0x8d: {  	s2 =	sld [smem:$0x7FB]  }
0x8e: {  	[tilespmem:s15], [sflag:$0x1] =	stream.linear.gather [hbm4b:s13+s4], $0x800, $0x38;
	[tilespmem:$0x1D580] =	vst v63  }
0x8f: {  	s7 =	rddreg [dreg:$0x17]  }
0x90: {  	[tilespmem:s21], [sflag:$0x1] =	stream.linear.gather [hbm4b:s18+s4], $0x800, $0x38;
	[tilespmem:$0x1D580] =	vst v63  }
0x91: {  	s8 =	sld [smem:$0x7FC]  }
0x92: {  	[tilespmem:s26], [sflag:$0x1] =	stream.linear.gather [hbm4b:s25+s4], $0x800, $0x38;
	[tilespmem:$0x1D580] =	vst v63  }
0x93: {  	s13 =	sld [smem:$0x7E3]  }
0x94: {  	[tilespmem:s30], [sflag:$0x1] =	stream.linear.gather [hbm4b:s28+s4], $0x200, $0x38;
	[tilespmem:$0x1D580] =	vst v63  }
0x95: {  	s18 =	sld [smem:$0x7EC]  }
0x96: {  	[tilespmem:s16], [sflag:$0x1] =	stream.linear.gather [hbm4b:s31+s4], $0x800, $0x38;
	[tilespmem:$0x1D580] =	vst v63  }
0x97: {  	s21 =	rddreg [dreg:$0x18]  }
0x98: {  	[tilespmem:s2], [sflag:$0x1] =	stream.linear.gather [hbm4b:s1+s4], $0x800, $0x38;
	[tilespmem:$0x1D580] =	vst v63  }
0x99: {  	s25 =	rddreg [dreg:$0x19]  }
0x9a: {  	[tilespmem:s8], [sflag:$0x1] =	stream.linear.gather [hbm4b:s7+s4], $0x800, $0x38;
	[tilespmem:$0x1D580] =	vst v63  }
0x9b: {  	s26 =	sld [smem:$0x7FD]  }
0x9c: {  	[tilespmem:s18], [sflag:$0x1] =	stream.linear.gather [hbm4b:s13+s4], $0x200, $0x38;
	[tilespmem:$0x1D580] =	vst v63  }
0x9d: {  	s28 =	rddreg [dreg:$0x1a]  }
0x9e: {  	[tilespmem:s17], [sflag:$0x1] =	stream.linear.gather [hbm4b:s21+s4], $0x800, $0x38;
	[tilespmem:$0x1D580] =	vst v63  }
0x9f: {  	s30 =	sld [smem:$0x7E4]  }
0xa0: {  	[tilespmem:s26], [sflag:$0x1] =	stream.linear.gather [hbm4b:s25+s4], $0x800, $0x38;
	[tilespmem:$0x1D580] =	vst v63  }
0xa1: {  	s31 =	sld [smem:$0x7ED]  }
0xa2: {  	[tilespmem:s14], [sflag:$0x1] =	stream.linear.gather [hbm4b:s28+s4], $0x800, $0x38;
	[tilespmem:$0x1D580] =	vst v63  }
0xa3: {  	s0 =	simm.s32 $0x0;
	s1 =	simm.s32 $0x400  }
0xa4: {  	[tilespmem:s31], [sflag:$0x1] =	stream.linear.gather [hbm4b:s30+s4], $0x200, $0x38;
	[tilespmem:$0x1D580] =	vst v63  }
.LBB2_2:
0xa5: {  	p0 =	sne.s32 s1, $0x41000;
	[tilespmem:s0+$0xD170] =	vst v0  }
0xa6: {  	[tilespmem:s0+$0xD080] =	vst v0  }
0xa7: {  	[tilespmem:s0+$0xD090] =	vst v0  }
0xa8: {  	[tilespmem:s0+$0xD0A0] =	vst v0  }
0xa9: {  	[tilespmem:s0+$0xD0B0] =	vst v0  }
0xaa: {  	[tilespmem:s0+$0xD0C0] =	vst v0  }
0xab: {  	[tilespmem:s0+$0xD0D0] =	vst v0  }
0xac: {  	[tilespmem:s0+$0xD0E0] =	vst v0  }
0xad: {  	[tilespmem:s0+$0xD0F0] =	vst v0  }
0xae: {  	[tilespmem:s0+$0xD100] =	vst v0  }
0xaf: {  	[tilespmem:s0+$0xD110] =	vst v0  }
.Ltmp2:
0xb0: {  	[tilespmem:s0+$0xD120] =	vst v0;
	(pc) =	sbr.rel @p0 .LBB2_2-.Ltmp2, $4  }
0xb1: {  	[tilespmem:s0+$0xD130] =	vst v0  }
0xb2: {  	[tilespmem:s0+$0xD140] =	vst v0  }
0xb3: {  	[tilespmem:s0+$0xD150] =	vst v0  }
0xb4: {  	[tilespmem:s0+$0xD160] =	vst v0;
	s0 =	sshra.s32 s1, $0x2;
	s1 =	sadd.s32 $0x400, s1  }
0xb5: {  	[tilespmem:s0+$0xD170] =	vst v0  }
0xb6: {  	[tilespmem:s0+$0xD080] =	vst v0  }
0xb7: {  	[tilespmem:s0+$0xD090] =	vst v0  }
0xb8: {  	[tilespmem:s0+$0xD0A0] =	vst v0  }
0xb9: {  	[tilespmem:s0+$0xD0B0] =	vst v0  }
0xba: {  	[tilespmem:s0+$0xD0C0] =	vst v0  }
0xbb: {  	[tilespmem:s0+$0xD0D0] =	vst v0  }
0xbc: {  	[tilespmem:s0+$0xD0E0] =	vst v0  }
0xbd: {  	[tilespmem:s0+$0xD0F0] =	vst v0  }
0xbe: {  	[tilespmem:s0+$0xD100] =	vst v0  }
0xbf: {  	[tilespmem:s0+$0xD110] =	vst v0  }
0xc0: {  	[tilespmem:s0+$0xD120] =	vst v0  }
0xc1: {  	[tilespmem:s0+$0xD130] =	vst v0  }
0xc2: {  	[tilespmem:s0+$0xD140] =	vst v0  }
0xc3: {  	[tilespmem:s0+$0xD150] =	vst v0  }
0xc4: {  	[tilespmem:s0+$0xD160] =	vst v0  }
0xc5: {  	_ =	swait.ge [sflag:s20], $0x800  }
0xc6: {  	[sflag:s20] =	ssyncset.done $0x0  }
0xc7: {  	[sflag:s20] =	ssyncadd.s32 $0xFFFFF800  }
0xc8: {  	_ =	swait.ge [sflag:s20], $0x800  }
0xc9: {  	[sflag:s20] =	ssyncset.done $0x0  }
0xca: {  	[sflag:s20] =	ssyncadd.s32 $0xFFFFF800  }
0xcb: {  	_ =	swait.ge [sflag:s20], $0x800  }
0xcc: {  	[sflag:s20] =	ssyncset.done $0x0  }
0xcd: {  	[sflag:s20] =	ssyncadd.s32 $0xFFFFF800  }
0xce: {  	_ =	swait.ge [sflag:s20], $0x200  }
0xcf: {  	[sflag:s20] =	ssyncset.done $0x0  }
0xd0: {  	[sflag:s20] =	ssyncadd.s32 $0xFFFFFE00  }
0xd1: {  	_ =	swait.ge [sflag:s20], $0x800  }
0xd2: {  	[sflag:s20] =	ssyncset.done $0x0  }
0xd3: {  	[sflag:s20] =	ssyncadd.s32 $0xFFFFF800  }
0xd4: {  	_ =	swait.ge [sflag:s20], $0x800  }
0xd5: {  	[sflag:s20] =	ssyncset.done $0x0  }
0xd6: {  	[sflag:s20] =	ssyncadd.s32 $0xFFFFF800  }
0xd7: {  	_ =	swait.ge [sflag:s20], $0x800  }
0xd8: {  	[sflag:s20] =	ssyncset.done $0x0  }
0xd9: {  	[sflag:s20] =	ssyncadd.s32 $0xFFFFF800  }
0xda: {  	_ =	swait.ge [sflag:s20], $0x200  }
0xdb: {  	[sflag:s20] =	ssyncset.done $0x0  }
0xdc: {  	[sflag:s20] =	ssyncadd.s32 $0xFFFFFE00  }
0xdd: {  	_ =	swait.ge [sflag:s20], $0x800  }
0xde: {  	[sflag:s20] =	ssyncset.done $0x0  }
0xdf: {  	[sflag:s20] =	ssyncadd.s32 $0xFFFFF800  }
0xe0: {  	_ =	swait.ge [sflag:s20], $0x800  }
0xe1: {  	[sflag:s20] =	ssyncset.done $0x0  }
0xe2: {  	[sflag:s20] =	ssyncadd.s32 $0xFFFFF800  }
0xe3: {  	_ =	swait.ge [sflag:s20], $0x800  }
0xe4: {  	[sflag:s20] =	ssyncset.done $0x0  }
0xe5: {  	[sflag:s20] =	ssyncadd.s32 $0xFFFFF800  }
0xe6: {  	_ =	swait.ge [sflag:s20], $0x200  }
0xe7: {  	[sflag:s20] =	ssyncset.done $0x0  }
0xe8: {  	[sflag:s20] =	ssyncadd.s32 $0xFFFFFE00  }
0xe9: {  	_ =	swait.ge [sflag:s20], $0x800  }
0xea: {  	[sflag:s20] =	ssyncset.done $0x0  }
0xeb: {  	[sflag:s20] =	ssyncadd.s32 $0xFFFFF800  }
0xec: {  	_ =	swait.ge [sflag:s20], $0x800  }
0xed: {  	[sflag:s20] =	ssyncset.done $0x0  }
0xee: {  	[sflag:s20] =	ssyncadd.s32 $0xFFFFF800  }
0xef: {  	_ =	swait.ge [sflag:s20], $0x800  }
0xf0: {  	[sflag:s20] =	ssyncset.done $0x0  }
0xf1: {  	[sflag:s20] =	ssyncadd.s32 $0xFFFFF800  }
0xf2: {  	_ =	swait.ge [sflag:s20], $0x200  }
0xf3: {  	[sflag:s20] =	ssyncset.done $0x0  }
0xf4: {  	[sflag:s20] =	ssyncadd.s32 $0xFFFFFE00  }
0xf5: {  	_ =	swait.ge [sflag:s20], $0x800  }
0xf6: {  	[sflag:s20] =	ssyncset.done $0x0  }
0xf7: {  	[sflag:s20] =	ssyncadd.s32 $0xFFFFF800  }
0xf8: {  	_ =	swait.ge [sflag:s20], $0x800  }
0xf9: {  	[sflag:s20] =	ssyncset.done $0x0  }
0xfa: {  	[sflag:s20] =	ssyncadd.s32 $0xFFFFF800  }
0xfb: {  	_ =	swait.ge [sflag:s20], $0x800  }
0xfc: {  	[sflag:s20] =	ssyncset.done $0x0  }
0xfd: {  	[sflag:s20] =	ssyncadd.s32 $0xFFFFF800  }
0xfe: {  	_ =	swait.ge [sflag:s20], $0x200  }
0xff: {  	[sflag:s20] =	ssyncset.done $0x0  }
0x100: {  	[sflag:s20] =	ssyncadd.s32 $0xFFFFFE00  }
0x101: {  	_ =	swait.ge [sflag:s20], $0x800  }
0x102: {  	[sflag:s20] =	ssyncset.done $0x0  }
0x103: {  	[sflag:s20] =	ssyncadd.s32 $0xFFFFF800  }
0x104: {  	_ =	swait.ge [sflag:s20], $0x800  }
0x105: {  	[sflag:s20] =	ssyncset.done $0x0  }
0x106: {  	[sflag:s20] =	ssyncadd.s32 $0xFFFFF800  }
0x107: {  	_ =	swait.ge [sflag:s20], $0x800  }
0x108: {  	[sflag:s20] =	ssyncset.done $0x0  }
0x109: {  	[sflag:s20] =	ssyncadd.s32 $0xFFFFF800  }
0x10a: {  	_ =	swait.ge [sflag:s20], $0x200  }
0x10b: {  	[sflag:s20] =	ssyncset.done $0x0  }
0x10c: {  	[sflag:s20] =	ssyncadd.s32 $0xFFFFFE00  }
0x10d: {  	_ =	swait.ge [sflag:s20], $0x800  }
0x10e: {  	[sflag:s20] =	ssyncset.done $0x0  }
0x10f: {  	[sflag:s20] =	ssyncadd.s32 $0xFFFFF800  }
0x110: {  	_ =	swait.ge [sflag:s20], $0x800  }
0x111: {  	[sflag:s20] =	ssyncset.done $0x0  }
0x112: {  	[sflag:s20] =	ssyncadd.s32 $0xFFFFF800  }
0x113: {  	_ =	swait.ge [sflag:s20], $0x800  }
0x114: {  	[sflag:s20] =	ssyncset.done $0x0  }
0x115: {  	[sflag:s20] =	ssyncadd.s32 $0xFFFFF800  }
0x116: {  	_ =	swait.ge [sflag:s20], $0x200  }
0x117: {  	[sflag:s20] =	ssyncset.done $0x0  }
0x118: {  	[sflag:s20] =	ssyncadd.s32 $0xFFFFFE00  }
0x119: {  	_ =	swait.ge [sflag:s20], $0x800  }
0x11a: {  	[sflag:s20] =	ssyncset.done $0x0  }
0x11b: {  	[sflag:s20] =	ssyncadd.s32 $0xFFFFF800  }
0x11c: {  	_ =	swait.ge [sflag:s20], $0x800  }
0x11d: {  	[sflag:s20] =	ssyncset.done $0x0  }
0x11e: {  	[sflag:s20] =	ssyncadd.s32 $0xFFFFF800  }
0x11f: {  	_ =	swait.ge [sflag:s20], $0x800  }
.Ltmp3:
0x120: {  	[sflag:s20] =	ssyncset.done $0x0;
	(pc) =	sbr.rel .LBB2_4-.Ltmp3, $4  }
0x121: {  	[sflag:s20] =	ssyncadd.s32 $0xFFFFF800  }
0x122: {  	_ =	swait.ge [sflag:s20], $0x200  }
0x123: {  	[sflag:s20] =	ssyncset.done $0x0  }
0x124: {  	s25 =	simm.s32 $0x0;
	[sflag:s20] =	ssyncadd.s32 $0xFFFFFE00  }
.LBB2_26:
0x125: {  	s25 =	sadd.s32 $0x1, s25  }
0x126: {  	p0 =	sne.s32 s25, $0x100  }
.Ltmp4:
0x127: {  	_ = 	snop;
	(pc) =	sbr.rel @!p0 .LBB2_27-.Ltmp4, $1  }
0x128: {  	_ =	sdelay $0x3  }
.LBB2_4:
0x129: {  	s26 =	sshll.u32 s25, $0x6  }
0x12a: {  	s0 =	sshrl.u32 s26, $0x2  }
0x12b: {  	v9 =	vld [tilespmem:s0+$0xC000];
	_ =	sdelay $0x4  }
0x12c: {  	(v2sf) =	vpush v9, $0x0  }
0x12d: {  	(v2sf) =	vpush v9, $0x1;
	_ =	sdelay $0xd  }
0x12e: {  	s30 =	spop (v2sf)  }
0x12f: {  	s7 =	spop (v2sf);
	p0 =	sge.s32 s30, s29  }
0x130: {  	p1 =	sle.s32 @!p0 s7, s12  }
0x131: {  	p0 =	por p0, p1  }
.Ltmp5:
0x132: {  	_ = 	snop;
	(pc) =	sbr.rel @p0 .LBB2_15-.Ltmp5, $2  }
0x133: {  	_ =	sdelay $0x2  }
0x134: {  	[tilespmem:$0x1FEA0] =	vst v9  }
0x135: {  	v9 =	vld [tilespmem:$0x1FEA0];
	_ =	sdelay $0x4  }
0x136: {  	(v2sf) =	vpush v9, $0x2  }
0x137: {  	(v2sf) =	vpush v9, $0x3  }
0x138: {  	(v2sf) =	vpush v9, $0x4  }
0x139: {  	(v2sf) =	vpush v9, $0x5;
	_ =	sdelay $0xb  }
0x13a: {  	s8 =	spop (v2sf)  }
0x13b: {  	s0 =	spop (v2sf)  }
0x13c: {  	p0 =	sgt.s32 s30, s12;
	s28 =	smov.u32 s12;
	s1 =	spop (v2sf)  }
0x13d: {  	p1 =	slt.s32 s7, s29;
	s18 =	smov.u32 s29;
	v9 =	vld [tilespmem:s26+$0x4000];
	s2 =	spop (v2sf)  }
0x13e: {  	s28 =	smov.u32 @p0 s30;
	s18 =	smov.u32 @p1 s7;
	p0 =	sgt.s32 s2, $0x10  }
0x13f: {  	p1 =	sge.s32 @!p0 s28, s18  }
0x140: {  	p0 =	por p0, p1  }
.Ltmp6:
0x141: {  	_ = 	snop;
	(pc) =	sbr.rel @p0 .LBB2_10-.Ltmp6, $4  }
0x142: {  	v39 =	vbroadcast v9, $0x0;
	v40 =	vbroadcast v9, $0x1  }
0x143: {  	v41 =	vld [tilespmem:s26+$0x8000];
	v42 =	vbroadcast v9, $0x2;
	v43 =	vbroadcast v9, $0x3  }
0x144: {  	v44 =	vld [tilespmem:s26+$0x8010];
	v45 =	vbroadcast v9, $0x4;
	v46 =	vbroadcast v9, $0x5  }
0x145: {  	v25 =	vld [tilespmem:s26+$0x4010];
	v47 =	vbroadcast v9, $0x6;
	v48 =	vbroadcast v9, $0x7;
	s31 =	sshll.u32 s8, $0x7  }
0x146: {  	v10 =	vbroadcast v9, $0x8;
	v11 =	vbroadcast v9, $0x9  }
0x147: {  	v12 =	vbroadcast v9, $0xA;
	v13 =	vbroadcast v9, $0xB  }
0x148: {  	v14 =	vbroadcast v9, $0xC;
	v15 =	vbroadcast v9, $0xD  }
0x149: {  	v16 =	vbroadcast v9, $0xE;
	v26 =	vbroadcast v9, $0xF  }
0x14a: {  	v27 =	vbroadcast v25, $0x0;
	v28 =	vbroadcast v25, $0x1  }
0x14b: {  	v49 =	vbroadcast v25, $0x2;
	v50 =	vbroadcast v25, $0x3  }
0x14c: {  	p0 =	sgt.s32 s30, s3;
	s7 =	smov.u32 s3;
	v51 =	vbroadcast v25, $0x4;
	v52 =	vbroadcast v25, $0x5  }
.Ltmp7:
0x14d: {  	s7 =	smov.u32 @p0 s30;
	v53 =	vbroadcast v25, $0x6;
	v54 =	vbroadcast v25, $0x7;
	(pc) =	sbr.rel .LBB2_7-.Ltmp7, $4  }
0x14e: {  	s7 =	sadd.s32 s7, s19;
	v55 =	vbroadcast v25, $0x8;
	v56 =	vbroadcast v25, $0x9  }
0x14f: {  	s8 =	ssub.s32 $0x0, s30;
	p0 =	slt.s32 s0, $0x9;
	s7 =	sshll.u32 s7, $0xE;
	v57 =	vbroadcast v25, $0xA;
	v58 =	vbroadcast v25, $0xB  }
0x150: {  	p2 =	slt.u32 s0, $0x19;
	p1 =	slt.u32 @!p0 s0, $0x11;
	s7 =	sadd.s32 s7, s1;
	v59 =	vbroadcast v25, $0xC;
	v60 =	vbroadcast v25, $0xD  }
0x151: {  	s21 =	smov.u32 s28;
	p1 =	por p0, p1;
	v61 =	vbroadcast v25, $0xE;
	v62 =	vbroadcast v25, $0xF;
	s7 =	sadd.s32 s31, s7  }
.LBB2_9:
0x152: {  	s21 =	sadd.s32 $0x1, s21  }
0x153: {  	p3 =	slt.s32 s21, s18  }
.Ltmp8:
0x154: {  	_ = 	snop;
	(pc) =	sbr.rel @!p3 .LBB2_10-.Ltmp8, $2  }
0x155: {  	_ =	sdelay $0x2  }
0x156: {  	s7 =	sadd.s32 $0x4000, s7  }
.LBB2_7:
0x157: {  	s13 =	sadd.s32 s21, s8  }
0x158: {  	s13 =	sadd.s32 s26, s13  }
0x159: {  	v29 =	vmov s13;
	_ =	sdelay $0x4  }
0x15a: {  	v29 =	vld.idx.msk [tilespmem:v29+s4+$0x0], $0xffff;
	_ =	sdelay $0x3  }
0x15b: {  	v30 =	vadd.s32 s7, v1  }
0x15c: {  	v31 =	vadd.s32 s7, v2;
	v63 =	vmul.f32 v29, v41  }
0x15d: {  	v32 =	vadd.s32 s7, v3  }
0x15e: {  	v34 =	vadd.s32 s7, v4;
	v33 =	vmul.f32 v63, v39  }
0x15f: {  	v36 =	vadd.s32 s7, v5;
	v35 =	vmul.f32 v63, v40  }
0x160: {  	v37 =	vlaneseq.u32 @!p0;
	[tilespmem:v30+s22+$0x0] =	vst.idx.add.f32.msk $0xffff, v33;
	v30 =	vmul.f32 v63, v42;
	v33 =	vadd.s32 s7, v6  }
0x161: {  	v38 =	vor.u32 @!p0 $0x400, v37;
	[tilespmem:v31+s22+$0x0] =	vst.idx.add.f32.msk $0xffff, v35;
	v31 =	vmul.f32 v63, v43;
	v35 =	vadd.s32 s7, v7  }
0x162: {  	v29 =	vmov s7;
	[tilespmem:v32+s22+$0x0] =	vst.idx.add.f32.msk $0xffff, v30;
	v30 =	vmul.f32 v63, v45;
	v32 =	vadd.s32 s7, v8  }
0x163: {  	[tilespmem:v34+s22+$0x0] =	vst.idx.add.f32.msk $0xffff, v31;
	v31 =	vmul.f32 v63, v46;
	v34 =	vadd.s32 @!p0 v38, v29;
	v38 =	vor.u32 @!p0 $0x480, v37  }
0x164: {  	[tilespmem:v36+s22+$0x0] =	vst.idx.add.f32.msk $0xffff, v30;
	v30 =	vmul.f32 v63, v47;
	v36 =	vadd.s32 @!p0 v38, v29;
	v38 =	vor.u32 @!p0 $0x500, v37  }
0x165: {  	[tilespmem:v33+s22+$0x0] =	vst.idx.add.f32.msk $0xffff, v31;
	v31 =	vmul.f32 v63, v48;
	v33 =	vadd.s32 @!p0 v38, v29;
	v38 =	vor.u32 @!p0 $0x580, v37  }
0x166: {  	[tilespmem:v35+s22+$0x0] =	vst.idx.add.f32.msk $0xffff, v30;
	v30 =	vmul.f32 @!p0 v63, v10;
	v35 =	vadd.s32 @!p0 v38, v29;
	v38 =	vor.u32 @!p0 $0x600, v37  }
0x167: {  	s13 =	simm.s32 @!p0 $0xD080;
	[tilespmem:v32+s22+$0x0] =	vst.idx.add.f32.msk $0xffff, v31;
	v31 =	vmul.f32 @!p0 v63, v11;
	v32 =	vadd.s32 @!p0 v38, v29;
	v38 =	vor.u32 @!p0 $0x680, v37  }
0x168: {  	[tilespmem:v34+s13+$0x0] =	vst.idx.add.f32.msk @!p0 $0xffff, v30;
	v30 =	vmul.f32 @!p0 v63, v12;
	v34 =	vadd.s32 @!p0 v38, v29;
	v38 =	vor.u32 @!p0 $0x700, v37  }
0x169: {  	v37 =	vor.u32 @!p0 $0x780, v37;
	[tilespmem:v36+s13+$0x0] =	vst.idx.add.f32.msk @!p0 $0xffff, v31;
	v31 =	vmul.f32 @!p0 v63, v13;
	v36 =	vadd.s32 @!p0 v38, v29  }
0x16a: {  	[tilespmem:v33+s13+$0x0] =	vst.idx.add.f32.msk @!p0 $0xffff, v30;
	v30 =	vmul.f32 @!p0 v63, v14;
	v33 =	vadd.s32 @!p0 v37, v29  }
.Ltmp9:
0x16b: {  	[tilespmem:v35+s13+$0x0] =	vst.idx.add.f32.msk @!p0 $0xffff, v31;
	v31 =	vmul.f32 @!p0 v63, v15;
	(pc) =	sbr.rel @p1 .LBB2_9-.Ltmp9, $4  }
0x16c: {  	[tilespmem:v32+s13+$0x0] =	vst.idx.add.f32.msk @!p0 $0xffff, v30;
	v30 =	vmul.f32 @!p0 v63, v16  }
0x16d: {  	[tilespmem:v34+s13+$0x0] =	vst.idx.add.f32.msk @!p0 $0xffff, v31;
	v31 =	vmul.f32 @!p0 v63, v26  }
0x16e: {  	[tilespmem:v36+s13+$0x0] =	vst.idx.add.f32.msk @!p0 $0xffff, v30  }
0x16f: {  	[tilespmem:v33+s13+$0x0] =	vst.idx.add.f32.msk @!p0 $0xffff, v31  }
0x170: {  	v30 =	vld [tilespmem:$0x1FEB0];
	_ =	sdelay $0x3  }
0x171: {  	v31 =	vld [tilespmem:$0x1FEC0]  }
0x172: {  	v32 =	vld [tilespmem:$0x1FED0];
	v30 =	vadd.s32 v30, v29  }
0x173: {  	v38 =	vld [tilespmem:$0x1FF00]  }
0x174: {  	v34 =	vld [tilespmem:$0x1FEE0]  }
0x175: {  	v33 =	vmul.f32 v63, v27;
	v36 =	vld [tilespmem:$0x1FEF0]  }
0x176: {  	v37 =	vld [tilespmem:$0x1FF10]  }
0x177: {  	v31 =	vadd.s32 v31, v29;
	[tilespmem:v30+s22+$0x0] =	vst.idx.add.f32.msk $0xffff, v33  }
0x178: {  	v32 =	vadd.s32 v32, v29;
	v33 =	vadd.s32 v38, v29;
	v38 =	vld [tilespmem:$0x1FF20]  }
0x179: {  	v34 =	vadd.s32 v34, v29  }
0x17a: {  	v35 =	vmul.f32 v63, v28;
	v36 =	vadd.s32 v36, v29  }
0x17b: {  	v30 =	vmul.f32 v63, v49  }
0x17c: {  	[tilespmem:v31+s22+$0x0] =	vst.idx.add.f32.msk $0xffff, v35;
	v31 =	vmul.f32 v63, v50;
	v35 =	vadd.s32 v37, v29;
	v37 =	vlaneseq.u32 @!p2  }
0x17d: {  	[tilespmem:v32+s22+$0x0] =	vst.idx.add.f32.msk $0xffff, v30;
	v30 =	vmul.f32 v63, v51;
	v32 =	vadd.s32 v38, v29;
	v38 =	vor.u32 @!p2 $0xC00, v37  }
0x17e: {  	[tilespmem:v34+s22+$0x0] =	vst.idx.add.f32.msk $0xffff, v31;
	v31 =	vmul.f32 v63, v52;
	v34 =	vadd.s32 @!p2 v38, v29;
	v38 =	vor.u32 @!p2 $0xC80, v37  }
0x17f: {  	[tilespmem:v36+s22+$0x0] =	vst.idx.add.f32.msk $0xffff, v30;
	v30 =	vmul.f32 v63, v53;
	v36 =	vadd.s32 @!p2 v38, v29;
	v38 =	vor.u32 @!p2 $0xD00, v37  }
0x180: {  	[tilespmem:v33+s22+$0x0] =	vst.idx.add.f32.msk $0xffff, v31;
	v31 =	vmul.f32 v63, v54;
	v33 =	vadd.s32 @!p2 v38, v29;
	v38 =	vor.u32 @!p2 $0xD80, v37  }
0x181: {  	[tilespmem:v35+s22+$0x0] =	vst.idx.add.f32.msk $0xffff, v30;
	v30 =	vmul.f32 @!p2 v63, v55;
	v35 =	vadd.s32 @!p2 v38, v29;
	v38 =	vor.u32 @!p2 $0xE00, v37  }
0x182: {  	s13 =	simm.s32 @!p2 $0xD080;
	[tilespmem:v32+s22+$0x0] =	vst.idx.add.f32.msk $0xffff, v31;
	v31 =	vmul.f32 @!p2 v63, v56;
	v32 =	vadd.s32 @!p2 v38, v29;
	v38 =	vor.u32 @!p2 $0xE80, v37  }
0x183: {  	[tilespmem:v34+s13+$0x0] =	vst.idx.add.f32.msk @!p2 $0xffff, v30;
	v30 =	vmul.f32 @!p2 v63, v57;
	v34 =	vadd.s32 @!p2 v38, v29;
	v38 =	vor.u32 @!p2 $0xF00, v37  }
0x184: {  	v37 =	vor.u32 @!p2 $0xF80, v37;
	[tilespmem:v36+s13+$0x0] =	vst.idx.add.f32.msk @!p2 $0xffff, v31;
	v31 =	vmul.f32 @!p2 v63, v58;
	v36 =	vadd.s32 @!p2 v38, v29  }
0x185: {  	v29 =	vadd.s32 @!p2 v37, v29;
	[tilespmem:v33+s13+$0x0] =	vst.idx.add.f32.msk @!p2 $0xffff, v30;
	v30 =	vmul.f32 @!p2 v63, v59  }
.Ltmp10:
0x186: {  	[tilespmem:v35+s13+$0x0] =	vst.idx.add.f32.msk @!p2 $0xffff, v31;
	v31 =	vmul.f32 @!p2 v63, v60;
	(pc) =	sbr.rel .LBB2_9-.Ltmp10, $4  }
0x187: {  	[tilespmem:v32+s13+$0x0] =	vst.idx.add.f32.msk @!p2 $0xffff, v30;
	v30 =	vmul.f32 @!p2 v63, v61  }
0x188: {  	[tilespmem:v34+s13+$0x0] =	vst.idx.add.f32.msk @!p2 $0xffff, v31;
	v31 =	vmul.f32 @!p2 v63, v62  }
0x189: {  	[tilespmem:v36+s13+$0x0] =	vst.idx.add.f32.msk @!p2 $0xffff, v30  }
0x18a: {  	[tilespmem:v29+s13+$0x0] =	vst.idx.add.f32.msk @!p2 $0xffff, v31  }
.LBB2_10:
0x18b: {  	p0 =	slt.s32 s2, $0x11  }
0x18c: {  	p1 =	sge.s32 @!p0 s28, s18  }
0x18d: {  	p0 =	por p0, p1  }
.Ltmp11:
0x18e: {  	_ = 	snop;
	(pc) =	sbr.rel @p0 .LBB2_15-.Ltmp11, $1  }
0x18f: {  	_ =	sdelay $0x3  }
0x190: {  	v49 =	vbroadcast v9, $0x8;
	v50 =	vbroadcast v9, $0x9  }
0x191: {  	v51 =	vbroadcast v9, $0xA;
	v52 =	vbroadcast v9, $0xB  }
0x192: {  	v53 =	vbroadcast v9, $0xC;
	v54 =	vbroadcast v9, $0xD  }
0x193: {  	v55 =	vbroadcast v9, $0xE;
	v56 =	vbroadcast v9, $0xF  }
0x194: {  	v57 =	vbroadcast v25, $0x0;
	v58 =	vbroadcast v25, $0x1  }
0x195: {  	v59 =	vbroadcast v25, $0x2;
	v60 =	vbroadcast v25, $0x3  }
0x196: {  	v61 =	vbroadcast v25, $0x4;
	v62 =	vbroadcast v25, $0x5;
	p0 =	sgt.s32 s30, s3;
	s2 =	smov.u32 s3  }
.Ltmp12:
0x197: {  	v63 =	vbroadcast v25, $0x6;
	v9 =	vbroadcast v25, $0x7;
	s2 =	smov.u32 @p0 s30;
	p0 =	slt.s32 s0, $0x9;
	(pc) =	sbr.rel .LBB2_12-.Ltmp12, $4  }
0x198: {  	v10 =	vbroadcast v25, $0x8;
	v11 =	vbroadcast v25, $0x9;
	s2 =	sadd.s32 s2, s19;
	p1 =	slt.u32 @!p0 s0, $0x11  }
0x199: {  	v12 =	vbroadcast v25, $0xA;
	v13 =	vbroadcast v25, $0xB;
	s2 =	sshll.u32 s2, $0xE;
	p1 =	por p0, p1  }
0x19a: {  	v14 =	vbroadcast v25, $0xC;
	v15 =	vbroadcast v25, $0xD;
	s1 =	sadd.s32 s2, s1;
	p2 =	slt.u32 @!p1 s0, $0x19  }
0x19b: {  	v16 =	vbroadcast v25, $0xE;
	v25 =	vbroadcast v25, $0xF;
	s30 =	ssub.s32 $0x0, s30;
	s31 =	sadd.s32 s31, s1;
	p2 =	por p1, p2  }
.LBB2_14:
0x19c: {  	s28 =	sadd.s32 $0x1, s28  }
0x19d: {  	p3 =	slt.s32 s28, s18  }
.Ltmp13:
0x19e: {  	_ = 	snop;
	(pc) =	sbr.rel @!p3 .LBB2_15-.Ltmp13, $2  }
0x19f: {  	_ =	sdelay $0x2  }
0x1a0: {  	s31 =	sadd.s32 $0x4000, s31  }
.LBB2_12:
0x1a1: {  	s0 =	sadd.s32 s28, s30  }
0x1a2: {  	s0 =	sadd.s32 s26, s0  }
0x1a3: {  	v26 =	vmov s0;
	_ =	sdelay $0x4  }
0x1a4: {  	v27 =	vld.idx.msk [tilespmem:v26+s4+$0x0], $0xffff;
	_ =	sdelay $0x3  }
0x1a5: {  	v28 =	vadd.s32 s31, v1  }
0x1a6: {  	v29 =	vadd.s32 s31, v17;
	v26 =	vmul.f32 v27, v41  }
0x1a7: {  	v30 =	vadd.s32 s31, v2;
	v27 =	vmul.f32 v27, v44  }
0x1a8: {  	v32 =	vadd.s32 s31, v18;
	v31 =	vmul.f32 v26, v39  }
0x1a9: {  	v34 =	vadd.s32 s31, v3;
	v33 =	vmul.f32 v27, v39  }
0x1aa: {  	[tilespmem:v28+s22+$0x0] =	vst.idx.add.f32.msk $0xffff, v31;
	v28 =	vmul.f32 v26, v40;
	v31 =	vadd.s32 s31, v19  }
0x1ab: {  	v36 =	vadd.s32 s31, v4;
	[tilespmem:v29+s22+$0x0] =	vst.idx.add.f32.msk $0xffff, v33;
	v29 =	vmul.f32 v27, v40  }
0x1ac: {  	[tilespmem:v30+s22+$0x0] =	vst.idx.add.f32.msk $0xffff, v28;
	v28 =	vmul.f32 v26, v42;
	v30 =	vadd.s32 s31, v20  }
0x1ad: {  	v37 =	vadd.s32 s31, v5;
	[tilespmem:v32+s22+$0x0] =	vst.idx.add.f32.msk $0xffff, v29;
	v29 =	vmul.f32 v27, v42  }
0x1ae: {  	[tilespmem:v34+s22+$0x0] =	vst.idx.add.f32.msk $0xffff, v28;
	v28 =	vmul.f32 v26, v43;
	v34 =	vadd.s32 s31, v21  }
0x1af: {  	[tilespmem:v31+s22+$0x0] =	vst.idx.add.f32.msk $0xffff, v29;
	v29 =	vmul.f32 v27, v43;
	v31 =	vadd.s32 s31, v6  }
0x1b0: {  	v35 =	vadd.s32 s31, v22;
	v38 =	vmul.f32 v26, v45;
	[tilespmem:v36+s22+$0x0] =	vst.idx.add.f32.msk $0xffff, v28  }
0x1b1: {  	v33 =	vmul.f32 v27, v46;
	[tilespmem:v30+s22+$0x0] =	vst.idx.add.f32.msk $0xffff, v29;
	v29 =	vmul.f32 v27, v45;
	v30 =	vadd.s32 s31, v7  }
0x1b2: {  	v32 =	vmul.f32 v26, v46;
	v28 =	vmov s31;
	v36 =	vadd.s32 s31, v23;
	[tilespmem:v37+s22+$0x0] =	vst.idx.add.f32.msk $0xffff, v38  }
0x1b3: {  	v37 =	vlaneseq.u32 @!p0;
	[tilespmem:v34+s22+$0x0] =	vst.idx.add.f32.msk $0xffff, v29;
	v29 =	vmul.f32 v26, v47;
	v34 =	vadd.s32 s31, v8  }
0x1b4: {  	v38 =	vor.u32 @!p0 $0x400, v37;
	[tilespmem:v31+s22+$0x0] =	vst.idx.add.f32.msk $0xffff, v32;
	v31 =	vmul.f32 v27, v47;
	v32 =	vadd.s32 s31, v24  }
0x1b5: {  	[tilespmem:v35+s22+$0x0] =	vst.idx.add.f32.msk $0xffff, v33;
	v33 =	vmul.f32 v26, v48;
	v35 =	vadd.s32 @!p0 v38, v28;
	v38 =	vor.u32 @!p0 $0x410, v37  }
0x1b6: {  	[tilespmem:v30+s22+$0x0] =	vst.idx.add.f32.msk $0xffff, v29;
	v29 =	vmul.f32 v27, v48;
	v30 =	vadd.s32 @!p0 v38, v28;
	v38 =	vor.u32 @!p0 $0x480, v37  }
0x1b7: {  	[tilespmem:v36+s22+$0x0] =	vst.idx.add.f32.msk $0xffff, v31;
	v31 =	vmul.f32 @!p0 v26, v49;
	v36 =	vadd.s32 @!p0 v38, v28;
	v38 =	vor.u32 @!p0 $0x490, v37  }
0x1b8: {  	[tilespmem:v34+s22+$0x0] =	vst.idx.add.f32.msk $0xffff, v33;
	v33 =	vmul.f32 @!p0 v27, v49;
	v34 =	vadd.s32 @!p0 v38, v28;
	v38 =	vor.u32 @!p0 $0x500, v37  }
0x1b9: {  	s0 =	simm.s32 @!p0 $0xD080;
	[tilespmem:v32+s22+$0x0] =	vst.idx.add.f32.msk $0xffff, v29;
	v29 =	vmul.f32 @!p0 v26, v50;
	v32 =	vadd.s32 @!p0 v38, v28;
	v38 =	vor.u32 @!p0 $0x510, v37  }
0x1ba: {  	[tilespmem:v35+s0+$0x0] =	vst.idx.add.f32.msk @!p0 $0xffff, v31;
	v31 =	vmul.f32 @!p0 v27, v50;
	v35 =	vadd.s32 @!p0 v38, v28;
	v38 =	vor.u32 @!p0 $0x580, v37  }
0x1bb: {  	[tilespmem:v30+s0+$0x0] =	vst.idx.add.f32.msk @!p0 $0xffff, v33;
	v30 =	vmul.f32 @!p0 v26, v51;
	v33 =	vadd.s32 @!p0 v38, v28;
	v38 =	vor.u32 @!p0 $0x590, v37  }
0x1bc: {  	[tilespmem:v36+s0+$0x0] =	vst.idx.add.f32.msk @!p0 $0xffff, v29;
	v29 =	vmul.f32 @!p0 v27, v51;
	v36 =	vadd.s32 @!p0 v38, v28;
	v38 =	vor.u32 @!p0 $0x600, v37  }
0x1bd: {  	[tilespmem:v34+s0+$0x0] =	vst.idx.add.f32.msk @!p0 $0xffff, v31;
	v31 =	vmul.f32 @!p0 v26, v52;
	v34 =	vadd.s32 @!p0 v38, v28;
	v38 =	vor.u32 @!p0 $0x610, v37  }
0x1be: {  	[tilespmem:v32+s0+$0x0] =	vst.idx.add.f32.msk @!p0 $0xffff, v30;
	v30 =	vmul.f32 @!p0 v27, v52;
	v32 =	vadd.s32 @!p0 v38, v28;
	v38 =	vor.u32 @!p0 $0x680, v37  }
0x1bf: {  	[tilespmem:v35+s0+$0x0] =	vst.idx.add.f32.msk @!p0 $0xffff, v29;
	v29 =	vmul.f32 @!p0 v26, v53;
	v35 =	vadd.s32 @!p0 v38, v28;
	v38 =	vor.u32 @!p0 $0x690, v37  }
0x1c0: {  	[tilespmem:v33+s0+$0x0] =	vst.idx.add.f32.msk @!p0 $0xffff, v31;
	v31 =	vmul.f32 @!p0 v27, v53;
	v33 =	vadd.s32 @!p0 v38, v28;
	v38 =	vor.u32 @!p0 $0x700, v37  }
0x1c1: {  	[tilespmem:v36+s0+$0x0] =	vst.idx.add.f32.msk @!p0 $0xffff, v30;
	v30 =	vmul.f32 @!p0 v26, v54;
	v36 =	vadd.s32 @!p0 v38, v28;
	v38 =	vor.u32 @!p0 $0x710, v37  }
0x1c2: {  	[tilespmem:v34+s0+$0x0] =	vst.idx.add.f32.msk @!p0 $0xffff, v29;
	v29 =	vmul.f32 @!p0 v27, v54;
	v34 =	vadd.s32 @!p0 v38, v28;
	v38 =	vor.u32 @!p0 $0x780, v37  }
0x1c3: {  	[tilespmem:v32+s0+$0x0] =	vst.idx.add.f32.msk @!p0 $0xffff, v31;
	v31 =	vadd.s32 @!p0 v38, v28;
	v32 =	vor.u32 @!p0 $0x790, v37;
	v37 =	vlaneseq.u32 @!p1  }
0x1c4: {  	[tilespmem:v35+s0+$0x0] =	vst.idx.add.f32.msk @!p0 $0xffff, v30;
	v30 =	vmul.f32 @!p0 v26, v55;
	v32 =	vadd.s32 @!p0 v32, v28;
	v35 =	vor.u32 @!p1 $0x800, v37  }
0x1c5: {  	[tilespmem:v33+s0+$0x0] =	vst.idx.add.f32.msk @!p0 $0xffff, v29;
	v29 =	vmul.f32 @!p0 v27, v55;
	v33 =	vadd.s32 @!p1 v35, v28;
	v35 =	vor.u32 @!p1 $0x810, v37  }
0x1c6: {  	[tilespmem:v36+s0+$0x0] =	vst.idx.add.f32.msk @!p0 $0xffff, v30;
	v30 =	vmul.f32 @!p0 v26, v56;
	v35 =	vadd.s32 @!p1 v35, v28;
	v36 =	vor.u32 @!p1 $0x880, v37  }
0x1c7: {  	[tilespmem:v34+s0+$0x0] =	vst.idx.add.f32.msk @!p0 $0xffff, v29;
	v29 =	vmul.f32 @!p0 v27, v56;
	v34 =	vadd.s32 @!p1 v36, v28;
	v36 =	vor.u32 @!p1 $0x890, v37  }
0x1c8: {  	[tilespmem:v31+s0+$0x0] =	vst.idx.add.f32.msk @!p0 $0xffff, v30;
	v30 =	vmul.f32 @!p1 v26, v57;
	v31 =	vadd.s32 @!p1 v36, v28;
	v36 =	vor.u32 @!p1 $0x900, v37  }
0x1c9: {  	[tilespmem:v32+s0+$0x0] =	vst.idx.add.f32.msk @!p0 $0xffff, v29;
	s0 =	simm.s32 @!p1 $0xD080;
	v29 =	vmul.f32 @!p1 v27, v57;
	v32 =	vadd.s32 @!p1 v36, v28;
	v36 =	vor.u32 @!p1 $0x910, v37  }
0x1ca: {  	[tilespmem:v33+s0+$0x0] =	vst.idx.add.f32.msk @!p1 $0xffff, v30;
	v30 =	vmul.f32 @!p1 v26, v58;
	v33 =	vadd.s32 @!p1 v36, v28;
	v36 =	vor.u32 @!p1 $0x980, v37  }
0x1cb: {  	[tilespmem:v35+s0+$0x0] =	vst.idx.add.f32.msk @!p1 $0xffff, v29;
	v29 =	vmul.f32 @!p1 v27, v58;
	v35 =	vadd.s32 @!p1 v36, v28;
	v36 =	vor.u32 @!p1 $0x990, v37  }
0x1cc: {  	[tilespmem:v34+s0+$0x0] =	vst.idx.add.f32.msk @!p1 $0xffff, v30;
	v30 =	vmul.f32 @!p1 v26, v59;
	v34 =	vadd.s32 @!p1 v36, v28;
	v36 =	vor.u32 @!p1 $0xA00, v37  }
0x1cd: {  	[tilespmem:v31+s0+$0x0] =	vst.idx.add.f32.msk @!p1 $0xffff, v29;
	v29 =	vmul.f32 @!p1 v27, v59;
	v31 =	vadd.s32 @!p1 v36, v28;
	v36 =	vor.u32 @!p1 $0xA10, v37  }
0x1ce: {  	[tilespmem:v32+s0+$0x0] =	vst.idx.add.f32.msk @!p1 $0xffff, v30;
	v30 =	vmul.f32 @!p1 v26, v60;
	v32 =	vadd.s32 @!p1 v36, v28;
	v36 =	vor.u32 @!p1 $0xA80, v37  }
0x1cf: {  	[tilespmem:v33+s0+$0x0] =	vst.idx.add.f32.msk @!p1 $0xffff, v29;
	v29 =	vmul.f32 @!p1 v27, v60;
	v33 =	vadd.s32 @!p1 v36, v28;
	v36 =	vor.u32 @!p1 $0xA90, v37  }
0x1d0: {  	[tilespmem:v35+s0+$0x0] =	vst.idx.add.f32.msk @!p1 $0xffff, v30;
	v30 =	vmul.f32 @!p1 v26, v61;
	v35 =	vadd.s32 @!p1 v36, v28;
	v36 =	vor.u32 @!p1 $0xB00, v37  }
0x1d1: {  	[tilespmem:v34+s0+$0x0] =	vst.idx.add.f32.msk @!p1 $0xffff, v29;
	v29 =	vmul.f32 @!p1 v27, v61;
	v34 =	vadd.s32 @!p1 v36, v28;
	v36 =	vor.u32 @!p1 $0xB10, v37  }
0x1d2: {  	[tilespmem:v31+s0+$0x0] =	vst.idx.add.f32.msk @!p1 $0xffff, v30;
	v30 =	vmul.f32 @!p1 v26, v62;
	v31 =	vadd.s32 @!p1 v36, v28;
	v36 =	vor.u32 @!p1 $0xB80, v37  }
0x1d3: {  	[tilespmem:v32+s0+$0x0] =	vst.idx.add.f32.msk @!p1 $0xffff, v29;
	v29 =	vmul.f32 @!p1 v27, v62;
	v32 =	vadd.s32 @!p1 v36, v28;
	v36 =	vor.u32 @!p1 $0xB90, v37  }
0x1d4: {  	[tilespmem:v33+s0+$0x0] =	vst.idx.add.f32.msk @!p1 $0xffff, v30;
	v30 =	vmul.f32 @!p1 v26, v63;
	v33 =	vadd.s32 @!p1 v36, v28  }
.Ltmp14:
0x1d5: {  	[tilespmem:v35+s0+$0x0] =	vst.idx.add.f32.msk @!p1 $0xffff, v29;
	v29 =	vmul.f32 @!p1 v27, v63;
	(pc) =	sbr.rel @p2 .LBB2_14-.Ltmp14, $4  }
0x1d6: {  	[tilespmem:v34+s0+$0x0] =	vst.idx.add.f32.msk @!p1 $0xffff, v30;
	v30 =	vmul.f32 @!p1 v26, v9  }
0x1d7: {  	[tilespmem:v31+s0+$0x0] =	vst.idx.add.f32.msk @!p1 $0xffff, v29;
	v29 =	vmul.f32 @!p1 v27, v9  }
0x1d8: {  	[tilespmem:v32+s0+$0x0] =	vst.idx.add.f32.msk @!p1 $0xffff, v30  }
0x1d9: {  	[tilespmem:v33+s0+$0x0] =	vst.idx.add.f32.msk @!p1 $0xffff, v29  }
0x1da: {  	v29 =	vld [tilespmem:$0x1FF30];
	_ =	sdelay $0x1  }
0x1db: {  	v30 =	vld [tilespmem:$0x1FF40];
	_ =	sdelay $0x1  }
0x1dc: {  	v31 =	vld [tilespmem:$0x1FF50]  }
0x1dd: {  	v33 =	vld [tilespmem:$0x1FF60];
	v29 =	vadd.s32 v29, v28  }
0x1de: {  	v37 =	vld [tilespmem:$0x1FF80]  }
0x1df: {  	v35 =	vld [tilespmem:$0x1FF70];
	v30 =	vadd.s32 v30, v28  }
0x1e0: {  	v32 =	vmul.f32 v26, v10;
	v36 =	vld [tilespmem:$0x1FF90]  }
0x1e1: {  	v31 =	vadd.s32 v31, v28  }
0x1e2: {  	v34 =	vmul.f32 v27, v10;
	v33 =	vadd.s32 v33, v28;
	[tilespmem:v29+s22+$0x0] =	vst.idx.add.f32.msk $0xffff, v32  }
0x1e3: {  	v32 =	vadd.s32 v37, v28;
	v37 =	vld [tilespmem:$0x1FFA0]  }
0x1e4: {  	v35 =	vadd.s32 v35, v28;
	v29 =	vmul.f32 v26, v11;
	[tilespmem:v30+s22+$0x0] =	vst.idx.add.f32.msk $0xffff, v34  }
0x1e5: {  	v38 =	vmul.f32 v27, v11;
	v34 =	vadd.s32 v36, v28;
	v36 =	vld [tilespmem:$0x1FFB0]  }
0x1e6: {  	[tilespmem:v31+s22+$0x0] =	vst.idx.add.f32.msk $0xffff, v29  }
0x1e7: {  	v29 =	vmul.f32 v26, v12;
	[tilespmem:v33+s22+$0x0] =	vst.idx.add.f32.msk $0xffff, v38  }
0x1e8: {  	v38 =	vmul.f32 v27, v12;
	v31 =	vadd.s32 v37, v28;
	v37 =	vld [tilespmem:$0x1FFC0]  }
0x1e9: {  	[tilespmem:v35+s22+$0x0] =	vst.idx.add.f32.msk $0xffff, v29  }
0x1ea: {  	v29 =	vmul.f32 v26, v13;
	[tilespmem:v32+s22+$0x0] =	vst.idx.add.f32.msk $0xffff, v38  }
0x1eb: {  	v33 =	vadd.s32 v36, v28;
	v36 =	vld [tilespmem:$0x1FFD0]  }
0x1ec: {  	v38 =	vmul.f32 v27, v13;
	[tilespmem:v34+s22+$0x0] =	vst.idx.add.f32.msk $0xffff, v29  }
0x1ed: {  	v35 =	vadd.s32 v37, v28;
	v37 =	vld [tilespmem:$0x1FFE0]  }
0x1ee: {  	[tilespmem:v31+s22+$0x0] =	vst.idx.add.f32.msk $0xffff, v38  }
0x1ef: {  	v38 =	vld [tilespmem:$0x1FFF0];
	_ =	sdelay $0x2  }
0x1f0: {  	v32 =	vadd.s32 v36, v28  }
0x1f1: {  	v29 =	vmul.f32 v26, v14;
	v34 =	vadd.s32 v37, v28  }
0x1f2: {  	v30 =	vmul.f32 v27, v14;
	v36 =	vor.u32 $0xF10, v1;
	v31 =	vadd.s32 v38, v28  }
0x1f3: {  	[tilespmem:v33+s22+$0x0] =	vst.idx.add.f32.msk $0xffff, v29;
	v29 =	vmul.f32 v26, v15;
	v33 =	vadd.s32 v36, v28;
	v36 =	vor.u32 $0xF80, v1  }
0x1f4: {  	[tilespmem:v35+s22+$0x0] =	vst.idx.add.f32.msk $0xffff, v30;
	v30 =	vmul.f32 v27, v15;
	v35 =	vadd.s32 v36, v28;
	v36 =	vor.u32 $0xF90, v1  }
0x1f5: {  	v37 =	vmul.f32 v26, v16;
	[tilespmem:v32+s22+$0x0] =	vst.idx.add.f32.msk $0xffff, v29;
	v36 =	vadd.s32 v36, v28  }
.Ltmp15:
0x1f6: {  	v38 =	vmul.f32 v27, v16;
	[tilespmem:v34+s22+$0x0] =	vst.idx.add.f32.msk $0xffff, v30;
	(pc) =	sbr.rel .LBB2_14-.Ltmp15, $4  }
0x1f7: {  	v26 =	vmul.f32 v26, v25;
	[tilespmem:v31+s22+$0x0] =	vst.idx.add.f32.msk $0xffff, v37  }
0x1f8: {  	v27 =	vmul.f32 v27, v25;
	[tilespmem:v33+s22+$0x0] =	vst.idx.add.f32.msk $0xffff, v38  }
0x1f9: {  	[tilespmem:v35+s22+$0x0] =	vst.idx.add.f32.msk $0xffff, v26  }
0x1fa: {  	[tilespmem:v36+s22+$0x0] =	vst.idx.add.f32.msk $0xffff, v27  }
.LBB2_15:
0x1fb: {  	v9 =	vld [tilespmem:$0x1FEA0];
	_ =	sdelay $0x4  }
0x1fc: {  	(v2sf) =	vpush v9, $0x8  }
0x1fd: {  	(v2sf) =	vpush v9, $0x9;
	_ =	sdelay $0xd  }
0x1fe: {  	s31 =	spop (v2sf)  }
0x1ff: {  	s7 =	spop (v2sf);
	p0 =	sge.s32 s31, s29  }
0x200: {  	p1 =	sle.s32 @!p0 s7, s12  }
0x201: {  	p0 =	por p0, p1  }
.Ltmp16:
0x202: {  	_ = 	snop;
	(pc) =	sbr.rel @p0 .LBB2_26-.Ltmp16, $1  }
0x203: {  	_ =	sdelay $0x3  }
0x204: {  	(v2sf) =	vpush v9, $0xA  }
0x205: {  	(v2sf) =	vpush v9, $0xB  }
0x206: {  	(v2sf) =	vpush v9, $0xC  }
0x207: {  	(v2sf) =	vpush v9, $0xD;
	_ =	sdelay $0xb  }
0x208: {  	s8 =	spop (v2sf)  }
0x209: {  	s0 =	spop (v2sf)  }
0x20a: {  	p0 =	sgt.s32 s31, s12;
	s21 =	smov.u32 s12;
	s1 =	spop (v2sf)  }
0x20b: {  	p1 =	slt.s32 s7, s29;
	s18 =	smov.u32 s29;
	v9 =	vld [tilespmem:s26+$0x4020];
	s2 =	spop (v2sf)  }
0x20c: {  	s21 =	smov.u32 @p0 s31;
	s18 =	smov.u32 @p1 s7;
	p0 =	sgt.s32 s2, $0x10  }
0x20d: {  	p1 =	sge.s32 @!p0 s21, s18  }
0x20e: {  	p0 =	por p0, p1  }
.Ltmp17:
0x20f: {  	_ = 	snop;
	(pc) =	sbr.rel @p0 .LBB2_21-.Ltmp17, $4  }
0x210: {  	v38 =	vbroadcast v9, $0x0;
	v39 =	vbroadcast v9, $0x1  }
0x211: {  	v40 =	vld [tilespmem:s26+$0x8020];
	v41 =	vbroadcast v9, $0x2;
	v42 =	vbroadcast v9, $0x3  }
0x212: {  	v43 =	vld [tilespmem:s26+$0x8030];
	v44 =	vbroadcast v9, $0x4;
	v45 =	vbroadcast v9, $0x5  }
0x213: {  	s30 =	sor.u32 $0x20, s26;
	v25 =	vld [tilespmem:s26+$0x4030];
	v46 =	vbroadcast v9, $0x6;
	v47 =	vbroadcast v9, $0x7;
	s26 =	sshll.u32 s8, $0x7  }
0x214: {  	v10 =	vbroadcast v9, $0x8;
	v11 =	vbroadcast v9, $0x9  }
0x215: {  	v12 =	vbroadcast v9, $0xA;
	v13 =	vbroadcast v9, $0xB  }
0x216: {  	v14 =	vbroadcast v9, $0xC;
	v15 =	vbroadcast v9, $0xD  }
0x217: {  	v16 =	vbroadcast v9, $0xE;
	v26 =	vbroadcast v9, $0xF  }
0x218: {  	v27 =	vbroadcast v25, $0x0;
	v28 =	vbroadcast v25, $0x1  }
0x219: {  	v48 =	vbroadcast v25, $0x2;
	v49 =	vbroadcast v25, $0x3  }
0x21a: {  	p0 =	sgt.s32 s31, s3;
	s7 =	smov.u32 s3;
	v50 =	vbroadcast v25, $0x4;
	v51 =	vbroadcast v25, $0x5  }
.Ltmp18:
0x21b: {  	s7 =	smov.u32 @p0 s31;
	v52 =	vbroadcast v25, $0x6;
	v53 =	vbroadcast v25, $0x7;
	(pc) =	sbr.rel .LBB2_18-.Ltmp18, $4  }
0x21c: {  	s7 =	sadd.s32 s7, s19;
	v54 =	vbroadcast v25, $0x8;
	v55 =	vbroadcast v25, $0x9  }
0x21d: {  	s8 =	ssub.s32 $0x0, s31;
	p0 =	slt.s32 s0, $0x9;
	s7 =	sshll.u32 s7, $0xE;
	v56 =	vbroadcast v25, $0xA;
	v57 =	vbroadcast v25, $0xB  }
0x21e: {  	p2 =	slt.u32 s0, $0x19;
	p1 =	slt.u32 @!p0 s0, $0x11;
	s7 =	sadd.s32 s7, s1;
	v58 =	vbroadcast v25, $0xC;
	v59 =	vbroadcast v25, $0xD  }
0x21f: {  	s28 =	smov.u32 s21;
	p1 =	por p0, p1;
	v60 =	vbroadcast v25, $0xE;
	v61 =	vbroadcast v25, $0xF;
	s7 =	sadd.s32 s26, s7  }
.LBB2_20:
0x220: {  	s28 =	sadd.s32 $0x1, s28  }
0x221: {  	p3 =	slt.s32 s28, s18  }
.Ltmp19:
0x222: {  	_ = 	snop;
	(pc) =	sbr.rel @!p3 .LBB2_21-.Ltmp19, $2  }
0x223: {  	_ =	sdelay $0x2  }
0x224: {  	s7 =	sadd.s32 $0x4000, s7  }
.LBB2_18:
0x225: {  	s13 =	sadd.s32 s28, s8  }
0x226: {  	s13 =	sadd.s32 s30, s13  }
0x227: {  	v29 =	vmov s13;
	_ =	sdelay $0x4  }
0x228: {  	v29 =	vld.idx.msk [tilespmem:v29+s4+$0x0], $0xffff;
	_ =	sdelay $0x3  }
0x229: {  	v30 =	vadd.s32 s7, v1  }
0x22a: {  	v31 =	vadd.s32 s7, v2;
	v62 =	vmul.f32 v29, v40  }
0x22b: {  	v32 =	vadd.s32 s7, v3  }
0x22c: {  	v34 =	vadd.s32 s7, v4;
	v33 =	vmul.f32 v62, v38  }
0x22d: {  	v36 =	vadd.s32 s7, v5;
	v35 =	vmul.f32 v62, v39  }
0x22e: {  	v37 =	vlaneseq.u32 @!p0;
	[tilespmem:v30+s22+$0x0] =	vst.idx.add.f32.msk $0xffff, v33;
	v30 =	vmul.f32 v62, v41;
	v33 =	vadd.s32 s7, v6  }
0x22f: {  	v63 =	vor.u32 @!p0 $0x400, v37;
	[tilespmem:v31+s22+$0x0] =	vst.idx.add.f32.msk $0xffff, v35;
	v31 =	vmul.f32 v62, v42;
	v35 =	vadd.s32 s7, v7  }
0x230: {  	v29 =	vmov s7;
	[tilespmem:v32+s22+$0x0] =	vst.idx.add.f32.msk $0xffff, v30;
	v30 =	vmul.f32 v62, v44;
	v32 =	vadd.s32 s7, v8  }
0x231: {  	[tilespmem:v34+s22+$0x0] =	vst.idx.add.f32.msk $0xffff, v31;
	v31 =	vmul.f32 v62, v45;
	v34 =	vadd.s32 @!p0 v63, v29;
	v63 =	vor.u32 @!p0 $0x480, v37  }
0x232: {  	[tilespmem:v36+s22+$0x0] =	vst.idx.add.f32.msk $0xffff, v30;
	v30 =	vmul.f32 v62, v46;
	v36 =	vadd.s32 @!p0 v63, v29;
	v63 =	vor.u32 @!p0 $0x500, v37  }
0x233: {  	[tilespmem:v33+s22+$0x0] =	vst.idx.add.f32.msk $0xffff, v31;
	v31 =	vmul.f32 v62, v47;
	v33 =	vadd.s32 @!p0 v63, v29;
	v63 =	vor.u32 @!p0 $0x580, v37  }
0x234: {  	[tilespmem:v35+s22+$0x0] =	vst.idx.add.f32.msk $0xffff, v30;
	v30 =	vmul.f32 @!p0 v62, v10;
	v35 =	vadd.s32 @!p0 v63, v29;
	v63 =	vor.u32 @!p0 $0x600, v37  }
0x235: {  	s13 =	simm.s32 @!p0 $0xD080;
	[tilespmem:v32+s22+$0x0] =	vst.idx.add.f32.msk $0xffff, v31;
	v31 =	vmul.f32 @!p0 v62, v11;
	v32 =	vadd.s32 @!p0 v63, v29;
	v63 =	vor.u32 @!p0 $0x680, v37  }
0x236: {  	[tilespmem:v34+s13+$0x0] =	vst.idx.add.f32.msk @!p0 $0xffff, v30;
	v30 =	vmul.f32 @!p0 v62, v12;
	v34 =	vadd.s32 @!p0 v63, v29;
	v63 =	vor.u32 @!p0 $0x700, v37  }
0x237: {  	v37 =	vor.u32 @!p0 $0x780, v37;
	[tilespmem:v36+s13+$0x0] =	vst.idx.add.f32.msk @!p0 $0xffff, v31;
	v31 =	vmul.f32 @!p0 v62, v13;
	v36 =	vadd.s32 @!p0 v63, v29  }
0x238: {  	[tilespmem:v33+s13+$0x0] =	vst.idx.add.f32.msk @!p0 $0xffff, v30;
	v30 =	vmul.f32 @!p0 v62, v14;
	v33 =	vadd.s32 @!p0 v37, v29  }
.Ltmp20:
0x239: {  	[tilespmem:v35+s13+$0x0] =	vst.idx.add.f32.msk @!p0 $0xffff, v31;
	v31 =	vmul.f32 @!p0 v62, v15;
	(pc) =	sbr.rel @p1 .LBB2_20-.Ltmp20, $4  }
0x23a: {  	[tilespmem:v32+s13+$0x0] =	vst.idx.add.f32.msk @!p0 $0xffff, v30;
	v30 =	vmul.f32 @!p0 v62, v16  }
0x23b: {  	[tilespmem:v34+s13+$0x0] =	vst.idx.add.f32.msk @!p0 $0xffff, v31;
	v31 =	vmul.f32 @!p0 v62, v26  }
0x23c: {  	[tilespmem:v36+s13+$0x0] =	vst.idx.add.f32.msk @!p0 $0xffff, v30  }
0x23d: {  	[tilespmem:v33+s13+$0x0] =	vst.idx.add.f32.msk @!p0 $0xffff, v31  }
0x23e: {  	v30 =	vld [tilespmem:$0x1FEB0];
	_ =	sdelay $0x3  }
0x23f: {  	v31 =	vld [tilespmem:$0x1FEC0]  }
0x240: {  	v32 =	vld [tilespmem:$0x1FED0];
	v30 =	vadd.s32 v30, v29  }
0x241: {  	v63 =	vld [tilespmem:$0x1FF00]  }
0x242: {  	v34 =	vld [tilespmem:$0x1FEE0]  }
0x243: {  	v33 =	vmul.f32 v62, v27;
	v36 =	vld [tilespmem:$0x1FEF0]  }
0x244: {  	v37 =	vld [tilespmem:$0x1FF10]  }
0x245: {  	v31 =	vadd.s32 v31, v29;
	[tilespmem:v30+s22+$0x0] =	vst.idx.add.f32.msk $0xffff, v33  }
0x246: {  	v32 =	vadd.s32 v32, v29;
	v33 =	vadd.s32 v63, v29;
	v63 =	vld [tilespmem:$0x1FF20]  }
0x247: {  	v34 =	vadd.s32 v34, v29  }
0x248: {  	v35 =	vmul.f32 v62, v28;
	v36 =	vadd.s32 v36, v29  }
0x249: {  	v30 =	vmul.f32 v62, v48  }
0x24a: {  	[tilespmem:v31+s22+$0x0] =	vst.idx.add.f32.msk $0xffff, v35;
	v31 =	vmul.f32 v62, v49;
	v35 =	vadd.s32 v37, v29;
	v37 =	vlaneseq.u32 @!p2  }
0x24b: {  	[tilespmem:v32+s22+$0x0] =	vst.idx.add.f32.msk $0xffff, v30;
	v30 =	vmul.f32 v62, v50;
	v32 =	vadd.s32 v63, v29;
	v63 =	vor.u32 @!p2 $0xC00, v37  }
0x24c: {  	[tilespmem:v34+s22+$0x0] =	vst.idx.add.f32.msk $0xffff, v31;
	v31 =	vmul.f32 v62, v51;
	v34 =	vadd.s32 @!p2 v63, v29;
	v63 =	vor.u32 @!p2 $0xC80, v37  }
0x24d: {  	[tilespmem:v36+s22+$0x0] =	vst.idx.add.f32.msk $0xffff, v30;
	v30 =	vmul.f32 v62, v52;
	v36 =	vadd.s32 @!p2 v63, v29;
	v63 =	vor.u32 @!p2 $0xD00, v37  }
0x24e: {  	[tilespmem:v33+s22+$0x0] =	vst.idx.add.f32.msk $0xffff, v31;
	v31 =	vmul.f32 v62, v53;
	v33 =	vadd.s32 @!p2 v63, v29;
	v63 =	vor.u32 @!p2 $0xD80, v37  }
0x24f: {  	[tilespmem:v35+s22+$0x0] =	vst.idx.add.f32.msk $0xffff, v30;
	v30 =	vmul.f32 @!p2 v62, v54;
	v35 =	vadd.s32 @!p2 v63, v29;
	v63 =	vor.u32 @!p2 $0xE00, v37  }
0x250: {  	s13 =	simm.s32 @!p2 $0xD080;
	[tilespmem:v32+s22+$0x0] =	vst.idx.add.f32.msk $0xffff, v31;
	v31 =	vmul.f32 @!p2 v62, v55;
	v32 =	vadd.s32 @!p2 v63, v29;
	v63 =	vor.u32 @!p2 $0xE80, v37  }
0x251: {  	[tilespmem:v34+s13+$0x0] =	vst.idx.add.f32.msk @!p2 $0xffff, v30;
	v30 =	vmul.f32 @!p2 v62, v56;
	v34 =	vadd.s32 @!p2 v63, v29;
	v63 =	vor.u32 @!p2 $0xF00, v37  }
0x252: {  	v37 =	vor.u32 @!p2 $0xF80, v37;
	[tilespmem:v36+s13+$0x0] =	vst.idx.add.f32.msk @!p2 $0xffff, v31;
	v31 =	vmul.f32 @!p2 v62, v57;
	v36 =	vadd.s32 @!p2 v63, v29  }
0x253: {  	v29 =	vadd.s32 @!p2 v37, v29;
	[tilespmem:v33+s13+$0x0] =	vst.idx.add.f32.msk @!p2 $0xffff, v30;
	v30 =	vmul.f32 @!p2 v62, v58  }
.Ltmp21:
0x254: {  	[tilespmem:v35+s13+$0x0] =	vst.idx.add.f32.msk @!p2 $0xffff, v31;
	v31 =	vmul.f32 @!p2 v62, v59;
	(pc) =	sbr.rel .LBB2_20-.Ltmp21, $4  }
0x255: {  	[tilespmem:v32+s13+$0x0] =	vst.idx.add.f32.msk @!p2 $0xffff, v30;
	v30 =	vmul.f32 @!p2 v62, v60  }
0x256: {  	[tilespmem:v34+s13+$0x0] =	vst.idx.add.f32.msk @!p2 $0xffff, v31;
	v31 =	vmul.f32 @!p2 v62, v61  }
0x257: {  	[tilespmem:v36+s13+$0x0] =	vst.idx.add.f32.msk @!p2 $0xffff, v30  }
0x258: {  	[tilespmem:v29+s13+$0x0] =	vst.idx.add.f32.msk @!p2 $0xffff, v31  }
.LBB2_21:
0x259: {  	p0 =	slt.s32 s2, $0x11  }
0x25a: {  	p1 =	sge.s32 @!p0 s21, s18  }
0x25b: {  	p0 =	por p0, p1  }
.Ltmp22:
0x25c: {  	_ = 	snop;
	(pc) =	sbr.rel @p0 .LBB2_26-.Ltmp22, $1  }
0x25d: {  	_ =	sdelay $0x3  }
0x25e: {  	v48 =	vbroadcast v9, $0x8;
	v49 =	vbroadcast v9, $0x9  }
0x25f: {  	v50 =	vbroadcast v9, $0xA;
	v51 =	vbroadcast v9, $0xB  }
0x260: {  	v52 =	vbroadcast v9, $0xC;
	v53 =	vbroadcast v9, $0xD  }
0x261: {  	v54 =	vbroadcast v9, $0xE;
	v55 =	vbroadcast v9, $0xF  }
0x262: {  	v56 =	vbroadcast v25, $0x0;
	v57 =	vbroadcast v25, $0x1  }
0x263: {  	v58 =	vbroadcast v25, $0x2;
	v59 =	vbroadcast v25, $0x3  }
0x264: {  	v60 =	vbroadcast v25, $0x4;
	v61 =	vbroadcast v25, $0x5;
	p0 =	sgt.s32 s31, s3;
	s2 =	smov.u32 s3  }
.Ltmp23:
0x265: {  	v62 =	vbroadcast v25, $0x6;
	v9 =	vbroadcast v25, $0x7;
	s2 =	smov.u32 @p0 s31;
	p0 =	slt.s32 s0, $0x9;
	(pc) =	sbr.rel .LBB2_23-.Ltmp23, $4  }
0x266: {  	v10 =	vbroadcast v25, $0x8;
	v11 =	vbroadcast v25, $0x9;
	s2 =	sadd.s32 s2, s19;
	p1 =	slt.u32 @!p0 s0, $0x11  }
0x267: {  	v12 =	vbroadcast v25, $0xA;
	v13 =	vbroadcast v25, $0xB;
	s2 =	sshll.u32 s2, $0xE;
	p1 =	por p0, p1  }
0x268: {  	v14 =	vbroadcast v25, $0xC;
	v15 =	vbroadcast v25, $0xD;
	s1 =	sadd.s32 s2, s1;
	p2 =	slt.u32 @!p1 s0, $0x19  }
0x269: {  	v16 =	vbroadcast v25, $0xE;
	v25 =	vbroadcast v25, $0xF;
	s31 =	ssub.s32 $0x0, s31;
	s26 =	sadd.s32 s26, s1;
	p2 =	por p1, p2  }
.LBB2_25:
0x26a: {  	s21 =	sadd.s32 $0x1, s21  }
0x26b: {  	p3 =	slt.s32 s21, s18  }
.Ltmp24:
0x26c: {  	_ = 	snop;
	(pc) =	sbr.rel @!p3 .LBB2_26-.Ltmp24, $2  }
0x26d: {  	_ =	sdelay $0x2  }
0x26e: {  	s26 =	sadd.s32 $0x4000, s26  }
.LBB2_23:
0x26f: {  	s0 =	sadd.s32 s21, s31  }
0x270: {  	s0 =	sadd.s32 s30, s0  }
0x271: {  	v26 =	vmov s0;
	_ =	sdelay $0x4  }
0x272: {  	v27 =	vld.idx.msk [tilespmem:v26+s4+$0x0], $0xffff;
	_ =	sdelay $0x3  }
0x273: {  	v28 =	vadd.s32 s26, v1  }
0x274: {  	v29 =	vadd.s32 s26, v17;
	v26 =	vmul.f32 v27, v40  }
0x275: {  	v30 =	vadd.s32 s26, v2;
	v27 =	vmul.f32 v27, v43  }
0x276: {  	v32 =	vadd.s32 s26, v18;
	v31 =	vmul.f32 v26, v38  }
0x277: {  	v34 =	vadd.s32 s26, v3;
	v33 =	vmul.f32 v27, v38  }
0x278: {  	[tilespmem:v28+s22+$0x0] =	vst.idx.add.f32.msk $0xffff, v31;
	v28 =	vmul.f32 v26, v39;
	v31 =	vadd.s32 s26, v19  }
0x279: {  	v63 =	vadd.s32 s26, v4;
	[tilespmem:v29+s22+$0x0] =	vst.idx.add.f32.msk $0xffff, v33;
	v29 =	vmul.f32 v27, v39  }
0x27a: {  	[tilespmem:v30+s22+$0x0] =	vst.idx.add.f32.msk $0xffff, v28;
	v28 =	vmul.f32 v26, v41;
	v30 =	vadd.s32 s26, v20  }
0x27b: {  	v36 =	vadd.s32 s26, v5;
	[tilespmem:v32+s22+$0x0] =	vst.idx.add.f32.msk $0xffff, v29;
	v29 =	vmul.f32 v27, v41  }
0x27c: {  	[tilespmem:v34+s22+$0x0] =	vst.idx.add.f32.msk $0xffff, v28;
	v28 =	vmul.f32 v26, v42;
	v34 =	vadd.s32 s26, v21  }
0x27d: {  	[tilespmem:v31+s22+$0x0] =	vst.idx.add.f32.msk $0xffff, v29;
	v29 =	vmul.f32 v27, v42;
	v31 =	vadd.s32 s26, v6  }
0x27e: {  	v35 =	vadd.s32 s26, v22;
	v37 =	vmul.f32 v26, v44;
	[tilespmem:v63+s22+$0x0] =	vst.idx.add.f32.msk $0xffff, v28  }
0x27f: {  	v33 =	vmul.f32 v27, v45;
	[tilespmem:v30+s22+$0x0] =	vst.idx.add.f32.msk $0xffff, v29;
	v29 =	vmul.f32 v27, v44;
	v30 =	vadd.s32 s26, v7  }
0x280: {  	v32 =	vadd.s32 s26, v24;
	v63 =	vmul.f32 v26, v45;
	[tilespmem:v36+s22+$0x0] =	vst.idx.add.f32.msk $0xffff, v37;
	v36 =	vadd.s32 s26, v23  }
0x281: {  	v28 =	vmov s26;
	v37 =	vlaneseq.u32 @!p0;
	[tilespmem:v34+s22+$0x0] =	vst.idx.add.f32.msk $0xffff, v29;
	v34 =	vadd.s32 s26, v8  }
0x282: {  	v29 =	vmul.f32 v26, v46;
	[tilespmem:v31+s22+$0x0] =	vst.idx.add.f32.msk $0xffff, v63;
	v31 =	vmul.f32 v27, v46;
	v63 =	vor.u32 @!p0 $0x400, v37  }
0x283: {  	[tilespmem:v35+s22+$0x0] =	vst.idx.add.f32.msk $0xffff, v33;
	v33 =	vmul.f32 v26, v47;
	v35 =	vadd.s32 @!p0 v63, v28;
	v63 =	vor.u32 @!p0 $0x410, v37  }
0x284: {  	[tilespmem:v30+s22+$0x0] =	vst.idx.add.f32.msk $0xffff, v29;
	v29 =	vmul.f32 v27, v47;
	v30 =	vadd.s32 @!p0 v63, v28;
	v63 =	vor.u32 @!p0 $0x480, v37  }
0x285: {  	[tilespmem:v36+s22+$0x0] =	vst.idx.add.f32.msk $0xffff, v31;
	v31 =	vmul.f32 @!p0 v26, v48;
	v36 =	vadd.s32 @!p0 v63, v28;
	v63 =	vor.u32 @!p0 $0x490, v37  }
0x286: {  	[tilespmem:v34+s22+$0x0] =	vst.idx.add.f32.msk $0xffff, v33;
	v33 =	vmul.f32 @!p0 v27, v48;
	v34 =	vadd.s32 @!p0 v63, v28;
	v63 =	vor.u32 @!p0 $0x500, v37  }
0x287: {  	s0 =	simm.s32 @!p0 $0xD080;
	[tilespmem:v32+s22+$0x0] =	vst.idx.add.f32.msk $0xffff, v29;
	v29 =	vmul.f32 @!p0 v26, v49;
	v32 =	vadd.s32 @!p0 v63, v28;
	v63 =	vor.u32 @!p0 $0x510, v37  }
0x288: {  	[tilespmem:v35+s0+$0x0] =	vst.idx.add.f32.msk @!p0 $0xffff, v31;
	v31 =	vmul.f32 @!p0 v27, v49;
	v35 =	vadd.s32 @!p0 v63, v28;
	v63 =	vor.u32 @!p0 $0x580, v37  }
0x289: {  	[tilespmem:v30+s0+$0x0] =	vst.idx.add.f32.msk @!p0 $0xffff, v33;
	v30 =	vmul.f32 @!p0 v26, v50;
	v33 =	vadd.s32 @!p0 v63, v28;
	v63 =	vor.u32 @!p0 $0x590, v37  }
0x28a: {  	[tilespmem:v36+s0+$0x0] =	vst.idx.add.f32.msk @!p0 $0xffff, v29;
	v29 =	vmul.f32 @!p0 v27, v50;
	v36 =	vadd.s32 @!p0 v63, v28;
	v63 =	vor.u32 @!p0 $0x600, v37  }
0x28b: {  	[tilespmem:v34+s0+$0x0] =	vst.idx.add.f32.msk @!p0 $0xffff, v31;
	v31 =	vmul.f32 @!p0 v26, v51;
	v34 =	vadd.s32 @!p0 v63, v28;
	v63 =	vor.u32 @!p0 $0x610, v37  }
0x28c: {  	[tilespmem:v32+s0+$0x0] =	vst.idx.add.f32.msk @!p0 $0xffff, v30;
	v30 =	vmul.f32 @!p0 v27, v51;
	v32 =	vadd.s32 @!p0 v63, v28;
	v63 =	vor.u32 @!p0 $0x680, v37  }
0x28d: {  	[tilespmem:v35+s0+$0x0] =	vst.idx.add.f32.msk @!p0 $0xffff, v29;
	v29 =	vmul.f32 @!p0 v26, v52;
	v35 =	vadd.s32 @!p0 v63, v28;
	v63 =	vor.u32 @!p0 $0x690, v37  }
0x28e: {  	[tilespmem:v33+s0+$0x0] =	vst.idx.add.f32.msk @!p0 $0xffff, v31;
	v31 =	vmul.f32 @!p0 v27, v52;
	v33 =	vadd.s32 @!p0 v63, v28;
	v63 =	vor.u32 @!p0 $0x700, v37  }
0x28f: {  	[tilespmem:v36+s0+$0x0] =	vst.idx.add.f32.msk @!p0 $0xffff, v30;
	v30 =	vmul.f32 @!p0 v26, v53;
	v36 =	vadd.s32 @!p0 v63, v28;
	v63 =	vor.u32 @!p0 $0x710, v37  }
0x290: {  	[tilespmem:v34+s0+$0x0] =	vst.idx.add.f32.msk @!p0 $0xffff, v29;
	v29 =	vmul.f32 @!p0 v27, v53;
	v34 =	vadd.s32 @!p0 v63, v28;
	v63 =	vor.u32 @!p0 $0x780, v37  }
0x291: {  	[tilespmem:v32+s0+$0x0] =	vst.idx.add.f32.msk @!p0 $0xffff, v31;
	v31 =	vadd.s32 @!p0 v63, v28;
	v32 =	vor.u32 @!p0 $0x790, v37;
	v37 =	vlaneseq.u32 @!p1  }
0x292: {  	[tilespmem:v35+s0+$0x0] =	vst.idx.add.f32.msk @!p0 $0xffff, v30;
	v30 =	vmul.f32 @!p0 v26, v54;
	v32 =	vadd.s32 @!p0 v32, v28;
	v35 =	vor.u32 @!p1 $0x800, v37  }
0x293: {  	[tilespmem:v33+s0+$0x0] =	vst.idx.add.f32.msk @!p0 $0xffff, v29;
	v29 =	vmul.f32 @!p0 v27, v54;
	v33 =	vadd.s32 @!p1 v35, v28;
	v35 =	vor.u32 @!p1 $0x810, v37  }
0x294: {  	[tilespmem:v36+s0+$0x0] =	vst.idx.add.f32.msk @!p0 $0xffff, v30;
	v30 =	vmul.f32 @!p0 v26, v55;
	v35 =	vadd.s32 @!p1 v35, v28;
	v36 =	vor.u32 @!p1 $0x880, v37  }
0x295: {  	[tilespmem:v34+s0+$0x0] =	vst.idx.add.f32.msk @!p0 $0xffff, v29;
	v29 =	vmul.f32 @!p0 v27, v55;
	v34 =	vadd.s32 @!p1 v36, v28;
	v36 =	vor.u32 @!p1 $0x890, v37  }
0x296: {  	[tilespmem:v31+s0+$0x0] =	vst.idx.add.f32.msk @!p0 $0xffff, v30;
	v30 =	vmul.f32 @!p1 v26, v56;
	v31 =	vadd.s32 @!p1 v36, v28;
	v36 =	vor.u32 @!p1 $0x900, v37  }
0x297: {  	[tilespmem:v32+s0+$0x0] =	vst.idx.add.f32.msk @!p0 $0xffff, v29;
	s0 =	simm.s32 @!p1 $0xD080;
	v29 =	vmul.f32 @!p1 v27, v56;
	v32 =	vadd.s32 @!p1 v36, v28;
	v36 =	vor.u32 @!p1 $0x910, v37  }
0x298: {  	[tilespmem:v33+s0+$0x0] =	vst.idx.add.f32.msk @!p1 $0xffff, v30;
	v30 =	vmul.f32 @!p1 v26, v57;
	v33 =	vadd.s32 @!p1 v36, v28;
	v36 =	vor.u32 @!p1 $0x980, v37  }
0x299: {  	[tilespmem:v35+s0+$0x0] =	vst.idx.add.f32.msk @!p1 $0xffff, v29;
	v29 =	vmul.f32 @!p1 v27, v57;
	v35 =	vadd.s32 @!p1 v36, v28;
	v36 =	vor.u32 @!p1 $0x990, v37  }
0x29a: {  	[tilespmem:v34+s0+$0x0] =	vst.idx.add.f32.msk @!p1 $0xffff, v30;
	v30 =	vmul.f32 @!p1 v26, v58;
	v34 =	vadd.s32 @!p1 v36, v28;
	v36 =	vor.u32 @!p1 $0xA00, v37  }
0x29b: {  	[tilespmem:v31+s0+$0x0] =	vst.idx.add.f32.msk @!p1 $0xffff, v29;
	v29 =	vmul.f32 @!p1 v27, v58;
	v31 =	vadd.s32 @!p1 v36, v28;
	v36 =	vor.u32 @!p1 $0xA10, v37  }
0x29c: {  	[tilespmem:v32+s0+$0x0] =	vst.idx.add.f32.msk @!p1 $0xffff, v30;
	v30 =	vmul.f32 @!p1 v26, v59;
	v32 =	vadd.s32 @!p1 v36, v28;
	v36 =	vor.u32 @!p1 $0xA80, v37  }
0x29d: {  	[tilespmem:v33+s0+$0x0] =	vst.idx.add.f32.msk @!p1 $0xffff, v29;
	v29 =	vmul.f32 @!p1 v27, v59;
	v33 =	vadd.s32 @!p1 v36, v28;
	v36 =	vor.u32 @!p1 $0xA90, v37  }
0x29e: {  	[tilespmem:v35+s0+$0x0] =	vst.idx.add.f32.msk @!p1 $0xffff, v30;
	v30 =	vmul.f32 @!p1 v26, v60;
	v35 =	vadd.s32 @!p1 v36, v28;
	v36 =	vor.u32 @!p1 $0xB00, v37  }
0x29f: {  	[tilespmem:v34+s0+$0x0] =	vst.idx.add.f32.msk @!p1 $0xffff, v29;
	v29 =	vmul.f32 @!p1 v27, v60;
	v34 =	vadd.s32 @!p1 v36, v28;
	v36 =	vor.u32 @!p1 $0xB10, v37  }
0x2a0: {  	[tilespmem:v31+s0+$0x0] =	vst.idx.add.f32.msk @!p1 $0xffff, v30;
	v30 =	vmul.f32 @!p1 v26, v61;
	v31 =	vadd.s32 @!p1 v36, v28;
	v36 =	vor.u32 @!p1 $0xB80, v37  }
0x2a1: {  	[tilespmem:v32+s0+$0x0] =	vst.idx.add.f32.msk @!p1 $0xffff, v29;
	v29 =	vmul.f32 @!p1 v27, v61;
	v32 =	vadd.s32 @!p1 v36, v28;
	v36 =	vor.u32 @!p1 $0xB90, v37  }
0x2a2: {  	[tilespmem:v33+s0+$0x0] =	vst.idx.add.f32.msk @!p1 $0xffff, v30;
	v30 =	vmul.f32 @!p1 v26, v62;
	v33 =	vadd.s32 @!p1 v36, v28  }
.Ltmp25:
0x2a3: {  	[tilespmem:v35+s0+$0x0] =	vst.idx.add.f32.msk @!p1 $0xffff, v29;
	v29 =	vmul.f32 @!p1 v27, v62;
	(pc) =	sbr.rel @p2 .LBB2_25-.Ltmp25, $4  }
0x2a4: {  	[tilespmem:v34+s0+$0x0] =	vst.idx.add.f32.msk @!p1 $0xffff, v30;
	v30 =	vmul.f32 @!p1 v26, v9  }
0x2a5: {  	[tilespmem:v31+s0+$0x0] =	vst.idx.add.f32.msk @!p1 $0xffff, v29;
	v29 =	vmul.f32 @!p1 v27, v9  }
0x2a6: {  	[tilespmem:v32+s0+$0x0] =	vst.idx.add.f32.msk @!p1 $0xffff, v30  }
0x2a7: {  	[tilespmem:v33+s0+$0x0] =	vst.idx.add.f32.msk @!p1 $0xffff, v29  }
0x2a8: {  	v29 =	vld [tilespmem:$0x1FF30];
	_ =	sdelay $0x1  }
0x2a9: {  	v30 =	vld [tilespmem:$0x1FF40];
	_ =	sdelay $0x1  }
0x2aa: {  	v31 =	vld [tilespmem:$0x1FF50]  }
0x2ab: {  	v33 =	vld [tilespmem:$0x1FF60];
	v29 =	vadd.s32 v29, v28  }
0x2ac: {  	v36 =	vld [tilespmem:$0x1FF80]  }
0x2ad: {  	v30 =	vadd.s32 v30, v28  }
0x2ae: {  	v32 =	vmul.f32 v26, v10;
	v37 =	vld [tilespmem:$0x1FF90]  }
0x2af: {  	v35 =	vld [tilespmem:$0x1FF70]  }
0x2b0: {  	v34 =	vmul.f32 v27, v10;
	v31 =	vadd.s32 v31, v28;
	[tilespmem:v29+s22+$0x0] =	vst.idx.add.f32.msk $0xffff, v32  }
0x2b1: {  	v33 =	vadd.s32 v33, v28;
	v32 =	vadd.s32 v36, v28;
	v36 =	vld [tilespmem:$0x1FFA0]  }
0x2b2: {  	[tilespmem:v30+s22+$0x0] =	vst.idx.add.f32.msk $0xffff, v34  }
0x2b3: {  	v63 =	vmul.f32 v26, v11;
	v34 =	vadd.s32 v37, v28;
	v37 =	vld [tilespmem:$0x1FFB0]  }
0x2b4: {  	v30 =	vmul.f32 v27, v11  }
0x2b5: {  	v35 =	vadd.s32 v35, v28;
	[tilespmem:v31+s22+$0x0] =	vst.idx.add.f32.msk $0xffff, v63  }
0x2b6: {  	[tilespmem:v33+s22+$0x0] =	vst.idx.add.f32.msk $0xffff, v30  }
0x2b7: {  	v31 =	vadd.s32 v36, v28;
	v36 =	vld [tilespmem:$0x1FFC0]  }
0x2b8: {  	v63 =	vmul.f32 v26, v12;
	v33 =	vadd.s32 v37, v28;
	v37 =	vld [tilespmem:$0x1FFD0]  }
0x2b9: {  	v30 =	vmul.f32 v27, v12  }
0x2ba: {  	[tilespmem:v35+s22+$0x0] =	vst.idx.add.f32.msk $0xffff, v63  }
0x2bb: {  	[tilespmem:v32+s22+$0x0] =	vst.idx.add.f32.msk $0xffff, v30  }
0x2bc: {  	v35 =	vadd.s32 v36, v28;
	v36 =	vld [tilespmem:$0x1FFE0]  }
0x2bd: {  	v32 =	vadd.s32 v37, v28;
	v37 =	vld [tilespmem:$0x1FFF0];
	_ =	sdelay $0x1  }
0x2be: {  	v63 =	vmul.f32 v26, v13  }
0x2bf: {  	v30 =	vmul.f32 v27, v13  }
0x2c0: {  	[tilespmem:v34+s22+$0x0] =	vst.idx.add.f32.msk $0xffff, v63;
	v63 =	vmul.f32 v26, v14;
	v34 =	vadd.s32 v36, v28  }
0x2c1: {  	[tilespmem:v31+s22+$0x0] =	vst.idx.add.f32.msk $0xffff, v30;
	v30 =	vmul.f32 v27, v14;
	v36 =	vor.u32 $0xF10, v1;
	v31 =	vadd.s32 v37, v28  }
0x2c2: {  	v29 =	vmul.f32 v26, v15;
	[tilespmem:v33+s22+$0x0] =	vst.idx.add.f32.msk $0xffff, v63;
	v63 =	vor.u32 $0xF80, v1;
	v33 =	vadd.s32 v36, v28  }
0x2c3: {  	[tilespmem:v35+s22+$0x0] =	vst.idx.add.f32.msk $0xffff, v30;
	v30 =	vmul.f32 v27, v15;
	v35 =	vadd.s32 v63, v28;
	v63 =	vor.u32 $0xF90, v1  }
0x2c4: {  	[tilespmem:v32+s22+$0x0] =	vst.idx.add.f32.msk $0xffff, v29;
	v36 =	vadd.s32 v63, v28;
	v37 =	vmul.f32 v26, v16  }
.Ltmp26:
0x2c5: {  	v63 =	vmul.f32 v27, v16;
	[tilespmem:v34+s22+$0x0] =	vst.idx.add.f32.msk $0xffff, v30;
	(pc) =	sbr.rel .LBB2_25-.Ltmp26, $4  }
0x2c6: {  	v26 =	vmul.f32 v26, v25;
	[tilespmem:v31+s22+$0x0] =	vst.idx.add.f32.msk $0xffff, v37  }
0x2c7: {  	v27 =	vmul.f32 v27, v25;
	[tilespmem:v33+s22+$0x0] =	vst.idx.add.f32.msk $0xffff, v63  }
0x2c8: {  	[tilespmem:v35+s22+$0x0] =	vst.idx.add.f32.msk $0xffff, v26  }
0x2c9: {  	[tilespmem:v36+s22+$0x0] =	vst.idx.add.f32.msk $0xffff, v27  }
.LBB2_28:
0x2ca: {  	_ =	sfence.sel $0x180000  }
0x2cb: {  	[bflag:$0x0] =	sbarrier.arrive $0xFFFF  }
0x2cc: {  	_ =	strace $0x90000047  }
0x2cd: {  	s0 =	stileid.u32;
	[bflag:$0x2] =	sbarrier.arrive $0xFFFF  }
0x2ce: {  	p0 =	sne.s32 s0, $0x0;
	s0 =	rddreg [dreg:$0x2]  }
0x2cf: {  	s0 =	sadd.s32 @!p0 $0x100000, s0  }
0x2d0: {  	[sflag:s0] =	ssyncadd.tile.s32 @!p0 $0x1;
	_ =	shalt  }
.Lfunc_end2:
_tile_overlayer_lowered:
.L_overlay_start_2:
0x2d1: {  	(tag) =	ssettag $0x2  }
0x2d2: {  	s0 =	rddreg [dreg:$0x0];
	s2 =	stileid.u32  }
0x2d3: {  	s1 =	rddreg [dreg:$0x1];
	p0 =	sne.s32 s2, $0x0  }
0x2d4: {  	s3 =	rddreg [dreg:$0x2];
	[bflag:$0x3] =	sbarrier.arrive $0xFFFF;
	s2 =	simm.s32 @!p0 $0x1C02  }
0x2d5: {  	[timem:s3], [sflag:s2] =	dma.local @!p0 [hbm:s0], s1  }
0x2d6: {  	s0 =	simm.s32 @!p0 $0x2  }
0x2d7: {  	_ =	swait.ge @!p0 [sflag:s0], s1  }
0x2d8: {  	s1 =	ssub.s32 @!p0 $0x0, s1;
	[sflag:s0] =	ssyncset.done @!p0 $0x0  }
0x2d9: {  	[sflag:s0] =	ssyncadd.s32 @!p0 s1  }
0x2da: {  	[bflag:$0x3] =	sbarrier.arrive $0xFFFF  }
0x2db: {  	_ =	shalt  }

</sc_bundles>
